<compile_context>
chip_gen: v7x
topology: tpu7x:2x2x1
jax: 0.10.2.dev20260603
libtpu: 0.0.44.dev20260713+nightly
codegen_flags: <defaults>
</compile_context>

<pallas_src>
import functools

import jax
import jax.numpy as jnp
from jax import lax
from jax.experimental import pallas as pl
from jax.experimental.pallas import tpu as pltpu, tpu_sc as plsc

N = 10000
E = 160000
IN = 256
HID = 512
OUT = 256
HEADS = 2
NG = 64

_BR = 1000


def _mm_body(a_ref, b_ref, o_ref):
    o_ref[...] = jnp.dot(a_ref[...], b_ref[...],
                         preferred_element_type=jnp.float32)


def _matmul(a, b):
    n, k = a.shape
    k2, m = b.shape
    grid = n // _BR
    return pl.pallas_call(
        _mm_body,
        grid=(grid,),
        in_specs=[
            pl.BlockSpec((_BR, k), lambda i: (i, 0)),
            pl.BlockSpec((k2, m), lambda i: (0, 0)),
        ],
        out_specs=pl.BlockSpec((_BR, m), lambda i: (i, 0)),
        out_shape=jax.ShapeDtypeStruct((n, m), jnp.float32),
    )(a, b)


def _build_agg(*, weighted, n_nodes, n_edges, dim, batch, sr, parts_per_tile):
    n_tiles = 16
    n_workers = 32
    n_parts = n_workers * parts_per_tile
    R = ((-(-n_nodes // n_parts)) + 15) // 16 * 16
    R_alloc = R + 16
    dummy = R
    plane = n_parts * R
    assert n_edges % sr == 0 and sr % 16 == 0
    assert batch % 16 == 0 and batch <= 128
    n_sub = n_edges // sr
    lcap = (sr + batch + 127) // 128 * 128

    f32 = jnp.float32
    i32 = jnp.int32

    n_out = 3 if weighted else 1
    out_type = [jax.ShapeDtypeStruct((plane * dim,), f32)] * n_out

    scratch = dict(
        sbuf=pltpu.VMEM((lcap,), i32),
        dbuf=pltpu.VMEM((lcap,), i32),
        lsrc=pltpu.VMEM((lcap,), i32),
        ldst=pltpu.VMEM((lcap,), i32),
        sidx=pltpu.VMEM((batch,), i32),
        rows=pltpu.VMEM((batch, dim), f32),
        accA=pltpu.VMEM((R_alloc * dim,), f32),
        gsem=pltpu.SemaphoreType.DMA,
    )
    if weighted:
        scratch.update(
            e0buf=pltpu.VMEM((lcap,), f32),
            e1buf=pltpu.VMEM((lcap,), f32),
            lex0=pltpu.VMEM((lcap,), f32),
            lex1=pltpu.VMEM((lcap,), f32),
            acc0=pltpu.VMEM((R_alloc * dim,), f32),
            acc1=pltpu.VMEM((R_alloc * dim,), f32),
        )

    mesh = plsc.VectorSubcoreMesh(core_axis_name="c", subcore_axis_name="s",
                                  num_cores=2, num_subcores=16)
    dchunks = dim // 16
    accnames = ["accA", "acc0", "acc1"] if weighted else ["accA"]

    def body(xs_ref, src_ref, dst_ref, *rest, **sc):
        if weighted:
            ex0_ref, ex1_ref, outA, out0, out1 = rest
            outs = (outA, out0, out1)
        else:
            outs = rest
        c = lax.axis_index("c")
        s = lax.axis_index("s")
        w = c * n_tiles + s

        def part_round(r, _):
            lo = (w + n_workers * r) * R

            def zf(i, _):
                for a in accnames:
                    sc[a][pl.ds(i * 16, 16)] = jnp.zeros((16,), f32)
                return 0
            lax.fori_loop(0, R_alloc * dim // 16, zf, 0)

            def sub_round(rs, _):
                base = rs * sr
                cps = [pltpu.async_copy(src_ref.at[pl.ds(base, sr)],
                                        sc["sbuf"].at[pl.ds(0, sr)],
                                        sc["gsem"]),
                       pltpu.async_copy(dst_ref.at[pl.ds(base, sr)],
                                        sc["dbuf"].at[pl.ds(0, sr)],
                                        sc["gsem"])]
                if weighted:
                    cps += [pltpu.async_copy(ex0_ref.at[pl.ds(base, sr)],
                                             sc["e0buf"].at[pl.ds(0, sr)],
                                             sc["gsem"]),
                            pltpu.async_copy(ex1_ref.at[pl.ds(base, sr)],
                                             sc["e1buf"].at[pl.ds(0, sr)],
                                             sc["gsem"])]
                for cp in cps:
                    cp.wait()

                @plsc.parallel_loop(0, sr // 16, unroll=4,
                                    carry=jnp.int32(0))
                def off(i, off):
                    d = sc["dbuf"][pl.ds(i * 16, 16)]
                    sv = sc["sbuf"][pl.ds(i * 16, 16)]
                    m = (d >= lo) & (d < lo + R)
                    csum = plsc.cumsum(jnp.where(m, 1, 0))
                    pos = off + csum - 1
                    plsc.store_scatter(sc["lsrc"], [pos], sv, mask=m)
                    plsc.store_scatter(sc["ldst"], [pos], d - lo, mask=m)
                    if weighted:
                        plsc.store_scatter(
                            sc["lex0"], [pos],
                            sc["e0buf"][pl.ds(i * 16, 16)], mask=m)
                        plsc.store_scatter(
                            sc["lex1"], [pos],
                            sc["e1buf"][pl.ds(i * 16, 16)], mask=m)
                    return off + csum[15]

                for k in range(batch // 16):
                    sl = pl.ds(off + k * 16, 16)
                    sc["lsrc"][sl] = jnp.zeros((16,), i32)
                    sc["ldst"][sl] = jnp.full((16,), dummy, i32)
                    if weighted:
                        sc["lex0"][sl] = jnp.zeros((16,), f32)
                        sc["lex1"][sl] = jnp.zeros((16,), f32)
                nb = (off + batch - 1) // batch

                def do_batch(j, _):
                    b0 = j * batch
                    for k in range(batch // 16):
                        sc["sidx"][pl.ds(k * 16, 16)] = (
                            sc["lsrc"][pl.ds(b0 + k * 16, 16)])
                    pltpu.async_copy(xs_ref.at[sc["sidx"]], sc["rows"],
                                     sc["gsem"]).wait()

                    def edge(i, _):
                        o = sc["ldst"][pl.ds(b0 + i, 16)][0] * dim
                        if weighted:
                            e0 = sc["lex0"][pl.ds(b0 + i, 16)][0]
                            e1 = sc["lex1"][pl.ds(b0 + i, 16)][0]
                        for cc in range(dchunks):
                            v = sc["rows"][i, pl.ds(cc * 16, 16)]
                            plsc.addupdate(
                                sc["accA"].at[pl.ds(o + cc * 16, 16)], v)
                            if weighted:
                                plsc.addupdate(
                                    sc["acc0"].at[pl.ds(o + cc * 16, 16)],
                                    v * e0)
                                plsc.addupdate(
                                    sc["acc1"].at[pl.ds(o + cc * 16, 16)],
                                    v * e1)
                        return 0

                    lax.fori_loop(0, batch, edge, 0)
                    return 0

                lax.fori_loop(0, nb, do_batch, 0)
                return 0

            lax.fori_loop(0, n_sub, sub_round, 0)

            for a, out in zip(accnames, outs):
                pltpu.sync_copy(sc[a].at[pl.ds(0, R * dim)],
                                out.at[pl.ds(lo * dim, R * dim)])
            return 0

        lax.fori_loop(0, parts_per_tile, part_round, 0)

    agg = pl.kernel(
        body,
        out_type=out_type,
        mesh=mesh,
        scratch_types=scratch,
        compiler_params=pltpu.CompilerParams(needs_layout_passes=False),
    )

    def call(xs, src, dst, ex0=None, ex1=None):
        args = (xs, src, dst) + ((ex0, ex1) if weighted else ())
        outs = agg(*args)
        return [o.reshape(plane, dim) for o in outs]

    return call


_AGG_W = _build_agg(weighted=True, n_nodes=N, n_edges=E, dim=IN, batch=48,
                    sr=1600, parts_per_tile=3)
_AGG_U = _build_agg(weighted=False, n_nodes=N, n_edges=E, dim=OUT, batch=112,
                    sr=3200, parts_per_tile=1)


def kernel(x, edge_index, batch, W1_rel, W1_root, b1, Wg, att_src, att_dst,
           bg, W2_rel, W2_root, b2):
    src = edge_index[0]
    dst = edge_index[1]

    mu = jnp.mean(x, axis=0, keepdims=True)
    sd = jnp.std(x, axis=0, keepdims=True)
    xs = (x - mu) / jnp.where(sd == 0, 1.0, sd)
    xs = xs.astype(jnp.float32)

    Wg3 = Wg.reshape(IN, HEADS, HID)
    v_src = jnp.einsum("ihk,hk->ih", Wg3, att_src)
    v_dst = jnp.einsum("ihk,hk->ih", Wg3, att_dst)
    a_src = xs @ v_src
    a_dst = xs @ v_dst

    e_log = a_src[src] + a_dst[dst]
    e_log = jnp.where(e_log >= 0, e_log, 0.2 * e_log)
    ex = jnp.exp(e_log)
    e_self = a_src + a_dst
    e_self = jnp.where(e_self >= 0, e_self, 0.2 * e_self)
    ex_self = jnp.exp(e_self)

    ex0 = ex[:, 0]
    ex1 = ex[:, 1]
    outA, out0, out1 = _AGG_W(xs, src, dst, ex0, ex1)
    agg1 = outA[:N]
    denom = jax.ops.segment_sum(ex, dst, num_segments=N) + ex_self
    s0 = (out0[:N] + ex_self[:, 0:1] * xs) / denom[:, 0:1]
    s1 = (out1[:N] + ex_self[:, 1:2] * xs) / denom[:, 1:2]

    x1 = jax.nn.relu(_matmul(agg1, W1_rel) + _matmul(xs, W1_root) + b1)

    og0 = _matmul(s0, Wg3[:, 0, :])
    og1 = _matmul(s1, Wg3[:, 1, :])
    x_gat = jax.nn.relu(jnp.concatenate([og0, og1], axis=1) + bg)

    x2 = jnp.concatenate([x1, x_gat], axis=1)
    y2 = _matmul(x2, W2_rel)
    agg2 = _AGG_U(y2, src, dst)[0][:N]
    x3 = agg2 + _matmul(x2, W2_root) + b2

    sums = jax.ops.segment_sum(x3, batch, num_segments=NG)
    cnts = jax.ops.segment_sum(jnp.ones((N,), jnp.float32), batch,
                               num_segments=NG)
    pooled = sums / jnp.clip(cnts, 1.0)[:, None]
    return pooled

# --- scband reference (transcript-rebuilt; emitter-appended) ---
"""Pipeline reference for scband-gat-60413009985909 (READ-ONLY COPY).

The authoritative reference and input builder live on the scoring server;
editing this copy changes nothing except your own understanding.
"""

import jax, jax.numpy as jnp
import numpy as np

N = 10000
E = 160000
IN = 256
HID = 512
OUT = 256
HEADS = 2
NG = 64


def setup_inputs(seed: int = 0) -> dict:
    key = jax.random.key(seed)
    ks = jax.random.split(key, 16)
    x = jax.random.normal(ks[0], (N, IN), dtype=jnp.float32)
    edge_index = jax.random.randint(ks[1], (2, E), 0, N, dtype=jnp.int32)
    batch = jnp.sort(jax.random.randint(ks[2], (N,), 0, NG, dtype=jnp.int32))
    s = 0.05
    # GraphConv(in, hid): lin_rel (with bias) on aggregated neighbors + lin_root on self
    W1_rel = jax.random.normal(ks[3], (IN, HID), dtype=jnp.float32) * s
    W1_root = jax.random.normal(ks[4], (IN, HID), dtype=jnp.float32) * s
    b1 = jnp.zeros((HID,), dtype=jnp.float32)
    # GATConv(in, hid, heads=2), concat=True
    Wg = jax.random.normal(ks[5], (IN, HEADS * HID), dtype=jnp.float32) * s
    att_src = jax.random.normal(ks[6], (HEADS, HID), dtype=jnp.float32) * s
    att_dst = jax.random.normal(ks[7], (HEADS, HID), dtype=jnp.float32) * s
    bg = jnp.zeros((HEADS * HID,), dtype=jnp.float32)
    # GraphConv(3*hid, out)
    W2_rel = jax.random.normal(ks[8], (3 * HID, OUT), dtype=jnp.float32) * s
    W2_root = jax.random.normal(ks[9], (3 * HID, OUT), dtype=jnp.float32) * s
    b2 = jnp.zeros((OUT,), dtype=jnp.float32)
    return {"x": x, "edge_index": edge_index, "batch": batch,
            "W1_rel": W1_rel, "W1_root": W1_root, "b1": b1,
            "Wg": Wg, "att_src": att_src, "att_dst": att_dst, "bg": bg,
            "W2_rel": W2_rel, "W2_root": W2_root, "b2": b2}


def reference(x, edge_index, batch, W1_rel, W1_root, b1, Wg, att_src, att_dst, bg, W2_rel, W2_root, b2):
    # StandardScaler (per-feature, ddof=0)
    mu = jnp.mean(x, axis=0, keepdims=True)
    sd = jnp.std(x, axis=0, keepdims=True)
    xs = (x - mu) / jnp.where(sd == 0, 1.0, sd)
    xs = xs.astype(jnp.float32)

    src = edge_index[0]
    dst = edge_index[1]

    # conv1: GraphConv with sum aggregation
    agg1 = jax.ops.segment_sum(xs[src], dst, num_segments=N)
    x1 = agg1 @ W1_rel + b1 + xs @ W1_root
    x1 = jax.nn.relu(x1)

    # gat1: GATConv(heads=2, concat=True, add_self_loops=True, negative_slope=0.2)
    h = (xs @ Wg).reshape(N, HEADS, HID)
    loop = jnp.arange(N, dtype=src.dtype)
    src2 = jnp.concatenate([src, loop])
    dst2 = jnp.concatenate([dst, loop])
    a_src = jnp.sum(h * att_src[None, :, :], axis=-1)  # [N, HEADS]
    a_dst = jnp.sum(h * att_dst[None, :, :], axis=-1)  # [N, HEADS]
    e = jax.nn.leaky_relu(a_src[src2] + a_dst[dst2], negative_slope=0.2)  # [E2, HEADS]
    m = jax.ops.segment_max(e, dst2, num_segments=N)
    m = jnp.where(jnp.isfinite(m), m, 0.0)
    ex = jnp.exp(e - m[dst2])
    denom = jax.ops.segment_sum(ex, dst2, num_segments=N)
    alpha = ex / (denom[dst2] + 1e-16)
    out_g = jax.ops.segment_sum(h[src2] * alpha[:, :, None], dst2, num_segments=N)
    x_gat = out_g.reshape(N, HEADS * HID) + bg
    x_gat = jax.nn.relu(x_gat)

    # concat
    x2 = jnp.concatenate([x1, x_gat], axis=1)  # [N, 3*HID]

    # conv2: GraphConv
    agg2 = jax.ops.segment_sum(x2[src], dst, num_segments=N)
    x3 = agg2 @ W2_rel + b2 + x2 @ W2_root

    # global mean pool over batch
    sums = jax.ops.segment_sum(x3, batch, num_segments=NG)
    cnts = jax.ops.segment_sum(jnp.ones((N,), dtype=jnp.float32), batch, num_segments=NG)
    pooled = sums / jnp.clip(cnts, 1.0)[:, None]

    # dropout(p=0.5) in eval mode: identity
    return pooled

if __name__ == "__main__":
    import jax
    _d = setup_inputs()
    print(jax.jit(kernel)(*tuple(_d.values())))

</pallas_src>

<mosaic_0001>
#map = affine_map<(d0, d1) -> (0, 0)>
#map1 = affine_map<(d0, d1) -> (0)>
module attributes {stable_mosaic.version = 14 : i64} {
  func.func @body(%arg0: i32, %arg1: i32, %arg2: memref<10000x256xf32, #tpu.memory_space<hbm>>, %arg3: memref<160000xi32, #tpu.memory_space<hbm>>, %arg4: memref<160000xi32, #tpu.memory_space<hbm>>, %arg5: memref<2621440xf32, #tpu.memory_space<hbm>>, %arg6: memref<86016xf32, #tpu.memory_space<vmem>>, %arg7: memref<3328xi32, #tpu.memory_space<vmem>>, %arg8: memref<!tpu.dma_semaphore, #tpu.memory_space<semaphore_mem>>, %arg9: memref<3328xi32, #tpu.memory_space<vmem>>, %arg10: memref<3328xi32, #tpu.memory_space<vmem>>, %arg11: memref<112x256xf32, #tpu.memory_space<vmem>>, %arg12: memref<3328xi32, #tpu.memory_space<vmem>>, %arg13: memref<112xi32, #tpu.memory_space<vmem>>) attributes {dimension_semantics = [#tpu.dimension_semantics<core_parallel>, #tpu.dimension_semantics<subcore_parallel>], iteration_bounds = array<i64: 2, 16>, scalar_prefetch = 0 : i64, scratch_operands = 8 : i64, tpu.core_type = #tpu.core_type<sc_vector_subcore>, window_params = [{transform_indices = #map}, {transform_indices = #map1}, {transform_indices = #map1}, {transform_indices = #map1}]} {
    %mul3A = arith.constant 16 : i32
    %mul3A_0 = arith.muli %arg0, %mul3A : i32
    %add3A = arith.addi %mul3A_0, %arg1 : i32
    %scan3A = arith.constant 0 : i32
    %scan3A_1 = arith.constant 0 : i32
    %mul3A_2 = arith.constant 32 : i32
    %mul3A_3 = arith.muli %mul3A_2, %scan3A_1 : i32
    %add3A_4 = arith.addi %add3A, %mul3A_3 : i32
    %mul3A_5 = arith.constant 320 : i32
    %mul3A_6 = arith.muli %add3A_4, %mul3A_5 : i32
    %scan3A_7 = arith.constant 0 : i32
    %scan3A_8 = arith.constant 0 : i32
    %scan3A_9 = arith.constant 5376 : i32
    %scan3A_10 = arith.addi %scan3A_8, %scan3A_9 : i32
    %scan3A_11 = arith.constant 1 : i32
    %scan3A_12 = scf.for %scan3A_25 = %scan3A_8 to %scan3A_10 step %scan3A_11 iter_args(%scan3A_26 = %scan3A_7) -> (i32)  : i32 {
      %broadcast_in_dim3A = arith.constant 0.000000e+00 : f32
      %broadcast_in_dim3A_27 = vector.broadcast %broadcast_in_dim3A : f32 to vector<16xf32>
      %mul3A_28 = arith.constant 16 : i32
      %mul3A_29 = arith.muli %scan3A_25, %mul3A_28 : i32
      %swap3A = arith.index_cast %mul3A_29 : i32 to index
      %swap3A_30 = tpu.vector_load %arg6[%swap3A] {strides = array<i32>} : memref<86016xf32, #tpu.memory_space<vmem>>, vector<16xf32>,
      tpu.vector_store %arg6[%swap3A], %broadcast_in_dim3A_27 {strides = array<i32>} : memref<86016xf32, #tpu.memory_space<vmem>>, vector<16xf32>,
      %scan3A_31 = arith.constant 0 : i32
      scf.yield %scan3A_31 : i32
    }
    %scan3A_13 = arith.constant 5376 : i32
    %scan3A_14 = arith.constant 0 : i32
    %scan3A_15 = arith.constant 0 : i32
    %scan3A_16 = arith.constant 50 : i32
    %scan3A_17 = arith.addi %scan3A_15, %scan3A_16 : i32
    %scan3A_18 = arith.constant 1 : i32
    %scan3A_19 = scf.for %scan3A_25 = %scan3A_15 to %scan3A_17 step %scan3A_18 iter_args(%scan3A_26 = %scan3A_14) -> (i32)  : i32 {
      %mul3A_27 = arith.constant 3200 : i32
      %mul3A_28 = arith.muli %scan3A_25, %mul3A_27 : i32
      %dma_start3A = arith.constant 0 : i32
      %dma_start3A_29 = tpu.memref_slice %arg12[%dma_start3A] : memref<3328xi32, #tpu.memory_space<vmem>> -> memref<3200xi32, #tpu.memory_space<vmem>>
      %dma_start3A_30 = tpu.memref_slice %arg3[%mul3A_28] : memref<160000xi32, #tpu.memory_space<hbm>> -> memref<3200xi32, #tpu.memory_space<hbm>>
      %dma_start3A_31 = arith.constant 0 : i32
      %dma_start3A_32 = tpu.memref_slice %arg12[%dma_start3A_31] : memref<3328xi32, #tpu.memory_space<vmem>> -> memref<3200xi32, #tpu.memory_space<vmem>>
      %dma_start3A_33 = tpu.memref_slice %arg3[%mul3A_28] : memref<160000xi32, #tpu.memory_space<hbm>> -> memref<3200xi32, #tpu.memory_space<hbm>>
      tpu.enqueue_dma source(%dma_start3A_33 : memref<3200xi32, #tpu.memory_space<hbm>>) target(%dma_start3A_32 : memref<3200xi32, #tpu.memory_space<vmem>>) target_semaphore(%arg8 : memref<!tpu.dma_semaphore, #tpu.memory_space<semaphore_mem>>)
      %dma_start3A_34 = arith.constant 0 : i32
      %dma_start3A_35 = tpu.memref_slice %arg7[%dma_start3A_34] : memref<3328xi32, #tpu.memory_space<vmem>> -> memref<3200xi32, #tpu.memory_space<vmem>>
      %dma_start3A_36 = tpu.memref_slice %arg4[%mul3A_28] : memref<160000xi32, #tpu.memory_space<hbm>> -> memref<3200xi32, #tpu.memory_space<hbm>>
      %dma_start3A_37 = arith.constant 0 : i32
      %dma_start3A_38 = tpu.memref_slice %arg7[%dma_start3A_37] : memref<3328xi32, #tpu.memory_space<vmem>> -> memref<3200xi32, #tpu.memory_space<vmem>>
      %dma_start3A_39 = tpu.memref_slice %arg4[%mul3A_28] : memref<160000xi32, #tpu.memory_space<hbm>> -> memref<3200xi32, #tpu.memory_space<hbm>>
      tpu.enqueue_dma source(%dma_start3A_39 : memref<3200xi32, #tpu.memory_space<hbm>>) target(%dma_start3A_38 : memref<3200xi32, #tpu.memory_space<vmem>>) target_semaphore(%arg8 : memref<!tpu.dma_semaphore, #tpu.memory_space<semaphore_mem>>)
      %dma_wait3A = arith.constant 0 : i32
      %dma_wait3A_40 = tpu.memref_slice %arg12[%dma_wait3A] : memref<3328xi32, #tpu.memory_space<vmem>> -> memref<3200xi32, #tpu.memory_space<vmem>>
      %dma_wait3A_41 = tpu.memref_slice %arg3[%mul3A_28] : memref<160000xi32, #tpu.memory_space<hbm>> -> memref<3200xi32, #tpu.memory_space<hbm>>
      %dma_wait3A_42 = arith.constant 0 : i32
      %dma_wait3A_43 = tpu.memref_slice %arg12[%dma_wait3A_42] : memref<3328xi32, #tpu.memory_space<vmem>> -> memref<3200xi32, #tpu.memory_space<vmem>>
      %dma_wait3A_44 = tpu.memref_slice %arg3[%mul3A_28] : memref<160000xi32, #tpu.memory_space<hbm>> -> memref<3200xi32, #tpu.memory_space<hbm>>
      tpu.wait_dma2 semaphore(%arg8 : memref<!tpu.dma_semaphore, #tpu.memory_space<semaphore_mem>>) src(%dma_wait3A_44 : memref<3200xi32, #tpu.memory_space<hbm>>) dst(%dma_wait3A_43 : memref<3200xi32, #tpu.memory_space<vmem>>)
      %dma_wait3A_45 = arith.constant 0 : i32
      %dma_wait3A_46 = tpu.memref_slice %arg7[%dma_wait3A_45] : memref<3328xi32, #tpu.memory_space<vmem>> -> memref<3200xi32, #tpu.memory_space<vmem>>
      %dma_wait3A_47 = tpu.memref_slice %arg4[%mul3A_28] : memref<160000xi32, #tpu.memory_space<hbm>> -> memref<3200xi32, #tpu.memory_space<hbm>>
      %dma_wait3A_48 = arith.constant 0 : i32
      %dma_wait3A_49 = tpu.memref_slice %arg7[%dma_wait3A_48] : memref<3328xi32, #tpu.memory_space<vmem>> -> memref<3200xi32, #tpu.memory_space<vmem>>
      %dma_wait3A_50 = tpu.memref_slice %arg4[%mul3A_28] : memref<160000xi32, #tpu.memory_space<hbm>> -> memref<3200xi32, #tpu.memory_space<hbm>>
      tpu.wait_dma2 semaphore(%arg8 : memref<!tpu.dma_semaphore, #tpu.memory_space<semaphore_mem>>) src(%dma_wait3A_50 : memref<3200xi32, #tpu.memory_space<hbm>>) dst(%dma_wait3A_49 : memref<3200xi32, #tpu.memory_space<vmem>>)
      %parallel_loop3A = arith.constant 0 : i32
      %parallel_loop3A_51 = arith.constant 200 : i32
      %parallel_loop3A_52 = arith.constant 1 : i32
      %parallel_loop3A_53 = arith.constant 0 : i32
      %parallel_loop3A_54 = scf.for %parallel_loop3A_155 = %parallel_loop3A to %parallel_loop3A_51 step %parallel_loop3A_52 iter_args(%parallel_loop3A_156 = %parallel_loop3A_53) -> (i32)  : i32 {
        %parallel_loop3A_157 = arith.constant 16 : i32
        %parallel_loop3A_158 = arith.muli %parallel_loop3A_155, %parallel_loop3A_157 : i32
        %parallel_loop3A_159 = arith.index_cast %parallel_loop3A_158 : i32 to index
        %parallel_loop3A_160 = tpu.vector_load %arg7[%parallel_loop3A_159] {strides = array<i32>} : memref<3328xi32, #tpu.memory_space<vmem>>, vector<16xi32>,
        %parallel_loop3A_161 = arith.constant 16 : i32
        %parallel_loop3A_162 = arith.muli %parallel_loop3A_155, %parallel_loop3A_161 : i32
        %parallel_loop3A_163 = arith.index_cast %parallel_loop3A_162 : i32 to index
        %parallel_loop3A_164 = tpu.vector_load %arg12[%parallel_loop3A_163] {strides = array<i32>} : memref<3328xi32, #tpu.memory_space<vmem>>, vector<16xi32>,
        %parallel_loop3A_165 = vector.broadcast %mul3A_6 : i32 to vector<16xi32>
        %parallel_loop3A_166 = arith.cmpi sge, %parallel_loop3A_160, %parallel_loop3A_165 : vector<16xi32>
        %parallel_loop3A_167 = arith.constant 320 : i32
        %parallel_loop3A_168 = arith.addi %mul3A_6, %parallel_loop3A_167 : i32
        %parallel_loop3A_169 = vector.broadcast %parallel_loop3A_168 : i32 to vector<16xi32>
        %parallel_loop3A_170 = arith.cmpi slt, %parallel_loop3A_160, %parallel_loop3A_169 : vector<16xi32>
        %parallel_loop3A_171 = arith.andi %parallel_loop3A_166, %parallel_loop3A_170 : vector<16xi1>
        %parallel_loop3A_172 = arith.constant 1 : i32
        %parallel_loop3A_173 = arith.constant 0 : i32
        %parallel_loop3A_174 = vector.broadcast %parallel_loop3A_172 : i32 to vector<16xi32>
        %parallel_loop3A_175 = vector.broadcast %parallel_loop3A_173 : i32 to vector<16xi32>
        %parallel_loop3A_176 = arith.select %parallel_loop3A_171, %parallel_loop3A_174, %parallel_loop3A_175 : vector<16xi1>, vector<16xi32>
        %parallel_loop3A_177 = arith.constant true
        %parallel_loop3A_178 = vector.broadcast %parallel_loop3A_177 : i1 to vector<16xi1>
        %parallel_loop3A_179 = tpu.scan <sum>, %parallel_loop3A_176 masked %parallel_loop3A_178 : vector<16xi32>, vector<16xi1> -> vector<16xi32>
        %parallel_loop3A_180 = vector.broadcast %parallel_loop3A_156 : i32 to vector<16xi32>
        %parallel_loop3A_181 = arith.addi %parallel_loop3A_180, %parallel_loop3A_179 : vector<16xi32>
        %parallel_loop3A_182 = arith.constant 1 : i32
        %parallel_loop3A_183 = vector.broadcast %parallel_loop3A_182 : i32 to vector<16xi32>
        %parallel_loop3A_184 = arith.subi %parallel_loop3A_181, %parallel_loop3A_183 : vector<16xi32>
        tpu.vector_store_idx %arg10[%parallel_loop3A_184], %parallel_loop3A_164 masked %parallel_loop3A_171 : memref<3328xi32, #tpu.memory_space<vmem>>[vector<16xi32>], vector<16xi32>, vector<16xi1>
        %parallel_loop3A_185 = vector.broadcast %mul3A_6 : i32 to vector<16xi32>
        %parallel_loop3A_186 = arith.subi %parallel_loop3A_160, %parallel_loop3A_185 : vector<16xi32>
        tpu.vector_store_idx %arg9[%parallel_loop3A_184], %parallel_loop3A_186 masked %parallel_loop3A_171 : memref<3328xi32, #tpu.memory_space<vmem>>[vector<16xi32>], vector<16xi32>, vector<16xi1>
        %parallel_loop3A_187 = vector.extract_strided_slice %parallel_loop3A_179 {offsets = [15], sizes = [1], strides = [1]} : vector<16xi32> to vector<1xi32>
        %parallel_loop3A_188 = vector.extract %parallel_loop3A_187[0] : i32 from vector<1xi32>
        %parallel_loop3A_189 = arith.addi %parallel_loop3A_156, %parallel_loop3A_188 : i32
        scf.yield %parallel_loop3A_189 : i32
      } {sc.loop_unroll_factor = 4 : i64, sc.parallel_access}
      %add3A_55 = arith.constant 0 : i32
      %add3A_56 = arith.addi %parallel_loop3A_54, %add3A_55 : i32
      %broadcast_in_dim3A = arith.constant 0 : i32
      %broadcast_in_dim3A_57 = vector.broadcast %broadcast_in_dim3A : i32 to vector<16xi32>
      %swap3A = arith.index_cast %add3A_56 : i32 to index
      %swap3A_58 = tpu.vector_load %arg10[%swap3A] {strides = array<i32>} : memref<3328xi32, #tpu.memory_space<vmem>>, vector<16xi32>,
      tpu.vector_store %arg10[%swap3A], %broadcast_in_dim3A_57 {strides = array<i32>} : memref<3328xi32, #tpu.memory_space<vmem>>, vector<16xi32>,
      %broadcast_in_dim3A_59 = arith.constant 320 : i32
      %broadcast_in_dim3A_60 = vector.broadcast %broadcast_in_dim3A_59 : i32 to vector<16xi32>
      %swap3A_61 = arith.index_cast %add3A_56 : i32 to index
      %swap3A_62 = tpu.vector_load %arg9[%swap3A_61] {strides = array<i32>} : memref<3328xi32, #tpu.memory_space<vmem>>, vector<16xi32>,
      tpu.vector_store %arg9[%swap3A_61], %broadcast_in_dim3A_60 {strides = array<i32>} : memref<3328xi32, #tpu.memory_space<vmem>>, vector<16xi32>,
      %add3A_63 = arith.constant 16 : i32
      %add3A_64 = arith.addi %parallel_loop3A_54, %add3A_63 : i32
      %broadcast_in_dim3A_65 = arith.constant 0 : i32
      %broadcast_in_dim3A_66 = vector.broadcast %broadcast_in_dim3A_65 : i32 to vector<16xi32>
      %swap3A_67 = arith.index_cast %add3A_64 : i32 to index
      %swap3A_68 = tpu.vector_load %arg10[%swap3A_67] {strides = array<i32>} : memref<3328xi32, #tpu.memory_space<vmem>>, vector<16xi32>,
      tpu.vector_store %arg10[%swap3A_67], %broadcast_in_dim3A_66 {strides = array<i32>} : memref<3328xi32, #tpu.memory_space<vmem>>, vector<16xi32>,
      %broadcast_in_dim3A_69 = arith.constant 320 : i32
      %broadcast_in_dim3A_70 = vector.broadcast %broadcast_in_dim3A_69 : i32 to vector<16xi32>
      %swap3A_71 = arith.index_cast %add3A_64 : i32 to index
      %swap3A_72 = tpu.vector_load %arg9[%swap3A_71] {strides = array<i32>} : memref<3328xi32, #tpu.memory_space<vmem>>, vector<16xi32>,
      tpu.vector_store %arg9[%swap3A_71], %broadcast_in_dim3A_70 {strides = array<i32>} : memref<3328xi32, #tpu.memory_space<vmem>>, vector<16xi32>,
      %add3A_73 = arith.constant 32 : i32
      %add3A_74 = arith.addi %parallel_loop3A_54, %add3A_73 : i32
      %broadcast_in_dim3A_75 = arith.constant 0 : i32
      %broadcast_in_dim3A_76 = vector.broadcast %broadcast_in_dim3A_75 : i32 to vector<16xi32>
      %swap3A_77 = arith.index_cast %add3A_74 : i32 to index
      %swap3A_78 = tpu.vector_load %arg10[%swap3A_77] {strides = array<i32>} : memref<3328xi32, #tpu.memory_space<vmem>>, vector<16xi32>,
      tpu.vector_store %arg10[%swap3A_77], %broadcast_in_dim3A_76 {strides = array<i32>} : memref<3328xi32, #tpu.memory_space<vmem>>, vector<16xi32>,
      %broadcast_in_dim3A_79 = arith.constant 320 : i32
      %broadcast_in_dim3A_80 = vector.broadcast %broadcast_in_dim3A_79 : i32 to vector<16xi32>
      %swap3A_81 = arith.index_cast %add3A_74 : i32 to index
      %swap3A_82 = tpu.vector_load %arg9[%swap3A_81] {strides = array<i32>} : memref<3328xi32, #tpu.memory_space<vmem>>, vector<16xi32>,
      tpu.vector_store %arg9[%swap3A_81], %broadcast_in_dim3A_80 {strides = array<i32>} : memref<3328xi32, #tpu.memory_space<vmem>>, vector<16xi32>,
      %add3A_83 = arith.constant 48 : i32
      %add3A_84 = arith.addi %parallel_loop3A_54, %add3A_83 : i32
      %broadcast_in_dim3A_85 = arith.constant 0 : i32
      %broadcast_in_dim3A_86 = vector.broadcast %broadcast_in_dim3A_85 : i32 to vector<16xi32>
      %swap3A_87 = arith.index_cast %add3A_84 : i32 to index
      %swap3A_88 = tpu.vector_load %arg10[%swap3A_87] {strides = array<i32>} : memref<3328xi32, #tpu.memory_space<vmem>>, vector<16xi32>,
      tpu.vector_store %arg10[%swap3A_87], %broadcast_in_dim3A_86 {strides = array<i32>} : memref<3328xi32, #tpu.memory_space<vmem>>, vector<16xi32>,
      %broadcast_in_dim3A_89 = arith.constant 320 : i32
      %broadcast_in_dim3A_90 = vector.broadcast %broadcast_in_dim3A_89 : i32 to vector<16xi32>
      %swap3A_91 = arith.index_cast %add3A_84 : i32 to index
      %swap3A_92 = tpu.vector_load %arg9[%swap3A_91] {strides = array<i32>} : memref<3328xi32, #tpu.memory_space<vmem>>, vector<16xi32>,
      tpu.vector_store %arg9[%swap3A_91], %broadcast_in_dim3A_90 {strides = array<i32>} : memref<3328xi32, #tpu.memory_space<vmem>>, vector<16xi32>,
      %add3A_93 = arith.constant 64 : i32
      %add3A_94 = arith.addi %parallel_loop3A_54, %add3A_93 : i32
      %broadcast_in_dim3A_95 = arith.constant 0 : i32
      %broadcast_in_dim3A_96 = vector.broadcast %broadcast_in_dim3A_95 : i32 to vector<16xi32>
      %swap3A_97 = arith.index_cast %add3A_94 : i32 to index
      %swap3A_98 = tpu.vector_load %arg10[%swap3A_97] {strides = array<i32>} : memref<3328xi32, #tpu.memory_space<vmem>>, vector<16xi32>,
      tpu.vector_store %arg10[%swap3A_97], %broadcast_in_dim3A_96 {strides = array<i32>} : memref<3328xi32, #tpu.memory_space<vmem>>, vector<16xi32>,
      %broadcast_in_dim3A_99 = arith.constant 320 : i32
      %broadcast_in_dim3A_100 = vector.broadcast %broadcast_in_dim3A_99 : i32 to vector<16xi32>
      %swap3A_101 = arith.index_cast %add3A_94 : i32 to index
      %swap3A_102 = tpu.vector_load %arg9[%swap3A_101] {strides = array<i32>} : memref<3328xi32, #tpu.memory_space<vmem>>, vector<16xi32>,
      tpu.vector_store %arg9[%swap3A_101], %broadcast_in_dim3A_100 {strides = array<i32>} : memref<3328xi32, #tpu.memory_space<vmem>>, vector<16xi32>,
      %add3A_103 = arith.constant 80 : i32
      %add3A_104 = arith.addi %parallel_loop3A_54, %add3A_103 : i32
      %broadcast_in_dim3A_105 = arith.constant 0 : i32
      %broadcast_in_dim3A_106 = vector.broadcast %broadcast_in_dim3A_105 : i32 to vector<16xi32>
      %swap3A_107 = arith.index_cast %add3A_104 : i32 to index
      %swap3A_108 = tpu.vector_load %arg10[%swap3A_107] {strides = array<i32>} : memref<3328xi32, #tpu.memory_space<vmem>>, vector<16xi32>,
      tpu.vector_store %arg10[%swap3A_107], %broadcast_in_dim3A_106 {strides = array<i32>} : memref<3328xi32, #tpu.memory_space<vmem>>, vector<16xi32>,
      %broadcast_in_dim3A_109 = arith.constant 320 : i32
      %broadcast_in_dim3A_110 = vector.broadcast %broadcast_in_dim3A_109 : i32 to vector<16xi32>
      %swap3A_111 = arith.index_cast %add3A_104 : i32 to index
      %swap3A_112 = tpu.vector_load %arg9[%swap3A_111] {strides = array<i32>} : memref<3328xi32, #tpu.memory_space<vmem>>, vector<16xi32>,
      tpu.vector_store %arg9[%swap3A_111], %broadcast_in_dim3A_110 {strides = array<i32>} : memref<3328xi32, #tpu.memory_space<vmem>>, vector<16xi32>,
      %add3A_113 = arith.constant 96 : i32
      %add3A_114 = arith.addi %parallel_loop3A_54, %add3A_113 : i32
      %broadcast_in_dim3A_115 = arith.constant 0 : i32
      %broadcast_in_dim3A_116 = vector.broadcast %broadcast_in_dim3A_115 : i32 to vector<16xi32>
      %swap3A_117 = arith.index_cast %add3A_114 : i32 to index
      %swap3A_118 = tpu.vector_load %arg10[%swap3A_117] {strides = array<i32>} : memref<3328xi32, #tpu.memory_space<vmem>>, vector<16xi32>,
      tpu.vector_store %arg10[%swap3A_117], %broadcast_in_dim3A_116 {strides = array<i32>} : memref<3328xi32, #tpu.memory_space<vmem>>, vector<16xi32>,
      %broadcast_in_dim3A_119 = arith.constant 320 : i32
      %broadcast_in_dim3A_120 = vector.broadcast %broadcast_in_dim3A_119 : i32 to vector<16xi32>
      %swap3A_121 = arith.index_cast %add3A_114 : i32 to index
      %swap3A_122 = tpu.vector_load %arg9[%swap3A_121] {strides = array<i32>} : memref<3328xi32, #tpu.memory_space<vmem>>, vector<16xi32>,
      tpu.vector_store %arg9[%swap3A_121], %broadcast_in_dim3A_120 {strides = array<i32>} : memref<3328xi32, #tpu.memory_space<vmem>>, vector<16xi32>,
      %add3A_123 = arith.constant 112 : i32
      %add3A_124 = arith.addi %parallel_loop3A_54, %add3A_123 : i32
      %sub3A = arith.constant 1 : i32
      %sub3A_125 = arith.subi %add3A_124, %sub3A : i32
      %jit3A = arith.constant 112 : i32
      %div3A = arith.divsi %sub3A_125, %jit3A : i32
      %sign3A = arith.constant 0 : i32
      %sign3A_126 = arith.cmpi sgt, %sub3A_125, %sign3A : i32
      %sign3A_127 = arith.extui %sign3A_126 : i1 to i32
      %sign3A_128 = arith.constant 0 : i32
      %sign3A_129 = arith.cmpi slt, %sub3A_125, %sign3A_128 : i32
      %sign3A_130 = arith.extui %sign3A_129 : i1 to i32
      %sign3A_131 = arith.subi %sign3A_127, %sign3A_130 : i32
      %sign3A_132 = arith.constant 0 : i32
      %sign3A_133 = arith.cmpi sgt, %jit3A, %sign3A_132 : i32
      %sign3A_134 = arith.extui %sign3A_133 : i1 to i32
      %sign3A_135 = arith.constant 0 : i32
      %sign3A_136 = arith.cmpi slt, %jit3A, %sign3A_135 : i32
      %sign3A_137 = arith.extui %sign3A_136 : i1 to i32
      %sign3A_138 = arith.subi %sign3A_134, %sign3A_137 : i32
      %ne3A = arith.cmpi ne, %sign3A_131, %sign3A_138 : i32
      %rem3A = arith.remsi %sub3A_125, %jit3A : i32
      %ne3A_139 = arith.constant 0 : i32
      %ne3A_140 = arith.cmpi ne, %rem3A, %ne3A_139 : i32
      %and3A = arith.andi %ne3A, %ne3A_140 : i1
      %sub3A_141 = arith.constant 1 : i32
      %sub3A_142 = arith.subi %div3A, %sub3A_141 : i32
      %select_n3A = arith.select %and3A, %sub3A_142, %div3A : i32
      %while3A = arith.constant 0 : i32
      %while3A_143 = arith.constant 0 : i32
      %while3A_144 = arith.subi %select_n3A, %while3A : i32
      %while3A_145 = arith.addi %while3A, %while3A_144 : i32
      %while3A_146 = arith.constant 1 : i32
      %while3A_147 = arith.divsi %while3A_144, %while3A_146 : i32
      %while3A_148 = arith.muli %while3A_147, %while3A_146 : i32
      %while3A_149 = arith.addi %while3A, %while3A_148 : i32
      %while3A_150 = arith.constant 1 : i32
      %while3A_151 = scf.for %while3A_155 = %while3A to %while3A_149 step %while3A_150 iter_args(%while3A_156 = %while3A_143) -> (i32)  : i32 {
        %mul3A_157 = arith.constant 112 : i32
        %mul3A_158 = arith.muli %while3A_155, %mul3A_157 : i32
        %add3A_159 = arith.constant 0 : i32
        %add3A_160 = arith.addi %mul3A_158, %add3A_159 : i32
        %get3A = arith.index_cast %add3A_160 : i32 to index
        %get3A_161 = tpu.vector_load %arg10[%get3A] {strides = array<i32>} : memref<3328xi32, #tpu.memory_space<vmem>>, vector<16xi32>,
        %swap3A_162 = arith.constant 0 : index
        %swap3A_163 = tpu.vector_load %arg13[%swap3A_162] {strides = array<i32>} : memref<112xi32, #tpu.memory_space<vmem>>, vector<16xi32>,
        tpu.vector_store %arg13[%swap3A_162], %get3A_161 {strides = array<i32>} : memref<112xi32, #tpu.memory_space<vmem>>, vector<16xi32>,
        %add3A_164 = arith.constant 16 : i32
        %add3A_165 = arith.addi %mul3A_158, %add3A_164 : i32
        %get3A_166 = arith.index_cast %add3A_165 : i32 to index
        %get3A_167 = tpu.vector_load %arg10[%get3A_166] {strides = array<i32>} : memref<3328xi32, #tpu.memory_space<vmem>>, vector<16xi32>,
        %swap3A_168 = arith.constant 16 : index
        %swap3A_169 = tpu.vector_load %arg13[%swap3A_168] {strides = array<i32>} : memref<112xi32, #tpu.memory_space<vmem>>, vector<16xi32>,
        tpu.vector_store %arg13[%swap3A_168], %get3A_167 {strides = array<i32>} : memref<112xi32, #tpu.memory_space<vmem>>, vector<16xi32>,
        %add3A_170 = arith.constant 32 : i32
        %add3A_171 = arith.addi %mul3A_158, %add3A_170 : i32
        %get3A_172 = arith.index_cast %add3A_171 : i32 to index
        %get3A_173 = tpu.vector_load %arg10[%get3A_172] {strides = array<i32>} : memref<3328xi32, #tpu.memory_space<vmem>>, vector<16xi32>,
        %swap3A_174 = arith.constant 32 : index
        %swap3A_175 = tpu.vector_load %arg13[%swap3A_174] {strides = array<i32>} : memref<112xi32, #tpu.memory_space<vmem>>, vector<16xi32>,
        tpu.vector_store %arg13[%swap3A_174], %get3A_173 {strides = array<i32>} : memref<112xi32, #tpu.memory_space<vmem>>, vector<16xi32>,
        %add3A_176 = arith.constant 48 : i32
        %add3A_177 = arith.addi %mul3A_158, %add3A_176 : i32
        %get3A_178 = arith.index_cast %add3A_177 : i32 to index
        %get3A_179 = tpu.vector_load %arg10[%get3A_178] {strides = array<i32>} : memref<3328xi32, #tpu.memory_space<vmem>>, vector<16xi32>,
        %swap3A_180 = arith.constant 48 : index
        %swap3A_181 = tpu.vector_load %arg13[%swap3A_180] {strides = array<i32>} : memref<112xi32, #tpu.memory_space<vmem>>, vector<16xi32>,
        tpu.vector_store %arg13[%swap3A_180], %get3A_179 {strides = array<i32>} : memref<112xi32, #tpu.memory_space<vmem>>, vector<16xi32>,
        %add3A_182 = arith.constant 64 : i32
        %add3A_183 = arith.addi %mul3A_158, %add3A_182 : i32
        %get3A_184 = arith.index_cast %add3A_183 : i32 to index
        %get3A_185 = tpu.vector_load %arg10[%get3A_184] {strides = array<i32>} : memref<3328xi32, #tpu.memory_space<vmem>>, vector<16xi32>,
        %swap3A_186 = arith.constant 64 : index
        %swap3A_187 = tpu.vector_load %arg13[%swap3A_186] {strides = array<i32>} : memref<112xi32, #tpu.memory_space<vmem>>, vector<16xi32>,
        tpu.vector_store %arg13[%swap3A_186], %get3A_185 {strides = array<i32>} : memref<112xi32, #tpu.memory_space<vmem>>, vector<16xi32>,
        %add3A_188 = arith.constant 80 : i32
        %add3A_189 = arith.addi %mul3A_158, %add3A_188 : i32
        %get3A_190 = arith.index_cast %add3A_189 : i32 to index
        %get3A_191 = tpu.vector_load %arg10[%get3A_190] {strides = array<i32>} : memref<3328xi32, #tpu.memory_space<vmem>>, vector<16xi32>,
        %swap3A_192 = arith.constant 80 : index
        %swap3A_193 = tpu.vector_load %arg13[%swap3A_192] {strides = array<i32>} : memref<112xi32, #tpu.memory_space<vmem>>, vector<16xi32>,
        tpu.vector_store %arg13[%swap3A_192], %get3A_191 {strides = array<i32>} : memref<112xi32, #tpu.memory_space<vmem>>, vector<16xi32>,
        %add3A_194 = arith.constant 96 : i32
        %add3A_195 = arith.addi %mul3A_158, %add3A_194 : i32
        %get3A_196 = arith.index_cast %add3A_195 : i32 to index
        %get3A_197 = tpu.vector_load %arg10[%get3A_196] {strides = array<i32>} : memref<3328xi32, #tpu.memory_space<vmem>>, vector<16xi32>,
        %swap3A_198 = arith.constant 96 : index
        %swap3A_199 = tpu.vector_load %arg13[%swap3A_198] {strides = array<i32>} : memref<112xi32, #tpu.memory_space<vmem>>, vector<16xi32>,
        tpu.vector_store %arg13[%swap3A_198], %get3A_197 {strides = array<i32>} : memref<112xi32, #tpu.memory_space<vmem>>, vector<16xi32>,
        %dma_start3A_200 = arith.constant 0 : i32
        %dma_start3A_201 = arith.constant 0 : i32
        %dma_start3A_202 = tpu.memref_slice %arg2[%dma_start3A_200, %dma_start3A_201] : memref<10000x256xf32, #tpu.memory_space<hbm>> -> memref<10000x256xf32, #tpu.memory_space<hbm>>
        tpu.enqueue_indirect_dma source(%dma_start3A_202 : memref<10000x256xf32, #tpu.memory_space<hbm>>) target(%arg11 : memref<112x256xf32, #tpu.memory_space<vmem>>) offsets(%arg13 : memref<112xi32, #tpu.memory_space<vmem>>) semaphore(%arg8 : memref<!tpu.dma_semaphore, #tpu.memory_space<semaphore_mem>>)
        %dma_wait3A_203 = arith.constant 0 : i32
        %dma_wait3A_204 = arith.constant 0 : i32
        %dma_wait3A_205 = tpu.memref_slice %arg2[%dma_wait3A_203, %dma_wait3A_204] : memref<10000x256xf32, #tpu.memory_space<hbm>> -> memref<10000x256xf32, #tpu.memory_space<hbm>>
        tpu.wait_indirect_dma semaphore(%arg8 : memref<!tpu.dma_semaphore, #tpu.memory_space<semaphore_mem>>) src(%dma_wait3A_205 : memref<10000x256xf32, #tpu.memory_space<hbm>>) dst(%arg11 : memref<112x256xf32, #tpu.memory_space<vmem>>)
        %scan3A_206 = arith.constant 0 : i32
        %scan3A_207 = arith.constant 0 : i32
        %scan3A_208 = arith.constant 112 : i32
        %scan3A_209 = arith.addi %scan3A_207, %scan3A_208 : i32
        %scan3A_210 = arith.constant 1 : i32
        %scan3A_211 = scf.for %scan3A_214 = %scan3A_207 to %scan3A_209 step %scan3A_210 iter_args(%scan3A_215 = %scan3A_206) -> (i32)  : i32 {
          %add3A_216 = arith.addi %mul3A_158, %scan3A_214 : i32
          %get3A_217 = arith.index_cast %add3A_216 : i32 to index
          %get3A_218 = tpu.vector_load %arg9[%get3A_217] {strides = array<i32>} : memref<3328xi32, #tpu.memory_space<vmem>>, vector<16xi32>,
          %slice3A = vector.extract_strided_slice %get3A_218 {offsets = [0], sizes = [1], strides = [1]} : vector<16xi32> to vector<1xi32>
          %squeeze3A = vector.extract %slice3A[0] : i32 from vector<1xi32>
          %mul3A_219 = arith.constant 256 : i32
          %mul3A_220 = arith.muli %squeeze3A, %mul3A_219 : i32
          %get3A_221 = arith.index_cast %scan3A_214 : i32 to index
          %get3A_222 = arith.constant 0 : index
          %get3A_223 = tpu.vector_load %arg11[%get3A_221, %get3A_222] {strides = array<i32>} : memref<112x256xf32, #tpu.memory_space<vmem>>, vector<16xf32>,
          %add3A_224 = arith.constant 0 : i32
          %add3A_225 = arith.addi %mul3A_220, %add3A_224 : i32
          %swap3A_226 = arith.index_cast %add3A_225 : i32 to index
          %swap3A_227 = tpu.vector_load %arg6[%swap3A_226] {strides = array<i32>} : memref<86016xf32, #tpu.memory_space<vmem>>, vector<16xf32>,
          tpu.vector_store %arg6[%swap3A_226], %get3A_223 {add = true, strides = array<i32>} : memref<86016xf32, #tpu.memory_space<vmem>>, vector<16xf32>,
          %get3A_228 = arith.index_cast %scan3A_214 : i32 to index
          %get3A_229 = arith.constant 16 : index
          %get3A_230 = tpu.vector_load %arg11[%get3A_228, %get3A_229] {strides = array<i32>} : memref<112x256xf32, #tpu.memory_space<vmem>>, vector<16xf32>,
          %add3A_231 = arith.constant 16 : i32
          %add3A_232 = arith.addi %mul3A_220, %add3A_231 : i32
          %swap3A_233 = arith.index_cast %add3A_232 : i32 to index
          %swap3A_234 = tpu.vector_load %arg6[%swap3A_233] {strides = array<i32>} : memref<86016xf32, #tpu.memory_space<vmem>>, vector<16xf32>,
          tpu.vector_store %arg6[%swap3A_233], %get3A_230 {add = true, strides = array<i32>} : memref<86016xf32, #tpu.memory_space<vmem>>, vector<16xf32>,
          %get3A_235 = arith.index_cast %scan3A_214 : i32 to index
          %get3A_236 = arith.constant 32 : index
          %get3A_237 = tpu.vector_load %arg11[%get3A_235, %get3A_236] {strides = array<i32>} : memref<112x256xf32, #tpu.memory_space<vmem>>, vector<16xf32>,
          %add3A_238 = arith.constant 32 : i32
          %add3A_239 = arith.addi %mul3A_220, %add3A_238 : i32
          %swap3A_240 = arith.index_cast %add3A_239 : i32 to index
          %swap3A_241 = tpu.vector_load %arg6[%swap3A_240] {strides = array<i32>} : memref<86016xf32, #tpu.memory_space<vmem>>, vector<16xf32>,
          tpu.vector_store %arg6[%swap3A_240], %get3A_237 {add = true, strides = array<i32>} : memref<86016xf32, #tpu.memory_space<vmem>>, vector<16xf32>,
          %get3A_242 = arith.index_cast %scan3A_214 : i32 to index
          %get3A_243 = arith.constant 48 : index
          %get3A_244 = tpu.vector_load %arg11[%get3A_242, %get3A_243] {strides = array<i32>} : memref<112x256xf32, #tpu.memory_space<vmem>>, vector<16xf32>,
          %add3A_245 = arith.constant 48 : i32
          %add3A_246 = arith.addi %mul3A_220, %add3A_245 : i32
          %swap3A_247 = arith.index_cast %add3A_246 : i32 to index
          %swap3A_248 = tpu.vector_load %arg6[%swap3A_247] {strides = array<i32>} : memref<86016xf32, #tpu.memory_space<vmem>>, vector<16xf32>,
          tpu.vector_store %arg6[%swap3A_247], %get3A_244 {add = true, strides = array<i32>} : memref<86016xf32, #tpu.memory_space<vmem>>, vector<16xf32>,
          %get3A_249 = arith.index_cast %scan3A_214 : i32 to index
          %get3A_250 = arith.constant 64 : index
          %get3A_251 = tpu.vector_load %arg11[%get3A_249, %get3A_250] {strides = array<i32>} : memref<112x256xf32, #tpu.memory_space<vmem>>, vector<16xf32>,
          %add3A_252 = arith.constant 64 : i32
          %add3A_253 = arith.addi %mul3A_220, %add3A_252 : i32
          %swap3A_254 = arith.index_cast %add3A_253 : i32 to index
          %swap3A_255 = tpu.vector_load %arg6[%swap3A_254] {strides = array<i32>} : memref<86016xf32, #tpu.memory_space<vmem>>, vector<16xf32>,
          tpu.vector_store %arg6[%swap3A_254], %get3A_251 {add = true, strides = array<i32>} : memref<86016xf32, #tpu.memory_space<vmem>>, vector<16xf32>,
          %get3A_256 = arith.index_cast %scan3A_214 : i32 to index
          %get3A_257 = arith.constant 80 : index
          %get3A_258 = tpu.vector_load %arg11[%get3A_256, %get3A_257] {strides = array<i32>} : memref<112x256xf32, #tpu.memory_space<vmem>>, vector<16xf32>,
          %add3A_259 = arith.constant 80 : i32
          %add3A_260 = arith.addi %mul3A_220, %add3A_259 : i32
          %swap3A_261 = arith.index_cast %add3A_260 : i32 to index
          %swap3A_262 = tpu.vector_load %arg6[%swap3A_261] {strides = array<i32>} : memref<86016xf32, #tpu.memory_space<vmem>>, vector<16xf32>,
          tpu.vector_store %arg6[%swap3A_261], %get3A_258 {add = true, strides = array<i32>} : memref<86016xf32, #tpu.memory_space<vmem>>, vector<16xf32>,
          %get3A_263 = arith.index_cast %scan3A_214 : i32 to index
          %get3A_264 = arith.constant 96 : index
          %get3A_265 = tpu.vector_load %arg11[%get3A_263, %get3A_264] {strides = array<i32>} : memref<112x256xf32, #tpu.memory_space<vmem>>, vector<16xf32>,
          %add3A_266 = arith.constant 96 : i32
          %add3A_267 = arith.addi %mul3A_220, %add3A_266 : i32
          %swap3A_268 = arith.index_cast %add3A_267 : i32 to index
          %swap3A_269 = tpu.vector_load %arg6[%swap3A_268] {strides = array<i32>} : memref<86016xf32, #tpu.memory_space<vmem>>, vector<16xf32>,
          tpu.vector_store %arg6[%swap3A_268], %get3A_265 {add = true, strides = array<i32>} : memref<86016xf32, #tpu.memory_space<vmem>>, vector<16xf32>,
          %get3A_270 = arith.index_cast %scan3A_214 : i32 to index
          %get3A_271 = arith.constant 112 : index
          %get3A_272 = tpu.vector_load %arg11[%get3A_270, %get3A_271] {strides = array<i32>} : memref<112x256xf32, #tpu.memory_space<vmem>>, vector<16xf32>,
          %add3A_273 = arith.constant 112 : i32
          %add3A_274 = arith.addi %mul3A_220, %add3A_273 : i32
          %swap3A_275 = arith.index_cast %add3A_274 : i32 to index
          %swap3A_276 = tpu.vector_load %arg6[%swap3A_275] {strides = array<i32>} : memref<86016xf32, #tpu.memory_space<vmem>>, vector<16xf32>,
          tpu.vector_store %arg6[%swap3A_275], %get3A_272 {add = true, strides = array<i32>} : memref<86016xf32, #tpu.memory_space<vmem>>, vector<16xf32>,
          %get3A_277 = arith.index_cast %scan3A_214 : i32 to index
          %get3A_278 = arith.constant 128 : index
          %get3A_279 = tpu.vector_load %arg11[%get3A_277, %get3A_278] {strides = array<i32>} : memref<112x256xf32, #tpu.memory_space<vmem>>, vector<16xf32>,
          %add3A_280 = arith.constant 128 : i32
          %add3A_281 = arith.addi %mul3A_220, %add3A_280 : i32
          %swap3A_282 = arith.index_cast %add3A_281 : i32 to index
          %swap3A_283 = tpu.vector_load %arg6[%swap3A_282] {strides = array<i32>} : memref<86016xf32, #tpu.memory_space<vmem>>, vector<16xf32>,
          tpu.vector_store %arg6[%swap3A_282], %get3A_279 {add = true, strides = array<i32>} : memref<86016xf32, #tpu.memory_space<vmem>>, vector<16xf32>,
          %get3A_284 = arith.index_cast %scan3A_214 : i32 to index
          %get3A_285 = arith.constant 144 : index
          %get3A_286 = tpu.vector_load %arg11[%get3A_284, %get3A_285] {strides = array<i32>} : memref<112x256xf32, #tpu.memory_space<vmem>>, vector<16xf32>,
          %add3A_287 = arith.constant 144 : i32
          %add3A_288 = arith.addi %mul3A_220, %add3A_287 : i32
          %swap3A_289 = arith.index_cast %add3A_288 : i32 to index
          %swap3A_290 = tpu.vector_load %arg6[%swap3A_289] {strides = array<i32>} : memref<86016xf32, #tpu.memory_space<vmem>>, vector<16xf32>,
          tpu.vector_store %arg6[%swap3A_289], %get3A_286 {add = true, strides = array<i32>} : memref<86016xf32, #tpu.memory_space<vmem>>, vector<16xf32>,
          %get3A_291 = arith.index_cast %scan3A_214 : i32 to index
          %get3A_292 = arith.constant 160 : index
          %get3A_293 = tpu.vector_load %arg11[%get3A_291, %get3A_292] {strides = array<i32>} : memref<112x256xf32, #tpu.memory_space<vmem>>, vector<16xf32>,
          %add3A_294 = arith.constant 160 : i32
          %add3A_295 = arith.addi %mul3A_220, %add3A_294 : i32
          %swap3A_296 = arith.index_cast %add3A_295 : i32 to index
          %swap3A_297 = tpu.vector_load %arg6[%swap3A_296] {strides = array<i32>} : memref<86016xf32, #tpu.memory_space<vmem>>, vector<16xf32>,
          tpu.vector_store %arg6[%swap3A_296], %get3A_293 {add = true, strides = array<i32>} : memref<86016xf32, #tpu.memory_space<vmem>>, vector<16xf32>,
          %get3A_298 = arith.index_cast %scan3A_214 : i32 to index
          %get3A_299 = arith.constant 176 : index
          %get3A_300 = tpu.vector_load %arg11[%get3A_298, %get3A_299] {strides = array<i32>} : memref<112x256xf32, #tpu.memory_space<vmem>>, vector<16xf32>,
          %add3A_301 = arith.constant 176 : i32
          %add3A_302 = arith.addi %mul3A_220, %add3A_301 : i32
          %swap3A_303 = arith.index_cast %add3A_302 : i32 to index
          %swap3A_304 = tpu.vector_load %arg6[%swap3A_303] {strides = array<i32>} : memref<86016xf32, #tpu.memory_space<vmem>>, vector<16xf32>,
          tpu.vector_store %arg6[%swap3A_303], %get3A_300 {add = true, strides = array<i32>} : memref<86016xf32, #tpu.memory_space<vmem>>, vector<16xf32>,
          %get3A_305 = arith.index_cast %scan3A_214 : i32 to index
          %get3A_306 = arith.constant 192 : index
          %get3A_307 = tpu.vector_load %arg11[%get3A_305, %get3A_306] {strides = array<i32>} : memref<112x256xf32, #tpu.memory_space<vmem>>, vector<16xf32>,
          %add3A_308 = arith.constant 192 : i32
          %add3A_309 = arith.addi %mul3A_220, %add3A_308 : i32
          %swap3A_310 = arith.index_cast %add3A_309 : i32 to index
          %swap3A_311 = tpu.vector_load %arg6[%swap3A_310] {strides = array<i32>} : memref<86016xf32, #tpu.memory_space<vmem>>, vector<16xf32>,
          tpu.vector_store %arg6[%swap3A_310], %get3A_307 {add = true, strides = array<i32>} : memref<86016xf32, #tpu.memory_space<vmem>>, vector<16xf32>,
          %get3A_312 = arith.index_cast %scan3A_214 : i32 to index
          %get3A_313 = arith.constant 208 : index
          %get3A_314 = tpu.vector_load %arg11[%get3A_312, %get3A_313] {strides = array<i32>} : memref<112x256xf32, #tpu.memory_space<vmem>>, vector<16xf32>,
          %add3A_315 = arith.constant 208 : i32
          %add3A_316 = arith.addi %mul3A_220, %add3A_315 : i32
          %swap3A_317 = arith.index_cast %add3A_316 : i32 to index
          %swap3A_318 = tpu.vector_load %arg6[%swap3A_317] {strides = array<i32>} : memref<86016xf32, #tpu.memory_space<vmem>>, vector<16xf32>,
          tpu.vector_store %arg6[%swap3A_317], %get3A_314 {add = true, strides = array<i32>} : memref<86016xf32, #tpu.memory_space<vmem>>, vector<16xf32>,
          %get3A_319 = arith.index_cast %scan3A_214 : i32 to index
          %get3A_320 = arith.constant 224 : index
          %get3A_321 = tpu.vector_load %arg11[%get3A_319, %get3A_320] {strides = array<i32>} : memref<112x256xf32, #tpu.memory_space<vmem>>, vector<16xf32>,
          %add3A_322 = arith.constant 224 : i32
          %add3A_323 = arith.addi %mul3A_220, %add3A_322 : i32
          %swap3A_324 = arith.index_cast %add3A_323 : i32 to index
          %swap3A_325 = tpu.vector_load %arg6[%swap3A_324] {strides = array<i32>} : memref<86016xf32, #tpu.memory_space<vmem>>, vector<16xf32>,
          tpu.vector_store %arg6[%swap3A_324], %get3A_321 {add = true, strides = array<i32>} : memref<86016xf32, #tpu.memory_space<vmem>>, vector<16xf32>,
          %get3A_326 = arith.index_cast %scan3A_214 : i32 to index
          %get3A_327 = arith.constant 240 : index
          %get3A_328 = tpu.vector_load %arg11[%get3A_326, %get3A_327] {strides = array<i32>} : memref<112x256xf32, #tpu.memory_space<vmem>>, vector<16xf32>,
          %add3A_329 = arith.constant 240 : i32
          %add3A_330 = arith.addi %mul3A_220, %add3A_329 : i32
          %swap3A_331 = arith.index_cast %add3A_330 : i32 to index
          %swap3A_332 = tpu.vector_load %arg6[%swap3A_331] {strides = array<i32>} : memref<86016xf32, #tpu.memory_space<vmem>>, vector<16xf32>,
          tpu.vector_store %arg6[%swap3A_331], %get3A_328 {add = true, strides = array<i32>} : memref<86016xf32, #tpu.memory_space<vmem>>, vector<16xf32>,
          %scan3A_333 = arith.constant 0 : i32
          scf.yield %scan3A_333 : i32
        }
        %scan3A_212 = arith.constant 112 : i32
        %while3A_213 = arith.constant 0 : i32
        scf.yield %while3A_213 : i32
      }
      %while3A_152 = arith.constant 1 : i32
      %while3A_153 = scf.for %while3A_155 = %while3A_149 to %while3A_145 step %while3A_152 iter_args(%while3A_156 = %while3A_151) -> (i32)  : i32 {
        %mul3A_157 = arith.constant 112 : i32
        %mul3A_158 = arith.muli %while3A_155, %mul3A_157 : i32
        %add3A_159 = arith.constant 0 : i32
        %add3A_160 = arith.addi %mul3A_158, %add3A_159 : i32
        %get3A = arith.index_cast %add3A_160 : i32 to index
        %get3A_161 = tpu.vector_load %arg10[%get3A] {strides = array<i32>} : memref<3328xi32, #tpu.memory_space<vmem>>, vector<16xi32>,
        %swap3A_162 = arith.constant 0 : index
        %swap3A_163 = tpu.vector_load %arg13[%swap3A_162] {strides = array<i32>} : memref<112xi32, #tpu.memory_space<vmem>>, vector<16xi32>,
        tpu.vector_store %arg13[%swap3A_162], %get3A_161 {strides = array<i32>} : memref<112xi32, #tpu.memory_space<vmem>>, vector<16xi32>,
        %add3A_164 = arith.constant 16 : i32
        %add3A_165 = arith.addi %mul3A_158, %add3A_164 : i32
        %get3A_166 = arith.index_cast %add3A_165 : i32 to index
        %get3A_167 = tpu.vector_load %arg10[%get3A_166] {strides = array<i32>} : memref<3328xi32, #tpu.memory_space<vmem>>, vector<16xi32>,
        %swap3A_168 = arith.constant 16 : index
        %swap3A_169 = tpu.vector_load %arg13[%swap3A_168] {strides = array<i32>} : memref<112xi32, #tpu.memory_space<vmem>>, vector<16xi32>,
        tpu.vector_store %arg13[%swap3A_168], %get3A_167 {strides = array<i32>} : memref<112xi32, #tpu.memory_space<vmem>>, vector<16xi32>,
        %add3A_170 = arith.constant 32 : i32
        %add3A_171 = arith.addi %mul3A_158, %add3A_170 : i32
        %get3A_172 = arith.index_cast %add3A_171 : i32 to index
        %get3A_173 = tpu.vector_load %arg10[%get3A_172] {strides = array<i32>} : memref<3328xi32, #tpu.memory_space<vmem>>, vector<16xi32>,
        %swap3A_174 = arith.constant 32 : index
        %swap3A_175 = tpu.vector_load %arg13[%swap3A_174] {strides = array<i32>} : memref<112xi32, #tpu.memory_space<vmem>>, vector<16xi32>,
        tpu.vector_store %arg13[%swap3A_174], %get3A_173 {strides = array<i32>} : memref<112xi32, #tpu.memory_space<vmem>>, vector<16xi32>,
        %add3A_176 = arith.constant 48 : i32
        %add3A_177 = arith.addi %mul3A_158, %add3A_176 : i32
        %get3A_178 = arith.index_cast %add3A_177 : i32 to index
        %get3A_179 = tpu.vector_load %arg10[%get3A_178] {strides = array<i32>} : memref<3328xi32, #tpu.memory_space<vmem>>, vector<16xi32>,
        %swap3A_180 = arith.constant 48 : index
        %swap3A_181 = tpu.vector_load %arg13[%swap3A_180] {strides = array<i32>} : memref<112xi32, #tpu.memory_space<vmem>>, vector<16xi32>,
        tpu.vector_store %arg13[%swap3A_180], %get3A_179 {strides = array<i32>} : memref<112xi32, #tpu.memory_space<vmem>>, vector<16xi32>,
        %add3A_182 = arith.constant 64 : i32
        %add3A_183 = arith.addi %mul3A_158, %add3A_182 : i32
        %get3A_184 = arith.index_cast %add3A_183 : i32 to index
        %get3A_185 = tpu.vector_load %arg10[%get3A_184] {strides = array<i32>} : memref<3328xi32, #tpu.memory_space<vmem>>, vector<16xi32>,
        %swap3A_186 = arith.constant 64 : index
        %swap3A_187 = tpu.vector_load %arg13[%swap3A_186] {strides = array<i32>} : memref<112xi32, #tpu.memory_space<vmem>>, vector<16xi32>,
        tpu.vector_store %arg13[%swap3A_186], %get3A_185 {strides = array<i32>} : memref<112xi32, #tpu.memory_space<vmem>>, vector<16xi32>,
        %add3A_188 = arith.constant 80 : i32
        %add3A_189 = arith.addi %mul3A_158, %add3A_188 : i32
        %get3A_190 = arith.index_cast %add3A_189 : i32 to index
        %get3A_191 = tpu.vector_load %arg10[%get3A_190] {strides = array<i32>} : memref<3328xi32, #tpu.memory_space<vmem>>, vector<16xi32>,
        %swap3A_192 = arith.constant 80 : index
        %swap3A_193 = tpu.vector_load %arg13[%swap3A_192] {strides = array<i32>} : memref<112xi32, #tpu.memory_space<vmem>>, vector<16xi32>,
        tpu.vector_store %arg13[%swap3A_192], %get3A_191 {strides = array<i32>} : memref<112xi32, #tpu.memory_space<vmem>>, vector<16xi32>,
        %add3A_194 = arith.constant 96 : i32
        %add3A_195 = arith.addi %mul3A_158, %add3A_194 : i32
        %get3A_196 = arith.index_cast %add3A_195 : i32 to index
        %get3A_197 = tpu.vector_load %arg10[%get3A_196] {strides = array<i32>} : memref<3328xi32, #tpu.memory_space<vmem>>, vector<16xi32>,
        %swap3A_198 = arith.constant 96 : index
        %swap3A_199 = tpu.vector_load %arg13[%swap3A_198] {strides = array<i32>} : memref<112xi32, #tpu.memory_space<vmem>>, vector<16xi32>,
        tpu.vector_store %arg13[%swap3A_198], %get3A_197 {strides = array<i32>} : memref<112xi32, #tpu.memory_space<vmem>>, vector<16xi32>,
        %dma_start3A_200 = arith.constant 0 : i32
        %dma_start3A_201 = arith.constant 0 : i32
        %dma_start3A_202 = tpu.memref_slice %arg2[%dma_start3A_200, %dma_start3A_201] : memref<10000x256xf32, #tpu.memory_space<hbm>> -> memref<10000x256xf32, #tpu.memory_space<hbm>>
        tpu.enqueue_indirect_dma source(%dma_start3A_202 : memref<10000x256xf32, #tpu.memory_space<hbm>>) target(%arg11 : memref<112x256xf32, #tpu.memory_space<vmem>>) offsets(%arg13 : memref<112xi32, #tpu.memory_space<vmem>>) semaphore(%arg8 : memref<!tpu.dma_semaphore, #tpu.memory_space<semaphore_mem>>)
        %dma_wait3A_203 = arith.constant 0 : i32
        %dma_wait3A_204 = arith.constant 0 : i32
        %dma_wait3A_205 = tpu.memref_slice %arg2[%dma_wait3A_203, %dma_wait3A_204] : memref<10000x256xf32, #tpu.memory_space<hbm>> -> memref<10000x256xf32, #tpu.memory_space<hbm>>
        tpu.wait_indirect_dma semaphore(%arg8 : memref<!tpu.dma_semaphore, #tpu.memory_space<semaphore_mem>>) src(%dma_wait3A_205 : memref<10000x256xf32, #tpu.memory_space<hbm>>) dst(%arg11 : memref<112x256xf32, #tpu.memory_space<vmem>>)
        %scan3A_206 = arith.constant 0 : i32
        %scan3A_207 = arith.constant 0 : i32
        %scan3A_208 = arith.constant 112 : i32
        %scan3A_209 = arith.addi %scan3A_207, %scan3A_208 : i32
        %scan3A_210 = arith.constant 1 : i32
        %scan3A_211 = scf.for %scan3A_214 = %scan3A_207 to %scan3A_209 step %scan3A_210 iter_args(%scan3A_215 = %scan3A_206) -> (i32)  : i32 {
          %add3A_216 = arith.addi %mul3A_158, %scan3A_214 : i32
          %get3A_217 = arith.index_cast %add3A_216 : i32 to index
          %get3A_218 = tpu.vector_load %arg9[%get3A_217] {strides = array<i32>} : memref<3328xi32, #tpu.memory_space<vmem>>, vector<16xi32>,
          %slice3A = vector.extract_strided_slice %get3A_218 {offsets = [0], sizes = [1], strides = [1]} : vector<16xi32> to vector<1xi32>
          %squeeze3A = vector.extract %slice3A[0] : i32 from vector<1xi32>
          %mul3A_219 = arith.constant 256 : i32
          %mul3A_220 = arith.muli %squeeze3A, %mul3A_219 : i32
          %get3A_221 = arith.index_cast %scan3A_214 : i32 to index
          %get3A_222 = arith.constant 0 : index
          %get3A_223 = tpu.vector_load %arg11[%get3A_221, %get3A_222] {strides = array<i32>} : memref<112x256xf32, #tpu.memory_space<vmem>>, vector<16xf32>,
          %add3A_224 = arith.constant 0 : i32
          %add3A_225 = arith.addi %mul3A_220, %add3A_224 : i32
          %swap3A_226 = arith.index_cast %add3A_225 : i32 to index
          %swap3A_227 = tpu.vector_load %arg6[%swap3A_226] {strides = array<i32>} : memref<86016xf32, #tpu.memory_space<vmem>>, vector<16xf32>,
          tpu.vector_store %arg6[%swap3A_226], %get3A_223 {add = true, strides = array<i32>} : memref<86016xf32, #tpu.memory_space<vmem>>, vector<16xf32>,
          %get3A_228 = arith.index_cast %scan3A_214 : i32 to index
          %get3A_229 = arith.constant 16 : index
          %get3A_230 = tpu.vector_load %arg11[%get3A_228, %get3A_229] {strides = array<i32>} : memref<112x256xf32, #tpu.memory_space<vmem>>, vector<16xf32>,
          %add3A_231 = arith.constant 16 : i32
          %add3A_232 = arith.addi %mul3A_220, %add3A_231 : i32
          %swap3A_233 = arith.index_cast %add3A_232 : i32 to index
          %swap3A_234 = tpu.vector_load %arg6[%swap3A_233] {strides = array<i32>} : memref<86016xf32, #tpu.memory_space<vmem>>, vector<16xf32>,
          tpu.vector_store %arg6[%swap3A_233], %get3A_230 {add = true, strides = array<i32>} : memref<86016xf32, #tpu.memory_space<vmem>>, vector<16xf32>,
          %get3A_235 = arith.index_cast %scan3A_214 : i32 to index
          %get3A_236 = arith.constant 32 : index
          %get3A_237 = tpu.vector_load %arg11[%get3A_235, %get3A_236] {strides = array<i32>} : memref<112x256xf32, #tpu.memory_space<vmem>>, vector<16xf32>,
          %add3A_238 = arith.constant 32 : i32
          %add3A_239 = arith.addi %mul3A_220, %add3A_238 : i32
          %swap3A_240 = arith.index_cast %add3A_239 : i32 to index
          %swap3A_241 = tpu.vector_load %arg6[%swap3A_240] {strides = array<i32>} : memref<86016xf32, #tpu.memory_space<vmem>>, vector<16xf32>,
          tpu.vector_store %arg6[%swap3A_240], %get3A_237 {add = true, strides = array<i32>} : memref<86016xf32, #tpu.memory_space<vmem>>, vector<16xf32>,
          %get3A_242 = arith.index_cast %scan3A_214 : i32 to index
          %get3A_243 = arith.constant 48 : index
          %get3A_244 = tpu.vector_load %arg11[%get3A_242, %get3A_243] {strides = array<i32>} : memref<112x256xf32, #tpu.memory_space<vmem>>, vector<16xf32>,
          %add3A_245 = arith.constant 48 : i32
          %add3A_246 = arith.addi %mul3A_220, %add3A_245 : i32
          %swap3A_247 = arith.index_cast %add3A_246 : i32 to index
          %swap3A_248 = tpu.vector_load %arg6[%swap3A_247] {strides = array<i32>} : memref<86016xf32, #tpu.memory_space<vmem>>, vector<16xf32>,
          tpu.vector_store %arg6[%swap3A_247], %get3A_244 {add = true, strides = array<i32>} : memref<86016xf32, #tpu.memory_space<vmem>>, vector<16xf32>,
          %get3A_249 = arith.index_cast %scan3A_214 : i32 to index
          %get3A_250 = arith.constant 64 : index
          %get3A_251 = tpu.vector_load %arg11[%get3A_249, %get3A_250] {strides = array<i32>} : memref<112x256xf32, #tpu.memory_space<vmem>>, vector<16xf32>,
          %add3A_252 = arith.constant 64 : i32
          %add3A_253 = arith.addi %mul3A_220, %add3A_252 : i32
          %swap3A_254 = arith.index_cast %add3A_253 : i32 to index
          %swap3A_255 = tpu.vector_load %arg6[%swap3A_254] {strides = array<i32>} : memref<86016xf32, #tpu.memory_space<vmem>>, vector<16xf32>,
          tpu.vector_store %arg6[%swap3A_254], %get3A_251 {add = true, strides = array<i32>} : memref<86016xf32, #tpu.memory_space<vmem>>, vector<16xf32>,
          %get3A_256 = arith.index_cast %scan3A_214 : i32 to index
          %get3A_257 = arith.constant 80 : index
          %get3A_258 = tpu.vector_load %arg11[%get3A_256, %get3A_257] {strides = array<i32>} : memref<112x256xf32, #tpu.memory_space<vmem>>, vector<16xf32>,
          %add3A_259 = arith.constant 80 : i32
          %add3A_260 = arith.addi %mul3A_220, %add3A_259 : i32
          %swap3A_261 = arith.index_cast %add3A_260 : i32 to index
          %swap3A_262 = tpu.vector_load %arg6[%swap3A_261] {strides = array<i32>} : memref<86016xf32, #tpu.memory_space<vmem>>, vector<16xf32>,
          tpu.vector_store %arg6[%swap3A_261], %get3A_258 {add = true, strides = array<i32>} : memref<86016xf32, #tpu.memory_space<vmem>>, vector<16xf32>,
          %get3A_263 = arith.index_cast %scan3A_214 : i32 to index
          %get3A_264 = arith.constant 96 : index
          %get3A_265 = tpu.vector_load %arg11[%get3A_263, %get3A_264] {strides = array<i32>} : memref<112x256xf32, #tpu.memory_space<vmem>>, vector<16xf32>,
          %add3A_266 = arith.constant 96 : i32
          %add3A_267 = arith.addi %mul3A_220, %add3A_266 : i32
          %swap3A_268 = arith.index_cast %add3A_267 : i32 to index
          %swap3A_269 = tpu.vector_load %arg6[%swap3A_268] {strides = array<i32>} : memref<86016xf32, #tpu.memory_space<vmem>>, vector<16xf32>,
          tpu.vector_store %arg6[%swap3A_268], %get3A_265 {add = true, strides = array<i32>} : memref<86016xf32, #tpu.memory_space<vmem>>, vector<16xf32>,
          %get3A_270 = arith.index_cast %scan3A_214 : i32 to index
          %get3A_271 = arith.constant 112 : index
          %get3A_272 = tpu.vector_load %arg11[%get3A_270, %get3A_271] {strides = array<i32>} : memref<112x256xf32, #tpu.memory_space<vmem>>, vector<16xf32>,
          %add3A_273 = arith.constant 112 : i32
          %add3A_274 = arith.addi %mul3A_220, %add3A_273 : i32
          %swap3A_275 = arith.index_cast %add3A_274 : i32 to index
          %swap3A_276 = tpu.vector_load %arg6[%swap3A_275] {strides = array<i32>} : memref<86016xf32, #tpu.memory_space<vmem>>, vector<16xf32>,
          tpu.vector_store %arg6[%swap3A_275], %get3A_272 {add = true, strides = array<i32>} : memref<86016xf32, #tpu.memory_space<vmem>>, vector<16xf32>,
          %get3A_277 = arith.index_cast %scan3A_214 : i32 to index
          %get3A_278 = arith.constant 128 : index
          %get3A_279 = tpu.vector_load %arg11[%get3A_277, %get3A_278] {strides = array<i32>} : memref<112x256xf32, #tpu.memory_space<vmem>>, vector<16xf32>,
          %add3A_280 = arith.constant 128 : i32
          %add3A_281 = arith.addi %mul3A_220, %add3A_280 : i32
          %swap3A_282 = arith.index_cast %add3A_281 : i32 to index
          %swap3A_283 = tpu.vector_load %arg6[%swap3A_282] {strides = array<i32>} : memref<86016xf32, #tpu.memory_space<vmem>>, vector<16xf32>,
          tpu.vector_store %arg6[%swap3A_282], %get3A_279 {add = true, strides = array<i32>} : memref<86016xf32, #tpu.memory_space<vmem>>, vector<16xf32>,
          %get3A_284 = arith.index_cast %scan3A_214 : i32 to index
          %get3A_285 = arith.constant 144 : index
          %get3A_286 = tpu.vector_load %arg11[%get3A_284, %get3A_285] {strides = array<i32>} : memref<112x256xf32, #tpu.memory_space<vmem>>, vector<16xf32>,
          %add3A_287 = arith.constant 144 : i32
          %add3A_288 = arith.addi %mul3A_220, %add3A_287 : i32
          %swap3A_289 = arith.index_cast %add3A_288 : i32 to index
          %swap3A_290 = tpu.vector_load %arg6[%swap3A_289] {strides = array<i32>} : memref<86016xf32, #tpu.memory_space<vmem>>, vector<16xf32>,
          tpu.vector_store %arg6[%swap3A_289], %get3A_286 {add = true, strides = array<i32>} : memref<86016xf32, #tpu.memory_space<vmem>>, vector<16xf32>,
          %get3A_291 = arith.index_cast %scan3A_214 : i32 to index
          %get3A_292 = arith.constant 160 : index
          %get3A_293 = tpu.vector_load %arg11[%get3A_291, %get3A_292] {strides = array<i32>} : memref<112x256xf32, #tpu.memory_space<vmem>>, vector<16xf32>,
          %add3A_294 = arith.constant 160 : i32
          %add3A_295 = arith.addi %mul3A_220, %add3A_294 : i32
          %swap3A_296 = arith.index_cast %add3A_295 : i32 to index
          %swap3A_297 = tpu.vector_load %arg6[%swap3A_296] {strides = array<i32>} : memref<86016xf32, #tpu.memory_space<vmem>>, vector<16xf32>,
          tpu.vector_store %arg6[%swap3A_296], %get3A_293 {add = true, strides = array<i32>} : memref<86016xf32, #tpu.memory_space<vmem>>, vector<16xf32>,
          %get3A_298 = arith.index_cast %scan3A_214 : i32 to index
          %get3A_299 = arith.constant 176 : index
          %get3A_300 = tpu.vector_load %arg11[%get3A_298, %get3A_299] {strides = array<i32>} : memref<112x256xf32, #tpu.memory_space<vmem>>, vector<16xf32>,
          %add3A_301 = arith.constant 176 : i32
          %add3A_302 = arith.addi %mul3A_220, %add3A_301 : i32
          %swap3A_303 = arith.index_cast %add3A_302 : i32 to index
          %swap3A_304 = tpu.vector_load %arg6[%swap3A_303] {strides = array<i32>} : memref<86016xf32, #tpu.memory_space<vmem>>, vector<16xf32>,
          tpu.vector_store %arg6[%swap3A_303], %get3A_300 {add = true, strides = array<i32>} : memref<86016xf32, #tpu.memory_space<vmem>>, vector<16xf32>,
          %get3A_305 = arith.index_cast %scan3A_214 : i32 to index
          %get3A_306 = arith.constant 192 : index
          %get3A_307 = tpu.vector_load %arg11[%get3A_305, %get3A_306] {strides = array<i32>} : memref<112x256xf32, #tpu.memory_space<vmem>>, vector<16xf32>,
          %add3A_308 = arith.constant 192 : i32
          %add3A_309 = arith.addi %mul3A_220, %add3A_308 : i32
          %swap3A_310 = arith.index_cast %add3A_309 : i32 to index
          %swap3A_311 = tpu.vector_load %arg6[%swap3A_310] {strides = array<i32>} : memref<86016xf32, #tpu.memory_space<vmem>>, vector<16xf32>,
          tpu.vector_store %arg6[%swap3A_310], %get3A_307 {add = true, strides = array<i32>} : memref<86016xf32, #tpu.memory_space<vmem>>, vector<16xf32>,
          %get3A_312 = arith.index_cast %scan3A_214 : i32 to index
          %get3A_313 = arith.constant 208 : index
          %get3A_314 = tpu.vector_load %arg11[%get3A_312, %get3A_313] {strides = array<i32>} : memref<112x256xf32, #tpu.memory_space<vmem>>, vector<16xf32>,
          %add3A_315 = arith.constant 208 : i32
          %add3A_316 = arith.addi %mul3A_220, %add3A_315 : i32
          %swap3A_317 = arith.index_cast %add3A_316 : i32 to index
          %swap3A_318 = tpu.vector_load %arg6[%swap3A_317] {strides = array<i32>} : memref<86016xf32, #tpu.memory_space<vmem>>, vector<16xf32>,
          tpu.vector_store %arg6[%swap3A_317], %get3A_314 {add = true, strides = array<i32>} : memref<86016xf32, #tpu.memory_space<vmem>>, vector<16xf32>,
          %get3A_319 = arith.index_cast %scan3A_214 : i32 to index
          %get3A_320 = arith.constant 224 : index
          %get3A_321 = tpu.vector_load %arg11[%get3A_319, %get3A_320] {strides = array<i32>} : memref<112x256xf32, #tpu.memory_space<vmem>>, vector<16xf32>,
          %add3A_322 = arith.constant 224 : i32
          %add3A_323 = arith.addi %mul3A_220, %add3A_322 : i32
          %swap3A_324 = arith.index_cast %add3A_323 : i32 to index
          %swap3A_325 = tpu.vector_load %arg6[%swap3A_324] {strides = array<i32>} : memref<86016xf32, #tpu.memory_space<vmem>>, vector<16xf32>,
          tpu.vector_store %arg6[%swap3A_324], %get3A_321 {add = true, strides = array<i32>} : memref<86016xf32, #tpu.memory_space<vmem>>, vector<16xf32>,
          %get3A_326 = arith.index_cast %scan3A_214 : i32 to index
          %get3A_327 = arith.constant 240 : index
          %get3A_328 = tpu.vector_load %arg11[%get3A_326, %get3A_327] {strides = array<i32>} : memref<112x256xf32, #tpu.memory_space<vmem>>, vector<16xf32>,
          %add3A_329 = arith.constant 240 : i32
          %add3A_330 = arith.addi %mul3A_220, %add3A_329 : i32
          %swap3A_331 = arith.index_cast %add3A_330 : i32 to index
          %swap3A_332 = tpu.vector_load %arg6[%swap3A_331] {strides = array<i32>} : memref<86016xf32, #tpu.memory_space<vmem>>, vector<16xf32>,
          tpu.vector_store %arg6[%swap3A_331], %get3A_328 {add = true, strides = array<i32>} : memref<86016xf32, #tpu.memory_space<vmem>>, vector<16xf32>,
          %scan3A_333 = arith.constant 0 : i32
          scf.yield %scan3A_333 : i32
        }
        %scan3A_212 = arith.constant 112 : i32
        %while3A_213 = arith.constant 0 : i32
        scf.yield %while3A_213 : i32
      }
      %scan3A_154 = arith.constant 0 : i32
      scf.yield %scan3A_154 : i32
    }
    %scan3A_20 = arith.constant 50 : i32
    %mul3A_21 = arith.constant 256 : i32
    %mul3A_22 = arith.muli %mul3A_6, %mul3A_21 : i32
    "tpu.region"() ({
      %run_scoped3A = tpu.sem_alloc : memref<!tpu.dma_semaphore, #tpu.memory_space<semaphore_mem>>
      %dma_start3A = arith.constant 0 : i32
      %dma_start3A_25 = tpu.memref_slice %arg6[%dma_start3A] : memref<86016xf32, #tpu.memory_space<vmem>> -> memref<81920xf32, #tpu.memory_space<vmem>>
      %dma_start3A_26 = tpu.memref_slice %arg5[%mul3A_22] : memref<2621440xf32, #tpu.memory_space<hbm>> -> memref<81920xf32, #tpu.memory_space<hbm>>
      %dma_start3A_27 = tpu.memref_slice %arg5[%mul3A_22] : memref<2621440xf32, #tpu.memory_space<hbm>> -> memref<81920xf32, #tpu.memory_space<hbm>>
      %dma_start3A_28 = arith.constant 0 : i32
      %dma_start3A_29 = tpu.memref_slice %arg6[%dma_start3A_28] : memref<86016xf32, #tpu.memory_space<vmem>> -> memref<81920xf32, #tpu.memory_space<vmem>>
      tpu.enqueue_dma source(%dma_start3A_29 : memref<81920xf32, #tpu.memory_space<vmem>>) target(%dma_start3A_27 : memref<81920xf32, #tpu.memory_space<hbm>>) target_semaphore(%run_scoped3A : memref<!tpu.dma_semaphore, #tpu.memory_space<semaphore_mem>>)
      %dma_wait3A = arith.constant 0 : i32
      %dma_wait3A_30 = tpu.memref_slice %arg6[%dma_wait3A] : memref<86016xf32, #tpu.memory_space<vmem>> -> memref<81920xf32, #tpu.memory_space<vmem>>
      %dma_wait3A_31 = tpu.memref_slice %arg5[%mul3A_22] : memref<2621440xf32, #tpu.memory_space<hbm>> -> memref<81920xf32, #tpu.memory_space<hbm>>
      %dma_wait3A_32 = tpu.memref_slice %arg5[%mul3A_22] : memref<2621440xf32, #tpu.memory_space<hbm>> -> memref<81920xf32, #tpu.memory_space<hbm>>
      %dma_wait3A_33 = arith.constant 0 : i32
      %dma_wait3A_34 = tpu.memref_slice %arg6[%dma_wait3A_33] : memref<86016xf32, #tpu.memory_space<vmem>> -> memref<81920xf32, #tpu.memory_space<vmem>>
      tpu.wait_dma2 semaphore(%run_scoped3A : memref<!tpu.dma_semaphore, #tpu.memory_space<semaphore_mem>>) src(%dma_wait3A_34 : memref<81920xf32, #tpu.memory_space<vmem>>) dst(%dma_wait3A_32 : memref<81920xf32, #tpu.memory_space<hbm>>)
      tpu.yield
    }) : () -> ()
    %scan3A_23 = arith.constant 0 : i32
    %scan3A_24 = arith.constant 1 : i32
    return
  }
}

#map = affine_map<(d0, d1) -> (0, 0)>
#map1 = affine_map<(d0, d1) -> (0)>
module attributes {stable_mosaic.version = 14 : i64} {
  func.func @body(%arg0: i32, %arg1: i32, %arg2: memref<10000x256xf32, #tpu.memory_space<hbm>>, %arg3: memref<160000xi32, #tpu.memory_space<hbm>>, %arg4: memref<160000xi32, #tpu.memory_space<hbm>>, %arg5: memref<160000xf32, #tpu.memory_space<hbm>>, %arg6: memref<160000xf32, #tpu.memory_space<hbm>>, %arg7: memref<2752512xf32, #tpu.memory_space<hbm>>, %arg8: memref<2752512xf32, #tpu.memory_space<hbm>>, %arg9: memref<2752512xf32, #tpu.memory_space<hbm>>, %arg10: memref<32768xf32, #tpu.memory_space<vmem>>, %arg11: memref<32768xf32, #tpu.memory_space<vmem>>, %arg12: memref<32768xf32, #tpu.memory_space<vmem>>, %arg13: memref<1664xi32, #tpu.memory_space<vmem>>, %arg14: memref<1664xf32, #tpu.memory_space<vmem>>, %arg15: memref<1664xf32, #tpu.memory_space<vmem>>, %arg16: memref<!tpu.dma_semaphore, #tpu.memory_space<semaphore_mem>>, %arg17: memref<1664xi32, #tpu.memory_space<vmem>>, %arg18: memref<1664xf32, #tpu.memory_space<vmem>>, %arg19: memref<1664xf32, #tpu.memory_space<vmem>>, %arg20: memref<1664xi32, #tpu.memory_space<vmem>>, %arg21: memref<48x256xf32, #tpu.memory_space<vmem>>, %arg22: memref<1664xi32, #tpu.memory_space<vmem>>, %arg23: memref<48xi32, #tpu.memory_space<vmem>>) attributes {dimension_semantics = [#tpu.dimension_semantics<core_parallel>, #tpu.dimension_semantics<subcore_parallel>], iteration_bounds = array<i64: 2, 16>, scalar_prefetch = 0 : i64, scratch_operands = 14 : i64, tpu.core_type = #tpu.core_type<sc_vector_subcore>, window_params = [{transform_indices = #map}, {transform_indices = #map1}, {transform_indices = #map1}, {transform_indices = #map1}, {transform_indices = #map1}, {transform_indices = #map1}, {transform_indices = #map1}, {transform_indices = #map1}]} {
    %mul3A = arith.constant 16 : i32
    %mul3A_0 = arith.muli %arg0, %mul3A : i32
    %add3A = arith.addi %mul3A_0, %arg1 : i32
    %scan3A = arith.constant 0 : i32
    %scan3A_1 = arith.constant 0 : i32
    %scan3A_2 = arith.constant 3 : i32
    %scan3A_3 = arith.addi %scan3A_1, %scan3A_2 : i32
    %scan3A_4 = arith.constant 1 : i32
    %scan3A_5 = scf.for %scan3A_7 = %scan3A_1 to %scan3A_3 step %scan3A_4 iter_args(%scan3A_8 = %scan3A) -> (i32)  : i32 {
      %mul3A_9 = arith.constant 32 : i32
      %mul3A_10 = arith.muli %mul3A_9, %scan3A_7 : i32
      %add3A_11 = arith.addi %add3A, %mul3A_10 : i32
      %mul3A_12 = arith.constant 112 : i32
      %mul3A_13 = arith.muli %add3A_11, %mul3A_12 : i32
      %scan3A_14 = arith.constant 0 : i32
      %scan3A_15 = arith.constant 0 : i32
      %scan3A_16 = arith.constant 2048 : i32
      %scan3A_17 = arith.addi %scan3A_15, %scan3A_16 : i32
      %scan3A_18 = arith.constant 1 : i32
      %scan3A_19 = scf.for %scan3A_35 = %scan3A_15 to %scan3A_17 step %scan3A_18 iter_args(%scan3A_36 = %scan3A_14) -> (i32)  : i32 {
        %broadcast_in_dim3A = arith.constant 0.000000e+00 : f32
        %broadcast_in_dim3A_37 = vector.broadcast %broadcast_in_dim3A : f32 to vector<16xf32>
        %mul3A_38 = arith.constant 16 : i32
        %mul3A_39 = arith.muli %scan3A_35, %mul3A_38 : i32
        %swap3A = arith.index_cast %mul3A_39 : i32 to index
        %swap3A_40 = tpu.vector_load %arg12[%swap3A] {strides = array<i32>} : memref<32768xf32, #tpu.memory_space<vmem>>, vector<16xf32>,
        tpu.vector_store %arg12[%swap3A], %broadcast_in_dim3A_37 {strides = array<i32>} : memref<32768xf32, #tpu.memory_space<vmem>>, vector<16xf32>,
        %broadcast_in_dim3A_41 = arith.constant 0.000000e+00 : f32
        %broadcast_in_dim3A_42 = vector.broadcast %broadcast_in_dim3A_41 : f32 to vector<16xf32>
        %mul3A_43 = arith.constant 16 : i32
        %mul3A_44 = arith.muli %scan3A_35, %mul3A_43 : i32
        %swap3A_45 = arith.index_cast %mul3A_44 : i32 to index
        %swap3A_46 = tpu.vector_load %arg10[%swap3A_45] {strides = array<i32>} : memref<32768xf32, #tpu.memory_space<vmem>>, vector<16xf32>,
        tpu.vector_store %arg10[%swap3A_45], %broadcast_in_dim3A_42 {strides = array<i32>} : memref<32768xf32, #tpu.memory_space<vmem>>, vector<16xf32>,
        %broadcast_in_dim3A_47 = arith.constant 0.000000e+00 : f32
        %broadcast_in_dim3A_48 = vector.broadcast %broadcast_in_dim3A_47 : f32 to vector<16xf32>
        %mul3A_49 = arith.constant 16 : i32
        %mul3A_50 = arith.muli %scan3A_35, %mul3A_49 : i32
        %swap3A_51 = arith.index_cast %mul3A_50 : i32 to index
        %swap3A_52 = tpu.vector_load %arg11[%swap3A_51] {strides = array<i32>} : memref<32768xf32, #tpu.memory_space<vmem>>, vector<16xf32>,
        tpu.vector_store %arg11[%swap3A_51], %broadcast_in_dim3A_48 {strides = array<i32>} : memref<32768xf32, #tpu.memory_space<vmem>>, vector<16xf32>,
        %scan3A_53 = arith.constant 0 : i32
        scf.yield %scan3A_53 : i32
      }
      %scan3A_20 = arith.constant 2048 : i32
      %scan3A_21 = arith.constant 0 : i32
      %scan3A_22 = arith.constant 0 : i32
      %scan3A_23 = arith.constant 100 : i32
      %scan3A_24 = arith.addi %scan3A_22, %scan3A_23 : i32
      %scan3A_25 = arith.constant 1 : i32
      %scan3A_26 = scf.for %scan3A_35 = %scan3A_22 to %scan3A_24 step %scan3A_25 iter_args(%scan3A_36 = %scan3A_21) -> (i32)  : i32 {
        %mul3A_37 = arith.constant 1600 : i32
        %mul3A_38 = arith.muli %scan3A_35, %mul3A_37 : i32
        %dma_start3A = arith.constant 0 : i32
        %dma_start3A_39 = tpu.memref_slice %arg22[%dma_start3A] : memref<1664xi32, #tpu.memory_space<vmem>> -> memref<1600xi32, #tpu.memory_space<vmem>>
        %dma_start3A_40 = tpu.memref_slice %arg3[%mul3A_38] : memref<160000xi32, #tpu.memory_space<hbm>> -> memref<1600xi32, #tpu.memory_space<hbm>>
        %dma_start3A_41 = arith.constant 0 : i32
        %dma_start3A_42 = tpu.memref_slice %arg22[%dma_start3A_41] : memref<1664xi32, #tpu.memory_space<vmem>> -> memref<1600xi32, #tpu.memory_space<vmem>>
        %dma_start3A_43 = tpu.memref_slice %arg3[%mul3A_38] : memref<160000xi32, #tpu.memory_space<hbm>> -> memref<1600xi32, #tpu.memory_space<hbm>>
        tpu.enqueue_dma source(%dma_start3A_43 : memref<1600xi32, #tpu.memory_space<hbm>>) target(%dma_start3A_42 : memref<1600xi32, #tpu.memory_space<vmem>>) target_semaphore(%arg16 : memref<!tpu.dma_semaphore, #tpu.memory_space<semaphore_mem>>)
        %dma_start3A_44 = arith.constant 0 : i32
        %dma_start3A_45 = tpu.memref_slice %arg13[%dma_start3A_44] : memref<1664xi32, #tpu.memory_space<vmem>> -> memref<1600xi32, #tpu.memory_space<vmem>>
        %dma_start3A_46 = tpu.memref_slice %arg4[%mul3A_38] : memref<160000xi32, #tpu.memory_space<hbm>> -> memref<1600xi32, #tpu.memory_space<hbm>>
        %dma_start3A_47 = arith.constant 0 : i32
        %dma_start3A_48 = tpu.memref_slice %arg13[%dma_start3A_47] : memref<1664xi32, #tpu.memory_space<vmem>> -> memref<1600xi32, #tpu.memory_space<vmem>>
        %dma_start3A_49 = tpu.memref_slice %arg4[%mul3A_38] : memref<160000xi32, #tpu.memory_space<hbm>> -> memref<1600xi32, #tpu.memory_space<hbm>>
        tpu.enqueue_dma source(%dma_start3A_49 : memref<1600xi32, #tpu.memory_space<hbm>>) target(%dma_start3A_48 : memref<1600xi32, #tpu.memory_space<vmem>>) target_semaphore(%arg16 : memref<!tpu.dma_semaphore, #tpu.memory_space<semaphore_mem>>)
        %dma_start3A_50 = arith.constant 0 : i32
        %dma_start3A_51 = tpu.memref_slice %arg14[%dma_start3A_50] : memref<1664xf32, #tpu.memory_space<vmem>> -> memref<1600xf32, #tpu.memory_space<vmem>>
        %dma_start3A_52 = tpu.memref_slice %arg5[%mul3A_38] : memref<160000xf32, #tpu.memory_space<hbm>> -> memref<1600xf32, #tpu.memory_space<hbm>>
        %dma_start3A_53 = arith.constant 0 : i32
        %dma_start3A_54 = tpu.memref_slice %arg14[%dma_start3A_53] : memref<1664xf32, #tpu.memory_space<vmem>> -> memref<1600xf32, #tpu.memory_space<vmem>>
        %dma_start3A_55 = tpu.memref_slice %arg5[%mul3A_38] : memref<160000xf32, #tpu.memory_space<hbm>> -> memref<1600xf32, #tpu.memory_space<hbm>>
        tpu.enqueue_dma source(%dma_start3A_55 : memref<1600xf32, #tpu.memory_space<hbm>>) target(%dma_start3A_54 : memref<1600xf32, #tpu.memory_space<vmem>>) target_semaphore(%arg16 : memref<!tpu.dma_semaphore, #tpu.memory_space<semaphore_mem>>)
        %dma_start3A_56 = arith.constant 0 : i32
        %dma_start3A_57 = tpu.memref_slice %arg15[%dma_start3A_56] : memref<1664xf32, #tpu.memory_space<vmem>> -> memref<1600xf32, #tpu.memory_space<vmem>>
        %dma_start3A_58 = tpu.memref_slice %arg6[%mul3A_38] : memref<160000xf32, #tpu.memory_space<hbm>> -> memref<1600xf32, #tpu.memory_space<hbm>>
        %dma_start3A_59 = arith.constant 0 : i32
        %dma_start3A_60 = tpu.memref_slice %arg15[%dma_start3A_59] : memref<1664xf32, #tpu.memory_space<vmem>> -> memref<1600xf32, #tpu.memory_space<vmem>>
        %dma_start3A_61 = tpu.memref_slice %arg6[%mul3A_38] : memref<160000xf32, #tpu.memory_space<hbm>> -> memref<1600xf32, #tpu.memory_space<hbm>>
        tpu.enqueue_dma source(%dma_start3A_61 : memref<1600xf32, #tpu.memory_space<hbm>>) target(%dma_start3A_60 : memref<1600xf32, #tpu.memory_space<vmem>>) target_semaphore(%arg16 : memref<!tpu.dma_semaphore, #tpu.memory_space<semaphore_mem>>)
        %dma_wait3A = arith.constant 0 : i32
        %dma_wait3A_62 = tpu.memref_slice %arg22[%dma_wait3A] : memref<1664xi32, #tpu.memory_space<vmem>> -> memref<1600xi32, #tpu.memory_space<vmem>>
        %dma_wait3A_63 = tpu.memref_slice %arg3[%mul3A_38] : memref<160000xi32, #tpu.memory_space<hbm>> -> memref<1600xi32, #tpu.memory_space<hbm>>
        %dma_wait3A_64 = arith.constant 0 : i32
        %dma_wait3A_65 = tpu.memref_slice %arg22[%dma_wait3A_64] : memref<1664xi32, #tpu.memory_space<vmem>> -> memref<1600xi32, #tpu.memory_space<vmem>>
        %dma_wait3A_66 = tpu.memref_slice %arg3[%mul3A_38] : memref<160000xi32, #tpu.memory_space<hbm>> -> memref<1600xi32, #tpu.memory_space<hbm>>
        tpu.wait_dma2 semaphore(%arg16 : memref<!tpu.dma_semaphore, #tpu.memory_space<semaphore_mem>>) src(%dma_wait3A_66 : memref<1600xi32, #tpu.memory_space<hbm>>) dst(%dma_wait3A_65 : memref<1600xi32, #tpu.memory_space<vmem>>)
        %dma_wait3A_67 = arith.constant 0 : i32
        %dma_wait3A_68 = tpu.memref_slice %arg13[%dma_wait3A_67] : memref<1664xi32, #tpu.memory_space<vmem>> -> memref<1600xi32, #tpu.memory_space<vmem>>
        %dma_wait3A_69 = tpu.memref_slice %arg4[%mul3A_38] : memref<160000xi32, #tpu.memory_space<hbm>> -> memref<1600xi32, #tpu.memory_space<hbm>>
        %dma_wait3A_70 = arith.constant 0 : i32
        %dma_wait3A_71 = tpu.memref_slice %arg13[%dma_wait3A_70] : memref<1664xi32, #tpu.memory_space<vmem>> -> memref<1600xi32, #tpu.memory_space<vmem>>
        %dma_wait3A_72 = tpu.memref_slice %arg4[%mul3A_38] : memref<160000xi32, #tpu.memory_space<hbm>> -> memref<1600xi32, #tpu.memory_space<hbm>>
        tpu.wait_dma2 semaphore(%arg16 : memref<!tpu.dma_semaphore, #tpu.memory_space<semaphore_mem>>) src(%dma_wait3A_72 : memref<1600xi32, #tpu.memory_space<hbm>>) dst(%dma_wait3A_71 : memref<1600xi32, #tpu.memory_space<vmem>>)
        %dma_wait3A_73 = arith.constant 0 : i32
        %dma_wait3A_74 = tpu.memref_slice %arg14[%dma_wait3A_73] : memref<1664xf32, #tpu.memory_space<vmem>> -> memref<1600xf32, #tpu.memory_space<vmem>>
        %dma_wait3A_75 = tpu.memref_slice %arg5[%mul3A_38] : memref<160000xf32, #tpu.memory_space<hbm>> -> memref<1600xf32, #tpu.memory_space<hbm>>
        %dma_wait3A_76 = arith.constant 0 : i32
        %dma_wait3A_77 = tpu.memref_slice %arg14[%dma_wait3A_76] : memref<1664xf32, #tpu.memory_space<vmem>> -> memref<1600xf32, #tpu.memory_space<vmem>>
        %dma_wait3A_78 = tpu.memref_slice %arg5[%mul3A_38] : memref<160000xf32, #tpu.memory_space<hbm>> -> memref<1600xf32, #tpu.memory_space<hbm>>
        tpu.wait_dma2 semaphore(%arg16 : memref<!tpu.dma_semaphore, #tpu.memory_space<semaphore_mem>>) src(%dma_wait3A_78 : memref<1600xf32, #tpu.memory_space<hbm>>) dst(%dma_wait3A_77 : memref<1600xf32, #tpu.memory_space<vmem>>)
        %dma_wait3A_79 = arith.constant 0 : i32
        %dma_wait3A_80 = tpu.memref_slice %arg15[%dma_wait3A_79] : memref<1664xf32, #tpu.memory_space<vmem>> -> memref<1600xf32, #tpu.memory_space<vmem>>
        %dma_wait3A_81 = tpu.memref_slice %arg6[%mul3A_38] : memref<160000xf32, #tpu.memory_space<hbm>> -> memref<1600xf32, #tpu.memory_space<hbm>>
        %dma_wait3A_82 = arith.constant 0 : i32
        %dma_wait3A_83 = tpu.memref_slice %arg15[%dma_wait3A_82] : memref<1664xf32, #tpu.memory_space<vmem>> -> memref<1600xf32, #tpu.memory_space<vmem>>
        %dma_wait3A_84 = tpu.memref_slice %arg6[%mul3A_38] : memref<160000xf32, #tpu.memory_space<hbm>> -> memref<1600xf32, #tpu.memory_space<hbm>>
        tpu.wait_dma2 semaphore(%arg16 : memref<!tpu.dma_semaphore, #tpu.memory_space<semaphore_mem>>) src(%dma_wait3A_84 : memref<1600xf32, #tpu.memory_space<hbm>>) dst(%dma_wait3A_83 : memref<1600xf32, #tpu.memory_space<vmem>>)
        %parallel_loop3A = arith.constant 0 : i32
        %parallel_loop3A_85 = arith.constant 100 : i32
        %parallel_loop3A_86 = arith.constant 1 : i32
        %parallel_loop3A_87 = arith.constant 0 : i32
        %parallel_loop3A_88 = scf.for %parallel_loop3A_173 = %parallel_loop3A to %parallel_loop3A_85 step %parallel_loop3A_86 iter_args(%parallel_loop3A_174 = %parallel_loop3A_87) -> (i32)  : i32 {
          %parallel_loop3A_175 = arith.constant 16 : i32
          %parallel_loop3A_176 = arith.muli %parallel_loop3A_173, %parallel_loop3A_175 : i32
          %parallel_loop3A_177 = arith.index_cast %parallel_loop3A_176 : i32 to index
          %parallel_loop3A_178 = tpu.vector_load %arg13[%parallel_loop3A_177] {strides = array<i32>} : memref<1664xi32, #tpu.memory_space<vmem>>, vector<16xi32>,
          %parallel_loop3A_179 = arith.constant 16 : i32
          %parallel_loop3A_180 = arith.muli %parallel_loop3A_173, %parallel_loop3A_179 : i32
          %parallel_loop3A_181 = arith.index_cast %parallel_loop3A_180 : i32 to index
          %parallel_loop3A_182 = tpu.vector_load %arg22[%parallel_loop3A_181] {strides = array<i32>} : memref<1664xi32, #tpu.memory_space<vmem>>, vector<16xi32>,
          %parallel_loop3A_183 = vector.broadcast %mul3A_13 : i32 to vector<16xi32>
          %parallel_loop3A_184 = arith.cmpi sge, %parallel_loop3A_178, %parallel_loop3A_183 : vector<16xi32>
          %parallel_loop3A_185 = arith.constant 112 : i32
          %parallel_loop3A_186 = arith.addi %mul3A_13, %parallel_loop3A_185 : i32
          %parallel_loop3A_187 = vector.broadcast %parallel_loop3A_186 : i32 to vector<16xi32>
          %parallel_loop3A_188 = arith.cmpi slt, %parallel_loop3A_178, %parallel_loop3A_187 : vector<16xi32>
          %parallel_loop3A_189 = arith.andi %parallel_loop3A_184, %parallel_loop3A_188 : vector<16xi1>
          %parallel_loop3A_190 = arith.constant 1 : i32
          %parallel_loop3A_191 = arith.constant 0 : i32
          %parallel_loop3A_192 = vector.broadcast %parallel_loop3A_190 : i32 to vector<16xi32>
          %parallel_loop3A_193 = vector.broadcast %parallel_loop3A_191 : i32 to vector<16xi32>
          %parallel_loop3A_194 = arith.select %parallel_loop3A_189, %parallel_loop3A_192, %parallel_loop3A_193 : vector<16xi1>, vector<16xi32>
          %parallel_loop3A_195 = arith.constant true
          %parallel_loop3A_196 = vector.broadcast %parallel_loop3A_195 : i1 to vector<16xi1>
          %parallel_loop3A_197 = tpu.scan <sum>, %parallel_loop3A_194 masked %parallel_loop3A_196 : vector<16xi32>, vector<16xi1> -> vector<16xi32>
          %parallel_loop3A_198 = vector.broadcast %parallel_loop3A_174 : i32 to vector<16xi32>
          %parallel_loop3A_199 = arith.addi %parallel_loop3A_198, %parallel_loop3A_197 : vector<16xi32>
          %parallel_loop3A_200 = arith.constant 1 : i32
          %parallel_loop3A_201 = vector.broadcast %parallel_loop3A_200 : i32 to vector<16xi32>
          %parallel_loop3A_202 = arith.subi %parallel_loop3A_199, %parallel_loop3A_201 : vector<16xi32>
          tpu.vector_store_idx %arg20[%parallel_loop3A_202], %parallel_loop3A_182 masked %parallel_loop3A_189 : memref<1664xi32, #tpu.memory_space<vmem>>[vector<16xi32>], vector<16xi32>, vector<16xi1>
          %parallel_loop3A_203 = vector.broadcast %mul3A_13 : i32 to vector<16xi32>
          %parallel_loop3A_204 = arith.subi %parallel_loop3A_178, %parallel_loop3A_203 : vector<16xi32>
          tpu.vector_store_idx %arg17[%parallel_loop3A_202], %parallel_loop3A_204 masked %parallel_loop3A_189 : memref<1664xi32, #tpu.memory_space<vmem>>[vector<16xi32>], vector<16xi32>, vector<16xi1>
          %parallel_loop3A_205 = arith.constant 16 : i32
          %parallel_loop3A_206 = arith.muli %parallel_loop3A_173, %parallel_loop3A_205 : i32
          %parallel_loop3A_207 = arith.index_cast %parallel_loop3A_206 : i32 to index
          %parallel_loop3A_208 = tpu.vector_load %arg14[%parallel_loop3A_207] {strides = array<i32>} : memref<1664xf32, #tpu.memory_space<vmem>>, vector<16xf32>,
          tpu.vector_store_idx %arg18[%parallel_loop3A_202], %parallel_loop3A_208 masked %parallel_loop3A_189 : memref<1664xf32, #tpu.memory_space<vmem>>[vector<16xi32>], vector<16xf32>, vector<16xi1>
          %parallel_loop3A_209 = arith.constant 16 : i32
          %parallel_loop3A_210 = arith.muli %parallel_loop3A_173, %parallel_loop3A_209 : i32
          %parallel_loop3A_211 = arith.index_cast %parallel_loop3A_210 : i32 to index
          %parallel_loop3A_212 = tpu.vector_load %arg15[%parallel_loop3A_211] {strides = array<i32>} : memref<1664xf32, #tpu.memory_space<vmem>>, vector<16xf32>,
          tpu.vector_store_idx %arg19[%parallel_loop3A_202], %parallel_loop3A_212 masked %parallel_loop3A_189 : memref<1664xf32, #tpu.memory_space<vmem>>[vector<16xi32>], vector<16xf32>, vector<16xi1>
          %parallel_loop3A_213 = vector.extract_strided_slice %parallel_loop3A_197 {offsets = [15], sizes = [1], strides = [1]} : vector<16xi32> to vector<1xi32>
          %parallel_loop3A_214 = vector.extract %parallel_loop3A_213[0] : i32 from vector<1xi32>
          %parallel_loop3A_215 = arith.addi %parallel_loop3A_174, %parallel_loop3A_214 : i32
          scf.yield %parallel_loop3A_215 : i32
        } {sc.loop_unroll_factor = 4 : i64, sc.parallel_access}
        %add3A_89 = arith.constant 0 : i32
        %add3A_90 = arith.addi %parallel_loop3A_88, %add3A_89 : i32
        %broadcast_in_dim3A = arith.constant 0 : i32
        %broadcast_in_dim3A_91 = vector.broadcast %broadcast_in_dim3A : i32 to vector<16xi32>
        %swap3A = arith.index_cast %add3A_90 : i32 to index
        %swap3A_92 = tpu.vector_load %arg20[%swap3A] {strides = array<i32>} : memref<1664xi32, #tpu.memory_space<vmem>>, vector<16xi32>,
        tpu.vector_store %arg20[%swap3A], %broadcast_in_dim3A_91 {strides = array<i32>} : memref<1664xi32, #tpu.memory_space<vmem>>, vector<16xi32>,
        %broadcast_in_dim3A_93 = arith.constant 112 : i32
        %broadcast_in_dim3A_94 = vector.broadcast %broadcast_in_dim3A_93 : i32 to vector<16xi32>
        %swap3A_95 = arith.index_cast %add3A_90 : i32 to index
        %swap3A_96 = tpu.vector_load %arg17[%swap3A_95] {strides = array<i32>} : memref<1664xi32, #tpu.memory_space<vmem>>, vector<16xi32>,
        tpu.vector_store %arg17[%swap3A_95], %broadcast_in_dim3A_94 {strides = array<i32>} : memref<1664xi32, #tpu.memory_space<vmem>>, vector<16xi32>,
        %broadcast_in_dim3A_97 = arith.constant 0.000000e+00 : f32
        %broadcast_in_dim3A_98 = vector.broadcast %broadcast_in_dim3A_97 : f32 to vector<16xf32>
        %swap3A_99 = arith.index_cast %add3A_90 : i32 to index
        %swap3A_100 = tpu.vector_load %arg18[%swap3A_99] {strides = array<i32>} : memref<1664xf32, #tpu.memory_space<vmem>>, vector<16xf32>,
        tpu.vector_store %arg18[%swap3A_99], %broadcast_in_dim3A_98 {strides = array<i32>} : memref<1664xf32, #tpu.memory_space<vmem>>, vector<16xf32>,
        %broadcast_in_dim3A_101 = arith.constant 0.000000e+00 : f32
        %broadcast_in_dim3A_102 = vector.broadcast %broadcast_in_dim3A_101 : f32 to vector<16xf32>
        %swap3A_103 = arith.index_cast %add3A_90 : i32 to index
        %swap3A_104 = tpu.vector_load %arg19[%swap3A_103] {strides = array<i32>} : memref<1664xf32, #tpu.memory_space<vmem>>, vector<16xf32>,
        tpu.vector_store %arg19[%swap3A_103], %broadcast_in_dim3A_102 {strides = array<i32>} : memref<1664xf32, #tpu.memory_space<vmem>>, vector<16xf32>,
        %add3A_105 = arith.constant 16 : i32
        %add3A_106 = arith.addi %parallel_loop3A_88, %add3A_105 : i32
        %broadcast_in_dim3A_107 = arith.constant 0 : i32
        %broadcast_in_dim3A_108 = vector.broadcast %broadcast_in_dim3A_107 : i32 to vector<16xi32>
        %swap3A_109 = arith.index_cast %add3A_106 : i32 to index
        %swap3A_110 = tpu.vector_load %arg20[%swap3A_109] {strides = array<i32>} : memref<1664xi32, #tpu.memory_space<vmem>>, vector<16xi32>,
        tpu.vector_store %arg20[%swap3A_109], %broadcast_in_dim3A_108 {strides = array<i32>} : memref<1664xi32, #tpu.memory_space<vmem>>, vector<16xi32>,
        %broadcast_in_dim3A_111 = arith.constant 112 : i32
        %broadcast_in_dim3A_112 = vector.broadcast %broadcast_in_dim3A_111 : i32 to vector<16xi32>
        %swap3A_113 = arith.index_cast %add3A_106 : i32 to index
        %swap3A_114 = tpu.vector_load %arg17[%swap3A_113] {strides = array<i32>} : memref<1664xi32, #tpu.memory_space<vmem>>, vector<16xi32>,
        tpu.vector_store %arg17[%swap3A_113], %broadcast_in_dim3A_112 {strides = array<i32>} : memref<1664xi32, #tpu.memory_space<vmem>>, vector<16xi32>,
        %broadcast_in_dim3A_115 = arith.constant 0.000000e+00 : f32
        %broadcast_in_dim3A_116 = vector.broadcast %broadcast_in_dim3A_115 : f32 to vector<16xf32>
        %swap3A_117 = arith.index_cast %add3A_106 : i32 to index
        %swap3A_118 = tpu.vector_load %arg18[%swap3A_117] {strides = array<i32>} : memref<1664xf32, #tpu.memory_space<vmem>>, vector<16xf32>,
        tpu.vector_store %arg18[%swap3A_117], %broadcast_in_dim3A_116 {strides = array<i32>} : memref<1664xf32, #tpu.memory_space<vmem>>, vector<16xf32>,
        %broadcast_in_dim3A_119 = arith.constant 0.000000e+00 : f32
        %broadcast_in_dim3A_120 = vector.broadcast %broadcast_in_dim3A_119 : f32 to vector<16xf32>
        %swap3A_121 = arith.index_cast %add3A_106 : i32 to index
        %swap3A_122 = tpu.vector_load %arg19[%swap3A_121] {strides = array<i32>} : memref<1664xf32, #tpu.memory_space<vmem>>, vector<16xf32>,
        tpu.vector_store %arg19[%swap3A_121], %broadcast_in_dim3A_120 {strides = array<i32>} : memref<1664xf32, #tpu.memory_space<vmem>>, vector<16xf32>,
        %add3A_123 = arith.constant 32 : i32
        %add3A_124 = arith.addi %parallel_loop3A_88, %add3A_123 : i32
        %broadcast_in_dim3A_125 = arith.constant 0 : i32
        %broadcast_in_dim3A_126 = vector.broadcast %broadcast_in_dim3A_125 : i32 to vector<16xi32>
        %swap3A_127 = arith.index_cast %add3A_124 : i32 to index
        %swap3A_128 = tpu.vector_load %arg20[%swap3A_127] {strides = array<i32>} : memref<1664xi32, #tpu.memory_space<vmem>>, vector<16xi32>,
        tpu.vector_store %arg20[%swap3A_127], %broadcast_in_dim3A_126 {strides = array<i32>} : memref<1664xi32, #tpu.memory_space<vmem>>, vector<16xi32>,
        %broadcast_in_dim3A_129 = arith.constant 112 : i32
        %broadcast_in_dim3A_130 = vector.broadcast %broadcast_in_dim3A_129 : i32 to vector<16xi32>
        %swap3A_131 = arith.index_cast %add3A_124 : i32 to index
        %swap3A_132 = tpu.vector_load %arg17[%swap3A_131] {strides = array<i32>} : memref<1664xi32, #tpu.memory_space<vmem>>, vector<16xi32>,
        tpu.vector_store %arg17[%swap3A_131], %broadcast_in_dim3A_130 {strides = array<i32>} : memref<1664xi32, #tpu.memory_space<vmem>>, vector<16xi32>,
        %broadcast_in_dim3A_133 = arith.constant 0.000000e+00 : f32
        %broadcast_in_dim3A_134 = vector.broadcast %broadcast_in_dim3A_133 : f32 to vector<16xf32>
        %swap3A_135 = arith.index_cast %add3A_124 : i32 to index
        %swap3A_136 = tpu.vector_load %arg18[%swap3A_135] {strides = array<i32>} : memref<1664xf32, #tpu.memory_space<vmem>>, vector<16xf32>,
        tpu.vector_store %arg18[%swap3A_135], %broadcast_in_dim3A_134 {strides = array<i32>} : memref<1664xf32, #tpu.memory_space<vmem>>, vector<16xf32>,
        %broadcast_in_dim3A_137 = arith.constant 0.000000e+00 : f32
        %broadcast_in_dim3A_138 = vector.broadcast %broadcast_in_dim3A_137 : f32 to vector<16xf32>
        %swap3A_139 = arith.index_cast %add3A_124 : i32 to index
        %swap3A_140 = tpu.vector_load %arg19[%swap3A_139] {strides = array<i32>} : memref<1664xf32, #tpu.memory_space<vmem>>, vector<16xf32>,
        tpu.vector_store %arg19[%swap3A_139], %broadcast_in_dim3A_138 {strides = array<i32>} : memref<1664xf32, #tpu.memory_space<vmem>>, vector<16xf32>,
        %add3A_141 = arith.constant 48 : i32
        %add3A_142 = arith.addi %parallel_loop3A_88, %add3A_141 : i32
        %sub3A = arith.constant 1 : i32
        %sub3A_143 = arith.subi %add3A_142, %sub3A : i32
        %jit3A = arith.constant 48 : i32
        %div3A = arith.divsi %sub3A_143, %jit3A : i32
        %sign3A = arith.constant 0 : i32
        %sign3A_144 = arith.cmpi sgt, %sub3A_143, %sign3A : i32
        %sign3A_145 = arith.extui %sign3A_144 : i1 to i32
        %sign3A_146 = arith.constant 0 : i32
        %sign3A_147 = arith.cmpi slt, %sub3A_143, %sign3A_146 : i32
        %sign3A_148 = arith.extui %sign3A_147 : i1 to i32
        %sign3A_149 = arith.subi %sign3A_145, %sign3A_148 : i32
        %sign3A_150 = arith.constant 0 : i32
        %sign3A_151 = arith.cmpi sgt, %jit3A, %sign3A_150 : i32
        %sign3A_152 = arith.extui %sign3A_151 : i1 to i32
        %sign3A_153 = arith.constant 0 : i32
        %sign3A_154 = arith.cmpi slt, %jit3A, %sign3A_153 : i32
        %sign3A_155 = arith.extui %sign3A_154 : i1 to i32
        %sign3A_156 = arith.subi %sign3A_152, %sign3A_155 : i32
        %ne3A = arith.cmpi ne, %sign3A_149, %sign3A_156 : i32
        %rem3A = arith.remsi %sub3A_143, %jit3A : i32
        %ne3A_157 = arith.constant 0 : i32
        %ne3A_158 = arith.cmpi ne, %rem3A, %ne3A_157 : i32
        %and3A = arith.andi %ne3A, %ne3A_158 : i1
        %sub3A_159 = arith.constant 1 : i32
        %sub3A_160 = arith.subi %div3A, %sub3A_159 : i32
        %select_n3A = arith.select %and3A, %sub3A_160, %div3A : i32
        %while3A = arith.constant 0 : i32
        %while3A_161 = arith.constant 0 : i32
        %while3A_162 = arith.subi %select_n3A, %while3A : i32
        %while3A_163 = arith.addi %while3A, %while3A_162 : i32
        %while3A_164 = arith.constant 1 : i32
        %while3A_165 = arith.divsi %while3A_162, %while3A_164 : i32
        %while3A_166 = arith.muli %while3A_165, %while3A_164 : i32
        %while3A_167 = arith.addi %while3A, %while3A_166 : i32
        %while3A_168 = arith.constant 1 : i32
        %while3A_169 = scf.for %while3A_173 = %while3A to %while3A_167 step %while3A_168 iter_args(%while3A_174 = %while3A_161) -> (i32)  : i32 {
          %mul3A_175 = arith.constant 48 : i32
          %mul3A_176 = arith.muli %while3A_173, %mul3A_175 : i32
          %add3A_177 = arith.constant 0 : i32
          %add3A_178 = arith.addi %mul3A_176, %add3A_177 : i32
          %get3A = arith.index_cast %add3A_178 : i32 to index
          %get3A_179 = tpu.vector_load %arg20[%get3A] {strides = array<i32>} : memref<1664xi32, #tpu.memory_space<vmem>>, vector<16xi32>,
          %swap3A_180 = arith.constant 0 : index
          %swap3A_181 = tpu.vector_load %arg23[%swap3A_180] {strides = array<i32>} : memref<48xi32, #tpu.memory_space<vmem>>, vector<16xi32>,
          tpu.vector_store %arg23[%swap3A_180], %get3A_179 {strides = array<i32>} : memref<48xi32, #tpu.memory_space<vmem>>, vector<16xi32>,
          %add3A_182 = arith.constant 16 : i32
          %add3A_183 = arith.addi %mul3A_176, %add3A_182 : i32
          %get3A_184 = arith.index_cast %add3A_183 : i32 to index
          %get3A_185 = tpu.vector_load %arg20[%get3A_184] {strides = array<i32>} : memref<1664xi32, #tpu.memory_space<vmem>>, vector<16xi32>,
          %swap3A_186 = arith.constant 16 : index
          %swap3A_187 = tpu.vector_load %arg23[%swap3A_186] {strides = array<i32>} : memref<48xi32, #tpu.memory_space<vmem>>, vector<16xi32>,
          tpu.vector_store %arg23[%swap3A_186], %get3A_185 {strides = array<i32>} : memref<48xi32, #tpu.memory_space<vmem>>, vector<16xi32>,
          %add3A_188 = arith.constant 32 : i32
          %add3A_189 = arith.addi %mul3A_176, %add3A_188 : i32
          %get3A_190 = arith.index_cast %add3A_189 : i32 to index
          %get3A_191 = tpu.vector_load %arg20[%get3A_190] {strides = array<i32>} : memref<1664xi32, #tpu.memory_space<vmem>>, vector<16xi32>,
          %swap3A_192 = arith.constant 32 : index
          %swap3A_193 = tpu.vector_load %arg23[%swap3A_192] {strides = array<i32>} : memref<48xi32, #tpu.memory_space<vmem>>, vector<16xi32>,
          tpu.vector_store %arg23[%swap3A_192], %get3A_191 {strides = array<i32>} : memref<48xi32, #tpu.memory_space<vmem>>, vector<16xi32>,
          %dma_start3A_194 = arith.constant 0 : i32
          %dma_start3A_195 = arith.constant 0 : i32
          %dma_start3A_196 = tpu.memref_slice %arg2[%dma_start3A_194, %dma_start3A_195] : memref<10000x256xf32, #tpu.memory_space<hbm>> -> memref<10000x256xf32, #tpu.memory_space<hbm>>
          tpu.enqueue_indirect_dma source(%dma_start3A_196 : memref<10000x256xf32, #tpu.memory_space<hbm>>) target(%arg21 : memref<48x256xf32, #tpu.memory_space<vmem>>) offsets(%arg23 : memref<48xi32, #tpu.memory_space<vmem>>) semaphore(%arg16 : memref<!tpu.dma_semaphore, #tpu.memory_space<semaphore_mem>>)
          %dma_wait3A_197 = arith.constant 0 : i32
          %dma_wait3A_198 = arith.constant 0 : i32
          %dma_wait3A_199 = tpu.memref_slice %arg2[%dma_wait3A_197, %dma_wait3A_198] : memref<10000x256xf32, #tpu.memory_space<hbm>> -> memref<10000x256xf32, #tpu.memory_space<hbm>>
          tpu.wait_indirect_dma semaphore(%arg16 : memref<!tpu.dma_semaphore, #tpu.memory_space<semaphore_mem>>) src(%dma_wait3A_199 : memref<10000x256xf32, #tpu.memory_space<hbm>>) dst(%arg21 : memref<48x256xf32, #tpu.memory_space<vmem>>)
          %scan3A_200 = arith.constant 0 : i32
          %scan3A_201 = arith.constant 0 : i32
          %scan3A_202 = arith.constant 48 : i32
          %scan3A_203 = arith.addi %scan3A_201, %scan3A_202 : i32
          %scan3A_204 = arith.constant 1 : i32
          %scan3A_205 = scf.for %scan3A_208 = %scan3A_201 to %scan3A_203 step %scan3A_204 iter_args(%scan3A_209 = %scan3A_200) -> (i32)  : i32 {
            %add3A_210 = arith.addi %mul3A_176, %scan3A_208 : i32
            %get3A_211 = arith.index_cast %add3A_210 : i32 to index
            %get3A_212 = tpu.vector_load %arg17[%get3A_211] {strides = array<i32>} : memref<1664xi32, #tpu.memory_space<vmem>>, vector<16xi32>,
            %slice3A = vector.extract_strided_slice %get3A_212 {offsets = [0], sizes = [1], strides = [1]} : vector<16xi32> to vector<1xi32>
            %squeeze3A = vector.extract %slice3A[0] : i32 from vector<1xi32>
            %mul3A_213 = arith.constant 256 : i32
            %mul3A_214 = arith.muli %squeeze3A, %mul3A_213 : i32
            %add3A_215 = arith.addi %mul3A_176, %scan3A_208 : i32
            %get3A_216 = arith.index_cast %add3A_215 : i32 to index
            %get3A_217 = tpu.vector_load %arg18[%get3A_216] {strides = array<i32>} : memref<1664xf32, #tpu.memory_space<vmem>>, vector<16xf32>,
            %slice3A_218 = vector.extract_strided_slice %get3A_217 {offsets = [0], sizes = [1], strides = [1]} : vector<16xf32> to vector<1xf32>
            %squeeze3A_219 = vector.extract %slice3A_218[0] : f32 from vector<1xf32>
            %add3A_220 = arith.addi %mul3A_176, %scan3A_208 : i32
            %get3A_221 = arith.index_cast %add3A_220 : i32 to index
            %get3A_222 = tpu.vector_load %arg19[%get3A_221] {strides = array<i32>} : memref<1664xf32, #tpu.memory_space<vmem>>, vector<16xf32>,
            %slice3A_223 = vector.extract_strided_slice %get3A_222 {offsets = [0], sizes = [1], strides = [1]} : vector<16xf32> to vector<1xf32>
            %squeeze3A_224 = vector.extract %slice3A_223[0] : f32 from vector<1xf32>
            %get3A_225 = arith.index_cast %scan3A_208 : i32 to index
            %get3A_226 = arith.constant 0 : index
            %get3A_227 = tpu.vector_load %arg21[%get3A_225, %get3A_226] {strides = array<i32>} : memref<48x256xf32, #tpu.memory_space<vmem>>, vector<16xf32>,
            %add3A_228 = arith.constant 0 : i32
            %add3A_229 = arith.addi %mul3A_214, %add3A_228 : i32
            %swap3A_230 = arith.index_cast %add3A_229 : i32 to index
            %swap3A_231 = tpu.vector_load %arg12[%swap3A_230] {strides = array<i32>} : memref<32768xf32, #tpu.memory_space<vmem>>, vector<16xf32>,
            tpu.vector_store %arg12[%swap3A_230], %get3A_227 {add = true, strides = array<i32>} : memref<32768xf32, #tpu.memory_space<vmem>>, vector<16xf32>,
            %add3A_232 = arith.constant 0 : i32
            %add3A_233 = arith.addi %mul3A_214, %add3A_232 : i32
            %mul3A_234 = vector.broadcast %squeeze3A_219 : f32 to vector<16xf32>
            %mul3A_235 = arith.mulf %get3A_227, %mul3A_234 : vector<16xf32>
            %swap3A_236 = arith.index_cast %add3A_233 : i32 to index
            %swap3A_237 = tpu.vector_load %arg10[%swap3A_236] {strides = array<i32>} : memref<32768xf32, #tpu.memory_space<vmem>>, vector<16xf32>,
            tpu.vector_store %arg10[%swap3A_236], %mul3A_235 {add = true, strides = array<i32>} : memref<32768xf32, #tpu.memory_space<vmem>>, vector<16xf32>,
            %add3A_238 = arith.constant 0 : i32
            %add3A_239 = arith.addi %mul3A_214, %add3A_238 : i32
            %mul3A_240 = vector.broadcast %squeeze3A_224 : f32 to vector<16xf32>
            %mul3A_241 = arith.mulf %get3A_227, %mul3A_240 : vector<16xf32>
            %swap3A_242 = arith.index_cast %add3A_239 : i32 to index
            %swap3A_243 = tpu.vector_load %arg11[%swap3A_242] {strides = array<i32>} : memref<32768xf32, #tpu.memory_space<vmem>>, vector<16xf32>,
            tpu.vector_store %arg11[%swap3A_242], %mul3A_241 {add = true, strides = array<i32>} : memref<32768xf32, #tpu.memory_space<vmem>>, vector<16xf32>,
            %get3A_244 = arith.index_cast %scan3A_208 : i32 to index
            %get3A_245 = arith.constant 16 : index
            %get3A_246 = tpu.vector_load %arg21[%get3A_244, %get3A_245] {strides = array<i32>} : memref<48x256xf32, #tpu.memory_space<vmem>>, vector<16xf32>,
            %add3A_247 = arith.constant 16 : i32
            %add3A_248 = arith.addi %mul3A_214, %add3A_247 : i32
            %swap3A_249 = arith.index_cast %add3A_248 : i32 to index
            %swap3A_250 = tpu.vector_load %arg12[%swap3A_249] {strides = array<i32>} : memref<32768xf32, #tpu.memory_space<vmem>>, vector<16xf32>,
            tpu.vector_store %arg12[%swap3A_249], %get3A_246 {add = true, strides = array<i32>} : memref<32768xf32, #tpu.memory_space<vmem>>, vector<16xf32>,
            %add3A_251 = arith.constant 16 : i32
            %add3A_252 = arith.addi %mul3A_214, %add3A_251 : i32
            %mul3A_253 = vector.broadcast %squeeze3A_219 : f32 to vector<16xf32>
            %mul3A_254 = arith.mulf %get3A_246, %mul3A_253 : vector<16xf32>
            %swap3A_255 = arith.index_cast %add3A_252 : i32 to index
            %swap3A_256 = tpu.vector_load %arg10[%swap3A_255] {strides = array<i32>} : memref<32768xf32, #tpu.memory_space<vmem>>, vector<16xf32>,
            tpu.vector_store %arg10[%swap3A_255], %mul3A_254 {add = true, strides = array<i32>} : memref<32768xf32, #tpu.memory_space<vmem>>, vector<16xf32>,
            %add3A_257 = arith.constant 16 : i32
            %add3A_258 = arith.addi %mul3A_214, %add3A_257 : i32
            %mul3A_259 = vector.broadcast %squeeze3A_224 : f32 to vector<16xf32>
            %mul3A_260 = arith.mulf %get3A_246, %mul3A_259 : vector<16xf32>
            %swap3A_261 = arith.index_cast %add3A_258 : i32 to index
            %swap3A_262 = tpu.vector_load %arg11[%swap3A_261] {strides = array<i32>} : memref<32768xf32, #tpu.memory_space<vmem>>, vector<16xf32>,
            tpu.vector_store %arg11[%swap3A_261], %mul3A_260 {add = true, strides = array<i32>} : memref<32768xf32, #tpu.memory_space<vmem>>, vector<16xf32>,
            %get3A_263 = arith.index_cast %scan3A_208 : i32 to index
            %get3A_264 = arith.constant 32 : index
            %get3A_265 = tpu.vector_load %arg21[%get3A_263, %get3A_264] {strides = array<i32>} : memref<48x256xf32, #tpu.memory_space<vmem>>, vector<16xf32>,
            %add3A_266 = arith.constant 32 : i32
            %add3A_267 = arith.addi %mul3A_214, %add3A_266 : i32
            %swap3A_268 = arith.index_cast %add3A_267 : i32 to index
            %swap3A_269 = tpu.vector_load %arg12[%swap3A_268] {strides = array<i32>} : memref<32768xf32, #tpu.memory_space<vmem>>, vector<16xf32>,
            tpu.vector_store %arg12[%swap3A_268], %get3A_265 {add = true, strides = array<i32>} : memref<32768xf32, #tpu.memory_space<vmem>>, vector<16xf32>,
            %add3A_270 = arith.constant 32 : i32
            %add3A_271 = arith.addi %mul3A_214, %add3A_270 : i32
            %mul3A_272 = vector.broadcast %squeeze3A_219 : f32 to vector<16xf32>
            %mul3A_273 = arith.mulf %get3A_265, %mul3A_272 : vector<16xf32>
            %swap3A_274 = arith.index_cast %add3A_271 : i32 to index
            %swap3A_275 = tpu.vector_load %arg10[%swap3A_274] {strides = array<i32>} : memref<32768xf32, #tpu.memory_space<vmem>>, vector<16xf32>,
            tpu.vector_store %arg10[%swap3A_274], %mul3A_273 {add = true, strides = array<i32>} : memref<32768xf32, #tpu.memory_space<vmem>>, vector<16xf32>,
            %add3A_276 = arith.constant 32 : i32
            %add3A_277 = arith.addi %mul3A_214, %add3A_276 : i32
            %mul3A_278 = vector.broadcast %squeeze3A_224 : f32 to vector<16xf32>
            %mul3A_279 = arith.mulf %get3A_265, %mul3A_278 : vector<16xf32>
            %swap3A_280 = arith.index_cast %add3A_277 : i32 to index
            %swap3A_281 = tpu.vector_load %arg11[%swap3A_280] {strides = array<i32>} : memref<32768xf32, #tpu.memory_space<vmem>>, vector<16xf32>,
            tpu.vector_store %arg11[%swap3A_280], %mul3A_279 {add = true, strides = array<i32>} : memref<32768xf32, #tpu.memory_space<vmem>>, vector<16xf32>,
            %get3A_282 = arith.index_cast %scan3A_208 : i32 to index
            %get3A_283 = arith.constant 48 : index
            %get3A_284 = tpu.vector_load %arg21[%get3A_282, %get3A_283] {strides = array<i32>} : memref<48x256xf32, #tpu.memory_space<vmem>>, vector<16xf32>,
            %add3A_285 = arith.constant 48 : i32
            %add3A_286 = arith.addi %mul3A_214, %add3A_285 : i32
            %swap3A_287 = arith.index_cast %add3A_286 : i32 to index
            %swap3A_288 = tpu.vector_load %arg12[%swap3A_287] {strides = array<i32>} : memref<32768xf32, #tpu.memory_space<vmem>>, vector<16xf32>,
            tpu.vector_store %arg12[%swap3A_287], %get3A_284 {add = true, strides = array<i32>} : memref<32768xf32, #tpu.memory_space<vmem>>, vector<16xf32>,
            %add3A_289 = arith.constant 48 : i32
            %add3A_290 = arith.addi %mul3A_214, %add3A_289 : i32
            %mul3A_291 = vector.broadcast %squeeze3A_219 : f32 to vector<16xf32>
            %mul3A_292 = arith.mulf %get3A_284, %mul3A_291 : vector<16xf32>
            %swap3A_293 = arith.index_cast %add3A_290 : i32 to index
            %swap3A_294 = tpu.vector_load %arg10[%swap3A_293] {strides = array<i32>} : memref<32768xf32, #tpu.memory_space<vmem>>, vector<16xf32>,
            tpu.vector_store %arg10[%swap3A_293], %mul3A_292 {add = true, strides = array<i32>} : memref<32768xf32, #tpu.memory_space<vmem>>, vector<16xf32>,
            %add3A_295 = arith.constant 48 : i32
            %add3A_296 = arith.addi %mul3A_214, %add3A_295 : i32
            %mul3A_297 = vector.broadcast %squeeze3A_224 : f32 to vector<16xf32>
            %mul3A_298 = arith.mulf %get3A_284, %mul3A_297 : vector<16xf32>
            %swap3A_299 = arith.index_cast %add3A_296 : i32 to index
            %swap3A_300 = tpu.vector_load %arg11[%swap3A_299] {strides = array<i32>} : memref<32768xf32, #tpu.memory_space<vmem>>, vector<16xf32>,
            tpu.vector_store %arg11[%swap3A_299], %mul3A_298 {add = true, strides = array<i32>} : memref<32768xf32, #tpu.memory_space<vmem>>, vector<16xf32>,
            %get3A_301 = arith.index_cast %scan3A_208 : i32 to index
            %get3A_302 = arith.constant 64 : index
            %get3A_303 = tpu.vector_load %arg21[%get3A_301, %get3A_302] {strides = array<i32>} : memref<48x256xf32, #tpu.memory_space<vmem>>, vector<16xf32>,
            %add3A_304 = arith.constant 64 : i32
            %add3A_305 = arith.addi %mul3A_214, %add3A_304 : i32
            %swap3A_306 = arith.index_cast %add3A_305 : i32 to index
            %swap3A_307 = tpu.vector_load %arg12[%swap3A_306] {strides = array<i32>} : memref<32768xf32, #tpu.memory_space<vmem>>, vector<16xf32>,
            tpu.vector_store %arg12[%swap3A_306], %get3A_303 {add = true, strides = array<i32>} : memref<32768xf32, #tpu.memory_space<vmem>>, vector<16xf32>,
            %add3A_308 = arith.constant 64 : i32
            %add3A_309 = arith.addi %mul3A_214, %add3A_308 : i32
            %mul3A_310 = vector.broadcast %squeeze3A_219 : f32 to vector<16xf32>
            %mul3A_311 = arith.mulf %get3A_303, %mul3A_310 : vector<16xf32>
            %swap3A_312 = arith.index_cast %add3A_309 : i32 to index
            %swap3A_313 = tpu.vector_load %arg10[%swap3A_312] {strides = array<i32>} : memref<32768xf32, #tpu.memory_space<vmem>>, vector<16xf32>,
            tpu.vector_store %arg10[%swap3A_312], %mul3A_311 {add = true, strides = array<i32>} : memref<32768xf32, #tpu.memory_space<vmem>>, vector<16xf32>,
            %add3A_314 = arith.constant 64 : i32
            %add3A_315 = arith.addi %mul3A_214, %add3A_314 : i32
            %mul3A_316 = vector.broadcast %squeeze3A_224 : f32 to vector<16xf32>
            %mul3A_317 = arith.mulf %get3A_303, %mul3A_316 : vector<16xf32>
            %swap3A_318 = arith.index_cast %add3A_315 : i32 to index
            %swap3A_319 = tpu.vector_load %arg11[%swap3A_318] {strides = array<i32>} : memref<32768xf32, #tpu.memory_space<vmem>>, vector<16xf32>,
            tpu.vector_store %arg11[%swap3A_318], %mul3A_317 {add = true, strides = array<i32>} : memref<32768xf32, #tpu.memory_space<vmem>>, vector<16xf32>,
            %get3A_320 = arith.index_cast %scan3A_208 : i32 to index
            %get3A_321 = arith.constant 80 : index
            %get3A_322 = tpu.vector_load %arg21[%get3A_320, %get3A_321] {strides = array<i32>} : memref<48x256xf32, #tpu.memory_space<vmem>>, vector<16xf32>,
            %add3A_323 = arith.constant 80 : i32
            %add3A_324 = arith.addi %mul3A_214, %add3A_323 : i32
            %swap3A_325 = arith.index_cast %add3A_324 : i32 to index
            %swap3A_326 = tpu.vector_load %arg12[%swap3A_325] {strides = array<i32>} : memref<32768xf32, #tpu.memory_space<vmem>>, vector<16xf32>,
            tpu.vector_store %arg12[%swap3A_325], %get3A_322 {add = true, strides = array<i32>} : memref<32768xf32, #tpu.memory_space<vmem>>, vector<16xf32>,
            %add3A_327 = arith.constant 80 : i32
            %add3A_328 = arith.addi %mul3A_214, %add3A_327 : i32
            %mul3A_329 = vector.broadcast %squeeze3A_219 : f32 to vector<16xf32>
            %mul3A_330 = arith.mulf %get3A_322, %mul3A_329 : vector<16xf32>
            %swap3A_331 = arith.index_cast %add3A_328 : i32 to index
            %swap3A_332 = tpu.vector_load %arg10[%swap3A_331] {strides = array<i32>} : memref<32768xf32, #tpu.memory_space<vmem>>, vector<16xf32>,
            tpu.vector_store %arg10[%swap3A_331], %mul3A_330 {add = true, strides = array<i32>} : memref<32768xf32, #tpu.memory_space<vmem>>, vector<16xf32>,
            %add3A_333 = arith.constant 80 : i32
            %add3A_334 = arith.addi %mul3A_214, %add3A_333 : i32
            %mul3A_335 = vector.broadcast %squeeze3A_224 : f32 to vector<16xf32>
            %mul3A_336 = arith.mulf %get3A_322, %mul3A_335 : vector<16xf32>
            %swap3A_337 = arith.index_cast %add3A_334 : i32 to index
            %swap3A_338 = tpu.vector_load %arg11[%swap3A_337] {strides = array<i32>} : memref<32768xf32, #tpu.memory_space<vmem>>, vector<16xf32>,
            tpu.vector_store %arg11[%swap3A_337], %mul3A_336 {add = true, strides = array<i32>} : memref<32768xf32, #tpu.memory_space<vmem>>, vector<16xf32>,
            %get3A_339 = arith.index_cast %scan3A_208 : i32 to index
            %get3A_340 = arith.constant 96 : index
            %get3A_341 = tpu.vector_load %arg21[%get3A_339, %get3A_340] {strides = array<i32>} : memref<48x256xf32, #tpu.memory_space<vmem>>, vector<16xf32>,
            %add3A_342 = arith.constant 96 : i32
            %add3A_343 = arith.addi %mul3A_214, %add3A_342 : i32
            %swap3A_344 = arith.index_cast %add3A_343 : i32 to index
            %swap3A_345 = tpu.vector_load %arg12[%swap3A_344] {strides = array<i32>} : memref<32768xf32, #tpu.memory_space<vmem>>, vector<16xf32>,
            tpu.vector_store %arg12[%swap3A_344], %get3A_341 {add = true, strides = array<i32>} : memref<32768xf32, #tpu.memory_space<vmem>>, vector<16xf32>,
            %add3A_346 = arith.constant 96 : i32
            %add3A_347 = arith.addi %mul3A_214, %add3A_346 : i32
            %mul3A_348 = vector.broadcast %squeeze3A_219 : f32 to vector<16xf32>
            %mul3A_349 = arith.mulf %get3A_341, %mul3A_348 : vector<16xf32>
            %swap3A_350 = arith.index_cast %add3A_347 : i32 to index
            %swap3A_351 = tpu.vector_load %arg10[%swap3A_350] {strides = array<i32>} : memref<32768xf32, #tpu.memory_space<vmem>>, vector<16xf32>,
            tpu.vector_store %arg10[%swap3A_350], %mul3A_349 {add = true, strides = array<i32>} : memref<32768xf32, #tpu.memory_space<vmem>>, vector<16xf32>,
            %add3A_352 = arith.constant 96 : i32
            %add3A_353 = arith.addi %mul3A_214, %add3A_352 : i32
            %mul3A_354 = vector.broadcast %squeeze3A_224 : f32 to vector<16xf32>
            %mul3A_355 = arith.mulf %get3A_341, %mul3A_354 : vector<16xf32>
            %swap3A_356 = arith.index_cast %add3A_353 : i32 to index
            %swap3A_357 = tpu.vector_load %arg11[%swap3A_356] {strides = array<i32>} : memref<32768xf32, #tpu.memory_space<vmem>>, vector<16xf32>,
            tpu.vector_store %arg11[%swap3A_356], %mul3A_355 {add = true, strides = array<i32>} : memref<32768xf32, #tpu.memory_space<vmem>>, vector<16xf32>,
            %get3A_358 = arith.index_cast %scan3A_208 : i32 to index
            %get3A_359 = arith.constant 112 : index
            %get3A_360 = tpu.vector_load %arg21[%get3A_358, %get3A_359] {strides = array<i32>} : memref<48x256xf32, #tpu.memory_space<vmem>>, vector<16xf32>,
            %add3A_361 = arith.constant 112 : i32
            %add3A_362 = arith.addi %mul3A_214, %add3A_361 : i32
            %swap3A_363 = arith.index_cast %add3A_362 : i32 to index
            %swap3A_364 = tpu.vector_load %arg12[%swap3A_363] {strides = array<i32>} : memref<32768xf32, #tpu.memory_space<vmem>>, vector<16xf32>,
            tpu.vector_store %arg12[%swap3A_363], %get3A_360 {add = true, strides = array<i32>} : memref<32768xf32, #tpu.memory_space<vmem>>, vector<16xf32>,
            %add3A_365 = arith.constant 112 : i32
            %add3A_366 = arith.addi %mul3A_214, %add3A_365 : i32
            %mul3A_367 = vector.broadcast %squeeze3A_219 : f32 to vector<16xf32>
            %mul3A_368 = arith.mulf %get3A_360, %mul3A_367 : vector<16xf32>
            %swap3A_369 = arith.index_cast %add3A_366 : i32 to index
            %swap3A_370 = tpu.vector_load %arg10[%swap3A_369] {strides = array<i32>} : memref<32768xf32, #tpu.memory_space<vmem>>, vector<16xf32>,
            tpu.vector_store %arg10[%swap3A_369], %mul3A_368 {add = true, strides = array<i32>} : memref<32768xf32, #tpu.memory_space<vmem>>, vector<16xf32>,
            %add3A_371 = arith.constant 112 : i32
            %add3A_372 = arith.addi %mul3A_214, %add3A_371 : i32
            %mul3A_373 = vector.broadcast %squeeze3A_224 : f32 to vector<16xf32>
            %mul3A_374 = arith.mulf %get3A_360, %mul3A_373 : vector<16xf32>
            %swap3A_375 = arith.index_cast %add3A_372 : i32 to index
            %swap3A_376 = tpu.vector_load %arg11[%swap3A_375] {strides = array<i32>} : memref<32768xf32, #tpu.memory_space<vmem>>, vector<16xf32>,
            tpu.vector_store %arg11[%swap3A_375], %mul3A_374 {add = true, strides = array<i32>} : memref<32768xf32, #tpu.memory_space<vmem>>, vector<16xf32>,
            %get3A_377 = arith.index_cast %scan3A_208 : i32 to index
            %get3A_378 = arith.constant 128 : index
            %get3A_379 = tpu.vector_load %arg21[%get3A_377, %get3A_378] {strides = array<i32>} : memref<48x256xf32, #tpu.memory_space<vmem>>, vector<16xf32>,
            %add3A_380 = arith.constant 128 : i32
            %add3A_381 = arith.addi %mul3A_214, %add3A_380 : i32
            %swap3A_382 = arith.index_cast %add3A_381 : i32 to index
            %swap3A_383 = tpu.vector_load %arg12[%swap3A_382] {strides = array<i32>} : memref<32768xf32, #tpu.memory_space<vmem>>, vector<16xf32>,
            tpu.vector_store %arg12[%swap3A_382], %get3A_379 {add = true, strides = array<i32>} : memref<32768xf32, #tpu.memory_space<vmem>>, vector<16xf32>,
            %add3A_384 = arith.constant 128 : i32
            %add3A_385 = arith.addi %mul3A_214, %add3A_384 : i32
            %mul3A_386 = vector.broadcast %squeeze3A_219 : f32 to vector<16xf32>
            %mul3A_387 = arith.mulf %get3A_379, %mul3A_386 : vector<16xf32>
            %swap3A_388 = arith.index_cast %add3A_385 : i32 to index
            %swap3A_389 = tpu.vector_load %arg10[%swap3A_388] {strides = array<i32>} : memref<32768xf32, #tpu.memory_space<vmem>>, vector<16xf32>,
            tpu.vector_store %arg10[%swap3A_388], %mul3A_387 {add = true, strides = array<i32>} : memref<32768xf32, #tpu.memory_space<vmem>>, vector<16xf32>,
            %add3A_390 = arith.constant 128 : i32
            %add3A_391 = arith.addi %mul3A_214, %add3A_390 : i32
            %mul3A_392 = vector.broadcast %squeeze3A_224 : f32 to vector<16xf32>
            %mul3A_393 = arith.mulf %get3A_379, %mul3A_392 : vector<16xf32>
            %swap3A_394 = arith.index_cast %add3A_391 : i32 to index
            %swap3A_395 = tpu.vector_load %arg11[%swap3A_394] {strides = array<i32>} : memref<32768xf32, #tpu.memory_space<vmem>>, vector<16xf32>,
            tpu.vector_store %arg11[%swap3A_394], %mul3A_393 {add = true, strides = array<i32>} : memref<32768xf32, #tpu.memory_space<vmem>>, vector<16xf32>,
            %get3A_396 = arith.index_cast %scan3A_208 : i32 to index
            %get3A_397 = arith.constant 144 : index
            %get3A_398 = tpu.vector_load %arg21[%get3A_396, %get3A_397] {strides = array<i32>} : memref<48x256xf32, #tpu.memory_space<vmem>>, vector<16xf32>,
            %add3A_399 = arith.constant 144 : i32
            %add3A_400 = arith.addi %mul3A_214, %add3A_399 : i32
            %swap3A_401 = arith.index_cast %add3A_400 : i32 to index
            %swap3A_402 = tpu.vector_load %arg12[%swap3A_401] {strides = array<i32>} : memref<32768xf32, #tpu.memory_space<vmem>>, vector<16xf32>,
            tpu.vector_store %arg12[%swap3A_401], %get3A_398 {add = true, strides = array<i32>} : memref<32768xf32, #tpu.memory_space<vmem>>, vector<16xf32>,
            %add3A_403 = arith.constant 144 : i32
            %add3A_404 = arith.addi %mul3A_214, %add3A_403 : i32
            %mul3A_405 = vector.broadcast %squeeze3A_219 : f32 to vector<16xf32>
            %mul3A_406 = arith.mulf %get3A_398, %mul3A_405 : vector<16xf32>
            %swap3A_407 = arith.index_cast %add3A_404 : i32 to index
            %swap3A_408 = tpu.vector_load %arg10[%swap3A_407] {strides = array<i32>} : memref<32768xf32, #tpu.memory_space<vmem>>, vector<16xf32>,
            tpu.vector_store %arg10[%swap3A_407], %mul3A_406 {add = true, strides = array<i32>} : memref<32768xf32, #tpu.memory_space<vmem>>, vector<16xf32>,
            %add3A_409 = arith.constant 144 : i32
            %add3A_410 = arith.addi %mul3A_214, %add3A_409 : i32
            %mul3A_411 = vector.broadcast %squeeze3A_224 : f32 to vector<16xf32>
            %mul3A_412 = arith.mulf %get3A_398, %mul3A_411 : vector<16xf32>
            %swap3A_413 = arith.index_cast %add3A_410 : i32 to index
            %swap3A_414 = tpu.vector_load %arg11[%swap3A_413] {strides = array<i32>} : memref<32768xf32, #tpu.memory_space<vmem>>, vector<16xf32>,
            tpu.vector_store %arg11[%swap3A_413], %mul3A_412 {add = true, strides = array<i32>} : memref<32768xf32, #tpu.memory_space<vmem>>, vector<16xf32>,
            %get3A_415 = arith.index_cast %scan3A_208 : i32 to index
            %get3A_416 = arith.constant 160 : index
            %get3A_417 = tpu.vector_load %arg21[%get3A_415, %get3A_416] {strides = array<i32>} : memref<48x256xf32, #tpu.memory_space<vmem>>, vector<16xf32>,
            %add3A_418 = arith.constant 160 : i32
            %add3A_419 = arith.addi %mul3A_214, %add3A_418 : i32
            %swap3A_420 = arith.index_cast %add3A_419 : i32 to index
            %swap3A_421 = tpu.vector_load %arg12[%swap3A_420] {strides = array<i32>} : memref<32768xf32, #tpu.memory_space<vmem>>, vector<16xf32>,
            tpu.vector_store %arg12[%swap3A_420], %get3A_417 {add = true, strides = array<i32>} : memref<32768xf32, #tpu.memory_space<vmem>>, vector<16xf32>,
            %add3A_422 = arith.constant 160 : i32
            %add3A_423 = arith.addi %mul3A_214, %add3A_422 : i32
            %mul3A_424 = vector.broadcast %squeeze3A_219 : f32 to vector<16xf32>
            %mul3A_425 = arith.mulf %get3A_417, %mul3A_424 : vector<16xf32>
            %swap3A_426 = arith.index_cast %add3A_423 : i32 to index
            %swap3A_427 = tpu.vector_load %arg10[%swap3A_426] {strides = array<i32>} : memref<32768xf32, #tpu.memory_space<vmem>>, vector<16xf32>,
            tpu.vector_store %arg10[%swap3A_426], %mul3A_425 {add = true, strides = array<i32>} : memref<32768xf32, #tpu.memory_space<vmem>>, vector<16xf32>,
            %add3A_428 = arith.constant 160 : i32
            %add3A_429 = arith.addi %mul3A_214, %add3A_428 : i32
            %mul3A_430 = vector.broadcast %squeeze3A_224 : f32 to vector<16xf32>
            %mul3A_431 = arith.mulf %get3A_417, %mul3A_430 : vector<16xf32>
            %swap3A_432 = arith.index_cast %add3A_429 : i32 to index
            %swap3A_433 = tpu.vector_load %arg11[%swap3A_432] {strides = array<i32>} : memref<32768xf32, #tpu.memory_space<vmem>>, vector<16xf32>,
            tpu.vector_store %arg11[%swap3A_432], %mul3A_431 {add = true, strides = array<i32>} : memref<32768xf32, #tpu.memory_space<vmem>>, vector<16xf32>,
            %get3A_434 = arith.index_cast %scan3A_208 : i32 to index
            %get3A_435 = arith.constant 176 : index
            %get3A_436 = tpu.vector_load %arg21[%get3A_434, %get3A_435] {strides = array<i32>} : memref<48x256xf32, #tpu.memory_space<vmem>>, vector<16xf32>,
            %add3A_437 = arith.constant 176 : i32
            %add3A_438 = arith.addi %mul3A_214, %add3A_437 : i32
            %swap3A_439 = arith.index_cast %add3A_438 : i32 to index
            %swap3A_440 = tpu.vector_load %arg12[%swap3A_439] {strides = array<i32>} : memref<32768xf32, #tpu.memory_space<vmem>>, vector<16xf32>,
            tpu.vector_store %arg12[%swap3A_439], %get3A_436 {add = true, strides = array<i32>} : memref<32768xf32, #tpu.memory_space<vmem>>, vector<16xf32>,
            %add3A_441 = arith.constant 176 : i32
            %add3A_442 = arith.addi %mul3A_214, %add3A_441 : i32
            %mul3A_443 = vector.broadcast %squeeze3A_219 : f32 to vector<16xf32>
            %mul3A_444 = arith.mulf %get3A_436, %mul3A_443 : vector<16xf32>
            %swap3A_445 = arith.index_cast %add3A_442 : i32 to index
            %swap3A_446 = tpu.vector_load %arg10[%swap3A_445] {strides = array<i32>} : memref<32768xf32, #tpu.memory_space<vmem>>, vector<16xf32>,
            tpu.vector_store %arg10[%swap3A_445], %mul3A_444 {add = true, strides = array<i32>} : memref<32768xf32, #tpu.memory_space<vmem>>, vector<16xf32>,
            %add3A_447 = arith.constant 176 : i32
            %add3A_448 = arith.addi %mul3A_214, %add3A_447 : i32
            %mul3A_449 = vector.broadcast %squeeze3A_224 : f32 to vector<16xf32>
            %mul3A_450 = arith.mulf %get3A_436, %mul3A_449 : vector<16xf32>
            %swap3A_451 = arith.index_cast %add3A_448 : i32 to index
            %swap3A_452 = tpu.vector_load %arg11[%swap3A_451] {strides = array<i32>} : memref<32768xf32, #tpu.memory_space<vmem>>, vector<16xf32>,
            tpu.vector_store %arg11[%swap3A_451], %mul3A_450 {add = true, strides = array<i32>} : memref<32768xf32, #tpu.memory_space<vmem>>, vector<16xf32>,
            %get3A_453 = arith.index_cast %scan3A_208 : i32 to index
            %get3A_454 = arith.constant 192 : index
            %get3A_455 = tpu.vector_load %arg21[%get3A_453, %get3A_454] {strides = array<i32>} : memref<48x256xf32, #tpu.memory_space<vmem>>, vector<16xf32>,
            %add3A_456 = arith.constant 192 : i32
            %add3A_457 = arith.addi %mul3A_214, %add3A_456 : i32
            %swap3A_458 = arith.index_cast %add3A_457 : i32 to index
            %swap3A_459 = tpu.vector_load %arg12[%swap3A_458] {strides = array<i32>} : memref<32768xf32, #tpu.memory_space<vmem>>, vector<16xf32>,
            tpu.vector_store %arg12[%swap3A_458], %get3A_455 {add = true, strides = array<i32>} : memref<32768xf32, #tpu.memory_space<vmem>>, vector<16xf32>,
            %add3A_460 = arith.constant 192 : i32
            %add3A_461 = arith.addi %mul3A_214, %add3A_460 : i32
            %mul3A_462 = vector.broadcast %squeeze3A_219 : f32 to vector<16xf32>
            %mul3A_463 = arith.mulf %get3A_455, %mul3A_462 : vector<16xf32>
            %swap3A_464 = arith.index_cast %add3A_461 : i32 to index
            %swap3A_465 = tpu.vector_load %arg10[%swap3A_464] {strides = array<i32>} : memref<32768xf32, #tpu.memory_space<vmem>>, vector<16xf32>,
            tpu.vector_store %arg10[%swap3A_464], %mul3A_463 {add = true, strides = array<i32>} : memref<32768xf32, #tpu.memory_space<vmem>>, vector<16xf32>,
            %add3A_466 = arith.constant 192 : i32
            %add3A_467 = arith.addi %mul3A_214, %add3A_466 : i32
            %mul3A_468 = vector.broadcast %squeeze3A_224 : f32 to vector<16xf32>
            %mul3A_469 = arith.mulf %get3A_455, %mul3A_468 : vector<16xf32>
            %swap3A_470 = arith.index_cast %add3A_467 : i32 to index
            %swap3A_471 = tpu.vector_load %arg11[%swap3A_470] {strides = array<i32>} : memref<32768xf32, #tpu.memory_space<vmem>>, vector<16xf32>,
            tpu.vector_store %arg11[%swap3A_470], %mul3A_469 {add = true, strides = array<i32>} : memref<32768xf32, #tpu.memory_space<vmem>>, vector<16xf32>,
            %get3A_472 = arith.index_cast %scan3A_208 : i32 to index
            %get3A_473 = arith.constant 208 : index
            %get3A_474 = tpu.vector_load %arg21[%get3A_472, %get3A_473] {strides = array<i32>} : memref<48x256xf32, #tpu.memory_space<vmem>>, vector<16xf32>,
            %add3A_475 = arith.constant 208 : i32
            %add3A_476 = arith.addi %mul3A_214, %add3A_475 : i32
            %swap3A_477 = arith.index_cast %add3A_476 : i32 to index
            %swap3A_478 = tpu.vector_load %arg12[%swap3A_477] {strides = array<i32>} : memref<32768xf32, #tpu.memory_space<vmem>>, vector<16xf32>,
            tpu.vector_store %arg12[%swap3A_477], %get3A_474 {add = true, strides = array<i32>} : memref<32768xf32, #tpu.memory_space<vmem>>, vector<16xf32>,
            %add3A_479 = arith.constant 208 : i32
            %add3A_480 = arith.addi %mul3A_214, %add3A_479 : i32
            %mul3A_481 = vector.broadcast %squeeze3A_219 : f32 to vector<16xf32>
            %mul3A_482 = arith.mulf %get3A_474, %mul3A_481 : vector<16xf32>
            %swap3A_483 = arith.index_cast %add3A_480 : i32 to index
            %swap3A_484 = tpu.vector_load %arg10[%swap3A_483] {strides = array<i32>} : memref<32768xf32, #tpu.memory_space<vmem>>, vector<16xf32>,
            tpu.vector_store %arg10[%swap3A_483], %mul3A_482 {add = true, strides = array<i32>} : memref<32768xf32, #tpu.memory_space<vmem>>, vector<16xf32>,
            %add3A_485 = arith.constant 208 : i32
            %add3A_486 = arith.addi %mul3A_214, %add3A_485 : i32
            %mul3A_487 = vector.broadcast %squeeze3A_224 : f32 to vector<16xf32>
            %mul3A_488 = arith.mulf %get3A_474, %mul3A_487 : vector<16xf32>
            %swap3A_489 = arith.index_cast %add3A_486 : i32 to index
            %swap3A_490 = tpu.vector_load %arg11[%swap3A_489] {strides = array<i32>} : memref<32768xf32, #tpu.memory_space<vmem>>, vector<16xf32>,
            tpu.vector_store %arg11[%swap3A_489], %mul3A_488 {add = true, strides = array<i32>} : memref<32768xf32, #tpu.memory_space<vmem>>, vector<16xf32>,
            %get3A_491 = arith.index_cast %scan3A_208 : i32 to index
            %get3A_492 = arith.constant 224 : index
            %get3A_493 = tpu.vector_load %arg21[%get3A_491, %get3A_492] {strides = array<i32>} : memref<48x256xf32, #tpu.memory_space<vmem>>, vector<16xf32>,
            %add3A_494 = arith.constant 224 : i32
            %add3A_495 = arith.addi %mul3A_214, %add3A_494 : i32
            %swap3A_496 = arith.index_cast %add3A_495 : i32 to index
            %swap3A_497 = tpu.vector_load %arg12[%swap3A_496] {strides = array<i32>} : memref<32768xf32, #tpu.memory_space<vmem>>, vector<16xf32>,
            tpu.vector_store %arg12[%swap3A_496], %get3A_493 {add = true, strides = array<i32>} : memref<32768xf32, #tpu.memory_space<vmem>>, vector<16xf32>,
            %add3A_498 = arith.constant 224 : i32
            %add3A_499 = arith.addi %mul3A_214, %add3A_498 : i32
            %mul3A_500 = vector.broadcast %squeeze3A_219 : f32 to vector<16xf32>
            %mul3A_501 = arith.mulf %get3A_493, %mul3A_500 : vector<16xf32>
            %swap3A_502 = arith.index_cast %add3A_499 : i32 to index
            %swap3A_503 = tpu.vector_load %arg10[%swap3A_502] {strides = array<i32>} : memref<32768xf32, #tpu.memory_space<vmem>>, vector<16xf32>,
            tpu.vector_store %arg10[%swap3A_502], %mul3A_501 {add = true, strides = array<i32>} : memref<32768xf32, #tpu.memory_space<vmem>>, vector<16xf32>,
            %add3A_504 = arith.constant 224 : i32
            %add3A_505 = arith.addi %mul3A_214, %add3A_504 : i32
            %mul3A_506 = vector.broadcast %squeeze3A_224 : f32 to vector<16xf32>
            %mul3A_507 = arith.mulf %get3A_493, %mul3A_506 : vector<16xf32>
            %swap3A_508 = arith.index_cast %add3A_505 : i32 to index
            %swap3A_509 = tpu.vector_load %arg11[%swap3A_508] {strides = array<i32>} : memref<32768xf32, #tpu.memory_space<vmem>>, vector<16xf32>,
            tpu.vector_store %arg11[%swap3A_508], %mul3A_507 {add = true, strides = array<i32>} : memref<32768xf32, #tpu.memory_space<vmem>>, vector<16xf32>,
            %get3A_510 = arith.index_cast %scan3A_208 : i32 to index
            %get3A_511 = arith.constant 240 : index
            %get3A_512 = tpu.vector_load %arg21[%get3A_510, %get3A_511] {strides = array<i32>} : memref<48x256xf32, #tpu.memory_space<vmem>>, vector<16xf32>,
            %add3A_513 = arith.constant 240 : i32
            %add3A_514 = arith.addi %mul3A_214, %add3A_513 : i32
            %swap3A_515 = arith.index_cast %add3A_514 : i32 to index
            %swap3A_516 = tpu.vector_load %arg12[%swap3A_515] {strides = array<i32>} : memref<32768xf32, #tpu.memory_space<vmem>>, vector<16xf32>,
            tpu.vector_store %arg12[%swap3A_515], %get3A_512 {add = true, strides = array<i32>} : memref<32768xf32, #tpu.memory_space<vmem>>, vector<16xf32>,
            %add3A_517 = arith.constant 240 : i32
            %add3A_518 = arith.addi %mul3A_214, %add3A_517 : i32
            %mul3A_519 = vector.broadcast %squeeze3A_219 : f32 to vector<16xf32>
            %mul3A_520 = arith.mulf %get3A_512, %mul3A_519 : vector<16xf32>
            %swap3A_521 = arith.index_cast %add3A_518 : i32 to index
            %swap3A_522 = tpu.vector_load %arg10[%swap3A_521] {strides = array<i32>} : memref<32768xf32, #tpu.memory_space<vmem>>, vector<16xf32>,
            tpu.vector_store %arg10[%swap3A_521], %mul3A_520 {add = true, strides = array<i32>} : memref<32768xf32, #tpu.memory_space<vmem>>, vector<16xf32>,
            %add3A_523 = arith.constant 240 : i32
            %add3A_524 = arith.addi %mul3A_214, %add3A_523 : i32
            %mul3A_525 = vector.broadcast %squeeze3A_224 : f32 to vector<16xf32>
            %mul3A_526 = arith.mulf %get3A_512, %mul3A_525 : vector<16xf32>
            %swap3A_527 = arith.index_cast %add3A_524 : i32 to index
            %swap3A_528 = tpu.vector_load %arg11[%swap3A_527] {strides = array<i32>} : memref<32768xf32, #tpu.memory_space<vmem>>, vector<16xf32>,
            tpu.vector_store %arg11[%swap3A_527], %mul3A_526 {add = true, strides = array<i32>} : memref<32768xf32, #tpu.memory_space<vmem>>, vector<16xf32>,
            %scan3A_529 = arith.constant 0 : i32
            scf.yield %scan3A_529 : i32
          }
          %scan3A_206 = arith.constant 48 : i32
          %while3A_207 = arith.constant 0 : i32
          scf.yield %while3A_207 : i32
        }
        %while3A_170 = arith.constant 1 : i32
        %while3A_171 = scf.for %while3A_173 = %while3A_167 to %while3A_163 step %while3A_170 iter_args(%while3A_174 = %while3A_169) -> (i32)  : i32 {
          %mul3A_175 = arith.constant 48 : i32
          %mul3A_176 = arith.muli %while3A_173, %mul3A_175 : i32
          %add3A_177 = arith.constant 0 : i32
          %add3A_178 = arith.addi %mul3A_176, %add3A_177 : i32
          %get3A = arith.index_cast %add3A_178 : i32 to index
          %get3A_179 = tpu.vector_load %arg20[%get3A] {strides = array<i32>} : memref<1664xi32, #tpu.memory_space<vmem>>, vector<16xi32>,
          %swap3A_180 = arith.constant 0 : index
          %swap3A_181 = tpu.vector_load %arg23[%swap3A_180] {strides = array<i32>} : memref<48xi32, #tpu.memory_space<vmem>>, vector<16xi32>,
          tpu.vector_store %arg23[%swap3A_180], %get3A_179 {strides = array<i32>} : memref<48xi32, #tpu.memory_space<vmem>>, vector<16xi32>,
          %add3A_182 = arith.constant 16 : i32
          %add3A_183 = arith.addi %mul3A_176, %add3A_182 : i32
          %get3A_184 = arith.index_cast %add3A_183 : i32 to index
          %get3A_185 = tpu.vector_load %arg20[%get3A_184] {strides = array<i32>} : memref<1664xi32, #tpu.memory_space<vmem>>, vector<16xi32>,
          %swap3A_186 = arith.constant 16 : index
          %swap3A_187 = tpu.vector_load %arg23[%swap3A_186] {strides = array<i32>} : memref<48xi32, #tpu.memory_space<vmem>>, vector<16xi32>,
          tpu.vector_store %arg23[%swap3A_186], %get3A_185 {strides = array<i32>} : memref<48xi32, #tpu.memory_space<vmem>>, vector<16xi32>,
          %add3A_188 = arith.constant 32 : i32
          %add3A_189 = arith.addi %mul3A_176, %add3A_188 : i32
          %get3A_190 = arith.index_cast %add3A_189 : i32 to index
          %get3A_191 = tpu.vector_load %arg20[%get3A_190] {strides = array<i32>} : memref<1664xi32, #tpu.memory_space<vmem>>, vector<16xi32>,
          %swap3A_192 = arith.constant 32 : index
          %swap3A_193 = tpu.vector_load %arg23[%swap3A_192] {strides = array<i32>} : memref<48xi32, #tpu.memory_space<vmem>>, vector<16xi32>,
          tpu.vector_store %arg23[%swap3A_192], %get3A_191 {strides = array<i32>} : memref<48xi32, #tpu.memory_space<vmem>>, vector<16xi32>,
          %dma_start3A_194 = arith.constant 0 : i32
          %dma_start3A_195 = arith.constant 0 : i32
          %dma_start3A_196 = tpu.memref_slice %arg2[%dma_start3A_194, %dma_start3A_195] : memref<10000x256xf32, #tpu.memory_space<hbm>> -> memref<10000x256xf32, #tpu.memory_space<hbm>>
          tpu.enqueue_indirect_dma source(%dma_start3A_196 : memref<10000x256xf32, #tpu.memory_space<hbm>>) target(%arg21 : memref<48x256xf32, #tpu.memory_space<vmem>>) offsets(%arg23 : memref<48xi32, #tpu.memory_space<vmem>>) semaphore(%arg16 : memref<!tpu.dma_semaphore, #tpu.memory_space<semaphore_mem>>)
          %dma_wait3A_197 = arith.constant 0 : i32
          %dma_wait3A_198 = arith.constant 0 : i32
          %dma_wait3A_199 = tpu.memref_slice %arg2[%dma_wait3A_197, %dma_wait3A_198] : memref<10000x256xf32, #tpu.memory_space<hbm>> -> memref<10000x256xf32, #tpu.memory_space<hbm>>
          tpu.wait_indirect_dma semaphore(%arg16 : memref<!tpu.dma_semaphore, #tpu.memory_space<semaphore_mem>>) src(%dma_wait3A_199 : memref<10000x256xf32, #tpu.memory_space<hbm>>) dst(%arg21 : memref<48x256xf32, #tpu.memory_space<vmem>>)
          %scan3A_200 = arith.constant 0 : i32
          %scan3A_201 = arith.constant 0 : i32
          %scan3A_202 = arith.constant 48 : i32
          %scan3A_203 = arith.addi %scan3A_201, %scan3A_202 : i32
          %scan3A_204 = arith.constant 1 : i32
          %scan3A_205 = scf.for %scan3A_208 = %scan3A_201 to %scan3A_203 step %scan3A_204 iter_args(%scan3A_209 = %scan3A_200) -> (i32)  : i32 {
            %add3A_210 = arith.addi %mul3A_176, %scan3A_208 : i32
            %get3A_211 = arith.index_cast %add3A_210 : i32 to index
            %get3A_212 = tpu.vector_load %arg17[%get3A_211] {strides = array<i32>} : memref<1664xi32, #tpu.memory_space<vmem>>, vector<16xi32>,
            %slice3A = vector.extract_strided_slice %get3A_212 {offsets = [0], sizes = [1], strides = [1]} : vector<16xi32> to vector<1xi32>
            %squeeze3A = vector.extract %slice3A[0] : i32 from vector<1xi32>
            %mul3A_213 = arith.constant 256 : i32
            %mul3A_214 = arith.muli %squeeze3A, %mul3A_213 : i32
            %add3A_215 = arith.addi %mul3A_176, %scan3A_208 : i32
            %get3A_216 = arith.index_cast %add3A_215 : i32 to index
            %get3A_217 = tpu.vector_load %arg18[%get3A_216] {strides = array<i32>} : memref<1664xf32, #tpu.memory_space<vmem>>, vector<16xf32>,
            %slice3A_218 = vector.extract_strided_slice %get3A_217 {offsets = [0], sizes = [1], strides = [1]} : vector<16xf32> to vector<1xf32>
            %squeeze3A_219 = vector.extract %slice3A_218[0] : f32 from vector<1xf32>
            %add3A_220 = arith.addi %mul3A_176, %scan3A_208 : i32
            %get3A_221 = arith.index_cast %add3A_220 : i32 to index
            %get3A_222 = tpu.vector_load %arg19[%get3A_221] {strides = array<i32>} : memref<1664xf32, #tpu.memory_space<vmem>>, vector<16xf32>,
            %slice3A_223 = vector.extract_strided_slice %get3A_222 {offsets = [0], sizes = [1], strides = [1]} : vector<16xf32> to vector<1xf32>
            %squeeze3A_224 = vector.extract %slice3A_223[0] : f32 from vector<1xf32>
            %get3A_225 = arith.index_cast %scan3A_208 : i32 to index
            %get3A_226 = arith.constant 0 : index
            %get3A_227 = tpu.vector_load %arg21[%get3A_225, %get3A_226] {strides = array<i32>} : memref<48x256xf32, #tpu.memory_space<vmem>>, vector<16xf32>,
            %add3A_228 = arith.constant 0 : i32
            %add3A_229 = arith.addi %mul3A_214, %add3A_228 : i32
            %swap3A_230 = arith.index_cast %add3A_229 : i32 to index
            %swap3A_231 = tpu.vector_load %arg12[%swap3A_230] {strides = array<i32>} : memref<32768xf32, #tpu.memory_space<vmem>>, vector<16xf32>,
            tpu.vector_store %arg12[%swap3A_230], %get3A_227 {add = true, strides = array<i32>} : memref<32768xf32, #tpu.memory_space<vmem>>, vector<16xf32>,
            %add3A_232 = arith.constant 0 : i32
            %add3A_233 = arith.addi %mul3A_214, %add3A_232 : i32
            %mul3A_234 = vector.broadcast %squeeze3A_219 : f32 to vector<16xf32>
            %mul3A_235 = arith.mulf %get3A_227, %mul3A_234 : vector<16xf32>
            %swap3A_236 = arith.index_cast %add3A_233 : i32 to index
            %swap3A_237 = tpu.vector_load %arg10[%swap3A_236] {strides = array<i32>} : memref<32768xf32, #tpu.memory_space<vmem>>, vector<16xf32>,
            tpu.vector_store %arg10[%swap3A_236], %mul3A_235 {add = true, strides = array<i32>} : memref<32768xf32, #tpu.memory_space<vmem>>, vector<16xf32>,
            %add3A_238 = arith.constant 0 : i32
            %add3A_239 = arith.addi %mul3A_214, %add3A_238 : i32
            %mul3A_240 = vector.broadcast %squeeze3A_224 : f32 to vector<16xf32>
            %mul3A_241 = arith.mulf %get3A_227, %mul3A_240 : vector<16xf32>
            %swap3A_242 = arith.index_cast %add3A_239 : i32 to index
            %swap3A_243 = tpu.vector_load %arg11[%swap3A_242] {strides = array<i32>} : memref<32768xf32, #tpu.memory_space<vmem>>, vector<16xf32>,
            tpu.vector_store %arg11[%swap3A_242], %mul3A_241 {add = true, strides = array<i32>} : memref<32768xf32, #tpu.memory_space<vmem>>, vector<16xf32>,
            %get3A_244 = arith.index_cast %scan3A_208 : i32 to index
            %get3A_245 = arith.constant 16 : index
            %get3A_246 = tpu.vector_load %arg21[%get3A_244, %get3A_245] {strides = array<i32>} : memref<48x256xf32, #tpu.memory_space<vmem>>, vector<16xf32>,
            %add3A_247 = arith.constant 16 : i32
            %add3A_248 = arith.addi %mul3A_214, %add3A_247 : i32
            %swap3A_249 = arith.index_cast %add3A_248 : i32 to index
            %swap3A_250 = tpu.vector_load %arg12[%swap3A_249] {strides = array<i32>} : memref<32768xf32, #tpu.memory_space<vmem>>, vector<16xf32>,
            tpu.vector_store %arg12[%swap3A_249], %get3A_246 {add = true, strides = array<i32>} : memref<32768xf32, #tpu.memory_space<vmem>>, vector<16xf32>,
            %add3A_251 = arith.constant 16 : i32
            %add3A_252 = arith.addi %mul3A_214, %add3A_251 : i32
            %mul3A_253 = vector.broadcast %squeeze3A_219 : f32 to vector<16xf32>
            %mul3A_254 = arith.mulf %get3A_246, %mul3A_253 : vector<16xf32>
            %swap3A_255 = arith.index_cast %add3A_252 : i32 to index
            %swap3A_256 = tpu.vector_load %arg10[%swap3A_255] {strides = array<i32>} : memref<32768xf32, #tpu.memory_space<vmem>>, vector<16xf32>,
            tpu.vector_store %arg10[%swap3A_255], %mul3A_254 {add = true, strides = array<i32>} : memref<32768xf32, #tpu.memory_space<vmem>>, vector<16xf32>,
            %add3A_257 = arith.constant 16 : i32
            %add3A_258 = arith.addi %mul3A_214, %add3A_257 : i32
            %mul3A_259 = vector.broadcast %squeeze3A_224 : f32 to vector<16xf32>
            %mul3A_260 = arith.mulf %get3A_246, %mul3A_259 : vector<16xf32>
            %swap3A_261 = arith.index_cast %add3A_258 : i32 to index
            %swap3A_262 = tpu.vector_load %arg11[%swap3A_261] {strides = array<i32>} : memref<32768xf32, #tpu.memory_space<vmem>>, vector<16xf32>,
            tpu.vector_store %arg11[%swap3A_261], %mul3A_260 {add = true, strides = array<i32>} : memref<32768xf32, #tpu.memory_space<vmem>>, vector<16xf32>,
            %get3A_263 = arith.index_cast %scan3A_208 : i32 to index
            %get3A_264 = arith.constant 32 : index
            %get3A_265 = tpu.vector_load %arg21[%get3A_263, %get3A_264] {strides = array<i32>} : memref<48x256xf32, #tpu.memory_space<vmem>>, vector<16xf32>,
            %add3A_266 = arith.constant 32 : i32
            %add3A_267 = arith.addi %mul3A_214, %add3A_266 : i32
            %swap3A_268 = arith.index_cast %add3A_267 : i32 to index
            %swap3A_269 = tpu.vector_load %arg12[%swap3A_268] {strides = array<i32>} : memref<32768xf32, #tpu.memory_space<vmem>>, vector<16xf32>,
            tpu.vector_store %arg12[%swap3A_268], %get3A_265 {add = true, strides = array<i32>} : memref<32768xf32, #tpu.memory_space<vmem>>, vector<16xf32>,
            %add3A_270 = arith.constant 32 : i32
            %add3A_271 = arith.addi %mul3A_214, %add3A_270 : i32
            %mul3A_272 = vector.broadcast %squeeze3A_219 : f32 to vector<16xf32>
            %mul3A_273 = arith.mulf %get3A_265, %mul3A_272 : vector<16xf32>
            %swap3A_274 = arith.index_cast %add3A_271 : i32 to index
            %swap3A_275 = tpu.vector_load %arg10[%swap3A_274] {strides = array<i32>} : memref<32768xf32, #tpu.memory_space<vmem>>, vector<16xf32>,
            tpu.vector_store %arg10[%swap3A_274], %mul3A_273 {add = true, strides = array<i32>} : memref<32768xf32, #tpu.memory_space<vmem>>, vector<16xf32>,
            %add3A_276 = arith.constant 32 : i32
            %add3A_277 = arith.addi %mul3A_214, %add3A_276 : i32
            %mul3A_278 = vector.broadcast %squeeze3A_224 : f32 to vector<16xf32>
            %mul3A_279 = arith.mulf %get3A_265, %mul3A_278 : vector<16xf32>
            %swap3A_280 = arith.index_cast %add3A_277 : i32 to index
            %swap3A_281 = tpu.vector_load %arg11[%swap3A_280] {strides = array<i32>} : memref<32768xf32, #tpu.memory_space<vmem>>, vector<16xf32>,
            tpu.vector_store %arg11[%swap3A_280], %mul3A_279 {add = true, strides = array<i32>} : memref<32768xf32, #tpu.memory_space<vmem>>, vector<16xf32>,
            %get3A_282 = arith.index_cast %scan3A_208 : i32 to index
            %get3A_283 = arith.constant 48 : index
            %get3A_284 = tpu.vector_load %arg21[%get3A_282, %get3A_283] {strides = array<i32>} : memref<48x256xf32, #tpu.memory_space<vmem>>, vector<16xf32>,
            %add3A_285 = arith.constant 48 : i32
            %add3A_286 = arith.addi %mul3A_214, %add3A_285 : i32
            %swap3A_287 = arith.index_cast %add3A_286 : i32 to index
            %swap3A_288 = tpu.vector_load %arg12[%swap3A_287] {strides = array<i32>} : memref<32768xf32, #tpu.memory_space<vmem>>, vector<16xf32>,
            tpu.vector_store %arg12[%swap3A_287], %get3A_284 {add = true, strides = array<i32>} : memref<32768xf32, #tpu.memory_space<vmem>>, vector<16xf32>,
            %add3A_289 = arith.constant 48 : i32
            %add3A_290 = arith.addi %mul3A_214, %add3A_289 : i32
            %mul3A_291 = vector.broadcast %squeeze3A_219 : f32 to vector<16xf32>
            %mul3A_292 = arith.mulf %get3A_284, %mul3A_291 : vector<16xf32>
            %swap3A_293 = arith.index_cast %add3A_290 : i32 to index
            %swap3A_294 = tpu.vector_load %arg10[%swap3A_293] {strides = array<i32>} : memref<32768xf32, #tpu.memory_space<vmem>>, vector<16xf32>,
            tpu.vector_store %arg10[%swap3A_293], %mul3A_292 {add = true, strides = array<i32>} : memref<32768xf32, #tpu.memory_space<vmem>>, vector<16xf32>,
            %add3A_295 = arith.constant 48 : i32
            %add3A_296 = arith.addi %mul3A_214, %add3A_295 : i32
            %mul3A_297 = vector.broadcast %squeeze3A_224 : f32 to vector<16xf32>
            %mul3A_298 = arith.mulf %get3A_284, %mul3A_297 : vector<16xf32>
            %swap3A_299 = arith.index_cast %add3A_296 : i32 to index
            %swap3A_300 = tpu.vector_load %arg11[%swap3A_299] {strides = array<i32>} : memref<32768xf32, #tpu.memory_space<vmem>>, vector<16xf32>,
            tpu.vector_store %arg11[%swap3A_299], %mul3A_298 {add = true, strides = array<i32>} : memref<32768xf32, #tpu.memory_space<vmem>>, vector<16xf32>,
            %get3A_301 = arith.index_cast %scan3A_208 : i32 to index
            %get3A_302 = arith.constant 64 : index
            %get3A_303 = tpu.vector_load %arg21[%get3A_301, %get3A_302] {strides = array<i32>} : memref<48x256xf32, #tpu.memory_space<vmem>>, vector<16xf32>,
            %add3A_304 = arith.constant 64 : i32
            %add3A_305 = arith.addi %mul3A_214, %add3A_304 : i32
            %swap3A_306 = arith.index_cast %add3A_305 : i32 to index
            %swap3A_307 = tpu.vector_load %arg12[%swap3A_306] {strides = array<i32>} : memref<32768xf32, #tpu.memory_space<vmem>>, vector<16xf32>,
            tpu.vector_store %arg12[%swap3A_306], %get3A_303 {add = true, strides = array<i32>} : memref<32768xf32, #tpu.memory_space<vmem>>, vector<16xf32>,
            %add3A_308 = arith.constant 64 : i32
            %add3A_309 = arith.addi %mul3A_214, %add3A_308 : i32
            %mul3A_310 = vector.broadcast %squeeze3A_219 : f32 to vector<16xf32>
            %mul3A_311 = arith.mulf %get3A_303, %mul3A_310 : vector<16xf32>
            %swap3A_312 = arith.index_cast %add3A_309 : i32 to index
            %swap3A_313 = tpu.vector_load %arg10[%swap3A_312] {strides = array<i32>} : memref<32768xf32, #tpu.memory_space<vmem>>, vector<16xf32>,
            tpu.vector_store %arg10[%swap3A_312], %mul3A_311 {add = true, strides = array<i32>} : memref<32768xf32, #tpu.memory_space<vmem>>, vector<16xf32>,
            %add3A_314 = arith.constant 64 : i32
            %add3A_315 = arith.addi %mul3A_214, %add3A_314 : i32
            %mul3A_316 = vector.broadcast %squeeze3A_224 : f32 to vector<16xf32>
            %mul3A_317 = arith.mulf %get3A_303, %mul3A_316 : vector<16xf32>
            %swap3A_318 = arith.index_cast %add3A_315 : i32 to index
            %swap3A_319 = tpu.vector_load %arg11[%swap3A_318] {strides = array<i32>} : memref<32768xf32, #tpu.memory_space<vmem>>, vector<16xf32>,
            tpu.vector_store %arg11[%swap3A_318], %mul3A_317 {add = true, strides = array<i32>} : memref<32768xf32, #tpu.memory_space<vmem>>, vector<16xf32>,
            %get3A_320 = arith.index_cast %scan3A_208 : i32 to index
            %get3A_321 = arith.constant 80 : index
            %get3A_322 = tpu.vector_load %arg21[%get3A_320, %get3A_321] {strides = array<i32>} : memref<48x256xf32, #tpu.memory_space<vmem>>, vector<16xf32>,
            %add3A_323 = arith.constant 80 : i32
            %add3A_324 = arith.addi %mul3A_214, %add3A_323 : i32
            %swap3A_325 = arith.index_cast %add3A_324 : i32 to index
            %swap3A_326 = tpu.vector_load %arg12[%swap3A_325] {strides = array<i32>} : memref<32768xf32, #tpu.memory_space<vmem>>, vector<16xf32>,
            tpu.vector_store %arg12[%swap3A_325], %get3A_322 {add = true, strides = array<i32>} : memref<32768xf32, #tpu.memory_space<vmem>>, vector<16xf32>,
            %add3A_327 = arith.constant 80 : i32
            %add3A_328 = arith.addi %mul3A_214, %add3A_327 : i32
            %mul3A_329 = vector.broadcast %squeeze3A_219 : f32 to vector<16xf32>
            %mul3A_330 = arith.mulf %get3A_322, %mul3A_329 : vector<16xf32>
            %swap3A_331 = arith.index_cast %add3A_328 : i32 to index
            %swap3A_332 = tpu.vector_load %arg10[%swap3A_331] {strides = array<i32>} : memref<32768xf32, #tpu.memory_space<vmem>>, vector<16xf32>,
            tpu.vector_store %arg10[%swap3A_331], %mul3A_330 {add = true, strides = array<i32>} : memref<32768xf32, #tpu.memory_space<vmem>>, vector<16xf32>,
            %add3A_333 = arith.constant 80 : i32
            %add3A_334 = arith.addi %mul3A_214, %add3A_333 : i32
            %mul3A_335 = vector.broadcast %squeeze3A_224 : f32 to vector<16xf32>
            %mul3A_336 = arith.mulf %get3A_322, %mul3A_335 : vector<16xf32>
            %swap3A_337 = arith.index_cast %add3A_334 : i32 to index
            %swap3A_338 = tpu.vector_load %arg11[%swap3A_337] {strides = array<i32>} : memref<32768xf32, #tpu.memory_space<vmem>>, vector<16xf32>,
            tpu.vector_store %arg11[%swap3A_337], %mul3A_336 {add = true, strides = array<i32>} : memref<32768xf32, #tpu.memory_space<vmem>>, vector<16xf32>,
            %get3A_339 = arith.index_cast %scan3A_208 : i32 to index
            %get3A_340 = arith.constant 96 : index
            %get3A_341 = tpu.vector_load %arg21[%get3A_339, %get3A_340] {strides = array<i32>} : memref<48x256xf32, #tpu.memory_space<vmem>>, vector<16xf32>,
            %add3A_342 = arith.constant 96 : i32
            %add3A_343 = arith.addi %mul3A_214, %add3A_342 : i32
            %swap3A_344 = arith.index_cast %add3A_343 : i32 to index
            %swap3A_345 = tpu.vector_load %arg12[%swap3A_344] {strides = array<i32>} : memref<32768xf32, #tpu.memory_space<vmem>>, vector<16xf32>,
            tpu.vector_store %arg12[%swap3A_344], %get3A_341 {add = true, strides = array<i32>} : memref<32768xf32, #tpu.memory_space<vmem>>, vector<16xf32>,
            %add3A_346 = arith.constant 96 : i32
            %add3A_347 = arith.addi %mul3A_214, %add3A_346 : i32
            %mul3A_348 = vector.broadcast %squeeze3A_219 : f32 to vector<16xf32>
            %mul3A_349 = arith.mulf %get3A_341, %mul3A_348 : vector<16xf32>
            %swap3A_350 = arith.index_cast %add3A_347 : i32 to index
            %swap3A_351 = tpu.vector_load %arg10[%swap3A_350] {strides = array<i32>} : memref<32768xf32, #tpu.memory_space<vmem>>, vector<16xf32>,
            tpu.vector_store %arg10[%swap3A_350], %mul3A_349 {add = true, strides = array<i32>} : memref<32768xf32, #tpu.memory_space<vmem>>, vector<16xf32>,
            %add3A_352 = arith.constant 96 : i32
            %add3A_353 = arith.addi %mul3A_214, %add3A_352 : i32
            %mul3A_354 = vector.broadcast %squeeze3A_224 : f32 to vector<16xf32>
            %mul3A_355 = arith.mulf %get3A_341, %mul3A_354 : vector<16xf32>
            %swap3A_356 = arith.index_cast %add3A_353 : i32 to index
            %swap3A_357 = tpu.vector_load %arg11[%swap3A_356] {strides = array<i32>} : memref<32768xf32, #tpu.memory_space<vmem>>, vector<16xf32>,
            tpu.vector_store %arg11[%swap3A_356], %mul3A_355 {add = true, strides = array<i32>} : memref<32768xf32, #tpu.memory_space<vmem>>, vector<16xf32>,
            %get3A_358 = arith.index_cast %scan3A_208 : i32 to index
            %get3A_359 = arith.constant 112 : index
            %get3A_360 = tpu.vector_load %arg21[%get3A_358, %get3A_359] {strides = array<i32>} : memref<48x256xf32, #tpu.memory_space<vmem>>, vector<16xf32>,
            %add3A_361 = arith.constant 112 : i32
            %add3A_362 = arith.addi %mul3A_214, %add3A_361 : i32
            %swap3A_363 = arith.index_cast %add3A_362 : i32 to index
            %swap3A_364 = tpu.vector_load %arg12[%swap3A_363] {strides = array<i32>} : memref<32768xf32, #tpu.memory_space<vmem>>, vector<16xf32>,
            tpu.vector_store %arg12[%swap3A_363], %get3A_360 {add = true, strides = array<i32>} : memref<32768xf32, #tpu.memory_space<vmem>>, vector<16xf32>,
            %add3A_365 = arith.constant 112 : i32
            %add3A_366 = arith.addi %mul3A_214, %add3A_365 : i32
            %mul3A_367 = vector.broadcast %squeeze3A_219 : f32 to vector<16xf32>
            %mul3A_368 = arith.mulf %get3A_360, %mul3A_367 : vector<16xf32>
            %swap3A_369 = arith.index_cast %add3A_366 : i32 to index
            %swap3A_370 = tpu.vector_load %arg10[%swap3A_369] {strides = array<i32>} : memref<32768xf32, #tpu.memory_space<vmem>>, vector<16xf32>,
            tpu.vector_store %arg10[%swap3A_369], %mul3A_368 {add = true, strides = array<i32>} : memref<32768xf32, #tpu.memory_space<vmem>>, vector<16xf32>,
            %add3A_371 = arith.constant 112 : i32
            %add3A_372 = arith.addi %mul3A_214, %add3A_371 : i32
            %mul3A_373 = vector.broadcast %squeeze3A_224 : f32 to vector<16xf32>
            %mul3A_374 = arith.mulf %get3A_360, %mul3A_373 : vector<16xf32>
            %swap3A_375 = arith.index_cast %add3A_372 : i32 to index
            %swap3A_376 = tpu.vector_load %arg11[%swap3A_375] {strides = array<i32>} : memref<32768xf32, #tpu.memory_space<vmem>>, vector<16xf32>,
            tpu.vector_store %arg11[%swap3A_375], %mul3A_374 {add = true, strides = array<i32>} : memref<32768xf32, #tpu.memory_space<vmem>>, vector<16xf32>,
            %get3A_377 = arith.index_cast %scan3A_208 : i32 to index
            %get3A_378 = arith.constant 128 : index
            %get3A_379 = tpu.vector_load %arg21[%get3A_377, %get3A_378] {strides = array<i32>} : memref<48x256xf32, #tpu.memory_space<vmem>>, vector<16xf32>,
            %add3A_380 = arith.constant 128 : i32
            %add3A_381 = arith.addi %mul3A_214, %add3A_380 : i32
            %swap3A_382 = arith.index_cast %add3A_381 : i32 to index
            %swap3A_383 = tpu.vector_load %arg12[%swap3A_382] {strides = array<i32>} : memref<32768xf32, #tpu.memory_space<vmem>>, vector<16xf32>,
            tpu.vector_store %arg12[%swap3A_382], %get3A_379 {add = true, strides = array<i32>} : memref<32768xf32, #tpu.memory_space<vmem>>, vector<16xf32>,
            %add3A_384 = arith.constant 128 : i32
            %add3A_385 = arith.addi %mul3A_214, %add3A_384 : i32
            %mul3A_386 = vector.broadcast %squeeze3A_219 : f32 to vector<16xf32>
            %mul3A_387 = arith.mulf %get3A_379, %mul3A_386 : vector<16xf32>
            %swap3A_388 = arith.index_cast %add3A_385 : i32 to index
            %swap3A_389 = tpu.vector_load %arg10[%swap3A_388] {strides = array<i32>} : memref<32768xf32, #tpu.memory_space<vmem>>, vector<16xf32>,
            tpu.vector_store %arg10[%swap3A_388], %mul3A_387 {add = true, strides = array<i32>} : memref<32768xf32, #tpu.memory_space<vmem>>, vector<16xf32>,
            %add3A_390 = arith.constant 128 : i32
            %add3A_391 = arith.addi %mul3A_214, %add3A_390 : i32
            %mul3A_392 = vector.broadcast %squeeze3A_224 : f32 to vector<16xf32>
            %mul3A_393 = arith.mulf %get3A_379, %mul3A_392 : vector<16xf32>
            %swap3A_394 = arith.index_cast %add3A_391 : i32 to index
            %swap3A_395 = tpu.vector_load %arg11[%swap3A_394] {strides = array<i32>} : memref<32768xf32, #tpu.memory_space<vmem>>, vector<16xf32>,
            tpu.vector_store %arg11[%swap3A_394], %mul3A_393 {add = true, strides = array<i32>} : memref<32768xf32, #tpu.memory_space<vmem>>, vector<16xf32>,
            %get3A_396 = arith.index_cast %scan3A_208 : i32 to index
            %get3A_397 = arith.constant 144 : index
            %get3A_398 = tpu.vector_load %arg21[%get3A_396, %get3A_397] {strides = array<i32>} : memref<48x256xf32, #tpu.memory_space<vmem>>, vector<16xf32>,
            %add3A_399 = arith.constant 144 : i32
            %add3A_400 = arith.addi %mul3A_214, %add3A_399 : i32
            %swap3A_401 = arith.index_cast %add3A_400 : i32 to index
            %swap3A_402 = tpu.vector_load %arg12[%swap3A_401] {strides = array<i32>} : memref<32768xf32, #tpu.memory_space<vmem>>, vector<16xf32>,
            tpu.vector_store %arg12[%swap3A_401], %get3A_398 {add = true, strides = array<i32>} : memref<32768xf32, #tpu.memory_space<vmem>>, vector<16xf32>,
            %add3A_403 = arith.constant 144 : i32
            %add3A_404 = arith.addi %mul3A_214, %add3A_403 : i32
            %mul3A_405 = vector.broadcast %squeeze3A_219 : f32 to vector<16xf32>
            %mul3A_406 = arith.mulf %get3A_398, %mul3A_405 : vector<16xf32>
            %swap3A_407 = arith.index_cast %add3A_404 : i32 to index
            %swap3A_408 = tpu.vector_load %arg10[%swap3A_407] {strides = array<i32>} : memref<32768xf32, #tpu.memory_space<vmem>>, vector<16xf32>,
            tpu.vector_store %arg10[%swap3A_407], %mul3A_406 {add = true, strides = array<i32>} : memref<32768xf32, #tpu.memory_space<vmem>>, vector<16xf32>,
            %add3A_409 = arith.constant 144 : i32
            %add3A_410 = arith.addi %mul3A_214, %add3A_409 : i32
            %mul3A_411 = vector.broadcast %squeeze3A_224 : f32 to vector<16xf32>
            %mul3A_412 = arith.mulf %get3A_398, %mul3A_411 : vector<16xf32>
            %swap3A_413 = arith.index_cast %add3A_410 : i32 to index
            %swap3A_414 = tpu.vector_load %arg11[%swap3A_413] {strides = array<i32>} : memref<32768xf32, #tpu.memory_space<vmem>>, vector<16xf32>,
            tpu.vector_store %arg11[%swap3A_413], %mul3A_412 {add = true, strides = array<i32>} : memref<32768xf32, #tpu.memory_space<vmem>>, vector<16xf32>,
            %get3A_415 = arith.index_cast %scan3A_208 : i32 to index
            %get3A_416 = arith.constant 160 : index
            %get3A_417 = tpu.vector_load %arg21[%get3A_415, %get3A_416] {strides = array<i32>} : memref<48x256xf32, #tpu.memory_space<vmem>>, vector<16xf32>,
            %add3A_418 = arith.constant 160 : i32
            %add3A_419 = arith.addi %mul3A_214, %add3A_418 : i32
            %swap3A_420 = arith.index_cast %add3A_419 : i32 to index
            %swap3A_421 = tpu.vector_load %arg12[%swap3A_420] {strides = array<i32>} : memref<32768xf32, #tpu.memory_space<vmem>>, vector<16xf32>,
            tpu.vector_store %arg12[%swap3A_420], %get3A_417 {add = true, strides = array<i32>} : memref<32768xf32, #tpu.memory_space<vmem>>, vector<16xf32>,
            %add3A_422 = arith.constant 160 : i32
            %add3A_423 = arith.addi %mul3A_214, %add3A_422 : i32
            %mul3A_424 = vector.broadcast %squeeze3A_219 : f32 to vector<16xf32>
            %mul3A_425 = arith.mulf %get3A_417, %mul3A_424 : vector<16xf32>
            %swap3A_426 = arith.index_cast %add3A_423 : i32 to index
            %swap3A_427 = tpu.vector_load %arg10[%swap3A_426] {strides = array<i32>} : memref<32768xf32, #tpu.memory_space<vmem>>, vector<16xf32>,
            tpu.vector_store %arg10[%swap3A_426], %mul3A_425 {add = true, strides = array<i32>} : memref<32768xf32, #tpu.memory_space<vmem>>, vector<16xf32>,
            %add3A_428 = arith.constant 160 : i32
            %add3A_429 = arith.addi %mul3A_214, %add3A_428 : i32
            %mul3A_430 = vector.broadcast %squeeze3A_224 : f32 to vector<16xf32>
            %mul3A_431 = arith.mulf %get3A_417, %mul3A_430 : vector<16xf32>
            %swap3A_432 = arith.index_cast %add3A_429 : i32 to index
            %swap3A_433 = tpu.vector_load %arg11[%swap3A_432] {strides = array<i32>} : memref<32768xf32, #tpu.memory_space<vmem>>, vector<16xf32>,
            tpu.vector_store %arg11[%swap3A_432], %mul3A_431 {add = true, strides = array<i32>} : memref<32768xf32, #tpu.memory_space<vmem>>, vector<16xf32>,
            %get3A_434 = arith.index_cast %scan3A_208 : i32 to index
            %get3A_435 = arith.constant 176 : index
            %get3A_436 = tpu.vector_load %arg21[%get3A_434, %get3A_435] {strides = array<i32>} : memref<48x256xf32, #tpu.memory_space<vmem>>, vector<16xf32>,
            %add3A_437 = arith.constant 176 : i32
            %add3A_438 = arith.addi %mul3A_214, %add3A_437 : i32
            %swap3A_439 = arith.index_cast %add3A_438 : i32 to index
            %swap3A_440 = tpu.vector_load %arg12[%swap3A_439] {strides = array<i32>} : memref<32768xf32, #tpu.memory_space<vmem>>, vector<16xf32>,
            tpu.vector_store %arg12[%swap3A_439], %get3A_436 {add = true, strides = array<i32>} : memref<32768xf32, #tpu.memory_space<vmem>>, vector<16xf32>,
            %add3A_441 = arith.constant 176 : i32
            %add3A_442 = arith.addi %mul3A_214, %add3A_441 : i32
            %mul3A_443 = vector.broadcast %squeeze3A_219 : f32 to vector<16xf32>
            %mul3A_444 = arith.mulf %get3A_436, %mul3A_443 : vector<16xf32>
            %swap3A_445 = arith.index_cast %add3A_442 : i32 to index
            %swap3A_446 = tpu.vector_load %arg10[%swap3A_445] {strides = array<i32>} : memref<32768xf32, #tpu.memory_space<vmem>>, vector<16xf32>,
            tpu.vector_store %arg10[%swap3A_445], %mul3A_444 {add = true, strides = array<i32>} : memref<32768xf32, #tpu.memory_space<vmem>>, vector<16xf32>,
            %add3A_447 = arith.constant 176 : i32
            %add3A_448 = arith.addi %mul3A_214, %add3A_447 : i32
            %mul3A_449 = vector.broadcast %squeeze3A_224 : f32 to vector<16xf32>
            %mul3A_450 = arith.mulf %get3A_436, %mul3A_449 : vector<16xf32>
            %swap3A_451 = arith.index_cast %add3A_448 : i32 to index
            %swap3A_452 = tpu.vector_load %arg11[%swap3A_451] {strides = array<i32>} : memref<32768xf32, #tpu.memory_space<vmem>>, vector<16xf32>,
            tpu.vector_store %arg11[%swap3A_451], %mul3A_450 {add = true, strides = array<i32>} : memref<32768xf32, #tpu.memory_space<vmem>>, vector<16xf32>,
            %get3A_453 = arith.index_cast %scan3A_208 : i32 to index
            %get3A_454 = arith.constant 192 : index
            %get3A_455 = tpu.vector_load %arg21[%get3A_453, %get3A_454] {strides = array<i32>} : memref<48x256xf32, #tpu.memory_space<vmem>>, vector<16xf32>,
            %add3A_456 = arith.constant 192 : i32
            %add3A_457 = arith.addi %mul3A_214, %add3A_456 : i32
            %swap3A_458 = arith.index_cast %add3A_457 : i32 to index
            %swap3A_459 = tpu.vector_load %arg12[%swap3A_458] {strides = array<i32>} : memref<32768xf32, #tpu.memory_space<vmem>>, vector<16xf32>,
            tpu.vector_store %arg12[%swap3A_458], %get3A_455 {add = true, strides = array<i32>} : memref<32768xf32, #tpu.memory_space<vmem>>, vector<16xf32>,
            %add3A_460 = arith.constant 192 : i32
            %add3A_461 = arith.addi %mul3A_214, %add3A_460 : i32
            %mul3A_462 = vector.broadcast %squeeze3A_219 : f32 to vector<16xf32>
            %mul3A_463 = arith.mulf %get3A_455, %mul3A_462 : vector<16xf32>
            %swap3A_464 = arith.index_cast %add3A_461 : i32 to index
            %swap3A_465 = tpu.vector_load %arg10[%swap3A_464] {strides = array<i32>} : memref<32768xf32, #tpu.memory_space<vmem>>, vector<16xf32>,
            tpu.vector_store %arg10[%swap3A_464], %mul3A_463 {add = true, strides = array<i32>} : memref<32768xf32, #tpu.memory_space<vmem>>, vector<16xf32>,
            %add3A_466 = arith.constant 192 : i32
            %add3A_467 = arith.addi %mul3A_214, %add3A_466 : i32
            %mul3A_468 = vector.broadcast %squeeze3A_224 : f32 to vector<16xf32>
            %mul3A_469 = arith.mulf %get3A_455, %mul3A_468 : vector<16xf32>
            %swap3A_470 = arith.index_cast %add3A_467 : i32 to index
            %swap3A_471 = tpu.vector_load %arg11[%swap3A_470] {strides = array<i32>} : memref<32768xf32, #tpu.memory_space<vmem>>, vector<16xf32>,
            tpu.vector_store %arg11[%swap3A_470], %mul3A_469 {add = true, strides = array<i32>} : memref<32768xf32, #tpu.memory_space<vmem>>, vector<16xf32>,
            %get3A_472 = arith.index_cast %scan3A_208 : i32 to index
            %get3A_473 = arith.constant 208 : index
            %get3A_474 = tpu.vector_load %arg21[%get3A_472, %get3A_473] {strides = array<i32>} : memref<48x256xf32, #tpu.memory_space<vmem>>, vector<16xf32>,
            %add3A_475 = arith.constant 208 : i32
            %add3A_476 = arith.addi %mul3A_214, %add3A_475 : i32
            %swap3A_477 = arith.index_cast %add3A_476 : i32 to index
            %swap3A_478 = tpu.vector_load %arg12[%swap3A_477] {strides = array<i32>} : memref<32768xf32, #tpu.memory_space<vmem>>, vector<16xf32>,
            tpu.vector_store %arg12[%swap3A_477], %get3A_474 {add = true, strides = array<i32>} : memref<32768xf32, #tpu.memory_space<vmem>>, vector<16xf32>,
            %add3A_479 = arith.constant 208 : i32
            %add3A_480 = arith.addi %mul3A_214, %add3A_479 : i32
            %mul3A_481 = vector.broadcast %squeeze3A_219 : f32 to vector<16xf32>
            %mul3A_482 = arith.mulf %get3A_474, %mul3A_481 : vector<16xf32>
            %swap3A_483 = arith.index_cast %add3A_480 : i32 to index
            %swap3A_484 = tpu.vector_load %arg10[%swap3A_483] {strides = array<i32>} : memref<32768xf32, #tpu.memory_space<vmem>>, vector<16xf32>,
            tpu.vector_store %arg10[%swap3A_483], %mul3A_482 {add = true, strides = array<i32>} : memref<32768xf32, #tpu.memory_space<vmem>>, vector<16xf32>,
            %add3A_485 = arith.constant 208 : i32
            %add3A_486 = arith.addi %mul3A_214, %add3A_485 : i32
            %mul3A_487 = vector.broadcast %squeeze3A_224 : f32 to vector<16xf32>
            %mul3A_488 = arith.mulf %get3A_474, %mul3A_487 : vector<16xf32>
            %swap3A_489 = arith.index_cast %add3A_486 : i32 to index
            %swap3A_490 = tpu.vector_load %arg11[%swap3A_489] {strides = array<i32>} : memref<32768xf32, #tpu.memory_space<vmem>>, vector<16xf32>,
            tpu.vector_store %arg11[%swap3A_489], %mul3A_488 {add = true, strides = array<i32>} : memref<32768xf32, #tpu.memory_space<vmem>>, vector<16xf32>,
            %get3A_491 = arith.index_cast %scan3A_208 : i32 to index
            %get3A_492 = arith.constant 224 : index
            %get3A_493 = tpu.vector_load %arg21[%get3A_491, %get3A_492] {strides = array<i32>} : memref<48x256xf32, #tpu.memory_space<vmem>>, vector<16xf32>,
            %add3A_494 = arith.constant 224 : i32
            %add3A_495 = arith.addi %mul3A_214, %add3A_494 : i32
            %swap3A_496 = arith.index_cast %add3A_495 : i32 to index
            %swap3A_497 = tpu.vector_load %arg12[%swap3A_496] {strides = array<i32>} : memref<32768xf32, #tpu.memory_space<vmem>>, vector<16xf32>,
            tpu.vector_store %arg12[%swap3A_496], %get3A_493 {add = true, strides = array<i32>} : memref<32768xf32, #tpu.memory_space<vmem>>, vector<16xf32>,
            %add3A_498 = arith.constant 224 : i32
            %add3A_499 = arith.addi %mul3A_214, %add3A_498 : i32
            %mul3A_500 = vector.broadcast %squeeze3A_219 : f32 to vector<16xf32>
            %mul3A_501 = arith.mulf %get3A_493, %mul3A_500 : vector<16xf32>
            %swap3A_502 = arith.index_cast %add3A_499 : i32 to index
            %swap3A_503 = tpu.vector_load %arg10[%swap3A_502] {strides = array<i32>} : memref<32768xf32, #tpu.memory_space<vmem>>, vector<16xf32>,
            tpu.vector_store %arg10[%swap3A_502], %mul3A_501 {add = true, strides = array<i32>} : memref<32768xf32, #tpu.memory_space<vmem>>, vector<16xf32>,
            %add3A_504 = arith.constant 224 : i32
            %add3A_505 = arith.addi %mul3A_214, %add3A_504 : i32
            %mul3A_506 = vector.broadcast %squeeze3A_224 : f32 to vector<16xf32>
            %mul3A_507 = arith.mulf %get3A_493, %mul3A_506 : vector<16xf32>
            %swap3A_508 = arith.index_cast %add3A_505 : i32 to index
            %swap3A_509 = tpu.vector_load %arg11[%swap3A_508] {strides = array<i32>} : memref<32768xf32, #tpu.memory_space<vmem>>, vector<16xf32>,
            tpu.vector_store %arg11[%swap3A_508], %mul3A_507 {add = true, strides = array<i32>} : memref<32768xf32, #tpu.memory_space<vmem>>, vector<16xf32>,
            %get3A_510 = arith.index_cast %scan3A_208 : i32 to index
            %get3A_511 = arith.constant 240 : index
            %get3A_512 = tpu.vector_load %arg21[%get3A_510, %get3A_511] {strides = array<i32>} : memref<48x256xf32, #tpu.memory_space<vmem>>, vector<16xf32>,
            %add3A_513 = arith.constant 240 : i32
            %add3A_514 = arith.addi %mul3A_214, %add3A_513 : i32
            %swap3A_515 = arith.index_cast %add3A_514 : i32 to index
            %swap3A_516 = tpu.vector_load %arg12[%swap3A_515] {strides = array<i32>} : memref<32768xf32, #tpu.memory_space<vmem>>, vector<16xf32>,
            tpu.vector_store %arg12[%swap3A_515], %get3A_512 {add = true, strides = array<i32>} : memref<32768xf32, #tpu.memory_space<vmem>>, vector<16xf32>,
            %add3A_517 = arith.constant 240 : i32
            %add3A_518 = arith.addi %mul3A_214, %add3A_517 : i32
            %mul3A_519 = vector.broadcast %squeeze3A_219 : f32 to vector<16xf32>
            %mul3A_520 = arith.mulf %get3A_512, %mul3A_519 : vector<16xf32>
            %swap3A_521 = arith.index_cast %add3A_518 : i32 to index
            %swap3A_522 = tpu.vector_load %arg10[%swap3A_521] {strides = array<i32>} : memref<32768xf32, #tpu.memory_space<vmem>>, vector<16xf32>,
            tpu.vector_store %arg10[%swap3A_521], %mul3A_520 {add = true, strides = array<i32>} : memref<32768xf32, #tpu.memory_space<vmem>>, vector<16xf32>,
            %add3A_523 = arith.constant 240 : i32
            %add3A_524 = arith.addi %mul3A_214, %add3A_523 : i32
            %mul3A_525 = vector.broadcast %squeeze3A_224 : f32 to vector<16xf32>
            %mul3A_526 = arith.mulf %get3A_512, %mul3A_525 : vector<16xf32>
            %swap3A_527 = arith.index_cast %add3A_524 : i32 to index
            %swap3A_528 = tpu.vector_load %arg11[%swap3A_527] {strides = array<i32>} : memref<32768xf32, #tpu.memory_space<vmem>>, vector<16xf32>,
            tpu.vector_store %arg11[%swap3A_527], %mul3A_526 {add = true, strides = array<i32>} : memref<32768xf32, #tpu.memory_space<vmem>>, vector<16xf32>,
            %scan3A_529 = arith.constant 0 : i32
            scf.yield %scan3A_529 : i32
          }
          %scan3A_206 = arith.constant 48 : i32
          %while3A_207 = arith.constant 0 : i32
          scf.yield %while3A_207 : i32
        }
        %scan3A_172 = arith.constant 0 : i32
        scf.yield %scan3A_172 : i32
      }
      %scan3A_27 = arith.constant 100 : i32
      %mul3A_28 = arith.constant 256 : i32
      %mul3A_29 = arith.muli %mul3A_13, %mul3A_28 : i32
      "tpu.region"() ({
        %run_scoped3A = tpu.sem_alloc : memref<!tpu.dma_semaphore, #tpu.memory_space<semaphore_mem>>
        %dma_start3A = arith.constant 0 : i32
        %dma_start3A_35 = tpu.memref_slice %arg12[%dma_start3A] : memref<32768xf32, #tpu.memory_space<vmem>> -> memref<28672xf32, #tpu.memory_space<vmem>>
        %dma_start3A_36 = tpu.memref_slice %arg7[%mul3A_29] : memref<2752512xf32, #tpu.memory_space<hbm>> -> memref<28672xf32, #tpu.memory_space<hbm>>
        %dma_start3A_37 = tpu.memref_slice %arg7[%mul3A_29] : memref<2752512xf32, #tpu.memory_space<hbm>> -> memref<28672xf32, #tpu.memory_space<hbm>>
        %dma_start3A_38 = arith.constant 0 : i32
        %dma_start3A_39 = tpu.memref_slice %arg12[%dma_start3A_38] : memref<32768xf32, #tpu.memory_space<vmem>> -> memref<28672xf32, #tpu.memory_space<vmem>>
        tpu.enqueue_dma source(%dma_start3A_39 : memref<28672xf32, #tpu.memory_space<vmem>>) target(%dma_start3A_37 : memref<28672xf32, #tpu.memory_space<hbm>>) target_semaphore(%run_scoped3A : memref<!tpu.dma_semaphore, #tpu.memory_space<semaphore_mem>>)
        %dma_wait3A = arith.constant 0 : i32
        %dma_wait3A_40 = tpu.memref_slice %arg12[%dma_wait3A] : memref<32768xf32, #tpu.memory_space<vmem>> -> memref<28672xf32, #tpu.memory_space<vmem>>
        %dma_wait3A_41 = tpu.memref_slice %arg7[%mul3A_29] : memref<2752512xf32, #tpu.memory_space<hbm>> -> memref<28672xf32, #tpu.memory_space<hbm>>
        %dma_wait3A_42 = tpu.memref_slice %arg7[%mul3A_29] : memref<2752512xf32, #tpu.memory_space<hbm>> -> memref<28672xf32, #tpu.memory_space<hbm>>
        %dma_wait3A_43 = arith.constant 0 : i32
        %dma_wait3A_44 = tpu.memref_slice %arg12[%dma_wait3A_43] : memref<32768xf32, #tpu.memory_space<vmem>> -> memref<28672xf32, #tpu.memory_space<vmem>>
        tpu.wait_dma2 semaphore(%run_scoped3A : memref<!tpu.dma_semaphore, #tpu.memory_space<semaphore_mem>>) src(%dma_wait3A_44 : memref<28672xf32, #tpu.memory_space<vmem>>) dst(%dma_wait3A_42 : memref<28672xf32, #tpu.memory_space<hbm>>)
        tpu.yield
      }) : () -> ()
      %mul3A_30 = arith.constant 256 : i32
      %mul3A_31 = arith.muli %mul3A_13, %mul3A_30 : i32
      "tpu.region"() ({
        %run_scoped3A = tpu.sem_alloc : memref<!tpu.dma_semaphore, #tpu.memory_space<semaphore_mem>>
        %dma_start3A = arith.constant 0 : i32
        %dma_start3A_35 = tpu.memref_slice %arg10[%dma_start3A] : memref<32768xf32, #tpu.memory_space<vmem>> -> memref<28672xf32, #tpu.memory_space<vmem>>
        %dma_start3A_36 = tpu.memref_slice %arg8[%mul3A_31] : memref<2752512xf32, #tpu.memory_space<hbm>> -> memref<28672xf32, #tpu.memory_space<hbm>>
        %dma_start3A_37 = tpu.memref_slice %arg8[%mul3A_31] : memref<2752512xf32, #tpu.memory_space<hbm>> -> memref<28672xf32, #tpu.memory_space<hbm>>
        %dma_start3A_38 = arith.constant 0 : i32
        %dma_start3A_39 = tpu.memref_slice %arg10[%dma_start3A_38] : memref<32768xf32, #tpu.memory_space<vmem>> -> memref<28672xf32, #tpu.memory_space<vmem>>
        tpu.enqueue_dma source(%dma_start3A_39 : memref<28672xf32, #tpu.memory_space<vmem>>) target(%dma_start3A_37 : memref<28672xf32, #tpu.memory_space<hbm>>) target_semaphore(%run_scoped3A : memref<!tpu.dma_semaphore, #tpu.memory_space<semaphore_mem>>)
        %dma_wait3A = arith.constant 0 : i32
        %dma_wait3A_40 = tpu.memref_slice %arg10[%dma_wait3A] : memref<32768xf32, #tpu.memory_space<vmem>> -> memref<28672xf32, #tpu.memory_space<vmem>>
        %dma_wait3A_41 = tpu.memref_slice %arg8[%mul3A_31] : memref<2752512xf32, #tpu.memory_space<hbm>> -> memref<28672xf32, #tpu.memory_space<hbm>>
        %dma_wait3A_42 = tpu.memref_slice %arg8[%mul3A_31] : memref<2752512xf32, #tpu.memory_space<hbm>> -> memref<28672xf32, #tpu.memory_space<hbm>>
        %dma_wait3A_43 = arith.constant 0 : i32
        %dma_wait3A_44 = tpu.memref_slice %arg10[%dma_wait3A_43] : memref<32768xf32, #tpu.memory_space<vmem>> -> memref<28672xf32, #tpu.memory_space<vmem>>
        tpu.wait_dma2 semaphore(%run_scoped3A : memref<!tpu.dma_semaphore, #tpu.memory_space<semaphore_mem>>) src(%dma_wait3A_44 : memref<28672xf32, #tpu.memory_space<vmem>>) dst(%dma_wait3A_42 : memref<28672xf32, #tpu.memory_space<hbm>>)
        tpu.yield
      }) : () -> ()
      %mul3A_32 = arith.constant 256 : i32
      %mul3A_33 = arith.muli %mul3A_13, %mul3A_32 : i32
      "tpu.region"() ({
        %run_scoped3A = tpu.sem_alloc : memref<!tpu.dma_semaphore, #tpu.memory_space<semaphore_mem>>
        %dma_start3A = arith.constant 0 : i32
        %dma_start3A_35 = tpu.memref_slice %arg11[%dma_start3A] : memref<32768xf32, #tpu.memory_space<vmem>> -> memref<28672xf32, #tpu.memory_space<vmem>>
        %dma_start3A_36 = tpu.memref_slice %arg9[%mul3A_33] : memref<2752512xf32, #tpu.memory_space<hbm>> -> memref<28672xf32, #tpu.memory_space<hbm>>
        %dma_start3A_37 = tpu.memref_slice %arg9[%mul3A_33] : memref<2752512xf32, #tpu.memory_space<hbm>> -> memref<28672xf32, #tpu.memory_space<hbm>>
        %dma_start3A_38 = arith.constant 0 : i32
        %dma_start3A_39 = tpu.memref_slice %arg11[%dma_start3A_38] : memref<32768xf32, #tpu.memory_space<vmem>> -> memref<28672xf32, #tpu.memory_space<vmem>>
        tpu.enqueue_dma source(%dma_start3A_39 : memref<28672xf32, #tpu.memory_space<vmem>>) target(%dma_start3A_37 : memref<28672xf32, #tpu.memory_space<hbm>>) target_semaphore(%run_scoped3A : memref<!tpu.dma_semaphore, #tpu.memory_space<semaphore_mem>>)
        %dma_wait3A = arith.constant 0 : i32
        %dma_wait3A_40 = tpu.memref_slice %arg11[%dma_wait3A] : memref<32768xf32, #tpu.memory_space<vmem>> -> memref<28672xf32, #tpu.memory_space<vmem>>
        %dma_wait3A_41 = tpu.memref_slice %arg9[%mul3A_33] : memref<2752512xf32, #tpu.memory_space<hbm>> -> memref<28672xf32, #tpu.memory_space<hbm>>
        %dma_wait3A_42 = tpu.memref_slice %arg9[%mul3A_33] : memref<2752512xf32, #tpu.memory_space<hbm>> -> memref<28672xf32, #tpu.memory_space<hbm>>
        %dma_wait3A_43 = arith.constant 0 : i32
        %dma_wait3A_44 = tpu.memref_slice %arg11[%dma_wait3A_43] : memref<32768xf32, #tpu.memory_space<vmem>> -> memref<28672xf32, #tpu.memory_space<vmem>>
        tpu.wait_dma2 semaphore(%run_scoped3A : memref<!tpu.dma_semaphore, #tpu.memory_space<semaphore_mem>>) src(%dma_wait3A_44 : memref<28672xf32, #tpu.memory_space<vmem>>) dst(%dma_wait3A_42 : memref<28672xf32, #tpu.memory_space<hbm>>)
        tpu.yield
      }) : () -> ()
      %scan3A_34 = arith.constant 0 : i32
      scf.yield %scan3A_34 : i32
    }
    %scan3A_6 = arith.constant 3 : i32
    return
  }
}

module attributes {stable_mosaic.version = 14 : i64} {
  func.func @_mm_body(%arg0: i32, %arg1: memref<1000x256xf32, #tpu.memory_space<vmem>>, %arg2: memref<256x512xf32, #tpu.memory_space<vmem>>, %arg3: memref<1000x512xf32, #tpu.memory_space<vmem>>) attributes {dimension_semantics = [#tpu.dimension_semantics<arbitrary>], iteration_bounds = array<i64: 10>, scalar_prefetch = 0 : i64, scratch_operands = 0 : i64, tpu.core_type = #tpu.core_type<tc>, window_params = [{transform_indices = @transform_0, window_bounds = array<i64: 1000, 256>}, {pipeline_mode = #tpu.pipeline_mode<synchronous>, transform_indices = @transform_1, window_bounds = array<i64: 256, 512>}, {transform_indices = @transform_2, window_bounds = array<i64: 1000, 512>}]} {
    %get3A = arith.constant 0 : index
    %get3A_0 = arith.constant 0 : index
    %get3A_1 = vector.load %arg1[%get3A, %get3A_0] : memref<1000x256xf32, #tpu.memory_space<vmem>>, vector<1000x256xf32>
    %get3A_2 = arith.constant 0 : index
    %get3A_3 = arith.constant 0 : index
    %get3A_4 = vector.load %arg2[%get3A_2, %get3A_3] : memref<256x512xf32, #tpu.memory_space<vmem>>, vector<256x512xf32>
    %dot_general3A = arith.constant dense<0.000000e+00> : vector<1000x512xf32>
    %dot_general3A_5 = tpu.matmul %get3A_1, %get3A_4, %dot_general3A {dimension_numbers = #tpu.dot_dimension_numbers<[1], [0], [0], [1], [0, 0, 1, 1], [], []>, transpose_lhs_hint = false} : vector<1000x256xf32>, vector<256x512xf32>, vector<1000x512xf32> -> vector<1000x512xf32>
    %swap3A = arith.constant 0 : index
    %swap3A_6 = arith.constant 0 : index
    %swap3A_7 = vector.load %arg3[%swap3A, %swap3A_6] : memref<1000x512xf32, #tpu.memory_space<vmem>>, vector<1000x512xf32>
    tpu.vector_store %arg3[%swap3A, %swap3A_6], %dot_general3A_5 {strides = array<i32>} : memref<1000x512xf32, #tpu.memory_space<vmem>>, vector<1000x512xf32>,
    return
  }
  func.func @transform_0(%arg0: i32) -> (i32, i32) {
    %c0_i32 = arith.constant 0 : i32
    %c0_i32_0 = arith.constant 0 : i32
    return %arg0, %c0_i32 : i32, i32
  }
  func.func @transform_1(%arg0: i32) -> (i32, i32) {
    %c0_i32 = arith.constant 0 : i32
    %c0_i32_0 = arith.constant 0 : i32
    %c0_i32_1 = arith.constant 0 : i32
    return %c0_i32, %c0_i32_0 : i32, i32
  }
  func.func @transform_2(%arg0: i32) -> (i32, i32) {
    %c0_i32 = arith.constant 0 : i32
    %c0_i32_0 = arith.constant 0 : i32
    return %arg0, %c0_i32 : i32, i32
  }
}

module attributes {stable_mosaic.version = 14 : i64} {
  func.func @_mm_body(%arg0: i32, %arg1: memref<1000x1536xf32, #tpu.memory_space<vmem>>, %arg2: memref<1536x256xf32, #tpu.memory_space<vmem>>, %arg3: memref<1000x256xf32, #tpu.memory_space<vmem>>) attributes {dimension_semantics = [#tpu.dimension_semantics<arbitrary>], iteration_bounds = array<i64: 10>, scalar_prefetch = 0 : i64, scratch_operands = 0 : i64, tpu.core_type = #tpu.core_type<tc>, window_params = [{transform_indices = @transform_0, window_bounds = array<i64: 1000, 1536>}, {pipeline_mode = #tpu.pipeline_mode<synchronous>, transform_indices = @transform_1, window_bounds = array<i64: 1536, 256>}, {transform_indices = @transform_2, window_bounds = array<i64: 1000, 256>}]} {
    %get3A = arith.constant 0 : index
    %get3A_0 = arith.constant 0 : index
    %get3A_1 = vector.load %arg1[%get3A, %get3A_0] : memref<1000x1536xf32, #tpu.memory_space<vmem>>, vector<1000x1536xf32>
    %get3A_2 = arith.constant 0 : index
    %get3A_3 = arith.constant 0 : index
    %get3A_4 = vector.load %arg2[%get3A_2, %get3A_3] : memref<1536x256xf32, #tpu.memory_space<vmem>>, vector<1536x256xf32>
    %dot_general3A = arith.constant dense<0.000000e+00> : vector<1000x256xf32>
    %dot_general3A_5 = tpu.matmul %get3A_1, %get3A_4, %dot_general3A {dimension_numbers = #tpu.dot_dimension_numbers<[1], [0], [0], [1], [0, 0, 1, 1], [], []>, transpose_lhs_hint = false} : vector<1000x1536xf32>, vector<1536x256xf32>, vector<1000x256xf32> -> vector<1000x256xf32>
    %swap3A = arith.constant 0 : index
    %swap3A_6 = arith.constant 0 : index
    %swap3A_7 = vector.load %arg3[%swap3A, %swap3A_6] : memref<1000x256xf32, #tpu.memory_space<vmem>>, vector<1000x256xf32>
    tpu.vector_store %arg3[%swap3A, %swap3A_6], %dot_general3A_5 {strides = array<i32>} : memref<1000x256xf32, #tpu.memory_space<vmem>>, vector<1000x256xf32>,
    return
  }
  func.func @transform_0(%arg0: i32) -> (i32, i32) {
    %c0_i32 = arith.constant 0 : i32
    %c0_i32_0 = arith.constant 0 : i32
    return %arg0, %c0_i32 : i32, i32
  }
  func.func @transform_1(%arg0: i32) -> (i32, i32) {
    %c0_i32 = arith.constant 0 : i32
    %c0_i32_0 = arith.constant 0 : i32
    %c0_i32_1 = arith.constant 0 : i32
    return %c0_i32, %c0_i32_0 : i32, i32
  }
  func.func @transform_2(%arg0: i32) -> (i32, i32) {
    %c0_i32 = arith.constant 0 : i32
    %c0_i32_0 = arith.constant 0 : i32
    return %arg0, %c0_i32 : i32, i32
  }
}

</mosaic_0001>

<sc_bundles>
// kernel: kernel.10.cloned.1.call-start
scs
__scs_entry_jumppad:
0x0: {  	(pc) =	sbr.rel $0x88, $3  }
0x1: {  	(tag) =	ssettag $0x0;
	lr =	simm.s32 $0x1  }
0x2: {  	[smem:$0x3F94] =	sst lr;
	_ =	strace $0xD0000000  }
0x3: {  	_ = 	snop  }
0x4: {  	_ = 	snop  }
0x5: {  	_ = 	snop  }
0x6: {  	_ = 	snop  }
0x7: {  	_ = 	snop  }
__scs_overlays_trampoline_lowered:
0x8: {  	[smem:$0x3FA3] =	sst s0  }
0x9: {  	[smem:$0x3FA4] =	sst s1  }
0xa: {  	[smem:$0x3FA5] =	sst s2  }
0xb: {  	[smem:$0x3FA6] =	sst s3  }
0xc: {  	[smem:$0x3FA7] =	sst s4  }
0xd: {  	[smem:$0x3FA8] =	sst s5  }
0xe: {  	[smem:$0x3FA9] =	sst s6  }
0xf: {  	[smem:$0x3FAA] =	sst s7  }
0x10: {  	[smem:$0x3FAB] =	sst s8  }
0x11: {  	[smem:$0x3FAC] =	sst s9;
	s0 =	simm.s32 @!p0 $0x0  }
0x12: {  	s1 =	sld [smem:$0x3F92];
	s0 =	simm.s32 @p0 $0x1  }
0x13: {  	[smem:$0x3FAD] =	sst s0;
	s0 =	simm.s32 @!p1 $0x0  }
0x14: {  	s2 =	sld [smem:$0x3F91];
	s0 =	simm.s32 @p1 $0x1  }
0x15: {  	[smem:$0x3FAE] =	sst s0;
	s0 =	simm.s32 @!p2 $0x0  }
0x16: {  	s3 =	sld [smem:$0x3FDB];
	s0 =	simm.s32 @p2 $0x1  }
0x17: {  	s4 =	simm.s32 $0x1BF5;
	[smem:$0x3FB0] =	sst s0  }
0x18: {  	s0 =	sld [smem:$0x3F93];
	_ =	swait.ge [sflag:s4], $0x0  }
0x19: {  	s7 =	sld [smem:$0x3F94]  }
0x1a: {  	s8 =	sadd.s32 $0xFFFFE003, lr  }
0x1b: {  	s9 =	sadd.s32 $0xFFFFFEF7, lr;
	s5 =	simm.s32 $0xFFFFFFFF;
	p2 =	slt.u32 s8, $0xFFFFF086  }
0x1c: {  	p1 =	slt.u32 s9, $0xF7A;
	s5 =	simm.s32 @!p2 $0x0  }
0x1d: {  	s5 =	simm.s32 @p1 $0x1;
	p0 =	seq.s32 s7, s2  }
0x1e: {  	s7 =	smul.u32 @!p0 $0xF7A, s2;
	p2 =	seq.s32 @!p0 s5, $0x0  }
0x1f: {  	s9 =	smul.u32 $0xF7A, s1;
	s8 =	simm.s32 @!p0 $0x1BF5;
	p2 =	por !p2, p0  }
0x20: {  	[sflag:s8] =	ssyncset.s32 @!p0 $0xFFFFF086;
	s6 =	sadd.s32 @!p0 s3, s7;
	s7 =	simm.s32 @!p0 $0x108  }
0x21: {  	s3 =	sadd.s32 s3, s9;
	s6 =	sadd.s32 @!p0 $0x88, s6;
	s7 =	simm.s32 @p2 $0x1082  }
0x22: {  	[simem:s7], [sflag:s8] =	dma.local @!p0 [hbm:s6], $0xF7A  }
0x23: {  	s9 =	sor.u32 $0xD0000000, s2;
	s6 =	simm.s32 $0x108;
	_ =	swait.ge @!p0 [sflag:s8], $0x0  }
0x24: {  	s3 =	sadd.s32 $0x88, s3;
	s6 =	simm.s32 @!p1 $0x1082;
	[sflag:s4] =	ssyncset.s32 $0xFFFFF086  }
0x25: {  	[simem:s6], [sflag:s4] =	dma.local [hbm:s3], $0xF7A  }
0x26: {  	[smem:$0x3F94] =	sst s1;
	(tag) =	ssettag s2;
	_ =	strace s9  }
0x27: {  	s1 =	sld [smem:$0x3FA4]  }
0x28: {  	s2 =	sld [smem:$0x3FA5]  }
0x29: {  	s4 =	sld [smem:$0x3FA7]  }
0x2a: {  	p0 =	seq.s32 s5, $0x0;
	s5 =	sld [smem:$0x3FA8]  }
0x2b: {  	s6 =	sld [smem:$0x3FA9]  }
0x2c: {  	s7 =	sld [smem:$0x3FAA]  }
0x2d: {  	s3 =	simm.s32 $0x108;
	s8 =	sld [smem:$0x3FAB]  }
0x2e: {  	s3 =	simm.s32 @!p0 $0x1082;
	s9 =	sld [smem:$0x3FAC]  }
0x2f: {  	lr =	sadd.s32 s0, s3;
	s0 =	sld [smem:$0x3FA3]  }
0x30: {  	s3 =	sld [smem:$0x3FA6]  }
0x31: {  	[smem:$0x3FAF] =	sst s10  }
0x32: {  	s10 =	sld [smem:$0x3FAD];
	_ =	sdelay $0x3  }
0x33: {  	p0 =	seq.s32 s10, $0x1;
	s10 =	sld [smem:$0x3FAF];
	_ =	sdelay $0x3  }
0x34: {  	[smem:$0x3FAF] =	sst s10  }
0x35: {  	s10 =	sld [smem:$0x3FAE];
	_ =	sdelay $0x3  }
0x36: {  	p1 =	seq.s32 s10, $0x1;
	s10 =	sld [smem:$0x3FAF];
	_ =	sdelay $0x3  }
0x37: {  	[smem:$0x3FAF] =	sst s10  }
0x38: {  	s10 =	sld [smem:$0x3FB0]  }
0x39: {  	_ = 	snop;
	(pc) =	sbr.ind lr, $3  }
0x3a: {  	_ = 	snop  }
0x3b: {  	_ = 	snop  }
0x3c: {  	p2 =	seq.s32 s10, $0x1;
	s10 =	sld [smem:$0x3FAF]  }
0x3d: {  	_ =	shalt  }
0x3e: {  	_ =	shalt  }
0x3f: {  	_ =	shalt  }
0x40: {  	_ =	shalt  }
0x41: {  	_ =	shalt  }
0x42: {  	_ =	shalt  }
0x43: {  	_ =	shalt  }
0x44: {  	_ =	shalt  }
0x45: {  	_ =	shalt  }
0x46: {  	_ =	shalt  }
0x47: {  	_ =	shalt  }
0x48: {  	_ =	shalt  }
0x49: {  	_ =	shalt  }
0x4a: {  	_ =	shalt  }
0x4b: {  	_ =	shalt  }
0x4c: {  	_ =	shalt  }
0x4d: {  	_ =	shalt  }
0x4e: {  	_ =	shalt  }
0x4f: {  	_ =	shalt  }
0x50: {  	_ =	shalt  }
0x51: {  	_ =	shalt  }
0x52: {  	_ =	shalt  }
0x53: {  	_ =	shalt  }
0x54: {  	_ =	shalt  }
0x55: {  	_ =	shalt  }
0x56: {  	_ =	shalt  }
0x57: {  	_ =	shalt  }
0x58: {  	_ =	shalt  }
0x59: {  	_ =	shalt  }
0x5a: {  	_ =	shalt  }
0x5b: {  	_ =	shalt  }
0x5c: {  	_ =	shalt  }
0x5d: {  	_ =	shalt  }
0x5e: {  	_ =	shalt  }
0x5f: {  	_ =	shalt  }
0x60: {  	_ =	shalt  }
0x61: {  	_ =	shalt  }
0x62: {  	_ =	shalt  }
0x63: {  	_ =	shalt  }
0x64: {  	_ =	shalt  }
0x65: {  	_ =	shalt  }
0x66: {  	_ =	shalt  }
0x67: {  	_ =	shalt  }
0x68: {  	_ =	shalt  }
0x69: {  	_ =	shalt  }
0x6a: {  	_ =	shalt  }
0x6b: {  	_ =	shalt  }
0x6c: {  	_ =	shalt  }
0x6d: {  	_ =	shalt  }
0x6e: {  	_ =	shalt  }
0x6f: {  	_ =	shalt  }
0x70: {  	_ =	shalt  }
0x71: {  	_ =	shalt  }
0x72: {  	_ =	shalt  }
0x73: {  	_ =	shalt  }
0x74: {  	_ =	shalt  }
0x75: {  	_ =	shalt  }
0x76: {  	_ =	shalt  }
0x77: {  	_ =	shalt  }
0x78: {  	_ =	shalt  }
0x79: {  	_ =	shalt  }
0x7a: {  	_ =	shalt  }
0x7b: {  	_ =	shalt  }
0x7c: {  	_ =	shalt  }
0x7d: {  	_ =	shalt  }
0x7e: {  	_ =	shalt  }
0x7f: {  	_ =	shalt  }
0x80: {  	_ =	shalt  }
0x81: {  	_ =	shalt  }
0x82: {  	_ =	shalt  }
0x83: {  	_ =	shalt  }
0x84: {  	_ =	shalt  }
0x85: {  	_ =	shalt  }
0x86: {  	_ =	shalt  }
0x87: {  	_ =	shalt  }
.Lfunc_end0:
.L_simem_size_0:
called_computation.3_lowered:
.L_overlay_start_0:
0x88: {  	s2 =	sld [smem:$0x3FD9]  }
0x89: {  	s3 =	sld [smem:$0x3FFE];
	_ =	sdelay $0x1  }
0x8a: {  	s1 =	srdreg.scid  }
0x8b: {  	s0 =	sand.u32 $0x1, s1  }
0x8c: {  	s17 =	sshll.u32 s0, $0xA;
	s2 =	sadd.s32 s3, s2  }
0x8d: {  	s2 =	sadd.s32 s2, s17  }
0x8e: {  	[smem:$0x3FBB] =	sst s2  }
0x8f: {  	_ = 	snop  }
0x90: {  	(tm) =	ssettm $0x1  }
0x91: {  	s18 =	sld [smem:$0x3FFB];
	_ =	sdelay $0x3  }
0x92: {  	_ =	strace s18  }
0x93: {  	s2 =	sld [smem:$0x3FFC];
	_ =	sdelay $0x3  }
0x94: {  	_ =	strace s2  }
0x95: {  	s2 =	sld [smem:$0x3FFD];
	_ =	sdelay $0x3  }
0x96: {  	_ =	strace s2  }
0x97: {  	_ =	strace $0x8FFFFFFF  }
0x98: {  	s19 =	sld [smem:$0x3FDB];
	_ =	sdelay $0x1  }
0x99: {  	s20 =	simm.s32 $_scs_section_size  }
0x9a: {  	s4 =	simm.s32 $_size__tile_overlayer_lowered;
	s5 =	simm.s32 $_tile_overlayer_lowered  }
0x9b: {  	s6 =	simm.s32 $0x1BFF;
	s21 =	sshll.u32 s5, $0x1;
	s3 =	sadd.s32 s20, s19  }
0x9c: {  	s22 =	simm.s32 $0x0;
	s4 =	sshll.u32 s4, $0x1;
	s5 =	sadd.s32 s21, s3  }
0x9d: {  	[timem:s22], [sflag:s6] =	dma.local [hbm:s5], s4  }
0x9e: {  	_ =	swait.ge [sflag:s6], s4  }
0x9f: {  	s4 =	ssub.s32 $0x0, s4;
	[sflag:s6] =	ssyncset.done $0x0  }
0xa0: {  	[sflag:s6] =	ssyncadd.s32 s4;
	_ =	sdelay $0x1  }
0xa1: {  	s23 =	simm.s32 $0x1B8B  }
0xa2: {  	_ =	swait.ge [sflag:s23], $0x1  }
0xa3: {  	[sflag:s23] =	ssyncset.done $0x0  }
0xa4: {  	[sflag:s23] =	ssyncadd.s32 $0xFFFFFFFF  }
0xa5: {  	s4 =	sld [smem:$0x0]  }
0xa6: {  	s5 =	sand.u32 $0xFFFFFFFE, s1  }
0xa7: {  	p0 =	sne.s32 s1, s5  }
0xa8: {  	s5 =	sshll.u32 @p0 s5, $0xE  }
0xa9: {  	s5 =	sadd.s32 @p0 $0x11B8D, s5;
	s6 =	sshll.u32 @p0 s4, $0x11  }
0xaa: {  	s5 =	sor.u32 @p0 s6, s5  }
0xab: {  	[sflag:s5] =	ssyncadd.remote.s32 @p0 $0x1;
	_ =	sdelay $0x1  }
0xac: {  	s5 =	simm.s32 @p0 $0x1B8D  }
0xad: {  	_ =	swait.eq @p0 [sflag:s5], $0x1  }
0xae: {  	[sflag:s5] =	ssyncadd.s32 @p0 $0xFFFFFFFF  }
0xaf: {  	s6 =	sshll.u32 @!p0 s1, $0xE  }
0xb0: {  	s6 =	sor.u32 @!p0 $0x4000, s6;
	s5 =	simm.s32 @!p0 $0x1B8D  }
0xb1: {  	s4 =	sshll.u32 @!p0 s4, $0x11;
	s6 =	sadd.s32 @!p0 $0x11B8D, s6;
	_ =	swait.eq @!p0 [sflag:s5], $0x1  }
0xb2: {  	s4 =	sor.u32 @!p0 s4, s6;
	[sflag:s5] =	ssyncadd.s32 @!p0 $0xFFFFFFFF  }
0xb3: {  	s25 =	simm.s32 $0x1B8E;
	s24 =	sld [smem:$0x3FFE];
	[sflag:s4] =	ssyncadd.remote.s32 @!p0 $0x1  }
0xb4: {  	s26 =	simm.s32 $execute0_lowered;
	[smem:$0x3FD2] =	sst s25  }
0xb5: {  	s5 =	sshll.u32 s26, $0x1;
	_ =	strace $0x80000049;
	[dreg:$0x1] =	wrdreg $0xFFFFFFFF  }
0xb6: {  	s28 =	simm.s32 $_size_execute0_lowered;
	s3 =	sadd.s32 s3, s5;
	[dreg:$0x0] =	wrdreg $0x0  }
0xb7: {  	s5 =	sshll.u32 s28, $0x1;
	[dreg:$0x2] =	wrdreg s3  }
0xb8: {  	[dreg:$0x3] =	wrdreg s5  }
0xb9: {  	[dreg:$0x4] =	wrdreg $0xC0  }
0xba: {  	_ =	task [dreg:s22], $0x5FFFF  }
0xbb: {  	[dreg:$0x1] =	wrdreg $0xFFFFFFFF  }
0xbc: {  	[dreg:$0x0] =	wrdreg $0x60  }
0xbd: {  	[dreg:$0x2] =	wrdreg s24  }
0xbe: {  	[dreg:$0x3] =	wrdreg $0xA  }
0xbf: {  	_ =	task.clear_ibuf [dreg:s22], $0x4FFFF;
	_ =	strace $0x90000049  }
0xc0: {  	s29 =	simm.s32 $0xA;
	_ =	strace $0x8000004B  }
0xc1: {  	_ =	swait.ge [sflag:s29], $0x1  }
0xc2: {  	[sflag:s29] =	ssyncadd.s32 $0xFFFFFFFF  }
0xc3: {  	_ =	strace $0x9000004B  }
0xc4: {  	_ =	sfence  }
0xc5: {  	s30 =	sld [smem:$0x0];
	_ =	sdelay $0x2  }
0xc6: {  	s31 =	sshll.u32 s1, $0xD;
	s1 =	sshrl.u32 s1, $0x2  }
0xc7: {  	s4 =	sand.u32 $0x4000, s31;
	s1 =	sadd.s32 s1, s30  }
0xc8: {  	s0 =	sor.u32 s4, s0;
	s1 =	sshll.u32 s1, $0x11  }
0xc9: {  	s0 =	sor.u32 s1, s0  }
0xca: {  	s0 =	sadd.s32 $0x8F2B, s0  }
0xcb: {  	[sflag:s0] =	ssyncadd.remote.s32 $0x1  }
0xcc: {  	_ =	sfence.sel $0xFFFF  }
0xcd: {  	[dreg:$0x0] =	wrdreg $0xFFFFFFFF;
	(pc) =	sbr.abs _section_cstart, $3  }
0xce: {  	[dreg:$0x1] =	wrdreg $0xFFFFFFFF  }
0xcf: {  	_ =	task.clear_ibuf [dreg:s22], $0x2FFFF;
	_ =	strace $0x9FFFFFFF  }
0xd0: {  	(tm) =	ssettm $0x7FFFFFFF  }
0xd1: {  	_ =	shalt  }
tec
execute0_lowered:
.L_overlay_start_1:
0x0: {  	(tag) =	ssettag $0x1  }
0x1: {  	s0 =	rddreg [dreg:$0x0];
	s1 =	simm.s32 $0x0  }
0x2: {  	s26 =	srdreg.scid;
	s17 =	simm.s32 $0x1;
	s18 =	simm.s32 $0x1A700  }
0x3: {  	s19 =	simm.s32 $0x19380;
	s20 =	simm.s32 $0x19A00;
	s21 =	simm.s32 $0x1A080  }
0x4: {  	s22 =	simm.s32 $0x1AD80;
	s23 =	simm.s32 $0x1B580;
	s24 =	simm.s32 $0x1BD80  }
0x5: {  	s25 =	simm.s32 $0x1C580;
	[smem:$0x7FF] =	sst s1;
	s2 =	sadd.s32 $0xA600, s0  }
0x6: {  	s3 =	sadd.s32 $0x5400, s0;
	s4 =	sadd.s32 $0x400, s0;
	s1 =	sand.u32 $0x1, s26  }
0x7: {  	s5 =	sadd.s32 $0x6A800, s0;
	s6 =	sadd.s32 $0x65800, s0;
	s29 =	sadd.s32 $0x3CD600, s0  }
0x8: {  	s30 =	sadd.s32 $0x325600, s0;
	_ =	strace $0x8000004A;
	[dreg:$0x2] =	wrdreg s3  }
.Ltmp0:
0x9: {  	s7 =	ssub.s32 $0x2, s1;
	[dreg:$0x3] =	wrdreg s29;
	(pc) =	sbr.rel .LBB2_1-.Ltmp0, $4  }
0xa: {  	v0 =	vimm.f32 $0.0e+00;
	v1 =	vimm.s32 $0x0;
	s0 =	sadd.s32 $0x379600, s0;
	[dreg:$0x4] =	wrdreg s30;
	s8 =	sshrl.u32 s7, $0x1  }
0xb: {  	v5 =	vlaneseq.u32;
	vm0 =	vmmov $0xffff;
	v6 =	vimm.s32 $0x0;
	[dreg:$0x5] =	wrdreg s0;
	s1 =	sshll.u32 s1, $0x4;
	s31 =	ssub.s32 s7, s8  }
0xc: {  	v2 =	vimm.s32 $0x70;
	s28 =	simm.s32 $0x1D580;
	v4 =	vshrl.u32 v5, $0x3;
	v6 =	vsel vm0, $0xFFFFFFFF, v6;
	[dreg:$0x6] =	wrdreg s1;
	s0 =	smax.u32 s31, $0x1  }
0xd: {  	v3 =	vand.u32 $0x7, v5;
	s26 =	simm.s32 $0x1CD80;
	v5 =	vor.u32 $0x8, v5;
	v4 =	vmul.u32 $0x8, v4;
	[tilespmem:$0x1FFF0] =	vst v6;
	s1 =	simm.s32 $0x0;
	[dreg:$0x7] =	wrdreg s0  }
.LBB2_14:
0xe: {  	s1 =	rddreg [dreg:$0x8]  }
0xf: {  	s0 =	rddreg [dreg:$0x7];
	s1 =	sadd.s32 $0x1, s1  }
0x10: {  	p0 =	sne.s32 s1, s0  }
.Ltmp1:
0x11: {  	_ = 	snop;
	(pc) =	sbr.rel @!p0 .LBB2_15-.Ltmp1, $1  }
0x12: {  	_ =	sdelay $0x3  }
.LBB2_1:
.Ltmp2:
0x13: {  	(pc) =	sbr.rel .LBB2_2-.Ltmp2, $2  }
0x14: {  	_ =	sdelay $0x2  }
0x15: {  	[dreg:$0x8] =	wrdreg s1;
	s3 =	simm.s32 $0x0  }
.LBB2_13:
0x16: {  	s0 =	rddreg [dreg:$0xa]  }
0x17: {  	s0 =	smul.u32 $0xE00, s0  }
0x18: {  	s1 =	rddreg [dreg:$0x3];
	s3 =	simm.s32 $0x0  }
0x19: {  	s7 =	simm.s32 $0x10000;
	s15 =	simm.s32 $0x2;
	s1 =	sadd.s32 s1, s0  }
0x1a: {  	[hbm4b:s1+s3] =	stream.linear.scatter [tilespmem:s7], [sflag:$0x2], $0x7000, $0x38;
	[tilespmem:$0x1E480] =	vst v63  }
0x1b: {  	_ =	swait.ge [sflag:s15], $0x7000  }
0x1c: {  	[sflag:s15] =	ssyncset.done $0x0;
	s16 =	rddreg [dreg:$0x4]  }
0x1d: {  	[sflag:s15] =	ssyncadd.s32 $0xFFFF9000;
	s1 =	sadd.s32 s16, s0  }
0x1e: {  	[hbm4b:s1+s3] =	stream.linear.scatter [tilespmem:s3], [sflag:$0x2], $0x7000, $0x38;
	[tilespmem:$0x1E480] =	vst v63  }
0x1f: {  	_ =	swait.ge [sflag:s15], $0x7000  }
0x20: {  	[sflag:s15] =	ssyncset.done $0x0;
	s29 =	rddreg [dreg:$0x5]  }
0x21: {  	s30 =	simm.s32 $0x8000;
	[sflag:s15] =	ssyncadd.s32 $0xFFFF9000;
	s0 =	sadd.s32 s29, s0  }
0x22: {  	[hbm4b:s0+s3] =	stream.linear.scatter [tilespmem:s30], [sflag:$0x2], $0x7000, $0x38;
	[tilespmem:$0x1E480] =	vst v63  }
0x23: {  	_ =	swait.ge [sflag:s15], $0x7000  }
0x24: {  	s31 =	rddreg [dreg:$0x9]  }
0x25: {  	s3 =	sadd.s32 $0x1, s31  }
0x26: {  	p0 =	sne.s32 s3, $0x3  }
.Ltmp3:
0x27: {  	_ = 	snop;
	(pc) =	sbr.rel @!p0 .LBB2_14-.Ltmp3, $3  }
0x28: {  	_ =	sdelay $0x1  }
0x29: {  	[sflag:s15] =	ssyncset.done $0x0  }
0x2a: {  	[sflag:s15] =	ssyncadd.s32 $0xFFFF9000  }
.LBB2_2:
0x2b: {  	s0 =	simm.s32 $0x40;
	s1 =	simm.s32 $0x0  }
.LBB2_3:
0x2c: {  	p0 =	seq.s32 s0, $0x1FFC0;
	[tilespmem:s1+$0x8000] =	vst v0;
	s7 =	smov.u32 s0;
	s0 =	sadd.s32 $0x40, s0  }
.Ltmp4:
0x2d: {  	[tilespmem:s1+$0x10000] =	vst v0;
	(pc) =	sbr.rel @!p0 .LBB2_3-.Ltmp4, $2  }
0x2e: {  	[tilespmem:s1+$0x0] =	vst v0;
	_ =	sdelay $0x2  }
0x2f: {  	s1 =	sshra.s32 s7, $0x2  }
0x30: {  	s0 =	sshll.u32 s3, $0x5;
	s16 =	rddreg [dreg:$0x6]  }
0x31: {  	s30 =	stileid.u32;
	s0 =	sor.u32 s0, s16  }
.Ltmp5:
0x32: {  	s0 =	sor.u32 s30, s0;
	(pc) =	sbr.rel .LBB2_5-.Ltmp5, $4  }
0x33: {  	[dreg:$0xa] =	wrdreg s0;
	s0 =	smul.u32 $0x70, s0  }
0x34: {  	[tilespmem:s1+$0x8000] =	vst v0  }
0x35: {  	[tilespmem:s1+$0x10000] =	vst v0;
	s31 =	sadd.s32 $0x70, s0  }
0x36: {  	[tilespmem:s1+$0x0] =	vst v0;
	[dreg:$0x9] =	wrdreg s3;
	s7 =	simm.s32 $0x0;
	s29 =	simm.s32 $0x0;
	v6 =	vmov s0;
	v7 =	vmov s31  }
.LBB2_12:
0x37: {  	s29 =	sadd.s32 $0x1, s29  }
0x38: {  	p0 =	sne.s32 s29, $0x64  }
.Ltmp6:
0x39: {  	_ = 	snop;
	(pc) =	sbr.rel @!p0 .LBB2_13-.Ltmp6, $1  }
0x3a: {  	_ =	sdelay $0x3  }
.LBB2_5:
0x3b: {  	s0 =	smul.u32 $0xC8, s29  }
0x3c: {  	s1 =	rddreg [dreg:$0x2]  }
0x3d: {  	s3 =	simm.s32 $0x1DD80;
	s1 =	sadd.s32 s1, s0  }
0x3e: {  	[tilespmem:s3], [sflag:$0x1] =	stream.linear.gather [hbm4b:s1+s7], $0x640, $0x38;
	[tilespmem:$0x1E480] =	vst v63  }
0x3f: {  	s16 =	simm.s32 $0x18000;
	s15 =	sadd.s32 s4, s0  }
0x40: {  	[tilespmem:s16], [sflag:$0x1] =	stream.linear.gather [hbm4b:s15+s7], $0x640, $0x38;
	[tilespmem:$0x1E480] =	vst v63  }
0x41: {  	s31 =	simm.s32 $0x18680;
	s30 =	sadd.s32 s5, s0  }
0x42: {  	[tilespmem:s31], [sflag:$0x1] =	stream.linear.gather [hbm4b:s30+s7], $0x640, $0x38;
	[tilespmem:$0x1E480] =	vst v63  }
0x43: {  	s0 =	sadd.s32 s6, s0;
	s3 =	simm.s32 $0x18D00  }
0x44: {  	[tilespmem:s3], [sflag:$0x1] =	stream.linear.gather [hbm4b:s0+s7], $0x640, $0x38;
	[tilespmem:$0x1E480] =	vst v63  }
0x45: {  	_ =	swait.ge [sflag:s17], $0x640  }
0x46: {  	[sflag:s17] =	ssyncset.done $0x0  }
0x47: {  	[sflag:s17] =	ssyncadd.s32 $0xFFFFF9C0  }
0x48: {  	_ =	swait.ge [sflag:s17], $0x640  }
0x49: {  	[sflag:s17] =	ssyncset.done $0x0  }
0x4a: {  	[sflag:s17] =	ssyncadd.s32 $0xFFFFF9C0  }
0x4b: {  	_ =	swait.ge [sflag:s17], $0x640  }
0x4c: {  	[sflag:s17] =	ssyncset.done $0x0  }
0x4d: {  	[sflag:s17] =	ssyncadd.s32 $0xFFFFF9C0  }
0x4e: {  	_ =	swait.ge [sflag:s17], $0x640  }
0x4f: {  	[sflag:s17] =	ssyncset.done $0x0  }
0x50: {  	s8 =	simm.s32 $0x18020;
	[sflag:s17] =	ssyncadd.s32 $0xFFFFF9C0  }
0x51: {  	v8 =	vld [tilespmem:s8+$0x0]  }
0x52: {  	v9 =	vld [tilespmem:s8+$0xFFFFFFE0]  }
0x53: {  	v10 =	vld [tilespmem:s8+$0xFFFFFFF0];
	_ =	sdelay $0x2  }
0x54: {  	v11 =	vld [tilespmem:s8+$0x10]  }
0x55: {  	vm0 =	vge.s32 v9, v6;
	vm1 =	vlt.s32 v9, v7;
	vm2 =	vge.s32 v8, v6  }
0x56: {  	vm3 =	vlt.s32 v10, v7;
	vm0 =	vmand vm0, vm1;
	vm1 =	vge.s32 v10, v6  }
0x57: {  	v12 =	vsel vm0, $0x1, v1;
	vm4 =	vmand vm1, vm3;
	vm1 =	vlt.s32 v8, v7  }
0x58: {  	v13 =	vsel vm4, $0x1, v1;
	vm2 =	vmand vm2, vm1;
	(xrf0) =	vadd.scan.msk.s32 $0xffff, v12  }
0x59: {  	vm3 =	vlt.s32 v11, v7;
	vm1 =	vge.s32 v11, v6;
	v12 =	vsel vm2, $0x1, v1;
	(xrf0) =	vadd.scan.msk.s32 $0xffff, v13  }
0x5a: {  	vm5 =	vmand vm1, vm3;
	(xrf0) =	vadd.scan.msk.s32 $0xffff, v12  }
0x5b: {  	v12 =	vsel vm5, $0x1, v1  }
0x5c: {  	(xrf0) =	vadd.scan.msk.s32 $0xffff, v12;
	_ =	sdelay $0x1  }
0x5d: {  	s9 =	simm.s32 $0x18060;
	v12, _, _ =	vpop (xrf0)  }
0x5e: {  	v16 =	vld [tilespmem:s9+$0x0];
	(v2sf) =	vpush v12, $0xF;
	v14, _, _ =	vpop (xrf0)  }
0x5f: {  	v18 =	vld [tilespmem:s9+$0xFFFFFFE0];
	(v2sf) =	vpush v14, $0xF;
	v17, _, _ =	vpop (xrf0)  }
0x60: {  	v19 =	vld [tilespmem:s9+$0xFFFFFFF0];
	(v2sf) =	vpush v17, $0xF  }
0x61: {  	v20 =	vmov s7;
	v15, _, _ =	vpop (xrf0)  }
0x62: {  	v20 =	vadd.s32 $0xFFFFFFFF, v20;
	(v2sf) =	vpush v15, $0xF  }
0x63: {  	v20 =	vbroadcast v20, $0x0;
	v13 =	vld [tilespmem:s9+$0x10]  }
0x64: {  	vm7 =	vge.s32 v16, v6;
	vm1 =	vge.s32 v18, v6;
	vm3 =	vlt.s32 v18, v7  }
0x65: {  	vm8 =	vlt.s32 v19, v7;
	vm1 =	vmand vm1, vm3;
	vm3 =	vge.s32 v19, v6  }
0x66: {  	vm0 =	vmmov vm0;
	vm3 =	vmand vm3, vm8;
	vm8 =	vlt.s32 v16, v7  }
0x67: {  	s10 =	simm.s32 $0x1DDA0;
	v21 =	vsel vm1, $0x1, v1;
	v22 =	vsel vm3, $0x1, v1;
	vm7 =	vmand vm7, vm8  }
0x68: {  	vm6 =	vge.s32 v13, v6;
	vm8 =	vlt.s32 v13, v7;
	(xrf0) =	vadd.scan.msk.s32 $0xffff, v21;
	v23 =	vadd.s32 v12, v20;
	v12 =	vld [tilespmem:s10+$0xFFFFFFE0]  }
0x69: {  	v20 =	vsel vm7, $0x1, v1;
	vm6 =	vmand vm6, vm8;
	(xrf0) =	vadd.scan.msk.s32 $0xffff, v22  }
0x6a: {  	v21 =	vsub.s32 v11, v6;
	v11 =	vsel vm6, $0x1, v1;
	(xrf0) =	vadd.scan.msk.s32 $0xffff, v20  }
0x6b: {  	(xrf0) =	vadd.scan.msk.s32 $0xffff, v11;
	_ =	sdelay $0x1  }
0x6c: {  	v20 =	vsub.s32 v8, v6;
	v8 =	vsub.s32 v9, v6;
	[tilespmem:v23+s18+$0x0] =	vst.idx.msk vm0, v12;
	s11 =	spop (v2sf)  }
0x6d: {  	s13 =	simm.s32 $0x186A0;
	v24 =	vsub.s32 v18, v6;
	vm14 =	vmmov vm0;
	v22 =	vsub.s32 v10, v6;
	v10, _, _ =	vpop (xrf0);
	[tilespmem:v23+s19+$0x0] =	vst.idx.msk vm0, v8;
	s1 =	sadd.s32 $0x0, s11;
	s8 =	spop (v2sf)  }
0x6e: {  	vm10 =	vmmov vm2;
	v25, _, _ =	vpop (xrf0);
	v26 =	vld [tilespmem:s13+$0xFFFFFFE0];
	(v2sf) =	vpush v10, $0xF;
	v9 =	vmov s1;
	s1 =	sadd.s32 s1, s8;
	s12 =	spop (v2sf)  }
0x6f: {  	vm5 =	vmmov vm5;
	v11 =	vsub.s32 v16, v6;
	v16, _, _ =	vpop (xrf0);
	(v2sf) =	vpush v25, $0xF;
	s9 =	sadd.s32 s1, s12  }
0x70: {  	v36, _, _ =	vpop (xrf0);
	(v2sf) =	vpush v16, $0xF;
	v8 =	vmov s1;
	s14 =	spop (v2sf);
	v12 =	vmov s9  }
0x71: {  	s15 =	simm.s32 $0x180A0;
	v27 =	vld [tilespmem:s10+$0x10];
	(v2sf) =	vpush v36, $0xF;
	s9 =	sadd.s32 s9, s14;
	v8 =	vadd.s32 $0xFFFFFFFF, v8;
	v12 =	vadd.s32 $0xFFFFFFFF, v12  }
0x72: {  	v28 =	vld [tilespmem:s15+$0x10];
	v18 =	vmov s9;
	v8 =	vbroadcast v8, $0x0;
	v12 =	vbroadcast v12, $0x0  }
0x73: {  	v30 =	vld [tilespmem:s10+$0x0];
	vm5 =	vmmov vm5;
	[tilespmem:v23+s20+$0x0] =	vst.idx.msk vm0, v26;
	vm0 =	vmmov vm7;
	v18 =	vadd.s32 $0xFFFFFFFF, v18  }
0x74: {  	v29 =	vbroadcast v18, $0x0;
	v17 =	vadd.s32 v17, v8;
	v18 =	vadd.s32 v15, v12;
	v12 =	vld [tilespmem:s15+$0x0]  }
0x75: {  	v9 =	vadd.s32 $0xFFFFFFFF, v9;
	v8 =	vimm.s32 $0x0;
	v15 =	vsub.s32 v19, v6;
	v19 =	vld [tilespmem:s15+$0xFFFFFFE0]  }
0x76: {  	vm4 =	vmmov vm4;
	v9 =	vbroadcast v9, $0x0;
	v8 =	vsel vm0, $0xFFFFFFFF, v8  }
0x77: {  	vm2 =	vmmov vm4;
	vm1 =	vmmov vm1;
	v10 =	vadd.s32 v10, v29;
	v29 =	vld [tilespmem:s15+$0xFFFFFFF0];
	[tilespmem:$0x1FFE0] =	vst v8  }
0x78: {  	vm4 =	vmmov vm3;
	vm3 =	vge.s32 v28, v6;
	v14 =	vadd.s32 v14, v9;
	v26 =	vld [tilespmem:s10+$0xFFFFFFF0]  }
0x79: {  	vm12 =	vmmov vm7;
	vm8 =	vmmov vm5;
	v9 =	vsub.s32 v28, v6;
	[tilespmem:v17+s18+$0x0] =	vst.idx.msk vm10, v30  }
0x7a: {  	vm13 =	vmmov vm6;
	s1 =	simm.s32 $0x1DDE0;
	[tilespmem:v18+s18+$0x0] =	vst.idx.msk vm5, v27;
	v8 =	vsub.s32 v12, v6;
	vm0 =	vge.s32 v19, v6  }
0x7b: {  	vm6 =	vmmov vm10;
	vm9 =	vlt.s32 v19, v7;
	vm11 =	vge.s32 v12, v6;
	v27 =	vld [tilespmem:s1+$0xFFFFFFE0];
	[tilespmem:v17+s19+$0x0] =	vst.idx.msk vm10, v20  }
0x7c: {  	[tilespmem:v18+s19+$0x0] =	vst.idx.msk vm5, v21;
	vm9 =	vmand vm0, vm9;
	vm0 =	vge.s32 v29, v6;
	vm5 =	vlt.s32 v29, v7  }
0x7d: {  	v21 =	vsel vm9, $0x1, v1;
	vm5 =	vmand vm0, vm5;
	vm0 =	vlt.s32 v12, v7;
	[tilespmem:v14+s18+$0x0] =	vst.idx.msk vm2, v26  }
0x7e: {  	s10 =	spop (v2sf);
	v12 =	vsel vm5, $0x1, v1;
	vm0 =	vmand vm11, vm0;
	vm11 =	vlt.s32 v28, v7;
	(xrf0) =	vadd.scan.msk.s32 $0xffff, v21;
	v28 =	vld [tilespmem:s13+$0x10]  }
0x7f: {  	v31 =	vld [tilespmem:s13+$0x0];
	s9 =	sadd.s32 s9, s10;
	s16 =	spop (v2sf);
	[tilespmem:v14+s19+$0x0] =	vst.idx.msk vm2, v22;
	v20 =	vsel vm0, $0x1, v1;
	vm3 =	vmand vm3, vm11;
	(xrf0) =	vadd.scan.msk.s32 $0xffff, v12  }
0x80: {  	s0 =	simm.s32 $0x18D20;
	s30 =	spop (v2sf);
	v21 =	vsel vm3, $0x1, v1;
	(xrf0) =	vadd.scan.msk.s32 $0xffff, v20;
	[tilespmem:v10+s18+$0x0] =	vst.idx.msk vm1, v27;
	v20 =	vmov s9;
	s9 =	sadd.s32 s9, s16  }
0x81: {  	v13 =	vsub.s32 v13, v6;
	v37 =	vld [tilespmem:s0+$0xFFFFFFE0];
	s31 =	spop (v2sf);
	(xrf0) =	vadd.scan.msk.s32 $0xffff, v21;
	[tilespmem:v10+s19+$0x0] =	vst.idx.msk vm1, v24;
	v24 =	vmov s9;
	s9 =	sadd.s32 s9, s30  }
0x82: {  	vm13 =	vmmov vm13;
	v19 =	vsub.s32 v19, v6;
	v22 =	vld [tilespmem:s13+$0xFFFFFFF0];
	v27 =	vmov s9;
	s9 =	sadd.s32 s9, s31  }
0x83: {  	v12 =	vsub.s32 v29, v6;
	v20 =	vadd.s32 $0xFFFFFFFF, v20;
	v21 =	vld [tilespmem:s1+$0x0];
	[tilespmem:v18+s20+$0x0] =	vst.idx.msk vm8, v28;
	v28 =	vmov s9  }
0x84: {  	s8 =	simm.s32 $0x186E0;
	vm11 =	vmmov vm7;
	[tilespmem:v17+s20+$0x0] =	vst.idx.msk vm6, v31;
	v31 =	vld [tilespmem:s1+$0x10];
	v26 =	vbroadcast v20, $0x0;
	v29, _, _ =	vpop (xrf0);
	v28 =	vadd.s32 $0xFFFFFFFF, v28  }
0x85: {  	s10 =	simm.s32 $0x180E0;
	v30 =	vld [tilespmem:s8+$0xFFFFFFE0];
	v20 =	vadd.s32 $0xFFFFFFFF, v24;
	v33 =	vadd.s32 $0xFFFFFFFF, v27;
	(v2sf) =	vpush v29, $0xF;
	v24, _, _ =	vpop (xrf0)  }
0x86: {  	v35 =	vbroadcast v20, $0x0;
	v20 =	vld [tilespmem:s10+$0x10];
	v38 =	vbroadcast v33, $0x0;
	(v2sf) =	vpush v24, $0xF;
	v27, _, _ =	vpop (xrf0)  }
0x87: {  	[tilespmem:v23+s21+$0x0] =	vst.idx.msk vm14, v37;
	vm7 =	vmmov vm3;
	v32 =	vld [tilespmem:s0+$0x10];
	v34 =	vbroadcast v28, $0x0;
	(v2sf) =	vpush v27, $0xF;
	v28, _, _ =	vpop (xrf0)  }
0x88: {  	s11 =	simm.s32 $0xC;
	v33 =	vld [tilespmem:s0+$0x0];
	[tilespmem:v14+s20+$0x0] =	vst.idx.msk vm2, v22;
	v22 =	vadd.s32 v25, v26;
	v26 =	vadd.s32 v36, v38;
	(v2sf) =	vpush v28, $0xF  }
.LBB2_6:
0x89: {  	v36 =	vmov v24;
	v24 =	vld [tilespmem:$0x1FFE0];
	_ =	sdelay $0x1  }
0x8a: {  	vm10 =	vmmov vm0;
	v25 =	vld [tilespmem:s10+$0x0];
	v23 =	vmov v10;
	v37 =	vmov v28  }
0x8b: {  	v28 =	vmovc v14;
	v14 =	vmov v22;
	v22 =	vld [tilespmem:s10+$0xFFFFFFF0];
	vm14 =	vmmov vm1;
	[tilespmem:v10+s20+$0x0] =	vst.idx.msk vm1, v30;
	v30 =	vadd.s32 v16, v35  }
0x8c: {  	vm15 =	vmmov vm2;
	vm2 =	vmmov vm4;
	v10 =	vadd.s32 v29, v34;
	[tilespmem:v17+s21+$0x0] =	vst.idx.msk vm6, v33;
	v29 =	vld [tilespmem:s10+$0xFFFFFFE0];
	v17 =	vmovc v30  }
0x8d: {  	vm4 =	vmmov vm5;
	[tilespmem:v18+s21+$0x0] =	vst.idx.msk vm8, v32;
	vm1 =	vmmov vm9;
	vm0 =	vnez.u8 v24;
	v30 =	vld [tilespmem:s1+$0xFFFFFFF0]  }
0x8e: {  	v16 =	vmovc v27;
	v27 =	vimm.s32 $0x0;
	[tilespmem:v26+s18+$0x0] =	vst.idx.msk vm13, v31;
	vm6 =	vmmov vm0;
	vm0 =	vmmov vm10  }
0x8f: {  	vm3 =	vge.s32 v20, v6;
	v24 =	vsub.s32 v20, v6;
	[tilespmem:v26+s19+$0x0] =	vst.idx.msk vm13, v13;
	v27 =	vsel vm0, $0xFFFFFFFF, v27  }
0x90: {  	vm8 =	vmmov vm13;
	v13 =	vmovc v9;
	vm13 =	vge.s32 v25, v6;
	[tilespmem:$0x1FFE0] =	vst v27;
	v27 =	vsub.s32 v25, v6  }
0x91: {  	v62 =	vld [tilespmem:s0+$0xFFFFFFF0];
	s1 =	sadd.s32 $0x40, s1;
	v9 =	vmov v24;
	vm0 =	vge.s32 v29, v6;
	vm5 =	vlt.s32 v29, v7;
	[tilespmem:v17+s18+$0x0] =	vst.idx.msk vm12, v21  }
0x92: {  	v24 =	vld [tilespmem:s1+$0xFFFFFFE0];
	[tilespmem:v14+s18+$0x0] =	vst.idx.msk vm2, v30;
	vm9 =	vmand vm0, vm5;
	vm0 =	vge.s32 v22, v6;
	vm5 =	vlt.s32 v22, v7  }
0x93: {  	[tilespmem:v17+s19+$0x0] =	vst.idx.msk vm11, v11;
	v21 =	vsel vm9, $0x1, v1;
	vm5 =	vmand vm0, vm5;
	vm0 =	vlt.s32 v25, v7  }
0x94: {  	v18 =	vmovc v26;
	v26 =	vld [tilespmem:s8+$0x10];
	vm11 =	vlt.s32 v20, v7;
	v25 =	vsel vm5, $0x1, v1;
	vm0 =	vmand vm13, vm0;
	(xrf0) =	vadd.scan.msk.s32 $0xffff, v21  }
0x95: {  	vm12 =	vmmov vm10;
	vm3 =	vmand vm3, vm11;
	v21 =	vsel vm0, $0x1, v1;
	(xrf0) =	vadd.scan.msk.s32 $0xffff, v25  }
0x96: {  	s0 =	sadd.s32 $0x40, s0;
	v11 =	vmovc v8;
	v8 =	vmov v27;
	s12 =	spop (v2sf);
	[tilespmem:v14+s19+$0x0] =	vst.idx.msk vm2, v15;
	v20 =	vld [tilespmem:s8+$0x0];
	v25 =	vsel vm3, $0x1, v1;
	(xrf0) =	vadd.scan.msk.s32 $0xffff, v21  }
0x97: {  	s11 =	sadd.s32 $0x4, s11;
	v38 =	vld [tilespmem:s0+$0xFFFFFFE0];
	v27 =	vsub.s32 v29, v6;
	v22 =	vsub.s32 v22, v6;
	[tilespmem:v10+s18+$0x0] =	vst.idx.msk vm1, v24;
	s9 =	sadd.s32 s9, s12;
	s16 =	spop (v2sf);
	(xrf0) =	vadd.scan.msk.s32 $0xffff, v25  }
0x98: {  	v15 =	vmovc v12;
	v12 =	vmovc v22;
	vm11 =	vmmov vm10;
	v22 =	vld [tilespmem:s8+$0xFFFFFFF0];
	[tilespmem:v10+s19+$0x0] =	vst.idx.msk vm1, v19;
	s8 =	sadd.s32 $0x40, s8;
	s30 =	spop (v2sf);
	vm13 =	vmmov vm7;
	v21 =	vmov s9;
	s9 =	sadd.s32 s9, s16  }
0x99: {  	p0 =	slt.u32 s11, $0x60;
	v19 =	vmovc v27;
	[tilespmem:v18+s20+$0x0] =	vst.idx.msk vm8, v26;
	vm7 =	vmmov vm3;
	v30 =	vld [tilespmem:s8+$0xFFFFFFE0];
	s31 =	spop (v2sf);
	v31 =	vadd.s32 $0xFFFFFFFF, v21;
	v25 =	vmov s9;
	s9 =	sadd.s32 s9, s30  }
.Ltmp7:
0x9a: {  	v32 =	vld [tilespmem:s0+$0x10];
	v39 =	vbroadcast v31, $0x0;
	v25 =	vadd.s32 $0xFFFFFFFF, v25;
	v63 =	vmov s9;
	s9 =	sadd.s32 s9, s31;
	v29, _, _ =	vpop (xrf0);
	(pc) =	sbr.rel @p0 .LBB2_6-.Ltmp7, $4  }
0x9b: {  	v21 =	vld [tilespmem:s1+$0x0];
	[tilespmem:v17+s20+$0x0] =	vst.idx.msk vm6, v20;
	v26 =	vmov s9;
	v31 =	vadd.s32 $0xFFFFFFFF, v63;
	(v2sf) =	vpush v29, $0xF;
	v24, _, _ =	vpop (xrf0)  }
0x9c: {  	[tilespmem:v28+s21+$0x0] =	vst.idx.msk vm15, v62;
	v33 =	vld [tilespmem:s0+$0x0];
	v20 =	vadd.s32 $0xFFFFFFFF, v26;
	v26 =	vbroadcast v31, $0x0;
	(v2sf) =	vpush v24, $0xF;
	v27, _, _ =	vpop (xrf0)  }
0x9d: {  	s10 =	sadd.s32 $0x40, s10;
	[tilespmem:v14+s20+$0x0] =	vst.idx.msk vm2, v22;
	v35 =	vbroadcast v25, $0x0;
	v31 =	vld [tilespmem:s1+$0x10];
	v22 =	vadd.s32 v36, v39;
	(v2sf) =	vpush v27, $0xF;
	v28, _, _ =	vpop (xrf0)  }
0x9e: {  	[tilespmem:v23+s21+$0x0] =	vst.idx.msk vm14, v38;
	v34 =	vbroadcast v20, $0x0;
	v20 =	vld [tilespmem:s10+$0x10];
	v26 =	vadd.s32 v37, v26;
	(v2sf) =	vpush v28, $0xF  }
0x9f: {  	v36 =	vld [tilespmem:s10+$0xFFFFFFE0]  }
0xa0: {  	v23 =	vld [tilespmem:s10+$0xFFFFFFF0];
	_ =	sdelay $0x1  }
0xa1: {  	v25 =	vld [tilespmem:s10+$0x0];
	_ =	sdelay $0x1  }
0xa2: {  	vm3 =	vge.s32 v36, v6;
	vm10 =	vlt.s32 v36, v7  }
0xa3: {  	vm14 =	vge.s32 v23, v6;
	vm15 =	vlt.s32 v23, v7;
	vm10 =	vmand vm3, vm10  }
0xa4: {  	[tilespmem:v10+s20+$0x0] =	vst.idx.msk vm1, v30;
	v44 =	vadd.s32 v16, v35;
	vm14 =	vmand vm14, vm15;
	v37 =	vsel vm10, $0x1, v1  }
0xa5: {  	vm3 =	vge.s32 v25, v6;
	vm15 =	vlt.s32 v25, v7;
	v42 =	vsel vm14, $0x1, v1;
	(xrf0) =	vadd.scan.msk.s32 $0xffff, v37  }
0xa6: {  	[tilespmem:v18+s21+$0x0] =	vst.idx.msk vm8, v32;
	vm15 =	vmand vm3, vm15;
	(xrf0) =	vadd.scan.msk.s32 $0xffff, v42  }
0xa7: {  	[tilespmem:v17+s21+$0x0] =	vst.idx.msk vm6, v33;
	v43 =	vsel vm15, $0x1, v1  }
0xa8: {  	vm8 =	vmmov vm4;
	[tilespmem:v26+s18+$0x0] =	vst.idx.msk vm13, v31;
	(xrf0) =	vadd.scan.msk.s32 $0xffff, v43  }
0xa9: {  	v45 =	vld [tilespmem:s1+$0xFFFFFFF0];
	vm4 =	vmmov vm9;
	s30 =	sadd.s32 $0x40, s1;
	[tilespmem:v26+s19+$0x0] =	vst.idx.msk vm13, v13  }
0xaa: {  	v16 =	vadd.s32 v29, v34;
	v47 =	vld [tilespmem:s30+$0xFFFFFFE0];
	[tilespmem:v44+s18+$0x0] =	vst.idx.msk vm12, v21  }
0xab: {  	vm9 =	vmmov vm2;
	v21 =	vld [tilespmem:$0x1FFE0];
	v46, _, _ =	vpop (xrf0)  }
0xac: {  	v50 =	vld [tilespmem:s0+$0xFFFFFFF0];
	(v2sf) =	vpush v46, $0xF;
	v31, _, _ =	vpop (xrf0)  }
0xad: {  	[tilespmem:v44+s19+$0x0] =	vst.idx.msk vm11, v11;
	(v2sf) =	vpush v31, $0xF  }
0xae: {  	v49 =	vld [tilespmem:s8+$0x10];
	[tilespmem:v22+s18+$0x0] =	vst.idx.msk vm8, v45;
	v48, _, _ =	vpop (xrf0)  }
0xaf: {  	vm1 =	vmmov vm1;
	s13 =	sadd.s32 $0x40, s0;
	[tilespmem:v16+s18+$0x0] =	vst.idx.msk vm4, v47;
	s3 =	spop (v2sf);
	(v2sf) =	vpush v48, $0xF  }
0xb0: {  	v52 =	vld [tilespmem:s13+$0xFFFFFFE0];
	vm6 =	vmmov vm13;
	[tilespmem:v22+s19+$0x0] =	vst.idx.msk vm8, v15;
	vm3 =	vnez.u8 v21;
	s11 =	spop (v2sf);
	s9 =	sadd.s32 s9, s3  }
0xb1: {  	vm12 =	vmmov vm0;
	[tilespmem:v14+s21+$0x0] =	vst.idx.msk vm9, v50;
	v51 =	vld [tilespmem:s8+$0xFFFFFFF0];
	vm3 =	vmmov vm3;
	s12 =	spop (v2sf);
	s11 =	sadd.s32 s9, s11;
	v58 =	vmov s9  }
0xb2: {  	s14 =	sadd.s32 $0x40, s8;
	vm0 =	vge.s32 v20, v6;
	v11 =	vld [tilespmem:s8+$0x0];
	[tilespmem:v16+s19+$0x0] =	vst.idx.msk vm4, v19;
	s12 =	sadd.s32 s11, s12;
	v55 =	vmov s11;
	v14 =	vadd.s32 $0xFFFFFFFF, v58  }
0xb3: {  	v54 =	vld [tilespmem:s14+$0xFFFFFFE0];
	[tilespmem:v26+s20+$0x0] =	vst.idx.msk vm13, v49;
	v53 =	vmov s12;
	v21 =	vadd.s32 $0xFFFFFFFF, v55;
	v14 =	vbroadcast v14, $0x0  }
0xb4: {  	vm11 =	vmmov vm5;
	v56 =	vld [tilespmem:s13+$0x10];
	v19 =	vadd.s32 $0xFFFFFFFF, v53;
	v59 =	vbroadcast v21, $0x0  }
0xb5: {  	v32 =	vld [tilespmem:s30+$0xFFFFFFF0];
	[tilespmem:v10+s21+$0x0] =	vst.idx.msk vm1, v52;
	vm13 =	vlt.s32 v20, v7;
	v19 =	vbroadcast v19, $0x0;
	v14 =	vadd.s32 v24, v14  }
0xb6: {  	vm2 =	vmmov vm7;
	v62 =	vld [tilespmem:s30+$0x0];
	vm7 =	vmand vm0, vm13;
	[tilespmem:v22+s20+$0x0] =	vst.idx.msk vm8, v51;
	v17 =	vadd.s32 v27, v59  }
0xb7: {  	[tilespmem:v44+s20+$0x0] =	vst.idx.msk vm3, v11;
	v61 =	vadd.s32 v28, v19;
	v28 =	vsel vm7, $0x1, v1  }
0xb8: {  	[tilespmem:v16+s20+$0x0] =	vst.idx.msk vm4, v54;
	s15 =	spop (v2sf);
	v57 =	vld [tilespmem:s13+$0x0];
	(xrf0) =	vadd.scan.msk.s32 $0xffff, v28  }
0xb9: {  	v60 =	vld [tilespmem:s30+$0x10];
	s8 =	sadd.s32 s12, s15;
	[tilespmem:v26+s21+$0x0] =	vst.idx.msk vm6, v56  }
0xba: {  	v63 =	vmov s8;
	[tilespmem:v14+s18+$0x0] =	vst.idx.msk vm11, v32  }
0xbb: {  	s10 =	sadd.s32 $0x40, s30;
	vm5 =	vmmov vm8;
	v15 =	vadd.s32 $0xFFFFFFFF, v63;
	[tilespmem:v17+s18+$0x0] =	vst.idx.msk vm12, v62;
	s16 =	spop (v2sf)  }
0xbc: {  	s0 =	sadd.s32 $0x40, s13;
	vm4 =	vmmov vm4;
	v39 =	vld [tilespmem:s13+$0xFFFFFFF0];
	v15 =	vbroadcast v15, $0x0;
	[tilespmem:v14+s19+$0x0] =	vst.idx.msk vm11, v12;
	s9 =	sadd.s32 s8, s16;
	s30 =	spop (v2sf)  }
0xbd: {  	vm0 =	vmmov vm11;
	v51 =	vld [tilespmem:s0+$0xFFFFFFE0];
	[tilespmem:v44+s21+$0x0] =	vst.idx.msk vm3, v57;
	s3 =	sadd.s32 s9, s30  }
0xbe: {  	v34 =	vld [tilespmem:s10+$0xFFFFFFE0];
	v33 =	vadd.s32 v46, v15;
	[tilespmem:v61+s18+$0x0] =	vst.idx.msk vm2, v60;
	vm3 =	vmmov vm2;
	v41, _, _ =	vpop (xrf0);
	s12 =	spop (v2sf);
	v38 =	vmov s3  }
0xbf: {  	[tilespmem:v17+s19+$0x0] =	vst.idx.msk vm12, v8;
	(v2sf) =	vpush v41, $0xF;
	v43 =	vmov s9;
	s8 =	sadd.s32 s3, s12;
	v18 =	vadd.s32 $0xFFFFFFFF, v38  }
0xc0: {  	v42 =	vld [tilespmem:s14+$0xFFFFFFF0];
	[tilespmem:v61+s19+$0x0] =	vst.idx.msk vm2, v9;
	v46 =	vadd.s32 $0xFFFFFFFF, v43;
	v8 =	vmov s8;
	v44 =	vbroadcast v18, $0x0  }
0xc1: {  	vm13 =	vmmov vm14;
	[tilespmem:v22+s21+$0x0] =	vst.idx.msk vm5, v39;
	v35 =	vld [tilespmem:s14+$0x10];
	v21 =	vbroadcast v46, $0x0;
	v8 =	vadd.s32 $0xFFFFFFFF, v8  }
0xc2: {  	v47 =	vld [tilespmem:s10+$0x0];
	vm9 =	vmmov vm7;
	[tilespmem:v16+s21+$0x0] =	vst.idx.msk vm4, v51;
	v8 =	vbroadcast v8, $0x0;
	v12 =	vadd.s32 v48, v44  }
0xc3: {  	v40 =	vsub.s32 v36, v6;
	v49 =	vld [tilespmem:s10+$0xFFFFFFF0];
	vm6 =	vmmov vm9;
	[tilespmem:v33+s18+$0x0] =	vst.idx.msk vm10, v34;
	v48 =	vadd.s32 v31, v21  }
0xc4: {  	v45 =	vld [tilespmem:s10+$0x10];
	[tilespmem:v33+s19+$0x0] =	vst.idx.msk vm10, v40;
	v8 =	vadd.s32 v41, v8  }
0xc5: {  	[tilespmem:v14+s20+$0x0] =	vst.idx.msk vm0, v42  }
0xc6: {  	[tilespmem:v61+s20+$0x0] =	vst.idx.msk vm3, v35  }
0xc7: {  	vm2 =	vmmov vm12;
	[tilespmem:v12+s18+$0x0] =	vst.idx.msk vm15, v47  }
0xc8: {  	s1 =	sadd.s32 $0x40, s14;
	vm1 =	vmmov vm10;
	v37 =	vld [tilespmem:s14+$0x0];
	[tilespmem:v48+s18+$0x0] =	vst.idx.msk vm13, v49  }
0xc9: {  	v52 =	vsub.s32 v25, v6;
	vm12 =	vmmov vm15;
	v53 =	vld [tilespmem:s1+$0xFFFFFFE0];
	[tilespmem:v8+s18+$0x0] =	vst.idx.msk vm6, v45  }
0xca: {  	v55 =	vsub.s32 v23, v6;
	vm7 =	vmmov vm12;
	v54 =	vld [tilespmem:s0+$0x10];
	[tilespmem:v12+s19+$0x0] =	vst.idx.msk vm15, v52  }
0xcb: {  	v50 =	vsub.s32 v20, v6;
	[tilespmem:v48+s19+$0x0] =	vst.idx.msk vm13, v55;
	v57 =	vld [tilespmem:s1+$0x0]  }
0xcc: {  	[tilespmem:v8+s19+$0x0] =	vst.idx.msk vm6, v50;
	vm6 =	vmmov vm6;
	v58 =	vld [tilespmem:s1+$0xFFFFFFF0]  }
0xcd: {  	vm0 =	vmmov vm0;
	[tilespmem:v17+s20+$0x0] =	vst.idx.msk vm2, v37;
	v56 =	vld [tilespmem:s1+$0x10]  }
0xce: {  	v60 =	vld [tilespmem:s0+$0xFFFFFFF0];
	[tilespmem:v33+s20+$0x0] =	vst.idx.msk vm1, v53  }
0xcf: {  	v59 =	vld [tilespmem:s0+$0x0];
	vm1 =	vmmov vm1;
	s0 =	sadd.s32 $0x40, s0;
	[tilespmem:v61+s21+$0x0] =	vst.idx.msk vm3, v54;
	s13 =	spop (v2sf)  }
0xd0: {  	v61 =	vld [tilespmem:s0+$0xFFFFFFE0];
	s14 =	sadd.s32 s8, s13;
	[tilespmem:v12+s20+$0x0] =	vst.idx.msk vm7, v57  }
0xd1: {  	vm14 =	vmmov vm13;
	s1 =	sadd.s32 $0x2F, s14;
	[tilespmem:v48+s20+$0x0] =	vst.idx.msk vm13, v58;
	v63 =	vld [tilespmem:s0+$0x0]  }
0xd2: {  	s15 =	smulhi.u32 $0x2AAAAAAB, s1;
	s16 =	sshra.s32 s1, $0x1F;
	[tilespmem:v8+s20+$0x0] =	vst.idx.msk vm6, v56;
	v16 =	vld [tilespmem:s0+$0xFFFFFFF0]  }
0xd3: {  	[tilespmem:v14+s21+$0x0] =	vst.idx.msk vm0, v60;
	s9 =	smul.u32 $0x2AAAAAAB, s16;
	v62 =	vld [tilespmem:s0+$0x10]  }
0xd4: {  	[tilespmem:v17+s21+$0x0] =	vst.idx.msk vm2, v59  }
0xd5: {  	[tilespmem:v33+s21+$0x0] =	vst.idx.msk vm1, v61;
	s8 =	sadd.s32 s9, s15  }
0xd6: {  	s9 =	sshrl.u32 s8, $0x1F;
	s8 =	sshra.s32 s8, $0x3;
	[tilespmem:v12+s21+$0x0] =	vst.idx.msk vm7, v63  }
0xd7: {  	s8 =	sadd.s32 s9, s8;
	[tilespmem:v48+s21+$0x0] =	vst.idx.msk vm14, v16  }
0xd8: {  	s9 =	smul.u32 $0xFFFFFFD0, s8;
	[tilespmem:v8+s21+$0x0] =	vst.idx.msk vm6, v62  }
0xd9: {  	s30 =	ssub.s32 $0xFFFFFFD1, s14;
	[tilespmem:s14+$0x1A700] =	vst v1  }
0xda: {  	p0 =	slt.s32 s1, $0x1;
	p1 =	sne.s32 s9, s30;
	[tilespmem:s14+$0x19380] =	vst v2  }
0xdb: {  	p0 =	por !p0, !p1;
	[tilespmem:s14+$0x19A00] =	vst v0  }
0xdc: {  	s1 =	simm.s32 $0x1;
	p0 =	por !p0, !p0;
	[tilespmem:s14+$0x1A080] =	vst v0  }
0xdd: {  	[tilespmem:s14+$0x1A710] =	vst v1;
	s1 =	simm.s32 @!p0 $0x0  }
0xde: {  	[tilespmem:s14+$0x19390] =	vst v2;
	s31 =	ssub.s32 s8, s1  }
0xdf: {  	[tilespmem:s14+$0x19A10] =	vst v0;
	v8 =	vld [tilespmem:$0x1FFF0];
	p0 =	slt.s32 s31, $0x1  }
.Ltmp8:
0xe0: {  	[tilespmem:s14+$0x1A090] =	vst v0;
	(pc) =	sbr.rel @p0 .LBB2_12-.Ltmp8, $4  }
0xe1: {  	[tilespmem:s14+$0x1A720] =	vst v1  }
0xe2: {  	[tilespmem:s14+$0x193A0] =	vst v2  }
0xe3: {  	[tilespmem:s14+$0x19A20] =	vst v0  }
0xe4: {  	vm3 =	vmmov vm14;
	[tilespmem:s14+$0x1A0A0] =	vst v0;
	vm0 =	vnez.u8 v8  }
0xe5: {  	s8 =	simm.s32 $0x0;
	s14 =	simm.s32 $0x19380  }
0xe6: {  	s15 =	simm.s32 $0x19A00;
	s11 =	simm.s32 $0x1A080;
	s1 =	simm.s32 $0x0  }
.LBB2_9:
0xe7: {  	s0 =	smul.u32 $0x30, s1;
	_ =	sdelay $0x1  }
0xe8: {  	v8 =	vld [tilespmem:s0+$0x1A700];
	_ =	sdelay $0x4  }
0xe9: {  	[tilespmem:$0x1E400] =	vst v8  }
0xea: {  	v9 =	vld [tilespmem:s0+$0x1A710];
	_ =	sdelay $0x1  }
0xeb: {  	v10 =	vshll.u32 v8, $0x1  }
0xec: {  	v8 =	vand.u32 $0x7, v8;
	v10 =	vand.u32 $0xFFFFFFF0, v10  }
0xed: {  	v8 =	vor.u32 v8, v10  }
0xee: {  	[tilespmem:$0x1E410] =	vst v9;
	v9 =	vperm.xlane v8, v3  }
0xef: {  	v10 =	vld [tilespmem:s0+$0x1A720]  }
0xf0: {  	v8 =	vperm.xlane v8, v5;
	v9 =	vadd.s32 v4, v9;
	_ =	sdelay $0x1  }
0xf1: {  	v8 =	vadd.s32 v4, v8;
	_ =	sdelay $0x1  }
0xf2: {  	[tilespmem:$0x1E420] =	vst v10  }
0xf3: {  	[tilespmem:s22], [sflag:$0x1] =	stream.indirect_vreg.gather [hbm4b:s2+s8], $0x80, v9, vm0, $0xb8;
	[tilespmem:$0x1E480] =	vst v63  }
0xf4: {  	_ = 	snop  }
0xf5: {  	[tilespmem:s23], [sflag:$0x1] =	stream.indirect_vreg.gather [hbm4b:s2+s8], $0x80, v8, vm0, $0xb8;
	[tilespmem:$0x1E480] =	vst v63  }
0xf6: {  	v8 =	vld [tilespmem:$0x1E410];
	_ =	sdelay $0x4  }
0xf7: {  	v9 =	vshll.u32 v8, $0x1  }
0xf8: {  	v8 =	vand.u32 $0x7, v8;
	v9 =	vand.u32 $0xFFFFFFF0, v9  }
0xf9: {  	v8 =	vor.u32 v8, v9  }
0xfa: {  	v9 =	vperm.xlane v8, v3;
	_ =	sdelay $0x1  }
0xfb: {  	v8 =	vperm.xlane v8, v5;
	v9 =	vadd.s32 v4, v9;
	_ =	sdelay $0x1  }
0xfc: {  	v8 =	vadd.s32 v4, v8;
	_ =	sdelay $0x2  }
0xfd: {  	[tilespmem:s24], [sflag:$0x1] =	stream.indirect_vreg.gather [hbm4b:s2+s8], $0x80, v9, vm0, $0xb8;
	[tilespmem:$0x1E480] =	vst v63  }
0xfe: {  	_ = 	snop  }
0xff: {  	[tilespmem:s25], [sflag:$0x1] =	stream.indirect_vreg.gather [hbm4b:s2+s8], $0x80, v8, vm0, $0xb8;
	[tilespmem:$0x1E480] =	vst v63  }
0x100: {  	v8 =	vld [tilespmem:$0x1E420];
	_ =	sdelay $0x4  }
0x101: {  	v9 =	vshll.u32 v8, $0x1  }
0x102: {  	v8 =	vand.u32 $0x7, v8;
	v9 =	vand.u32 $0xFFFFFFF0, v9  }
0x103: {  	v8 =	vor.u32 v8, v9  }
0x104: {  	v9 =	vperm.xlane v8, v3;
	_ =	sdelay $0x1  }
0x105: {  	v8 =	vperm.xlane v8, v5;
	v9 =	vadd.s32 v4, v9;
	_ =	sdelay $0x1  }
0x106: {  	v8 =	vadd.s32 v4, v8;
	_ =	sdelay $0x2  }
0x107: {  	[tilespmem:s26], [sflag:$0x1] =	stream.indirect_vreg.gather [hbm4b:s2+s8], $0x80, v9, vm0, $0xb8;
	[tilespmem:$0x1E480] =	vst v63  }
0x108: {  	_ = 	snop  }
0x109: {  	[tilespmem:s28], [sflag:$0x1] =	stream.indirect_vreg.gather [hbm4b:s2+s8], $0x80, v8, vm0, $0xb8;
	[tilespmem:$0x1E480] =	vst v63  }
0x10a: {  	_ =	swait.ge [sflag:s17], $0x3000  }
0x10b: {  	[sflag:s17] =	ssyncset.done $0x0  }
0x10c: {  	[sflag:s17] =	ssyncadd.s32 $0xFFFFD000  }
0x10d: {  	v8 =	vld [tilespmem:s14+$0x0];
	_ =	sdelay $0x4  }
0x10e: {  	(v2sf) =	vpush v8, $0x0;
	_ =	sdelay $0x6  }
0x10f: {  	s12 =	sand.u32 $0x3800, s8;
	s9 =	sand.u32 $0x380, s8  }
0x110: {  	s9 =	sor.u32 s9, s12  }
0x111: {  	v9 =	vld [tilespmem:s9+$0x1AD80]  }
0x112: {  	v8 =	vld.msk [tilespmem:s11+$0x0 ss:$0x0], $0xffff;
	_ =	sdelay $0x1  }
0x113: {  	v10 =	vld.msk [tilespmem:s15+$0x0 ss:$0x0], $0xffff;
	_ =	sdelay $0x2  }
0x114: {  	v11 =	vmul.f32 v8, v9;
	s13 =	spop (v2sf)  }
0x115: {  	s0 =	sshll.u32 s13, $0x8  }
0x116: {  	v12 =	vmul.f32 v9, v10;
	[tilespmem:s0+$0x8000] =	vst.add.f32.msk $0xffff, v11  }
0x117: {  	[tilespmem:s0+$0x10000] =	vst.add.f32.msk $0xffff, v9  }
0x118: {  	s9 =	sadd.s32 $0x1AD80, s9;
	[tilespmem:s0+$0x0] =	vst.add.f32.msk $0xffff, v12  }
0x119: {  	v9 =	vld [tilespmem:s9+$0x10];
	_ =	sdelay $0x4  }
0x11a: {  	v11 =	vmul.f32 v9, v10  }
0x11b: {  	s10 =	sor.u32 $0x10, s0;
	[tilespmem:s0+$0x10010] =	vst.add.f32.msk $0xffff, v9;
	v9 =	vmul.f32 v9, v8  }
0x11c: {  	[tilespmem:s10+$0x0] =	vst.add.f32.msk $0xffff, v11  }
0x11d: {  	[tilespmem:s0+$0x8010] =	vst.add.f32.msk $0xffff, v9  }
0x11e: {  	v9 =	vld [tilespmem:s9+$0x20];
	_ =	sdelay $0x4  }
0x11f: {  	v11 =	vmul.f32 v9, v10  }
0x120: {  	s16 =	sor.u32 $0x20, s0;
	[tilespmem:s0+$0x10020] =	vst.add.f32.msk $0xffff, v9;
	v9 =	vmul.f32 v9, v8  }
0x121: {  	[tilespmem:s16+$0x0] =	vst.add.f32.msk $0xffff, v11  }
0x122: {  	[tilespmem:s0+$0x8020] =	vst.add.f32.msk $0xffff, v9  }
0x123: {  	v9 =	vld [tilespmem:s9+$0x30];
	_ =	sdelay $0x4  }
0x124: {  	v11 =	vmul.f32 v9, v10  }
0x125: {  	s3 =	sor.u32 $0x30, s0;
	[tilespmem:s0+$0x10030] =	vst.add.f32.msk $0xffff, v9;
	v9 =	vmul.f32 v9, v8  }
0x126: {  	[tilespmem:s3+$0x0] =	vst.add.f32.msk $0xffff, v11  }
0x127: {  	[tilespmem:s0+$0x8030] =	vst.add.f32.msk $0xffff, v9  }
0x128: {  	v9 =	vld [tilespmem:s9+$0x40];
	_ =	sdelay $0x4  }
0x129: {  	v11 =	vmul.f32 v9, v10  }
0x12a: {  	s12 =	sor.u32 $0x40, s0;
	[tilespmem:s0+$0x10040] =	vst.add.f32.msk $0xffff, v9;
	v9 =	vmul.f32 v9, v8  }
0x12b: {  	[tilespmem:s12+$0x0] =	vst.add.f32.msk $0xffff, v11  }
0x12c: {  	[tilespmem:s0+$0x8040] =	vst.add.f32.msk $0xffff, v9  }
0x12d: {  	v9 =	vld [tilespmem:s9+$0x50];
	_ =	sdelay $0x4  }
0x12e: {  	v11 =	vmul.f32 v9, v10  }
0x12f: {  	s13 =	sor.u32 $0x50, s0;
	[tilespmem:s0+$0x10050] =	vst.add.f32.msk $0xffff, v9;
	v9 =	vmul.f32 v9, v8  }
0x130: {  	[tilespmem:s13+$0x0] =	vst.add.f32.msk $0xffff, v11  }
0x131: {  	[tilespmem:s0+$0x8050] =	vst.add.f32.msk $0xffff, v9  }
0x132: {  	v9 =	vld [tilespmem:s9+$0x60];
	_ =	sdelay $0x4  }
0x133: {  	v11 =	vmul.f32 v9, v10  }
0x134: {  	s16 =	sor.u32 $0x60, s0;
	[tilespmem:s0+$0x10060] =	vst.add.f32.msk $0xffff, v9;
	v9 =	vmul.f32 v9, v8  }
0x135: {  	[tilespmem:s16+$0x0] =	vst.add.f32.msk $0xffff, v11  }
0x136: {  	[tilespmem:s0+$0x8060] =	vst.add.f32.msk $0xffff, v9  }
0x137: {  	v9 =	vld [tilespmem:s9+$0x70];
	_ =	sdelay $0x4  }
0x138: {  	v11 =	vmul.f32 v9, v10  }
0x139: {  	s3 =	sor.u32 $0x70, s0;
	[tilespmem:s0+$0x10070] =	vst.add.f32.msk $0xffff, v9;
	v9 =	vmul.f32 v9, v8  }
0x13a: {  	[tilespmem:s3+$0x0] =	vst.add.f32.msk $0xffff, v11  }
0x13b: {  	[tilespmem:s0+$0x8070] =	vst.add.f32.msk $0xffff, v9  }
0x13c: {  	v9 =	vld [tilespmem:s9+$0x400];
	_ =	sdelay $0x4  }
0x13d: {  	v11 =	vmul.f32 v9, v10  }
0x13e: {  	s12 =	sor.u32 $0x80, s0;
	[tilespmem:s0+$0x10080] =	vst.add.f32.msk $0xffff, v9;
	v9 =	vmul.f32 v9, v8  }
0x13f: {  	[tilespmem:s12+$0x0] =	vst.add.f32.msk $0xffff, v11  }
0x140: {  	[tilespmem:s0+$0x8080] =	vst.add.f32.msk $0xffff, v9  }
0x141: {  	v9 =	vld [tilespmem:s9+$0x410];
	_ =	sdelay $0x4  }
0x142: {  	v11 =	vmul.f32 v9, v10  }
0x143: {  	s13 =	sor.u32 $0x90, s0;
	[tilespmem:s0+$0x10090] =	vst.add.f32.msk $0xffff, v9;
	v9 =	vmul.f32 v9, v8  }
0x144: {  	[tilespmem:s13+$0x0] =	vst.add.f32.msk $0xffff, v11  }
0x145: {  	[tilespmem:s0+$0x8090] =	vst.add.f32.msk $0xffff, v9  }
0x146: {  	v9 =	vld [tilespmem:s9+$0x420];
	_ =	sdelay $0x4  }
0x147: {  	v11 =	vmul.f32 v9, v10  }
0x148: {  	s16 =	sor.u32 $0xA0, s0;
	[tilespmem:s0+$0x100A0] =	vst.add.f32.msk $0xffff, v9;
	v9 =	vmul.f32 v9, v8  }
0x149: {  	[tilespmem:s16+$0x0] =	vst.add.f32.msk $0xffff, v11  }
0x14a: {  	[tilespmem:s0+$0x80A0] =	vst.add.f32.msk $0xffff, v9  }
0x14b: {  	v9 =	vld [tilespmem:s9+$0x430];
	_ =	sdelay $0x4  }
0x14c: {  	v11 =	vmul.f32 v9, v10  }
0x14d: {  	s3 =	sor.u32 $0xB0, s0;
	[tilespmem:s0+$0x100B0] =	vst.add.f32.msk $0xffff, v9;
	v9 =	vmul.f32 v9, v8  }
0x14e: {  	[tilespmem:s3+$0x0] =	vst.add.f32.msk $0xffff, v11  }
0x14f: {  	[tilespmem:s0+$0x80B0] =	vst.add.f32.msk $0xffff, v9  }
0x150: {  	v9 =	vld [tilespmem:s9+$0x440];
	_ =	sdelay $0x4  }
0x151: {  	v11 =	vmul.f32 v9, v10  }
0x152: {  	s12 =	sor.u32 $0xC0, s0;
	[tilespmem:s0+$0x100C0] =	vst.add.f32.msk $0xffff, v9;
	v9 =	vmul.f32 v9, v8  }
0x153: {  	[tilespmem:s12+$0x0] =	vst.add.f32.msk $0xffff, v11  }
0x154: {  	[tilespmem:s0+$0x80C0] =	vst.add.f32.msk $0xffff, v9  }
0x155: {  	v9 =	vld [tilespmem:s9+$0x450];
	_ =	sdelay $0x4  }
0x156: {  	v11 =	vmul.f32 v9, v10  }
0x157: {  	s13 =	sor.u32 $0xD0, s0;
	[tilespmem:s0+$0x100D0] =	vst.add.f32.msk $0xffff, v9;
	v9 =	vmul.f32 v9, v8  }
0x158: {  	[tilespmem:s13+$0x0] =	vst.add.f32.msk $0xffff, v11  }
0x159: {  	[tilespmem:s0+$0x80D0] =	vst.add.f32.msk $0xffff, v9  }
0x15a: {  	v9 =	vld [tilespmem:s9+$0x460];
	_ =	sdelay $0x4  }
0x15b: {  	v11 =	vmul.f32 v9, v10  }
0x15c: {  	s16 =	sor.u32 $0xE0, s0;
	[tilespmem:s0+$0x100E0] =	vst.add.f32.msk $0xffff, v9;
	v9 =	vmul.f32 v9, v8  }
0x15d: {  	[tilespmem:s16+$0x0] =	vst.add.f32.msk $0xffff, v11  }
0x15e: {  	[tilespmem:s0+$0x80E0] =	vst.add.f32.msk $0xffff, v9  }
0x15f: {  	v9 =	vld [tilespmem:s9+$0x470];
	_ =	sdelay $0x3  }
0x160: {  	s30 =	simm.s32 $0x100;
	s10 =	smov.u32 s15;
	s12 =	sadd.s32 $0x1, s11  }
0x161: {  	s13 =	simm.s32 $0x0;
	s16 =	sor.u32 $0xF0, s0;
	s9 =	smov.u32 s14;
	[tilespmem:s0+$0x100F0] =	vst.add.f32.msk $0xffff, v9;
	v10 =	vmul.f32 v9, v10;
	v8 =	vmul.f32 v9, v8  }
.LBB2_10:
0x162: {  	s13 =	sadd.s32 $0x80, s13;
	s9 =	sadd.s32 $0x1, s9;
	s10 =	sadd.s32 $0x1, s10  }
0x163: {  	p0 =	sne.s32 s30, $0x2F00;
	[tilespmem:s16+$0x0] =	vst.add.f32.msk $0xffff, v10;
	s16 =	smov.u32 s30;
	s30 =	sadd.s32 $0x100, s30  }
0x164: {  	[tilespmem:s0+$0x80F0] =	vst.add.f32.msk $0xffff, v8  }
0x165: {  	v8 =	vld [tilespmem:s9+$0x0];
	_ =	sdelay $0x4  }
0x166: {  	(v2sf) =	vpush v8, $0x0;
	_ =	sdelay $0x7  }
0x167: {  	s0 =	sand.u32 $0x3800, s16;
	s16 =	sand.u32 $0x380, s13;
	v8 =	vld.msk [tilespmem:s10+$0x0 ss:$0x0], $0xffff  }
0x168: {  	s16 =	sor.u32 s16, s0;
	v9 =	vld.msk [tilespmem:s12+$0x0 ss:$0x0], $0xffff  }
0x169: {  	v10 =	vld [tilespmem:s16+$0x1AD80];
	_ =	sdelay $0x4  }
0x16a: {  	v11 =	vmul.f32 v10, v8;
	v12 =	vmul.f32 v9, v10;
	s0 =	spop (v2sf)  }
0x16b: {  	s0 =	sshll.u32 s0, $0x8  }
0x16c: {  	[tilespmem:s0+$0x8000] =	vst.add.f32.msk $0xffff, v12  }
0x16d: {  	s16 =	sadd.s32 $0x1AD80, s16;
	[tilespmem:s0+$0x10000] =	vst.add.f32.msk $0xffff, v10  }
0x16e: {  	[tilespmem:s0+$0x0] =	vst.add.f32.msk $0xffff, v11  }
0x16f: {  	v10 =	vld [tilespmem:s16+$0x10];
	_ =	sdelay $0x4  }
0x170: {  	s3 =	sor.u32 $0x10, s0;
	[tilespmem:s0+$0x10010] =	vst.add.f32.msk $0xffff, v10;
	v11 =	vmul.f32 v10, v8;
	v10 =	vmul.f32 v10, v9;
	_ =	sdelay $0x1  }
0x171: {  	[tilespmem:s3+$0x0] =	vst.add.f32.msk $0xffff, v11  }
0x172: {  	[tilespmem:s0+$0x8010] =	vst.add.f32.msk $0xffff, v10  }
0x173: {  	v10 =	vld [tilespmem:s16+$0x20];
	_ =	sdelay $0x4  }
0x174: {  	s3 =	sor.u32 $0x20, s0;
	[tilespmem:s0+$0x10020] =	vst.add.f32.msk $0xffff, v10;
	v11 =	vmul.f32 v10, v8;
	v10 =	vmul.f32 v10, v9;
	_ =	sdelay $0x1  }
0x175: {  	[tilespmem:s3+$0x0] =	vst.add.f32.msk $0xffff, v11  }
0x176: {  	[tilespmem:s0+$0x8020] =	vst.add.f32.msk $0xffff, v10  }
0x177: {  	v10 =	vld [tilespmem:s16+$0x30];
	_ =	sdelay $0x4  }
0x178: {  	s3 =	sor.u32 $0x30, s0;
	[tilespmem:s0+$0x10030] =	vst.add.f32.msk $0xffff, v10;
	v11 =	vmul.f32 v10, v8;
	v10 =	vmul.f32 v10, v9;
	_ =	sdelay $0x1  }
0x179: {  	[tilespmem:s3+$0x0] =	vst.add.f32.msk $0xffff, v11  }
0x17a: {  	[tilespmem:s0+$0x8030] =	vst.add.f32.msk $0xffff, v10  }
0x17b: {  	v10 =	vld [tilespmem:s16+$0x40];
	_ =	sdelay $0x4  }
0x17c: {  	s3 =	sor.u32 $0x40, s0;
	[tilespmem:s0+$0x10040] =	vst.add.f32.msk $0xffff, v10;
	v11 =	vmul.f32 v10, v8;
	v10 =	vmul.f32 v10, v9;
	_ =	sdelay $0x1  }
0x17d: {  	[tilespmem:s3+$0x0] =	vst.add.f32.msk $0xffff, v11  }
0x17e: {  	[tilespmem:s0+$0x8040] =	vst.add.f32.msk $0xffff, v10  }
0x17f: {  	v10 =	vld [tilespmem:s16+$0x50];
	_ =	sdelay $0x4  }
0x180: {  	s3 =	sor.u32 $0x50, s0;
	[tilespmem:s0+$0x10050] =	vst.add.f32.msk $0xffff, v10;
	v11 =	vmul.f32 v10, v8;
	v10 =	vmul.f32 v10, v9;
	_ =	sdelay $0x1  }
0x181: {  	[tilespmem:s3+$0x0] =	vst.add.f32.msk $0xffff, v11  }
0x182: {  	[tilespmem:s0+$0x8050] =	vst.add.f32.msk $0xffff, v10  }
0x183: {  	v10 =	vld [tilespmem:s16+$0x60];
	_ =	sdelay $0x4  }
0x184: {  	s3 =	sor.u32 $0x60, s0;
	[tilespmem:s0+$0x10060] =	vst.add.f32.msk $0xffff, v10;
	v11 =	vmul.f32 v10, v8;
	v10 =	vmul.f32 v10, v9;
	_ =	sdelay $0x1  }
0x185: {  	[tilespmem:s3+$0x0] =	vst.add.f32.msk $0xffff, v11  }
0x186: {  	[tilespmem:s0+$0x8060] =	vst.add.f32.msk $0xffff, v10  }
0x187: {  	v10 =	vld [tilespmem:s16+$0x70];
	_ =	sdelay $0x4  }
0x188: {  	s3 =	sor.u32 $0x70, s0;
	[tilespmem:s0+$0x10070] =	vst.add.f32.msk $0xffff, v10;
	v11 =	vmul.f32 v10, v8;
	v10 =	vmul.f32 v10, v9;
	_ =	sdelay $0x1  }
0x189: {  	[tilespmem:s3+$0x0] =	vst.add.f32.msk $0xffff, v11  }
0x18a: {  	[tilespmem:s0+$0x8070] =	vst.add.f32.msk $0xffff, v10  }
0x18b: {  	v10 =	vld [tilespmem:s16+$0x400];
	_ =	sdelay $0x4  }
0x18c: {  	s3 =	sor.u32 $0x80, s0;
	[tilespmem:s0+$0x10080] =	vst.add.f32.msk $0xffff, v10;
	v11 =	vmul.f32 v10, v8;
	v10 =	vmul.f32 v10, v9;
	_ =	sdelay $0x1  }
0x18d: {  	[tilespmem:s3+$0x0] =	vst.add.f32.msk $0xffff, v11  }
0x18e: {  	[tilespmem:s0+$0x8080] =	vst.add.f32.msk $0xffff, v10  }
0x18f: {  	v10 =	vld [tilespmem:s16+$0x410];
	_ =	sdelay $0x4  }
0x190: {  	s3 =	sor.u32 $0x90, s0;
	[tilespmem:s0+$0x10090] =	vst.add.f32.msk $0xffff, v10;
	v11 =	vmul.f32 v10, v8;
	v10 =	vmul.f32 v10, v9;
	_ =	sdelay $0x1  }
0x191: {  	[tilespmem:s3+$0x0] =	vst.add.f32.msk $0xffff, v11  }
0x192: {  	[tilespmem:s0+$0x8090] =	vst.add.f32.msk $0xffff, v10  }
0x193: {  	v10 =	vld [tilespmem:s16+$0x420];
	_ =	sdelay $0x4  }
0x194: {  	s3 =	sor.u32 $0xA0, s0;
	[tilespmem:s0+$0x100A0] =	vst.add.f32.msk $0xffff, v10;
	v11 =	vmul.f32 v10, v8;
	v10 =	vmul.f32 v10, v9;
	_ =	sdelay $0x1  }
0x195: {  	[tilespmem:s3+$0x0] =	vst.add.f32.msk $0xffff, v11  }
0x196: {  	[tilespmem:s0+$0x80A0] =	vst.add.f32.msk $0xffff, v10  }
0x197: {  	v10 =	vld [tilespmem:s16+$0x430];
	_ =	sdelay $0x4  }
0x198: {  	s3 =	sor.u32 $0xB0, s0;
	[tilespmem:s0+$0x100B0] =	vst.add.f32.msk $0xffff, v10;
	v11 =	vmul.f32 v10, v8;
	v10 =	vmul.f32 v10, v9;
	_ =	sdelay $0x1  }
0x199: {  	[tilespmem:s3+$0x0] =	vst.add.f32.msk $0xffff, v11  }
0x19a: {  	[tilespmem:s0+$0x80B0] =	vst.add.f32.msk $0xffff, v10  }
0x19b: {  	v10 =	vld [tilespmem:s16+$0x440];
	_ =	sdelay $0x4  }
0x19c: {  	s3 =	sor.u32 $0xC0, s0;
	[tilespmem:s0+$0x100C0] =	vst.add.f32.msk $0xffff, v10;
	v11 =	vmul.f32 v10, v8;
	v10 =	vmul.f32 v10, v9;
	_ =	sdelay $0x1  }
0x19d: {  	[tilespmem:s3+$0x0] =	vst.add.f32.msk $0xffff, v11  }
0x19e: {  	[tilespmem:s0+$0x80C0] =	vst.add.f32.msk $0xffff, v10  }
0x19f: {  	v10 =	vld [tilespmem:s16+$0x450];
	_ =	sdelay $0x4  }
0x1a0: {  	s3 =	sor.u32 $0xD0, s0;
	[tilespmem:s0+$0x100D0] =	vst.add.f32.msk $0xffff, v10;
	v11 =	vmul.f32 v10, v8;
	v10 =	vmul.f32 v10, v9;
	_ =	sdelay $0x1  }
0x1a1: {  	[tilespmem:s3+$0x0] =	vst.add.f32.msk $0xffff, v11  }
0x1a2: {  	[tilespmem:s0+$0x80D0] =	vst.add.f32.msk $0xffff, v10  }
0x1a3: {  	v10 =	vld [tilespmem:s16+$0x460];
	_ =	sdelay $0x4  }
0x1a4: {  	s3 =	sor.u32 $0xE0, s0;
	[tilespmem:s0+$0x100E0] =	vst.add.f32.msk $0xffff, v10;
	v11 =	vmul.f32 v10, v8;
	v10 =	vmul.f32 v10, v9;
	_ =	sdelay $0x1  }
0x1a5: {  	[tilespmem:s3+$0x0] =	vst.add.f32.msk $0xffff, v11  }
0x1a6: {  	[tilespmem:s0+$0x80E0] =	vst.add.f32.msk $0xffff, v10  }
0x1a7: {  	v11 =	vld [tilespmem:s16+$0x470]  }
.Ltmp9:
0x1a8: {  	(pc) =	sbr.rel @p0 .LBB2_10-.Ltmp9, $2  }
0x1a9: {  	_ =	sdelay $0x2  }
0x1aa: {  	s12 =	sadd.s32 $0x1, s12;
	s16 =	sor.u32 $0xF0, s0;
	[tilespmem:s0+$0x100F0] =	vst.add.f32.msk $0xffff, v11;
	v10 =	vmul.f32 v11, v8;
	v8 =	vmul.f32 v11, v9  }
0x1ab: {  	s1 =	sadd.s32 $0x1, s1  }
0x1ac: {  	p0 =	sne.s32 s1, s31  }
.Ltmp10:
0x1ad: {  	_ = 	snop;
	(pc) =	sbr.rel @p0 .LBB2_9-.Ltmp10, $4  }
.Ltmp11:
0x1ae: {  	_ = 	snop;
	(pc) =	sbr.rel @!p0 .LBB2_12-.Ltmp11, $4  }
0x1af: {  	_ = 	snop  }
0x1b0: {  	[tilespmem:s16+$0x0] =	vst.add.f32.msk $0xffff, v10  }
0x1b1: {  	s14 =	sadd.s32 $0x30, s14;
	s15 =	sadd.s32 $0x30, s15;
	s11 =	sadd.s32 $0x30, s11;
	[tilespmem:s0+$0x80F0] =	vst.add.f32.msk $0xffff, v8  }
0x1b2: {  	_ = 	snop  }
.LBB2_15:
0x1b3: {  	_ =	sfence.sel $0x180000  }
0x1b4: {  	[bflag:$0x0] =	sbarrier.arrive $0xFFFF  }
0x1b5: {  	_ =	strace $0x9000004A  }
0x1b6: {  	s0 =	stileid.u32;
	[bflag:$0x2] =	sbarrier.arrive $0xFFFF  }
0x1b7: {  	p0 =	sne.s32 s0, $0x0;
	s0 =	rddreg [dreg:$0x1]  }
0x1b8: {  	s0 =	sadd.s32 @!p0 $0x100000, s0  }
0x1b9: {  	[sflag:s0] =	ssyncadd.tile.s32 @!p0 $0x1;
	_ =	shalt  }
.Lfunc_end2:
_tile_overlayer_lowered:
.L_overlay_start_2:
0x1ba: {  	(tag) =	ssettag $0x2  }
0x1bb: {  	s0 =	rddreg [dreg:$0x0];
	s2 =	stileid.u32  }
0x1bc: {  	s1 =	rddreg [dreg:$0x1];
	p0 =	sne.s32 s2, $0x0  }
0x1bd: {  	s3 =	rddreg [dreg:$0x2];
	[bflag:$0x3] =	sbarrier.arrive $0xFFFF;
	s2 =	simm.s32 @!p0 $0x1C02  }
0x1be: {  	[timem:s3], [sflag:s2] =	dma.local @!p0 [hbm:s0], s1  }
0x1bf: {  	s0 =	simm.s32 @!p0 $0x2  }
0x1c0: {  	_ =	swait.ge @!p0 [sflag:s0], s1  }
0x1c1: {  	s1 =	ssub.s32 @!p0 $0x0, s1;
	[sflag:s0] =	ssyncset.done @!p0 $0x0  }
0x1c2: {  	[sflag:s0] =	ssyncadd.s32 @!p0 s1  }
0x1c3: {  	[bflag:$0x3] =	sbarrier.arrive $0xFFFF  }
0x1c4: {  	_ =	shalt  }

// kernel: kernel.13.cloned.1.call-start
scs
__scs_entry_jumppad:
0x0: {  	(pc) =	sbr.rel $0x88, $3  }
0x1: {  	(tag) =	ssettag $0x0;
	lr =	simm.s32 $0x1  }
0x2: {  	[smem:$0x3F94] =	sst lr;
	_ =	strace $0xD0000000  }
0x3: {  	_ = 	snop  }
0x4: {  	_ = 	snop  }
0x5: {  	_ = 	snop  }
0x6: {  	_ = 	snop  }
0x7: {  	_ = 	snop  }
__scs_overlays_trampoline_lowered:
0x8: {  	[smem:$0x3FA3] =	sst s0  }
0x9: {  	[smem:$0x3FA4] =	sst s1  }
0xa: {  	[smem:$0x3FA5] =	sst s2  }
0xb: {  	[smem:$0x3FA6] =	sst s3  }
0xc: {  	[smem:$0x3FA7] =	sst s4  }
0xd: {  	[smem:$0x3FA8] =	sst s5  }
0xe: {  	[smem:$0x3FA9] =	sst s6  }
0xf: {  	[smem:$0x3FAA] =	sst s7  }
0x10: {  	[smem:$0x3FAB] =	sst s8  }
0x11: {  	[smem:$0x3FAC] =	sst s9;
	s0 =	simm.s32 @!p0 $0x0  }
0x12: {  	s1 =	sld [smem:$0x3F92];
	s0 =	simm.s32 @p0 $0x1  }
0x13: {  	[smem:$0x3FAD] =	sst s0;
	s0 =	simm.s32 @!p1 $0x0  }
0x14: {  	s2 =	sld [smem:$0x3F91];
	s0 =	simm.s32 @p1 $0x1  }
0x15: {  	[smem:$0x3FAE] =	sst s0;
	s0 =	simm.s32 @!p2 $0x0  }
0x16: {  	s3 =	sld [smem:$0x3FDB];
	s0 =	simm.s32 @p2 $0x1  }
0x17: {  	s4 =	simm.s32 $0x1BF5;
	[smem:$0x3FB0] =	sst s0  }
0x18: {  	s0 =	sld [smem:$0x3F93];
	_ =	swait.ge [sflag:s4], $0x0  }
0x19: {  	s7 =	sld [smem:$0x3F94]  }
0x1a: {  	s8 =	sadd.s32 $0xFFFFE003, lr  }
0x1b: {  	s9 =	sadd.s32 $0xFFFFFEF7, lr;
	s5 =	simm.s32 $0xFFFFFFFF;
	p2 =	slt.u32 s8, $0xFFFFF086  }
0x1c: {  	p1 =	slt.u32 s9, $0xF7A;
	s5 =	simm.s32 @!p2 $0x0  }
0x1d: {  	s5 =	simm.s32 @p1 $0x1;
	p0 =	seq.s32 s7, s2  }
0x1e: {  	s7 =	smul.u32 @!p0 $0xF7A, s2;
	p2 =	seq.s32 @!p0 s5, $0x0  }
0x1f: {  	s9 =	smul.u32 $0xF7A, s1;
	s8 =	simm.s32 @!p0 $0x1BF5;
	p2 =	por !p2, p0  }
0x20: {  	[sflag:s8] =	ssyncset.s32 @!p0 $0xFFFFF086;
	s6 =	sadd.s32 @!p0 s3, s7;
	s7 =	simm.s32 @!p0 $0x108  }
0x21: {  	s3 =	sadd.s32 s3, s9;
	s6 =	sadd.s32 @!p0 $0x88, s6;
	s7 =	simm.s32 @p2 $0x1082  }
0x22: {  	[simem:s7], [sflag:s8] =	dma.local @!p0 [hbm:s6], $0xF7A  }
0x23: {  	s9 =	sor.u32 $0xD0000000, s2;
	s6 =	simm.s32 $0x108;
	_ =	swait.ge @!p0 [sflag:s8], $0x0  }
0x24: {  	s3 =	sadd.s32 $0x88, s3;
	s6 =	simm.s32 @!p1 $0x1082;
	[sflag:s4] =	ssyncset.s32 $0xFFFFF086  }
0x25: {  	[simem:s6], [sflag:s4] =	dma.local [hbm:s3], $0xF7A  }
0x26: {  	[smem:$0x3F94] =	sst s1;
	(tag) =	ssettag s2;
	_ =	strace s9  }
0x27: {  	s1 =	sld [smem:$0x3FA4]  }
0x28: {  	s2 =	sld [smem:$0x3FA5]  }
0x29: {  	s4 =	sld [smem:$0x3FA7]  }
0x2a: {  	p0 =	seq.s32 s5, $0x0;
	s5 =	sld [smem:$0x3FA8]  }
0x2b: {  	s6 =	sld [smem:$0x3FA9]  }
0x2c: {  	s7 =	sld [smem:$0x3FAA]  }
0x2d: {  	s3 =	simm.s32 $0x108;
	s8 =	sld [smem:$0x3FAB]  }
0x2e: {  	s3 =	simm.s32 @!p0 $0x1082;
	s9 =	sld [smem:$0x3FAC]  }
0x2f: {  	lr =	sadd.s32 s0, s3;
	s0 =	sld [smem:$0x3FA3]  }
0x30: {  	s3 =	sld [smem:$0x3FA6]  }
0x31: {  	[smem:$0x3FAF] =	sst s10  }
0x32: {  	s10 =	sld [smem:$0x3FAD];
	_ =	sdelay $0x3  }
0x33: {  	p0 =	seq.s32 s10, $0x1;
	s10 =	sld [smem:$0x3FAF];
	_ =	sdelay $0x3  }
0x34: {  	[smem:$0x3FAF] =	sst s10  }
0x35: {  	s10 =	sld [smem:$0x3FAE];
	_ =	sdelay $0x3  }
0x36: {  	p1 =	seq.s32 s10, $0x1;
	s10 =	sld [smem:$0x3FAF];
	_ =	sdelay $0x3  }
0x37: {  	[smem:$0x3FAF] =	sst s10  }
0x38: {  	s10 =	sld [smem:$0x3FB0]  }
0x39: {  	_ = 	snop;
	(pc) =	sbr.ind lr, $3  }
0x3a: {  	_ = 	snop  }
0x3b: {  	_ = 	snop  }
0x3c: {  	p2 =	seq.s32 s10, $0x1;
	s10 =	sld [smem:$0x3FAF]  }
0x3d: {  	_ =	shalt  }
0x3e: {  	_ =	shalt  }
0x3f: {  	_ =	shalt  }
0x40: {  	_ =	shalt  }
0x41: {  	_ =	shalt  }
0x42: {  	_ =	shalt  }
0x43: {  	_ =	shalt  }
0x44: {  	_ =	shalt  }
0x45: {  	_ =	shalt  }
0x46: {  	_ =	shalt  }
0x47: {  	_ =	shalt  }
0x48: {  	_ =	shalt  }
0x49: {  	_ =	shalt  }
0x4a: {  	_ =	shalt  }
0x4b: {  	_ =	shalt  }
0x4c: {  	_ =	shalt  }
0x4d: {  	_ =	shalt  }
0x4e: {  	_ =	shalt  }
0x4f: {  	_ =	shalt  }
0x50: {  	_ =	shalt  }
0x51: {  	_ =	shalt  }
0x52: {  	_ =	shalt  }
0x53: {  	_ =	shalt  }
0x54: {  	_ =	shalt  }
0x55: {  	_ =	shalt  }
0x56: {  	_ =	shalt  }
0x57: {  	_ =	shalt  }
0x58: {  	_ =	shalt  }
0x59: {  	_ =	shalt  }
0x5a: {  	_ =	shalt  }
0x5b: {  	_ =	shalt  }
0x5c: {  	_ =	shalt  }
0x5d: {  	_ =	shalt  }
0x5e: {  	_ =	shalt  }
0x5f: {  	_ =	shalt  }
0x60: {  	_ =	shalt  }
0x61: {  	_ =	shalt  }
0x62: {  	_ =	shalt  }
0x63: {  	_ =	shalt  }
0x64: {  	_ =	shalt  }
0x65: {  	_ =	shalt  }
0x66: {  	_ =	shalt  }
0x67: {  	_ =	shalt  }
0x68: {  	_ =	shalt  }
0x69: {  	_ =	shalt  }
0x6a: {  	_ =	shalt  }
0x6b: {  	_ =	shalt  }
0x6c: {  	_ =	shalt  }
0x6d: {  	_ =	shalt  }
0x6e: {  	_ =	shalt  }
0x6f: {  	_ =	shalt  }
0x70: {  	_ =	shalt  }
0x71: {  	_ =	shalt  }
0x72: {  	_ =	shalt  }
0x73: {  	_ =	shalt  }
0x74: {  	_ =	shalt  }
0x75: {  	_ =	shalt  }
0x76: {  	_ =	shalt  }
0x77: {  	_ =	shalt  }
0x78: {  	_ =	shalt  }
0x79: {  	_ =	shalt  }
0x7a: {  	_ =	shalt  }
0x7b: {  	_ =	shalt  }
0x7c: {  	_ =	shalt  }
0x7d: {  	_ =	shalt  }
0x7e: {  	_ =	shalt  }
0x7f: {  	_ =	shalt  }
0x80: {  	_ =	shalt  }
0x81: {  	_ =	shalt  }
0x82: {  	_ =	shalt  }
0x83: {  	_ =	shalt  }
0x84: {  	_ =	shalt  }
0x85: {  	_ =	shalt  }
0x86: {  	_ =	shalt  }
0x87: {  	_ =	shalt  }
.Lfunc_end0:
.L_simem_size_0:
called_computation.4_lowered:
.L_overlay_start_0:
0x88: {  	s2 =	sld [smem:$0x3FD9]  }
0x89: {  	s3 =	sld [smem:$0x3FFE];
	_ =	sdelay $0x1  }
0x8a: {  	s1 =	srdreg.scid  }
0x8b: {  	s0 =	sand.u32 $0x1, s1  }
0x8c: {  	s16 =	sshll.u32 s0, $0xA;
	s2 =	sadd.s32 s3, s2  }
0x8d: {  	s2 =	sadd.s32 s2, s16  }
0x8e: {  	[smem:$0x3FBB] =	sst s2  }
0x8f: {  	_ = 	snop  }
0x90: {  	(tm) =	ssettm $0x1  }
0x91: {  	s17 =	sld [smem:$0x3FFB];
	_ =	sdelay $0x3  }
0x92: {  	_ =	strace s17  }
0x93: {  	s2 =	sld [smem:$0x3FFC];
	_ =	sdelay $0x3  }
0x94: {  	_ =	strace s2  }
0x95: {  	s2 =	sld [smem:$0x3FFD];
	_ =	sdelay $0x3  }
0x96: {  	_ =	strace s2  }
0x97: {  	_ =	strace $0x8FFFFFFF  }
0x98: {  	s18 =	sld [smem:$0x3FDB];
	_ =	sdelay $0x1  }
0x99: {  	s19 =	simm.s32 $_scs_section_size  }
0x9a: {  	s4 =	simm.s32 $_size__tile_overlayer_lowered;
	s5 =	simm.s32 $_tile_overlayer_lowered  }
0x9b: {  	s22 =	simm.s32 $0x1BFF;
	s21 =	sshll.u32 s5, $0x1;
	s2 =	sadd.s32 s19, s18  }
0x9c: {  	s6 =	simm.s32 $0x0;
	s20 =	sshll.u32 s4, $0x1;
	s4 =	sadd.s32 s21, s2  }
0x9d: {  	[timem:s6], [sflag:s22] =	dma.local [hbm:s4], s20  }
0x9e: {  	_ =	swait.ge [sflag:s22], s20  }
0x9f: {  	s3 =	ssub.s32 $0x0, s20;
	[sflag:s22] =	ssyncset.done $0x0  }
0xa0: {  	[sflag:s22] =	ssyncadd.s32 s3;
	_ =	sdelay $0x1  }
0xa1: {  	s23 =	simm.s32 $0x1B8B  }
0xa2: {  	_ =	swait.ge [sflag:s23], $0x1  }
0xa3: {  	[sflag:s23] =	ssyncset.done $0x0  }
0xa4: {  	s25 =	simm.s32 $0x1B8E;
	s24 =	sld [smem:$0x3FFE];
	[sflag:s23] =	ssyncadd.s32 $0xFFFFFFFF  }
0xa5: {  	s26 =	simm.s32 $execute0_lowered;
	[smem:$0x3FD2] =	sst s25  }
0xa6: {  	s4 =	sshll.u32 s26, $0x1;
	_ =	strace $0x8000004C;
	[dreg:$0x1] =	wrdreg $0xFFFFFFFF  }
0xa7: {  	s28 =	simm.s32 $_size_execute0_lowered;
	s2 =	sadd.s32 s2, s4;
	[dreg:$0x0] =	wrdreg $0x0  }
0xa8: {  	s4 =	sshll.u32 s28, $0x1;
	[dreg:$0x2] =	wrdreg s2  }
0xa9: {  	[dreg:$0x3] =	wrdreg s4  }
0xaa: {  	[dreg:$0x4] =	wrdreg $0xC0  }
0xab: {  	_ =	task [dreg:s6], $0x5FFFF  }
0xac: {  	[dreg:$0x1] =	wrdreg $0xFFFFFFFF  }
0xad: {  	[dreg:$0x0] =	wrdreg $0x60  }
0xae: {  	[dreg:$0x2] =	wrdreg s24  }
0xaf: {  	[dreg:$0x3] =	wrdreg $0x9  }
0xb0: {  	_ =	task.clear_ibuf [dreg:s6], $0x4FFFF;
	_ =	strace $0x9000004C  }
0xb1: {  	s29 =	simm.s32 $0x9;
	_ =	strace $0x8000004E  }
0xb2: {  	_ =	swait.ge [sflag:s29], $0x1  }
0xb3: {  	[sflag:s29] =	ssyncadd.s32 $0xFFFFFFFF  }
0xb4: {  	_ =	strace $0x9000004E  }
0xb5: {  	_ =	sfence  }
0xb6: {  	s30 =	sld [smem:$0x0];
	_ =	sdelay $0x2  }
0xb7: {  	s31 =	sshll.u32 s1, $0xD;
	s1 =	sshrl.u32 s1, $0x2  }
0xb8: {  	s3 =	sand.u32 $0x4000, s31;
	s1 =	sadd.s32 s1, s30  }
0xb9: {  	s0 =	sor.u32 s3, s0;
	s1 =	sshll.u32 s1, $0x11  }
0xba: {  	s0 =	sor.u32 s1, s0  }
0xbb: {  	s0 =	sadd.s32 $0x8F2B, s0  }
0xbc: {  	[sflag:s0] =	ssyncadd.remote.s32 $0x1  }
0xbd: {  	_ =	sfence.sel $0xFFFF  }
0xbe: {  	[dreg:$0x0] =	wrdreg $0xFFFFFFFF;
	(pc) =	sbr.abs _section_cstart, $3  }
0xbf: {  	[dreg:$0x1] =	wrdreg $0xFFFFFFFF  }
0xc0: {  	_ =	task.clear_ibuf [dreg:s6], $0x2FFFF;
	_ =	strace $0x9FFFFFFF  }
0xc1: {  	(tm) =	ssettm $0x7FFFFFFF  }
tec
execute0_lowered:
.L_overlay_start_1:
0x0: {  	(tag) =	ssettag $0x1  }
0x1: {  	s0 =	rddreg [dreg:$0x0];
	s1 =	srdreg.scid  }
0x2: {  	s2 =	simm.s32 $0x0;
	s3 =	stileid.u32;
	s10 =	simm.s32 $0x1  }
0x3: {  	s11 =	simm.s32 $0x16A00;
	s12 =	simm.s32 $0x15D00;
	s13 =	simm.s32 $0x17700  }
0x4: {  	s14 =	simm.s32 $0x17F00;
	s15 =	simm.s32 $0x18700;
	s16 =	simm.s32 $0x18F00  }
0x5: {  	s17 =	simm.s32 $0x19700;
	s18 =	simm.s32 $0x19F00;
	s19 =	simm.s32 $0x1A700  }
0x6: {  	s20 =	simm.s32 $0x1AF00;
	s21 =	simm.s32 $0x1B700;
	s22 =	simm.s32 $0x1BF00  }
0x7: {  	s23 =	simm.s32 $0x1C700;
	s24 =	simm.s32 $0x1CF00;
	s1 =	sand.u32 $0x1, s1  }
0x8: {  	s25 =	simm.s32 $0x1D700;
	s26 =	simm.s32 $0x1DF00;
	s28 =	sshll.u32 s1, $0x4  }
0x9: {  	[smem:$0x7FF] =	sst s2;
	s4 =	sadd.s32 $0x5400, s0;
	s2 =	sor.u32 s3, s28  }
0xa: {  	s5 =	sadd.s32 $0x400, s0;
	s1 =	ssub.s32 $0x2, s1;
	s6 =	smul.u32 $0x2800, s2  }
.Ltmp0:
0xb: {  	_ =	strace $0x8000004D;
	s7 =	sshrl.u32 s1, $0x1;
	(pc) =	sbr.rel .LBB2_1-.Ltmp0, $4  }
0xc: {  	v2 =	vimm.f32 $0.0e+00;
	v3 =	vimm.s32 $0x0;
	[dreg:$0x2] =	wrdreg s4;
	s2 =	smul.u32 $0x140, s2;
	s1 =	ssub.s32 s1, s7  }
0xd: {  	v7 =	vlaneseq.u32;
	v4 =	vimm.s32 $0x140;
	vm0 =	vmmov $0xffff;
	s3 =	sadd.s32 $0xA400, s0;
	s31 =	smax.u32 s1, $0x1;
	s0 =	sadd.s32 s6, s0  }
0xe: {  	v5 =	vand.u32 $0x7, v7;
	v6 =	vshrl.u32 v7, $0x3;
	v7 =	vor.u32 $0x8, v7;
	s29 =	sadd.s32 $0x140, s2;
	[dreg:$0x4] =	wrdreg s31;
	s0 =	sadd.s32 $0x58600, s0  }
0xf: {  	s30 =	simm.s32 $0x0;
	v6 =	vmul.u32 $0x8, v6;
	v0 =	vmov s2;
	s2 =	simm.s32 $0x0;
	v1 =	vmov s29;
	[dreg:$0x3] =	wrdreg s0  }
.LBB2_11:
0x10: {  	s0 =	simm.s32 $0x0;
	s1 =	rddreg [dreg:$0x3];
	s29 =	simm.s32 $0x2  }
0x11: {  	[hbm4b:s1+s0] =	stream.linear.scatter [tilespmem:s0], [sflag:$0x2], $0x14000, $0x38;
	[tilespmem:$0x1F480] =	vst v63  }
0x12: {  	_ =	swait.ge [sflag:s29], $0x14000  }
0x13: {  	s2 =	rddreg [dreg:$0x5]  }
0x14: {  	s31 =	rddreg [dreg:$0x4];
	s2 =	sadd.s32 $0x1, s2  }
0x15: {  	p0 =	sne.s32 s2, s31  }
.Ltmp1:
0x16: {  	_ = 	snop;
	(pc) =	sbr.rel @!p0 .LBB2_12-.Ltmp1, $3  }
0x17: {  	_ =	sdelay $0x1  }
0x18: {  	[sflag:s29] =	ssyncset.done $0x0  }
0x19: {  	[sflag:s29] =	ssyncadd.s32 $0xFFFEC000  }
.LBB2_1:
0x1a: {  	[dreg:$0x5] =	wrdreg s2;
	s0 =	simm.s32 $0x40;
	s1 =	simm.s32 $0x0  }
.LBB2_2:
0x1b: {  	p0 =	sne.s32 s0, $0x53FC0;
	[tilespmem:s1+$0x0] =	vst v2;
	s1 =	smov.u32 s0;
	s0 =	sadd.s32 $0x40, s0  }
.Ltmp2:
0x1c: {  	(pc) =	sbr.rel @p0 .LBB2_2-.Ltmp2, $2  }
0x1d: {  	_ =	sdelay $0x2  }
0x1e: {  	s1 =	sshra.s32 s1, $0x2  }
.Ltmp3:
0x1f: {  	(pc) =	sbr.rel .LBB2_4-.Ltmp3, $2  }
0x20: {  	_ =	sdelay $0x2  }
0x21: {  	[tilespmem:s1+$0x0] =	vst v2;
	s31 =	simm.s32 $0x0  }
.LBB2_10:
0x22: {  	s31 =	sadd.s32 $0x1, s31  }
0x23: {  	p0 =	sne.s32 s31, $0x32  }
.Ltmp4:
0x24: {  	_ = 	snop;
	(pc) =	sbr.rel @!p0 .LBB2_11-.Ltmp4, $1  }
0x25: {  	_ =	sdelay $0x3  }
.LBB2_4:
0x26: {  	s0 =	smul.u32 $0x190, s31  }
0x27: {  	s1 =	rddreg [dreg:$0x2]  }
0x28: {  	s2 =	simm.s32 $0x1E700;
	s1 =	sadd.s32 s1, s0  }
0x29: {  	[tilespmem:s2], [sflag:$0x1] =	stream.linear.gather [hbm4b:s1+s30], $0xC80, $0x38;
	[tilespmem:$0x1F480] =	vst v63  }
0x2a: {  	s4 =	simm.s32 $0x15000;
	s0 =	sadd.s32 s5, s0  }
0x2b: {  	[tilespmem:s4], [sflag:$0x1] =	stream.linear.gather [hbm4b:s0+s30], $0xC80, $0x38;
	[tilespmem:$0x1F480] =	vst v63  }
0x2c: {  	_ =	swait.ge [sflag:s10], $0xC80  }
0x2d: {  	[sflag:s10] =	ssyncset.done $0x0  }
0x2e: {  	[sflag:s10] =	ssyncadd.s32 $0xFFFFF380  }
0x2f: {  	_ =	swait.ge [sflag:s10], $0xC80  }
0x30: {  	[sflag:s10] =	ssyncset.done $0x0  }
0x31: {  	s6 =	simm.s32 $0x15020;
	[sflag:s10] =	ssyncadd.s32 $0xFFFFF380  }
0x32: {  	v9 =	vld [tilespmem:s6+$0xFFFFFFE0]  }
0x33: {  	v10 =	vld [tilespmem:s6+$0xFFFFFFF0];
	_ =	sdelay $0x3  }
0x34: {  	v8 =	vld [tilespmem:s6+$0x0];
	vm1 =	vge.s32 v9, v0;
	vm2 =	vlt.s32 v9, v1  }
0x35: {  	vm4 =	vlt.s32 v10, v1;
	vm1 =	vmand vm1, vm2;
	vm2 =	vge.s32 v10, v0  }
0x36: {  	v11 =	vld [tilespmem:s6+$0x10];
	v12 =	vsel vm1, $0x1, v3;
	vm2 =	vmand vm2, vm4  }
0x37: {  	v13 =	vsel vm2, $0x1, v3;
	(xrf0) =	vadd.scan.msk.s32 $0xffff, v12  }
0x38: {  	(xrf0) =	vadd.scan.msk.s32 $0xffff, v13  }
0x39: {  	vm3 =	vge.s32 v8, v0;
	vm4 =	vlt.s32 v8, v1  }
0x3a: {  	vm4 =	vmand vm3, vm4  }
0x3b: {  	vm5 =	vlt.s32 v11, v1;
	vm3 =	vge.s32 v11, v0;
	v12 =	vsel vm4, $0x1, v3  }
0x3c: {  	vm3 =	vmand vm3, vm5;
	(xrf0) =	vadd.scan.msk.s32 $0xffff, v12  }
0x3d: {  	s7 =	simm.s32 $0x15060;
	v12 =	vsel vm3, $0x1, v3;
	v16, _, _ =	vpop (xrf0)  }
0x3e: {  	s1 =	simm.s32 $0x150A0;
	v17 =	vld [tilespmem:s7+$0x10];
	(xrf0) =	vadd.scan.msk.s32 $0xffff, v12;
	(v2sf) =	vpush v16, $0xF;
	v14, _, _ =	vpop (xrf0)  }
0x3f: {  	v25 =	vld [tilespmem:s1+$0x10];
	(v2sf) =	vpush v14, $0xF;
	_ =	sdelay $0x1  }
0x40: {  	v15 =	vld [tilespmem:s7+$0xFFFFFFE0]  }
0x41: {  	v29 =	vsub.s32 v9, v0;
	v9 =	vld [tilespmem:s7+$0xFFFFFFF0];
	v21, _, _ =	vpop (xrf0)  }
0x42: {  	(v2sf) =	vpush v21, $0xF  }
0x43: {  	vm8 =	vge.s32 v17, v0;
	vm11 =	vge.s32 v25, v0;
	vm7 =	vmmov vm1;
	v26, _, _ =	vpop (xrf0)  }
0x44: {  	vm1 =	vmmov vm2;
	v13 =	vsub.s32 v10, v0;
	v10 =	vld [tilespmem:s7+$0x0];
	(v2sf) =	vpush v26, $0xF  }
0x45: {  	vm2 =	vge.s32 v15, v0;
	vm5 =	vmmov vm4;
	vm4 =	vlt.s32 v15, v1  }
0x46: {  	vm2 =	vmand vm2, vm4;
	vm4 =	vge.s32 v9, v0;
	vm6 =	vlt.s32 v9, v1  }
0x47: {  	v12 =	vsub.s32 v11, v0;
	v11 =	vsub.s32 v8, v0;
	v8 =	vmov s30  }
0x48: {  	v19 =	vsel vm2, $0x1, v3;
	vm10 =	vmand vm4, vm6;
	v18 =	vadd.s32 $0xFFFFFFFF, v8  }
0x49: {  	v8 =	vsub.s32 v17, v0;
	vm9 =	vge.s32 v10, v0;
	vm4 =	vlt.s32 v10, v1  }
0x4a: {  	(xrf0) =	vadd.scan.msk.s32 $0xffff, v19;
	v19 =	vsel vm10, $0x1, v3;
	vm6 =	vmand vm9, vm4;
	vm4 =	vlt.s32 v17, v1  }
0x4b: {  	v17 =	vbroadcast v18, $0x0;
	(xrf0) =	vadd.scan.msk.s32 $0xffff, v19;
	v18 =	vsel vm6, $0x1, v3;
	vm9 =	vmand vm8, vm4  }
0x4c: {  	v15 =	vsub.s32 v15, v0;
	vm3 =	vmmov vm3;
	v19 =	vsel vm9, $0x1, v3;
	(xrf0) =	vadd.scan.msk.s32 $0xffff, v18;
	s8 =	spop (v2sf)  }
0x4d: {  	v9 =	vsub.s32 v9, v0;
	vm5 =	vmmov vm5;
	vm2 =	vmmov vm2;
	(xrf0) =	vadd.scan.msk.s32 $0xffff, v19;
	v19 =	vld [tilespmem:s1+$0xFFFFFFE0];
	s9 =	sadd.s32 $0x0, s8;
	s6 =	spop (v2sf)  }
0x4e: {  	s0 =	simm.s32 $0x1E720;
	v10 =	vsub.s32 v10, v0;
	vm8 =	vmmov vm7;
	vm4 =	vmmov vm3;
	s6 =	sadd.s32 s9, s6  }
0x4f: {  	v31 =	vld [tilespmem:s0+$0xFFFFFFE0];
	vm7 =	vmmov vm1;
	v30 =	vadd.s32 v16, v17;
	v17 =	vmov s6  }
0x50: {  	vm1 =	vmmov vm10;
	vm6 =	vmmov vm6;
	v16 =	vld [tilespmem:s1+$0x0];
	v23, _, _ =	vpop (xrf0);
	v22 =	vadd.s32 $0xFFFFFFFF, v17  }
0x51: {  	vm3 =	vmmov vm9;
	v20, _, _ =	vpop (xrf0);
	(v2sf) =	vpush v23, $0xF;
	s7 =	spop (v2sf);
	v18 =	vmov s9  }
0x52: {  	vm9 =	vge.s32 v19, v0;
	(v2sf) =	vpush v20, $0xF;
	s28 =	sadd.s32 s6, s7;
	v28 =	vadd.s32 $0xFFFFFFFF, v18;
	v17, _, _ =	vpop (xrf0)  }
0x53: {  	s29 =	spop (v2sf);
	v18 =	vld [tilespmem:s1+$0xFFFFFFF0];
	v24 =	vmov s28;
	v27 =	vbroadcast v22, $0x0;
	(v2sf) =	vpush v17, $0xF;
	v22, _, _ =	vpop (xrf0)  }
0x54: {  	vm12 =	vlt.s32 v19, v1;
	v24 =	vadd.s32 $0xFFFFFFFF, v24;
	(v2sf) =	vpush v22, $0xF  }
0x55: {  	vm10 =	vge.s32 v16, v0;
	[tilespmem:v30+s11+$0x0] =	vst.idx.msk vm8, v31;
	vm9 =	vmand vm9, vm12;
	s2 =	sadd.s32 s28, s29;
	v32 =	vbroadcast v24, $0x0  }
0x56: {  	[tilespmem:v30+s12+$0x0] =	vst.idx.msk vm8, v29;
	v30 =	vsel vm9, $0x1, v3;
	v24 =	vadd.s32 v21, v27;
	v21 =	vmov s2  }
0x57: {  	v28 =	vbroadcast v28, $0x0;
	v27 =	vadd.s32 $0xFFFFFFFF, v21;
	v26 =	vadd.s32 v26, v32  }
0x58: {  	v21 =	vsub.s32 v25, v0;
	vm12 =	vge.s32 v18, v0;
	vm13 =	vlt.s32 v18, v1  }
0x59: {  	v29 =	vld [tilespmem:s0+$0x10];
	s6 =	simm.s32 $0x8;
	v27 =	vbroadcast v27, $0x0;
	vm8 =	vmand vm12, vm13;
	vm12 =	vlt.s32 v16, v1  }
.LBB2_5:
0x5a: {  	v31 =	vsel vm8, $0x1, v3;
	vm12 =	vmand vm10, vm12;
	vm13 =	vlt.s32 v25, v1  }
0x5b: {  	s6 =	sadd.s32 $0x4, s6;
	(xrf0) =	vadd.scan.msk.s32 $0xffff, v30;
	v25 =	vld [tilespmem:s0+$0x0];
	vm10 =	vmmov vm2;
	vm2 =	vmmov vm9;
	vm9 =	vmmov vm7  }
0x5c: {  	v28 =	vadd.s32 v14, v28;
	v14 =	vmovc v20;
	p0 =	slt.u32 s6, $0xC4;
	v30 =	vsel vm12, $0x1, v3;
	vm7 =	vmand vm11, vm13;
	(xrf0) =	vadd.scan.msk.s32 $0xffff, v31  }
0x5d: {  	v27 =	vadd.s32 v23, v27;
	v31 =	vsub.s32 v19, v0;
	v19 =	vsel vm7, $0x1, v3;
	(xrf0) =	vadd.scan.msk.s32 $0xffff, v30;
	v30 =	vld [tilespmem:s0+$0xFFFFFFF0]  }
0x5e: {  	v32 =	vsub.s32 v18, v0;
	v16 =	vsub.s32 v16, v0;
	s0 =	sadd.s32 $0x40, s0;
	(xrf0) =	vadd.scan.msk.s32 $0xffff, v19;
	[tilespmem:v26+s11+$0x0] =	vst.idx.msk vm4, v29  }
0x5f: {  	v18 =	vld [tilespmem:s0+$0xFFFFFFE0];
	[tilespmem:v26+s12+$0x0] =	vst.idx.msk vm4, v12;
	v12 =	vmovc v8;
	v8 =	vmovc v21;
	vm4 =	vmmov vm3;
	vm3 =	vmmov vm7;
	vm7 =	vmmov vm1  }
0x60: {  	vm1 =	vmmov vm8;
	s7 =	spop (v2sf);
	[tilespmem:v24+s11+$0x0] =	vst.idx.msk vm5, v25  }
0x61: {  	s1 =	sadd.s32 $0x40, s1;
	v23, _, _ =	vpop (xrf0);
	s2 =	sadd.s32 s2, s7;
	s7 =	spop (v2sf);
	[tilespmem:v24+s12+$0x0] =	vst.idx.msk vm5, v11;
	v11 =	vmov v10;
	v10 =	vmov v16;
	vm5 =	vmmov vm6  }
0x62: {  	vm6 =	vmmov vm12;
	v25 =	vld [tilespmem:s1+$0x10];
	(v2sf) =	vpush v23, $0xF;
	v20, _, _ =	vpop (xrf0);
	v19 =	vmov s2;
	s2 =	sadd.s32 s2, s7;
	s7 =	spop (v2sf);
	[tilespmem:v28+s11+$0x0] =	vst.idx.msk vm9, v30  }
0x63: {  	v16 =	vld [tilespmem:s1+$0x0];
	(v2sf) =	vpush v20, $0xF;
	v29, _, _ =	vpop (xrf0);
	v24 =	vadd.s32 $0xFFFFFFFF, v19;
	v21 =	vmov s2;
	s2 =	sadd.s32 s2, s7;
	s7 =	spop (v2sf);
	[tilespmem:v28+s12+$0x0] =	vst.idx.msk vm9, v13  }
0x64: {  	v19 =	vld [tilespmem:s1+$0xFFFFFFE0];
	(v2sf) =	vpush v29, $0xF;
	v30, _, _ =	vpop (xrf0);
	[tilespmem:v27+s11+$0x0] =	vst.idx.msk vm10, v18;
	v21 =	vadd.s32 $0xFFFFFFFF, v21;
	v28 =	vmov s2;
	s2 =	sadd.s32 s2, s7  }
0x65: {  	v13 =	vmovc v9;
	v18 =	vld [tilespmem:s1+$0xFFFFFFF0];
	v26 =	vmov s2;
	(v2sf) =	vpush v30, $0xF;
	[tilespmem:v27+s12+$0x0] =	vst.idx.msk vm10, v15;
	v27 =	vadd.s32 $0xFFFFFFFF, v28;
	v15 =	vmovc v31  }
0x66: {  	v9 =	vmovc v32;
	v31 =	vbroadcast v21, $0x0;
	v26 =	vadd.s32 $0xFFFFFFFF, v26;
	v33 =	vbroadcast v27, $0x0  }
.Ltmp5:
0x67: {  	v28 =	vbroadcast v24, $0x0;
	v21 =	vsub.s32 v25, v0;
	v27 =	vbroadcast v26, $0x0;
	(pc) =	sbr.rel @p0 .LBB2_5-.Ltmp5, $4  }
0x68: {  	vm11 =	vge.s32 v25, v0;
	v24 =	vadd.s32 v17, v31;
	v17 =	vmovc v29;
	v26 =	vadd.s32 v22, v33  }
0x69: {  	vm10 =	vge.s32 v16, v0;
	v22 =	vmovc v30;
	vm8 =	vge.s32 v19, v0;
	vm9 =	vlt.s32 v19, v1  }
0x6a: {  	vm9 =	vmand vm8, vm9;
	vm8 =	vge.s32 v18, v0;
	vm12 =	vlt.s32 v18, v1;
	v29 =	vld [tilespmem:s0+$0x10]  }
0x6b: {  	v30 =	vsel vm9, $0x1, v3;
	vm8 =	vmand vm8, vm12;
	vm12 =	vlt.s32 v16, v1  }
0x6c: {  	v31 =	vsel vm8, $0x1, v3;
	vm10 =	vmand vm10, vm12;
	(xrf0) =	vadd.scan.msk.s32 $0xffff, v30  }
0x6d: {  	v40 =	vsel vm10, $0x1, v3;
	(xrf0) =	vadd.scan.msk.s32 $0xffff, v31  }
0x6e: {  	(xrf0) =	vadd.scan.msk.s32 $0xffff, v40;
	_ =	sdelay $0x2  }
0x6f: {  	vm12 =	vlt.s32 v25, v1  }
0x70: {  	vm11 =	vmand vm11, vm12;
	v41, _, _ =	vpop (xrf0)  }
0x71: {  	v42 =	vsel vm11, $0x1, v3;
	(v2sf) =	vpush v41, $0xF;
	v31, _, _ =	vpop (xrf0)  }
0x72: {  	(xrf0) =	vadd.scan.msk.s32 $0xffff, v42;
	(v2sf) =	vpush v31, $0xF;
	v32, _, _ =	vpop (xrf0)  }
0x73: {  	(v2sf) =	vpush v32, $0xF  }
0x74: {  	s1 =	spop (v2sf)  }
0x75: {  	s6 =	spop (v2sf);
	s1 =	sadd.s32 s2, s1  }
0x76: {  	s28 =	spop (v2sf);
	s6 =	sadd.s32 s1, s6  }
0x77: {  	v43 =	vld [tilespmem:s0+$0x0];
	v14 =	vadd.s32 v14, v28;
	[tilespmem:v26+s11+$0x0] =	vst.idx.msk vm4, v29;
	s2 =	sadd.s32 s6, s28;
	v47 =	vmov s6  }
0x78: {  	vm12 =	vmmov vm7;
	[tilespmem:v26+s12+$0x0] =	vst.idx.msk vm4, v12;
	v33 =	vmov s2;
	v12 =	vadd.s32 $0xFFFFFFFF, v47;
	v48, _, _ =	vpop (xrf0)  }
0x79: {  	v44 =	vld [tilespmem:s0+$0xFFFFFFF0];
	s4 =	spop (v2sf);
	v45 =	vadd.s32 $0xFFFFFFFF, v33;
	v12 =	vbroadcast v12, $0x0;
	(v2sf) =	vpush v48, $0xF  }
0x7a: {  	s0 =	sadd.s32 $0x40, s0;
	v29 =	vbroadcast v45, $0x0  }
0x7b: {  	vm13 =	vmmov vm2;
	vm2 =	vmmov vm3;
	v52 =	vld [tilespmem:s0+$0x0];
	v12 =	vadd.s32 v17, v12  }
0x7c: {  	v50 =	vld [tilespmem:s0+$0x10];
	[tilespmem:v24+s11+$0x0] =	vst.idx.msk vm5, v43;
	v49 =	vmov s1;
	v22 =	vadd.s32 v22, v29  }
0x7d: {  	v23 =	vadd.s32 v23, v27;
	[tilespmem:v24+s12+$0x0] =	vst.idx.msk vm5, v11;
	v11 =	vadd.s32 $0xFFFFFFFF, v49  }
0x7e: {  	vm3 =	vmmov vm1;
	vm1 =	vmmov vm6;
	[tilespmem:v14+s11+$0x0] =	vst.idx.msk vm12, v44;
	s6 =	sadd.s32 s2, s4;
	v11 =	vbroadcast v11, $0x0  }
0x7f: {  	vm14 =	vmmov vm9;
	vm3 =	vmmov vm3;
	[tilespmem:v14+s12+$0x0] =	vst.idx.msk vm12, v13;
	v51 =	vmov s6  }
0x80: {  	v53 =	vld [tilespmem:s0+$0xFFFFFFF0];
	vm1 =	vmmov vm8;
	v13 =	vadd.s32 $0xFFFFFFFF, v51;
	v11 =	vadd.s32 v20, v11;
	[tilespmem:v12+s11+$0x0] =	vst.idx.msk vm6, v52;
	s7 =	spop (v2sf)  }
0x81: {  	vm15 =	vmmov vm11;
	vm1 =	vmmov vm1;
	v13 =	vbroadcast v13, $0x0;
	[tilespmem:v22+s11+$0x0] =	vst.idx.msk vm2, v50;
	s2 =	sadd.s32 s6, s7;
	s8 =	spop (v2sf)  }
0x82: {  	v46 =	vld [tilespmem:s0+$0xFFFFFFE0];
	vm1 =	vmmov vm1;
	vm4 =	vmmov vm14;
	[tilespmem:v12+s12+$0x0] =	vst.idx.msk vm6, v10;
	s9 =	sadd.s32 s2, s8;
	s28 =	spop (v2sf);
	v56 =	vmov s2  }
0x83: {  	s0 =	sadd.s32 $0x40, s0;
	v13 =	vadd.s32 v41, v13;
	[tilespmem:v22+s12+$0x0] =	vst.idx.msk vm2, v8;
	s6 =	sadd.s32 s9, s28;
	v8 =	vmov s9;
	v10 =	vadd.s32 $0xFFFFFFFF, v56  }
0x84: {  	v55 =	vld [tilespmem:s0+$0xFFFFFFE0];
	v54 =	vmov s6;
	v8 =	vadd.s32 $0xFFFFFFFF, v8;
	v59 =	vbroadcast v10, $0x0  }
0x85: {  	[tilespmem:v11+s11+$0x0] =	vst.idx.msk vm3, v53;
	vm2 =	vmmov vm10;
	v17 =	vadd.s32 $0xFFFFFFFF, v54;
	v8 =	vbroadcast v8, $0x0  }
0x86: {  	v62 =	vld [tilespmem:s0+$0xFFFFFFF0];
	[tilespmem:v11+s12+$0x0] =	vst.idx.msk vm3, v9;
	vm2 =	vmmov vm2;
	v17 =	vbroadcast v17, $0x0;
	v9 =	vadd.s32 v31, v59  }
0x87: {  	v60 =	vld [tilespmem:s0+$0x0];
	[tilespmem:v23+s11+$0x0] =	vst.idx.msk vm13, v46;
	vm5 =	vmmov vm15;
	v8 =	vadd.s32 v32, v8  }
0x88: {  	v58 =	vld [tilespmem:s0+$0x10];
	[tilespmem:v23+s12+$0x0] =	vst.idx.msk vm13, v15;
	s2 =	spop (v2sf);
	v57 =	vadd.s32 v48, v17  }
0x89: {  	v61 =	vsub.s32 v19, v0;
	[tilespmem:v13+s11+$0x0] =	vst.idx.msk vm4, v55;
	s4 =	sadd.s32 s6, s2  }
0x8a: {  	[tilespmem:v13+s12+$0x0] =	vst.idx.msk vm4, v61;
	s0 =	sadd.s32 $0x6F, s4  }
0x8b: {  	s8 =	smulhi.u32 $0x92492493, s0;
	s9 =	sshra.s32 s0, $0x1F;
	[tilespmem:v9+s11+$0x0] =	vst.idx.msk vm1, v62  }
0x8c: {  	s7 =	ssub.s32 $0xFFFFFF91, s4;
	s6 =	smul.u32 $0x92492493, s9;
	[tilespmem:v8+s11+$0x0] =	vst.idx.msk vm2, v60  }
0x8d: {  	v63 =	vsub.s32 v16, v0;
	s2 =	sadd.s32 s7, s8;
	[tilespmem:v57+s11+$0x0] =	vst.idx.msk vm5, v58  }
0x8e: {  	s2 =	sadd.s32 s6, s2;
	[tilespmem:v8+s12+$0x0] =	vst.idx.msk vm2, v63  }
0x8f: {  	v8 =	vsub.s32 v18, v0;
	s2 =	sadd.s32 s0, s2;
	[tilespmem:v57+s12+$0x0] =	vst.idx.msk vm5, v21  }
0x90: {  	[tilespmem:v9+s12+$0x0] =	vst.idx.msk vm1, v8;
	s28 =	sshrl.u32 s2, $0x1F;
	s2 =	sshra.s32 s2, $0x6  }
0x91: {  	[tilespmem:s4+$0x16A00] =	vst v3;
	s2 =	sadd.s32 s28, s2  }
0x92: {  	[tilespmem:s4+$0x15D00] =	vst v4;
	s6 =	smul.u32 $0xFFFFFF90, s2  }
0x93: {  	[tilespmem:s4+$0x16A10] =	vst v3  }
0x94: {  	p0 =	slt.s32 s0, $0x1;
	[tilespmem:s4+$0x15D10] =	vst v4;
	p1 =	sne.s32 s6, s7  }
0x95: {  	[tilespmem:s4+$0x16A20] =	vst v3;
	p0 =	por !p0, !p1  }
0x96: {  	s0 =	simm.s32 $0x1;
	[tilespmem:s4+$0x15D20] =	vst v4;
	p0 =	por !p0, !p0  }
0x97: {  	[tilespmem:s4+$0x16A30] =	vst v3;
	s0 =	simm.s32 @!p0 $0x0  }
0x98: {  	[tilespmem:s4+$0x15D30] =	vst v4;
	s0 =	ssub.s32 s2, s0  }
0x99: {  	[tilespmem:s4+$0x16A40] =	vst v3;
	p0 =	slt.s32 s0, $0x1  }
.Ltmp6:
0x9a: {  	[tilespmem:s4+$0x15D40] =	vst v4;
	(pc) =	sbr.rel @p0 .LBB2_10-.Ltmp6, $4  }
0x9b: {  	[tilespmem:s4+$0x16A50] =	vst v3  }
0x9c: {  	[tilespmem:s4+$0x15D50] =	vst v4  }
0x9d: {  	[tilespmem:s4+$0x16A60] =	vst v3  }
0x9e: {  	s29 =	simm.s32 $0x15D00;
	s1 =	simm.s32 $0x0;
	[tilespmem:s4+$0x15D60] =	vst v4;
	s6 =	simm.s32 $0x0  }
.LBB2_7:
0x9f: {  	s2 =	smul.u32 $0x70, s6;
	_ =	sdelay $0x1  }
0xa0: {  	v8 =	vld [tilespmem:s2+$0x16A00];
	_ =	sdelay $0x4  }
0xa1: {  	[tilespmem:$0x1F400] =	vst v8  }
0xa2: {  	v9 =	vld [tilespmem:s2+$0x16A10];
	_ =	sdelay $0x4  }
0xa3: {  	[tilespmem:$0x1F410] =	vst v9  }
0xa4: {  	v9 =	vld [tilespmem:s2+$0x16A20];
	_ =	sdelay $0x4  }
0xa5: {  	[tilespmem:$0x1F420] =	vst v9  }
0xa6: {  	v9 =	vld [tilespmem:s2+$0x16A30];
	_ =	sdelay $0x4  }
0xa7: {  	[tilespmem:$0x1F430] =	vst v9  }
0xa8: {  	v9 =	vld [tilespmem:s2+$0x16A40];
	_ =	sdelay $0x4  }
0xa9: {  	[tilespmem:$0x1F440] =	vst v9  }
0xaa: {  	v9 =	vld [tilespmem:s2+$0x16A50];
	_ =	sdelay $0x1  }
0xab: {  	v10 =	vshll.u32 v8, $0x1  }
0xac: {  	v8 =	vand.u32 $0x7, v8;
	v10 =	vand.u32 $0xFFFFFFF0, v10  }
0xad: {  	v8 =	vor.u32 v8, v10  }
0xae: {  	[tilespmem:$0x1F450] =	vst v9;
	v9 =	vperm.xlane v8, v5  }
0xaf: {  	v10 =	vld [tilespmem:s2+$0x16A60]  }
0xb0: {  	v8 =	vperm.xlane v8, v7;
	v9 =	vadd.s32 v6, v9;
	_ =	sdelay $0x1  }
0xb1: {  	v8 =	vadd.s32 v6, v8;
	_ =	sdelay $0x1  }
0xb2: {  	[tilespmem:$0x1F460] =	vst v10  }
0xb3: {  	[tilespmem:s13], [sflag:$0x1] =	stream.indirect_vreg.gather [hbm4b:s3+s1], $0x80, v9, vm0, $0xb8;
	[tilespmem:$0x1F480] =	vst v63  }
0xb4: {  	_ = 	snop  }
0xb5: {  	[tilespmem:s14], [sflag:$0x1] =	stream.indirect_vreg.gather [hbm4b:s3+s1], $0x80, v8, vm0, $0xb8;
	[tilespmem:$0x1F480] =	vst v63  }
0xb6: {  	v8 =	vld [tilespmem:$0x1F410];
	_ =	sdelay $0x4  }
0xb7: {  	v9 =	vshll.u32 v8, $0x1  }
0xb8: {  	v8 =	vand.u32 $0x7, v8;
	v9 =	vand.u32 $0xFFFFFFF0, v9  }
0xb9: {  	v8 =	vor.u32 v8, v9  }
0xba: {  	v9 =	vperm.xlane v8, v5;
	_ =	sdelay $0x1  }
0xbb: {  	v8 =	vperm.xlane v8, v7;
	v9 =	vadd.s32 v6, v9;
	_ =	sdelay $0x1  }
0xbc: {  	v8 =	vadd.s32 v6, v8;
	_ =	sdelay $0x2  }
0xbd: {  	[tilespmem:s15], [sflag:$0x1] =	stream.indirect_vreg.gather [hbm4b:s3+s1], $0x80, v9, vm0, $0xb8;
	[tilespmem:$0x1F480] =	vst v63  }
0xbe: {  	_ = 	snop  }
0xbf: {  	[tilespmem:s16], [sflag:$0x1] =	stream.indirect_vreg.gather [hbm4b:s3+s1], $0x80, v8, vm0, $0xb8;
	[tilespmem:$0x1F480] =	vst v63  }
0xc0: {  	v8 =	vld [tilespmem:$0x1F420];
	_ =	sdelay $0x4  }
0xc1: {  	v9 =	vshll.u32 v8, $0x1  }
0xc2: {  	v8 =	vand.u32 $0x7, v8;
	v9 =	vand.u32 $0xFFFFFFF0, v9  }
0xc3: {  	v8 =	vor.u32 v8, v9  }
0xc4: {  	v9 =	vperm.xlane v8, v5;
	_ =	sdelay $0x1  }
0xc5: {  	v8 =	vperm.xlane v8, v7;
	v9 =	vadd.s32 v6, v9;
	_ =	sdelay $0x1  }
0xc6: {  	v8 =	vadd.s32 v6, v8;
	_ =	sdelay $0x2  }
0xc7: {  	[tilespmem:s17], [sflag:$0x1] =	stream.indirect_vreg.gather [hbm4b:s3+s1], $0x80, v9, vm0, $0xb8;
	[tilespmem:$0x1F480] =	vst v63  }
0xc8: {  	_ = 	snop  }
0xc9: {  	[tilespmem:s18], [sflag:$0x1] =	stream.indirect_vreg.gather [hbm4b:s3+s1], $0x80, v8, vm0, $0xb8;
	[tilespmem:$0x1F480] =	vst v63  }
0xca: {  	v8 =	vld [tilespmem:$0x1F430];
	_ =	sdelay $0x4  }
0xcb: {  	v9 =	vshll.u32 v8, $0x1  }
0xcc: {  	v8 =	vand.u32 $0x7, v8;
	v9 =	vand.u32 $0xFFFFFFF0, v9  }
0xcd: {  	v8 =	vor.u32 v8, v9  }
0xce: {  	v9 =	vperm.xlane v8, v5;
	_ =	sdelay $0x1  }
0xcf: {  	v8 =	vperm.xlane v8, v7;
	v9 =	vadd.s32 v6, v9;
	_ =	sdelay $0x1  }
0xd0: {  	v8 =	vadd.s32 v6, v8;
	_ =	sdelay $0x2  }
0xd1: {  	[tilespmem:s19], [sflag:$0x1] =	stream.indirect_vreg.gather [hbm4b:s3+s1], $0x80, v9, vm0, $0xb8;
	[tilespmem:$0x1F480] =	vst v63  }
0xd2: {  	_ = 	snop  }
0xd3: {  	[tilespmem:s20], [sflag:$0x1] =	stream.indirect_vreg.gather [hbm4b:s3+s1], $0x80, v8, vm0, $0xb8;
	[tilespmem:$0x1F480] =	vst v63  }
0xd4: {  	v8 =	vld [tilespmem:$0x1F440];
	_ =	sdelay $0x4  }
0xd5: {  	v9 =	vshll.u32 v8, $0x1  }
0xd6: {  	v8 =	vand.u32 $0x7, v8;
	v9 =	vand.u32 $0xFFFFFFF0, v9  }
0xd7: {  	v8 =	vor.u32 v8, v9  }
0xd8: {  	v9 =	vperm.xlane v8, v5;
	_ =	sdelay $0x1  }
0xd9: {  	v8 =	vperm.xlane v8, v7;
	v9 =	vadd.s32 v6, v9;
	_ =	sdelay $0x1  }
0xda: {  	v8 =	vadd.s32 v6, v8;
	_ =	sdelay $0x2  }
0xdb: {  	[tilespmem:s21], [sflag:$0x1] =	stream.indirect_vreg.gather [hbm4b:s3+s1], $0x80, v9, vm0, $0xb8;
	[tilespmem:$0x1F480] =	vst v63  }
0xdc: {  	_ = 	snop  }
0xdd: {  	[tilespmem:s22], [sflag:$0x1] =	stream.indirect_vreg.gather [hbm4b:s3+s1], $0x80, v8, vm0, $0xb8;
	[tilespmem:$0x1F480] =	vst v63  }
0xde: {  	v8 =	vld [tilespmem:$0x1F450];
	_ =	sdelay $0x4  }
0xdf: {  	v9 =	vshll.u32 v8, $0x1  }
0xe0: {  	v8 =	vand.u32 $0x7, v8;
	v9 =	vand.u32 $0xFFFFFFF0, v9  }
0xe1: {  	v8 =	vor.u32 v8, v9  }
0xe2: {  	v9 =	vperm.xlane v8, v5;
	_ =	sdelay $0x1  }
0xe3: {  	v8 =	vperm.xlane v8, v7;
	v9 =	vadd.s32 v6, v9;
	_ =	sdelay $0x1  }
0xe4: {  	v8 =	vadd.s32 v6, v8;
	_ =	sdelay $0x2  }
0xe5: {  	[tilespmem:s23], [sflag:$0x1] =	stream.indirect_vreg.gather [hbm4b:s3+s1], $0x80, v9, vm0, $0xb8;
	[tilespmem:$0x1F480] =	vst v63  }
0xe6: {  	_ = 	snop  }
0xe7: {  	[tilespmem:s24], [sflag:$0x1] =	stream.indirect_vreg.gather [hbm4b:s3+s1], $0x80, v8, vm0, $0xb8;
	[tilespmem:$0x1F480] =	vst v63  }
0xe8: {  	v8 =	vld [tilespmem:$0x1F460];
	_ =	sdelay $0x4  }
0xe9: {  	v9 =	vshll.u32 v8, $0x1  }
0xea: {  	v8 =	vand.u32 $0x7, v8;
	v9 =	vand.u32 $0xFFFFFFF0, v9  }
0xeb: {  	v8 =	vor.u32 v8, v9  }
0xec: {  	v9 =	vperm.xlane v8, v5;
	_ =	sdelay $0x1  }
0xed: {  	v8 =	vperm.xlane v8, v7;
	v9 =	vadd.s32 v6, v9;
	_ =	sdelay $0x1  }
0xee: {  	v8 =	vadd.s32 v6, v8;
	_ =	sdelay $0x2  }
0xef: {  	[tilespmem:s25], [sflag:$0x1] =	stream.indirect_vreg.gather [hbm4b:s3+s1], $0x80, v9, vm0, $0xb8;
	[tilespmem:$0x1F480] =	vst v63  }
0xf0: {  	_ = 	snop  }
0xf1: {  	[tilespmem:s26], [sflag:$0x1] =	stream.indirect_vreg.gather [hbm4b:s3+s1], $0x80, v8, vm0, $0xb8;
	[tilespmem:$0x1F480] =	vst v63  }
0xf2: {  	_ =	swait.ge [sflag:s10], $0x7000  }
0xf3: {  	[sflag:s10] =	ssyncset.done $0x0  }
0xf4: {  	[sflag:s10] =	ssyncadd.s32 $0xFFFF9000  }
0xf5: {  	v8 =	vld [tilespmem:s29+$0x0];
	_ =	sdelay $0x4  }
0xf6: {  	(v2sf) =	vpush v8, $0x0;
	_ =	sdelay $0xa  }
0xf7: {  	s4 =	sand.u32 $0x7800, s1;
	s7 =	sand.u32 $0x380, s1  }
0xf8: {  	s2 =	sor.u32 s7, s4  }
0xf9: {  	v8 =	vld [tilespmem:s2+$0x17700];
	_ =	sdelay $0x1  }
0xfa: {  	s8 =	spop (v2sf)  }
0xfb: {  	s7 =	sshll.u32 s8, $0xA  }
0xfc: {  	s8 =	sshra.s32 s7, $0x2  }
0xfd: {  	s2 =	sadd.s32 $0x17700, s2;
	[tilespmem:s8+$0x0] =	vst.add.f32.msk $0xffff, v8  }
0xfe: {  	v8 =	vld [tilespmem:s2+$0x10];
	_ =	sdelay $0x3  }
0xff: {  	s7 =	sor.u32 $0x10, s8  }
0x100: {  	[tilespmem:s7+$0x0] =	vst.add.f32.msk $0xffff, v8  }
0x101: {  	v8 =	vld [tilespmem:s2+$0x20];
	_ =	sdelay $0x3  }
0x102: {  	s9 =	sor.u32 $0x20, s8  }
0x103: {  	[tilespmem:s9+$0x0] =	vst.add.f32.msk $0xffff, v8  }
0x104: {  	v8 =	vld [tilespmem:s2+$0x30];
	_ =	sdelay $0x3  }
0x105: {  	s4 =	sor.u32 $0x30, s8  }
0x106: {  	[tilespmem:s4+$0x0] =	vst.add.f32.msk $0xffff, v8  }
0x107: {  	v8 =	vld [tilespmem:s2+$0x40];
	_ =	sdelay $0x3  }
0x108: {  	s9 =	sor.u32 $0x40, s8  }
0x109: {  	[tilespmem:s9+$0x0] =	vst.add.f32.msk $0xffff, v8  }
0x10a: {  	v8 =	vld [tilespmem:s2+$0x50];
	_ =	sdelay $0x3  }
0x10b: {  	s4 =	sor.u32 $0x50, s8  }
0x10c: {  	[tilespmem:s4+$0x0] =	vst.add.f32.msk $0xffff, v8  }
0x10d: {  	v8 =	vld [tilespmem:s2+$0x60];
	_ =	sdelay $0x3  }
0x10e: {  	s9 =	sor.u32 $0x60, s8  }
0x10f: {  	[tilespmem:s9+$0x0] =	vst.add.f32.msk $0xffff, v8  }
0x110: {  	v8 =	vld [tilespmem:s2+$0x70];
	_ =	sdelay $0x3  }
0x111: {  	s4 =	sor.u32 $0x70, s8  }
0x112: {  	[tilespmem:s4+$0x0] =	vst.add.f32.msk $0xffff, v8  }
0x113: {  	v8 =	vld [tilespmem:s2+$0x400];
	_ =	sdelay $0x3  }
0x114: {  	s9 =	sor.u32 $0x80, s8  }
0x115: {  	[tilespmem:s9+$0x0] =	vst.add.f32.msk $0xffff, v8  }
0x116: {  	v8 =	vld [tilespmem:s2+$0x410];
	_ =	sdelay $0x3  }
0x117: {  	s4 =	sor.u32 $0x90, s8  }
0x118: {  	[tilespmem:s4+$0x0] =	vst.add.f32.msk $0xffff, v8  }
0x119: {  	v8 =	vld [tilespmem:s2+$0x420];
	_ =	sdelay $0x3  }
0x11a: {  	s9 =	sor.u32 $0xA0, s8  }
0x11b: {  	[tilespmem:s9+$0x0] =	vst.add.f32.msk $0xffff, v8  }
0x11c: {  	v8 =	vld [tilespmem:s2+$0x430];
	_ =	sdelay $0x3  }
0x11d: {  	s4 =	sor.u32 $0xB0, s8  }
0x11e: {  	[tilespmem:s4+$0x0] =	vst.add.f32.msk $0xffff, v8  }
0x11f: {  	v8 =	vld [tilespmem:s2+$0x440];
	_ =	sdelay $0x3  }
0x120: {  	s9 =	sor.u32 $0xC0, s8  }
0x121: {  	[tilespmem:s9+$0x0] =	vst.add.f32.msk $0xffff, v8  }
0x122: {  	v8 =	vld [tilespmem:s2+$0x450];
	_ =	sdelay $0x3  }
0x123: {  	s4 =	sor.u32 $0xD0, s8  }
0x124: {  	[tilespmem:s4+$0x0] =	vst.add.f32.msk $0xffff, v8  }
0x125: {  	v8 =	vld [tilespmem:s2+$0x460];
	_ =	sdelay $0x3  }
0x126: {  	s9 =	sor.u32 $0xE0, s8  }
0x127: {  	[tilespmem:s9+$0x0] =	vst.add.f32.msk $0xffff, v8  }
0x128: {  	v8 =	vld [tilespmem:s2+$0x470];
	_ =	sdelay $0x2  }
0x129: {  	s28 =	simm.s32 $0x0  }
0x12a: {  	s7 =	simm.s32 $0x100;
	s8 =	sor.u32 $0xF0, s8;
	s2 =	smov.u32 s29  }
.LBB2_8:
0x12b: {  	p0 =	sne.s32 s7, $0x6F00;
	[tilespmem:s8+$0x0] =	vst.add.f32.msk $0xffff, v8;
	s28 =	sadd.s32 $0x80, s28;
	s2 =	sadd.s32 $0x1, s2  }
0x12c: {  	s8 =	smov.u32 s7;
	s7 =	sadd.s32 $0x100, s7;
	v8 =	vld [tilespmem:s2+$0x0];
	_ =	sdelay $0x4  }
0x12d: {  	(v2sf) =	vpush v8, $0x0;
	_ =	sdelay $0xa  }
0x12e: {  	s8 =	sand.u32 $0x7800, s8;
	s9 =	sand.u32 $0x380, s28  }
0x12f: {  	s9 =	sor.u32 s9, s8  }
0x130: {  	v8 =	vld [tilespmem:s9+$0x17700];
	_ =	sdelay $0x1  }
0x131: {  	s8 =	spop (v2sf)  }
0x132: {  	s8 =	sshll.u32 s8, $0xA  }
0x133: {  	s8 =	sshra.s32 s8, $0x2  }
0x134: {  	s9 =	sadd.s32 $0x17700, s9;
	[tilespmem:s8+$0x0] =	vst.add.f32.msk $0xffff, v8  }
0x135: {  	v8 =	vld [tilespmem:s9+$0x10];
	_ =	sdelay $0x3  }
0x136: {  	s4 =	sor.u32 $0x10, s8  }
0x137: {  	[tilespmem:s4+$0x0] =	vst.add.f32.msk $0xffff, v8  }
0x138: {  	v8 =	vld [tilespmem:s9+$0x20];
	_ =	sdelay $0x3  }
0x139: {  	s4 =	sor.u32 $0x20, s8  }
0x13a: {  	[tilespmem:s4+$0x0] =	vst.add.f32.msk $0xffff, v8  }
0x13b: {  	v8 =	vld [tilespmem:s9+$0x30];
	_ =	sdelay $0x3  }
0x13c: {  	s4 =	sor.u32 $0x30, s8  }
0x13d: {  	[tilespmem:s4+$0x0] =	vst.add.f32.msk $0xffff, v8  }
0x13e: {  	v8 =	vld [tilespmem:s9+$0x40];
	_ =	sdelay $0x3  }
0x13f: {  	s4 =	sor.u32 $0x40, s8  }
0x140: {  	[tilespmem:s4+$0x0] =	vst.add.f32.msk $0xffff, v8  }
0x141: {  	v8 =	vld [tilespmem:s9+$0x50];
	_ =	sdelay $0x3  }
0x142: {  	s4 =	sor.u32 $0x50, s8  }
0x143: {  	[tilespmem:s4+$0x0] =	vst.add.f32.msk $0xffff, v8  }
0x144: {  	v8 =	vld [tilespmem:s9+$0x60];
	_ =	sdelay $0x3  }
0x145: {  	s4 =	sor.u32 $0x60, s8  }
0x146: {  	[tilespmem:s4+$0x0] =	vst.add.f32.msk $0xffff, v8  }
0x147: {  	v8 =	vld [tilespmem:s9+$0x70];
	_ =	sdelay $0x3  }
0x148: {  	s4 =	sor.u32 $0x70, s8  }
0x149: {  	[tilespmem:s4+$0x0] =	vst.add.f32.msk $0xffff, v8  }
0x14a: {  	v8 =	vld [tilespmem:s9+$0x400];
	_ =	sdelay $0x3  }
0x14b: {  	s4 =	sor.u32 $0x80, s8  }
0x14c: {  	[tilespmem:s4+$0x0] =	vst.add.f32.msk $0xffff, v8  }
0x14d: {  	v8 =	vld [tilespmem:s9+$0x410];
	_ =	sdelay $0x3  }
0x14e: {  	s4 =	sor.u32 $0x90, s8  }
0x14f: {  	[tilespmem:s4+$0x0] =	vst.add.f32.msk $0xffff, v8  }
0x150: {  	v8 =	vld [tilespmem:s9+$0x420];
	_ =	sdelay $0x3  }
0x151: {  	s4 =	sor.u32 $0xA0, s8  }
0x152: {  	[tilespmem:s4+$0x0] =	vst.add.f32.msk $0xffff, v8  }
0x153: {  	v8 =	vld [tilespmem:s9+$0x430];
	_ =	sdelay $0x3  }
0x154: {  	s4 =	sor.u32 $0xB0, s8  }
0x155: {  	[tilespmem:s4+$0x0] =	vst.add.f32.msk $0xffff, v8  }
0x156: {  	v8 =	vld [tilespmem:s9+$0x440];
	_ =	sdelay $0x3  }
0x157: {  	s4 =	sor.u32 $0xC0, s8  }
0x158: {  	[tilespmem:s4+$0x0] =	vst.add.f32.msk $0xffff, v8  }
0x159: {  	v8 =	vld [tilespmem:s9+$0x450];
	_ =	sdelay $0x3  }
0x15a: {  	s4 =	sor.u32 $0xD0, s8  }
0x15b: {  	[tilespmem:s4+$0x0] =	vst.add.f32.msk $0xffff, v8  }
0x15c: {  	v8 =	vld [tilespmem:s9+$0x460];
	_ =	sdelay $0x3  }
0x15d: {  	s4 =	sor.u32 $0xE0, s8  }
0x15e: {  	[tilespmem:s4+$0x0] =	vst.add.f32.msk $0xffff, v8  }
.Ltmp7:
0x15f: {  	v8 =	vld [tilespmem:s9+$0x470];
	(pc) =	sbr.rel @p0 .LBB2_8-.Ltmp7, $2  }
0x160: {  	_ =	sdelay $0x2  }
0x161: {  	s8 =	sor.u32 $0xF0, s8  }
0x162: {  	s6 =	sadd.s32 $0x1, s6  }
0x163: {  	p0 =	sne.s32 s6, s0  }
.Ltmp8:
0x164: {  	_ = 	snop;
	(pc) =	sbr.rel @p0 .LBB2_7-.Ltmp8, $4  }
.Ltmp9:
0x165: {  	_ = 	snop;
	(pc) =	sbr.rel @!p0 .LBB2_10-.Ltmp9, $4  }
0x166: {  	_ = 	snop  }
0x167: {  	_ = 	snop  }
0x168: {  	[tilespmem:s8+$0x0] =	vst.add.f32.msk $0xffff, v8;
	s29 =	sadd.s32 $0x70, s29  }
0x169: {  	_ = 	snop  }
.LBB2_12:
0x16a: {  	_ =	sfence.sel $0x180000  }
0x16b: {  	[bflag:$0x0] =	sbarrier.arrive $0xFFFF  }
0x16c: {  	_ =	strace $0x9000004D  }
0x16d: {  	s0 =	stileid.u32;
	[bflag:$0x2] =	sbarrier.arrive $0xFFFF  }
0x16e: {  	p0 =	sne.s32 s0, $0x0;
	s0 =	rddreg [dreg:$0x1]  }
0x16f: {  	s0 =	sadd.s32 @!p0 $0x100000, s0  }
0x170: {  	[sflag:s0] =	ssyncadd.tile.s32 @!p0 $0x1;
	_ =	shalt  }
.Lfunc_end2:
_tile_overlayer_lowered:
.L_overlay_start_2:
0x171: {  	(tag) =	ssettag $0x2  }
0x172: {  	s0 =	rddreg [dreg:$0x0];
	s2 =	stileid.u32  }
0x173: {  	s1 =	rddreg [dreg:$0x1];
	p0 =	sne.s32 s2, $0x0  }
0x174: {  	s3 =	rddreg [dreg:$0x2];
	[bflag:$0x3] =	sbarrier.arrive $0xFFFF;
	s2 =	simm.s32 @!p0 $0x1C02  }
0x175: {  	[timem:s3], [sflag:s2] =	dma.local @!p0 [hbm:s0], s1  }
0x176: {  	s0 =	simm.s32 @!p0 $0x2  }
0x177: {  	_ =	swait.ge @!p0 [sflag:s0], s1  }
0x178: {  	s1 =	ssub.s32 @!p0 $0x0, s1;
	[sflag:s0] =	ssyncset.done @!p0 $0x0  }
0x179: {  	[sflag:s0] =	ssyncadd.s32 @!p0 s1  }
0x17a: {  	[bflag:$0x3] =	sbarrier.arrive $0xFFFF  }
0x17b: {  	_ =	shalt  }

// kernel: scatter_offload_async_start.1
scs
__scs_entry_jumppad:
0x0: {  	(pc) =	sbr.rel $0x88, $3  }
0x1: {  	(tag) =	ssettag $0x0;
	lr =	simm.s32 $0x1  }
0x2: {  	[smem:$0x3F94] =	sst lr;
	_ =	strace $0xD0000000  }
0x3: {  	_ = 	snop  }
0x4: {  	_ = 	snop  }
0x5: {  	_ = 	snop  }
0x6: {  	_ = 	snop  }
0x7: {  	_ = 	snop  }
__scs_overlays_trampoline_lowered:
0x8: {  	[smem:$0x3FA3] =	sst s0  }
0x9: {  	[smem:$0x3FA4] =	sst s1  }
0xa: {  	[smem:$0x3FA5] =	sst s2  }
0xb: {  	[smem:$0x3FA6] =	sst s3  }
0xc: {  	[smem:$0x3FA7] =	sst s4  }
0xd: {  	[smem:$0x3FA8] =	sst s5  }
0xe: {  	[smem:$0x3FA9] =	sst s6  }
0xf: {  	[smem:$0x3FAA] =	sst s7  }
0x10: {  	[smem:$0x3FAB] =	sst s8  }
0x11: {  	[smem:$0x3FAC] =	sst s9;
	s0 =	simm.s32 @!p0 $0x0  }
0x12: {  	s1 =	sld [smem:$0x3F92];
	s0 =	simm.s32 @p0 $0x1  }
0x13: {  	[smem:$0x3FAD] =	sst s0;
	s0 =	simm.s32 @!p1 $0x0  }
0x14: {  	s2 =	sld [smem:$0x3F91];
	s0 =	simm.s32 @p1 $0x1  }
0x15: {  	[smem:$0x3FAE] =	sst s0;
	s0 =	simm.s32 @!p2 $0x0  }
0x16: {  	s3 =	sld [smem:$0x3FDB];
	s0 =	simm.s32 @p2 $0x1  }
0x17: {  	s4 =	simm.s32 $0x1BF5;
	[smem:$0x3FB0] =	sst s0  }
0x18: {  	s0 =	sld [smem:$0x3F93];
	_ =	swait.ge [sflag:s4], $0x0  }
0x19: {  	s7 =	sld [smem:$0x3F94]  }
0x1a: {  	s8 =	sadd.s32 $0xFFFFE003, lr  }
0x1b: {  	s9 =	sadd.s32 $0xFFFFFEF7, lr;
	s5 =	simm.s32 $0xFFFFFFFF;
	p2 =	slt.u32 s8, $0xFFFFF086  }
0x1c: {  	p1 =	slt.u32 s9, $0xF7A;
	s5 =	simm.s32 @!p2 $0x0  }
0x1d: {  	s5 =	simm.s32 @p1 $0x1;
	p0 =	seq.s32 s7, s2  }
0x1e: {  	s7 =	smul.u32 @!p0 $0xF7A, s2;
	p2 =	seq.s32 @!p0 s5, $0x0  }
0x1f: {  	s9 =	smul.u32 $0xF7A, s1;
	s8 =	simm.s32 @!p0 $0x1BF5;
	p2 =	por !p2, p0  }
0x20: {  	[sflag:s8] =	ssyncset.s32 @!p0 $0xFFFFF086;
	s6 =	sadd.s32 @!p0 s3, s7;
	s7 =	simm.s32 @!p0 $0x108  }
0x21: {  	s3 =	sadd.s32 s3, s9;
	s6 =	sadd.s32 @!p0 $0x88, s6;
	s7 =	simm.s32 @p2 $0x1082  }
0x22: {  	[simem:s7], [sflag:s8] =	dma.local @!p0 [hbm:s6], $0xF7A  }
0x23: {  	s9 =	sor.u32 $0xD0000000, s2;
	s6 =	simm.s32 $0x108;
	_ =	swait.ge @!p0 [sflag:s8], $0x0  }
0x24: {  	s3 =	sadd.s32 $0x88, s3;
	s6 =	simm.s32 @!p1 $0x1082;
	[sflag:s4] =	ssyncset.s32 $0xFFFFF086  }
0x25: {  	[simem:s6], [sflag:s4] =	dma.local [hbm:s3], $0xF7A  }
0x26: {  	[smem:$0x3F94] =	sst s1;
	(tag) =	ssettag s2;
	_ =	strace s9  }
0x27: {  	s1 =	sld [smem:$0x3FA4]  }
0x28: {  	s2 =	sld [smem:$0x3FA5]  }
0x29: {  	s4 =	sld [smem:$0x3FA7]  }
0x2a: {  	p0 =	seq.s32 s5, $0x0;
	s5 =	sld [smem:$0x3FA8]  }
0x2b: {  	s6 =	sld [smem:$0x3FA9]  }
0x2c: {  	s7 =	sld [smem:$0x3FAA]  }
0x2d: {  	s3 =	simm.s32 $0x108;
	s8 =	sld [smem:$0x3FAB]  }
0x2e: {  	s3 =	simm.s32 @!p0 $0x1082;
	s9 =	sld [smem:$0x3FAC]  }
0x2f: {  	lr =	sadd.s32 s0, s3;
	s0 =	sld [smem:$0x3FA3]  }
0x30: {  	s3 =	sld [smem:$0x3FA6]  }
0x31: {  	[smem:$0x3FAF] =	sst s10  }
0x32: {  	s10 =	sld [smem:$0x3FAD];
	_ =	sdelay $0x3  }
0x33: {  	p0 =	seq.s32 s10, $0x1;
	s10 =	sld [smem:$0x3FAF];
	_ =	sdelay $0x3  }
0x34: {  	[smem:$0x3FAF] =	sst s10  }
0x35: {  	s10 =	sld [smem:$0x3FAE];
	_ =	sdelay $0x3  }
0x36: {  	p1 =	seq.s32 s10, $0x1;
	s10 =	sld [smem:$0x3FAF];
	_ =	sdelay $0x3  }
0x37: {  	[smem:$0x3FAF] =	sst s10  }
0x38: {  	s10 =	sld [smem:$0x3FB0]  }
0x39: {  	_ = 	snop;
	(pc) =	sbr.ind lr, $3  }
0x3a: {  	_ = 	snop  }
0x3b: {  	_ = 	snop  }
0x3c: {  	p2 =	seq.s32 s10, $0x1;
	s10 =	sld [smem:$0x3FAF]  }
0x3d: {  	_ =	shalt  }
0x3e: {  	_ =	shalt  }
0x3f: {  	_ =	shalt  }
0x40: {  	_ =	shalt  }
0x41: {  	_ =	shalt  }
0x42: {  	_ =	shalt  }
0x43: {  	_ =	shalt  }
0x44: {  	_ =	shalt  }
0x45: {  	_ =	shalt  }
0x46: {  	_ =	shalt  }
0x47: {  	_ =	shalt  }
0x48: {  	_ =	shalt  }
0x49: {  	_ =	shalt  }
0x4a: {  	_ =	shalt  }
0x4b: {  	_ =	shalt  }
0x4c: {  	_ =	shalt  }
0x4d: {  	_ =	shalt  }
0x4e: {  	_ =	shalt  }
0x4f: {  	_ =	shalt  }
0x50: {  	_ =	shalt  }
0x51: {  	_ =	shalt  }
0x52: {  	_ =	shalt  }
0x53: {  	_ =	shalt  }
0x54: {  	_ =	shalt  }
0x55: {  	_ =	shalt  }
0x56: {  	_ =	shalt  }
0x57: {  	_ =	shalt  }
0x58: {  	_ =	shalt  }
0x59: {  	_ =	shalt  }
0x5a: {  	_ =	shalt  }
0x5b: {  	_ =	shalt  }
0x5c: {  	_ =	shalt  }
0x5d: {  	_ =	shalt  }
0x5e: {  	_ =	shalt  }
0x5f: {  	_ =	shalt  }
0x60: {  	_ =	shalt  }
0x61: {  	_ =	shalt  }
0x62: {  	_ =	shalt  }
0x63: {  	_ =	shalt  }
0x64: {  	_ =	shalt  }
0x65: {  	_ =	shalt  }
0x66: {  	_ =	shalt  }
0x67: {  	_ =	shalt  }
0x68: {  	_ =	shalt  }
0x69: {  	_ =	shalt  }
0x6a: {  	_ =	shalt  }
0x6b: {  	_ =	shalt  }
0x6c: {  	_ =	shalt  }
0x6d: {  	_ =	shalt  }
0x6e: {  	_ =	shalt  }
0x6f: {  	_ =	shalt  }
0x70: {  	_ =	shalt  }
0x71: {  	_ =	shalt  }
0x72: {  	_ =	shalt  }
0x73: {  	_ =	shalt  }
0x74: {  	_ =	shalt  }
0x75: {  	_ =	shalt  }
0x76: {  	_ =	shalt  }
0x77: {  	_ =	shalt  }
0x78: {  	_ =	shalt  }
0x79: {  	_ =	shalt  }
0x7a: {  	_ =	shalt  }
0x7b: {  	_ =	shalt  }
0x7c: {  	_ =	shalt  }
0x7d: {  	_ =	shalt  }
0x7e: {  	_ =	shalt  }
0x7f: {  	_ =	shalt  }
0x80: {  	_ =	shalt  }
0x81: {  	_ =	shalt  }
0x82: {  	_ =	shalt  }
0x83: {  	_ =	shalt  }
0x84: {  	_ =	shalt  }
0x85: {  	_ =	shalt  }
0x86: {  	_ =	shalt  }
0x87: {  	_ =	shalt  }
.Lfunc_end0:
.L_simem_size_0:
called_computation.1_lowered:
.L_overlay_start_0:
0x88: {  	s0 =	sld [smem:$0x3FD9]  }
0x89: {  	s1 =	sld [smem:$0x3FFE];
	_ =	sdelay $0x3  }
0x8a: {  	s0 =	sadd.s32 s1, s0  }
0x8b: {  	[smem:$0x3FBB] =	sst s0  }
0x8c: {  	_ = 	snop  }
0x8d: {  	s0 =	sld [smem:$0x3FD0];
	(tm) =	ssettm $0x1  }
0x8e: {  	s16 =	sld [smem:$0x3FFB];
	_ =	sdelay $0x3  }
0x8f: {  	_ =	strace s16  }
0x90: {  	s1 =	sld [smem:$0x3FFC];
	_ =	sdelay $0x3  }
0x91: {  	_ =	strace s1  }
0x92: {  	s1 =	sld [smem:$0x3FFD];
	_ =	sdelay $0x3  }
0x93: {  	_ =	strace s1  }
0x94: {  	_ =	strace $0x8FFFFFFF  }
0x95: {  	s17 =	sld [smem:$0x3FDB];
	_ =	sdelay $0x1  }
0x96: {  	s2 =	simm.s32 $_scs_section_size  }
0x97: {  	s3 =	simm.s32 $_size__tile_overlayer_lowered;
	s4 =	simm.s32 $_tile_overlayer_lowered  }
0x98: {  	s20 =	simm.s32 $0x1BFF;
	s19 =	sshll.u32 s4, $0x1;
	s1 =	sadd.s32 s2, s17  }
0x99: {  	s5 =	simm.s32 $0x0;
	s18 =	sshll.u32 s3, $0x1;
	s3 =	sadd.s32 s19, s1  }
0x9a: {  	[timem:s5], [sflag:s20] =	dma.local [hbm:s3], s18  }
0x9b: {  	_ =	swait.ge [sflag:s20], s18  }
0x9c: {  	s2 =	ssub.s32 $0x0, s18;
	[sflag:s20] =	ssyncset.done $0x0  }
0x9d: {  	[sflag:s20] =	ssyncadd.s32 s2;
	_ =	sdelay $0x1  }
0x9e: {  	s21 =	simm.s32 $0x1B8B  }
0x9f: {  	_ =	swait.ge [sflag:s21], $0x1  }
0xa0: {  	[sflag:s21] =	ssyncset.done $0x0  }
0xa1: {  	s23 =	simm.s32 $0x1B8E;
	s22 =	sld [smem:$0x3FFE];
	[sflag:s21] =	ssyncadd.s32 $0xFFFFFFFF  }
0xa2: {  	s24 =	simm.s32 $execute0_lowered;
	[smem:$0x3FD2] =	sst s23  }
0xa3: {  	s3 =	sshll.u32 s24, $0x1;
	_ =	strace $0x80000052;
	[dreg:$0x1] =	wrdreg $0xFFFFFFFF  }
0xa4: {  	s25 =	simm.s32 $_size_execute0_lowered;
	s1 =	sadd.s32 s1, s3;
	[dreg:$0x0] =	wrdreg $0x0  }
0xa5: {  	s3 =	sshll.u32 s25, $0x1;
	[dreg:$0x2] =	wrdreg s1  }
0xa6: {  	[dreg:$0x3] =	wrdreg s3  }
0xa7: {  	[dreg:$0x4] =	wrdreg $0xC0  }
0xa8: {  	_ =	task [dreg:s5], $0x5FFFF  }
0xa9: {  	[dreg:$0x1] =	wrdreg $0xFFFFFFFF  }
0xaa: {  	[dreg:$0x0] =	wrdreg $0x60  }
0xab: {  	[dreg:$0x2] =	wrdreg s0  }
0xac: {  	[dreg:$0x3] =	wrdreg s22  }
0xad: {  	[dreg:$0x4] =	wrdreg $0x9  }
0xae: {  	_ =	task.clear_ibuf [dreg:s5], $0x5FFFF;
	_ =	strace $0x90000052  }
0xaf: {  	s26 =	simm.s32 $0x9;
	_ =	strace $0x80000054  }
0xb0: {  	_ =	swait.ge [sflag:s26], $0x1  }
0xb1: {  	[sflag:s26] =	ssyncadd.s32 $0xFFFFFFFF  }
0xb2: {  	_ =	strace $0x90000054  }
0xb3: {  	_ =	sfence  }
0xb4: {  	s28 =	sld [smem:$0x0];
	_ =	sdelay $0x1  }
0xb5: {  	s29 =	srdreg.scid  }
0xb6: {  	s30 =	sshll.u32 s29, $0xD;
	s31 =	sshrl.u32 s29, $0x2  }
0xb7: {  	s2 =	sand.u32 $0x4000, s30;
	s1 =	sand.u32 $0x1, s29;
	s0 =	sadd.s32 s31, s28  }
0xb8: {  	s1 =	sor.u32 s2, s1;
	s0 =	sshll.u32 s0, $0x11  }
0xb9: {  	s0 =	sor.u32 s0, s1  }
0xba: {  	s0 =	sadd.s32 $0x8F2B, s0  }
0xbb: {  	[sflag:s0] =	ssyncadd.remote.s32 $0x1  }
0xbc: {  	_ =	sfence.sel $0xFFFF  }
0xbd: {  	[dreg:$0x0] =	wrdreg $0xFFFFFFFF;
	(pc) =	sbr.abs _section_cstart, $3  }
0xbe: {  	[dreg:$0x1] =	wrdreg $0xFFFFFFFF  }
0xbf: {  	_ =	task.clear_ibuf [dreg:s5], $0x2FFFF;
	_ =	strace $0x9FFFFFFF  }
0xc0: {  	(tm) =	ssettm $0x7FFFFFFF  }
0xc1: {  	_ =	shalt  }
tec
execute0_lowered:
.L_overlay_start_1:
0x0: {  	(tag) =	ssettag $0x1  }
0x1: {  	s1 =	rddreg [dreg:$0x0]  }
0x2: {  	s0 =	rddreg [dreg:$0x1];
	_ =	strace $0x80000053;
	s2 =	simm.s32 $0x1  }
0x3: {  	s8 =	simm.s32 $0x208;
	v0 =	vimm.s32 $0x0;
	[sflag:s2] =	ssyncpa.u1 $0x0  }
0x4: {  	[tilespmem:s8+$0x70] =	vst v0  }
0x5: {  	[tilespmem:s8+$0x60] =	vst v0  }
0x6: {  	[tilespmem:s8+$0x50] =	vst v0  }
0x7: {  	[tilespmem:s8+$0x40] =	vst v0  }
0x8: {  	[tilespmem:s8+$0x30] =	vst v0  }
0x9: {  	s10 =	sadd.s32 $0xA8600, s0;
	[tilespmem:s8+$0x20] =	vst v0  }
0xa: {  	s4 =	sadd.s32 $0x400, s0;
	s5 =	sadd.s32 $0xA8C00, s0;
	s0 =	simm.s32 $0x40;
	[tilespmem:s8+$0x10] =	vst v0  }
.LBB2_1:
0xb: {  	s0 =	sadd.s32 $0x40, s0;
	[tilespmem:s8+$0x0] =	vst v0;
	s8 =	sadd.s32 $0x80, s8  }
0xc: {  	p0 =	slt.u32 s0, $0x3880;
	[tilespmem:s8+$0x70] =	vst v0  }
0xd: {  	[tilespmem:s8+$0x60] =	vst v0  }
.Ltmp0:
0xe: {  	[tilespmem:s8+$0x50] =	vst v0;
	(pc) =	sbr.rel @p0 .LBB2_1-.Ltmp0, $4  }
0xf: {  	[tilespmem:s8+$0x40] =	vst v0  }
0x10: {  	[tilespmem:s8+$0x30] =	vst v0  }
0x11: {  	[tilespmem:s8+$0x20] =	vst v0  }
0x12: {  	[tilespmem:s8+$0x10] =	vst v0  }
0x13: {  	s3 =	stileid.u32  }
0x14: {  	s0 =	smul.u32 $0x5, s3  }
0x15: {  	s2 =	smin.u32 s3, $0xA  }
0x16: {  	s0 =	sadd.s32 s2, s0  }
0x17: {  	p0 =	slt.u32 s3, $0xA;
	s6 =	smul.u32 $0x70, s0;
	s0 =	simm.s32 $0x2A0  }
0x18: {  	s0 =	simm.s32 @!p0 $0x230  }
0x19: {  	s0 =	sadd.s32 s0, s6  }
0x1a: {  	s7 =	smin.u32 s0, $0x2710  }
0x1b: {  	s0 =	ssub.s32 s7, s6  }
0x1c: {  	p0 =	sgt.s32 s0, $0x0  }
0x1d: {  	s0 =	simm.s32 @!p0 $0x0  }
0x1e: {  	s26 =	sand.u32 $0xFFF0, s0  }
0x1f: {  	s28 =	simm.s32 $0x2;
	s2 =	sshrl.u32 s26, $0x4  }
0x20: {  	s29 =	simm.s32 $0x7;
	s30 =	simm.s32 $0x8;
	s2 =	smul.u32 $0x2493, s2  }
0x21: {  	s31 =	simm.s32 $0x9;
	s11 =	simm.s32 $0x1;
	s21 =	simm.s32 $0x0  }
0x22: {  	p1 =	por $0x0, $0x0;
	s15 =	simm.s32 $0x80;
	s2 =	sshrl.u32 s2, $0x10  }
0x23: {  	s16 =	simm.s32 $0x400;
	s17 =	simm.s32 $0xA;
	s9 =	smul.u32 $0x70, s2  }
.Ltmp1:
0x24: {  	[tilespmem:s8+$0x0] =	vst v0;
	v0 =	vimm.s32 $0xFFFFFFFF;
	s18 =	simm.s32 $0x0;
	[sflag:s28] =	ssyncpa.u1 $0x0;
	(pc) =	sbr.rel .LBB2_3-.Ltmp1, $4  }
0x25: {  	[tilespmem:$0xE408] =	vst v0;
	[sflag:s29] =	ssyncpa.u1 $0x0;
	p0 =	sne.s32 s0, s9;
	s0 =	simm.s32 $0x1  }
0x26: {  	s20 =	simm.s32 $0x0;
	[sflag:s30] =	ssyncpa.u1 $0x0;
	s0 =	simm.s32 @!p0 $0x0  }
0x27: {  	s13 =	sshll.u32 s3, $0x9;
	[sflag:s31] =	ssyncpa.u1 $0x0;
	s12 =	sadd.s32 s2, s0  }
0x28: {  	v0 =	vlaneseq.u32;
	s19 =	smov.u32 s6;
	p0 =	por $0x1, $0x1;
	s14 =	sadd.s32 $0x1, s12  }
.LBB2_24:
0x29: {  	s0 =	sshrl.u32 s30, $0x2  }
.LBB2_26:
0x2a: {  	_ =	swait.ge [sflag:s17], s0  }
0x2b: {  	s31 =	ssub.s32 $0x0, s0;
	v1 =	vmov s23;
	vm0 =	veq.s32 v0, $0x0;
	[sflag:s17] =	ssyncset.done $0x0  }
0x2c: {  	vm15 =	veq.s32 v0, $0x2;
	v1 =	vsel vm0, s29, v1;
	[sflag:s17] =	ssyncadd.s32 s31  }
0x2d: {  	v1 =	vsel vm15, s21, v1;
	[sflag:s17] =	ssyncpa.u1 $0x1  }
0x2e: {  	[tilespmem:$0xE408] =	vst v1  }
.LBB2_27:
0x2f: {  	s0 =	sadd.s32 $0x70, s19  }
0x30: {  	s2 =	smov.u32 s6;
	p2 =	slt.s32 s0, s7  }
0x31: {  	s2 =	smov.u32 @p2 s0;
	p2 =	sne.s32 s20, s14  }
.Ltmp2:
0x32: {  	_ = 	snop;
	(pc) =	sbr.rel @!p2 .LBB2_28-.Ltmp2, $4  }
0x33: {  	_ = 	snop  }
0x34: {  	s21 =	smov.u32 s18  }
0x35: {  	s31 =	sadd.s32 $0x1, s20;
	s18 =	smov.u32 s19;
	p0 =	por !p0, !p0  }
0x36: {  	p1 =	por !p1, !p1;
	s20 =	smov.u32 s31;
	s19 =	smov.u32 s2  }
.LBB2_3:
0x37: {  	p2 =	sge.u32 s20, s12  }
0x38: {  	s0 =	smulhi.u32 @!p2 $0xAAAAAAAB, s20  }
0x39: {  	s2 =	smov.u32 s19;
	p3 =	sgt.s32 @!p2 s19, $0x26A0  }
0x3a: {  	s8 =	sshra.s32 @!p2 s19, $0x1F;
	p3 =	por !p3, p2;
	s0 =	sshrl.u32 @!p2 s0, $0x1  }
0x3b: {  	s8 =	sand.u32 @!p2 s8, s19;
	s2 =	simm.s32 @p3 $0x26A0;
	s0 =	smul.u32 @!p2 $0x3, s0  }
0x3c: {  	s2 =	ssub.s32 @!p2 s2, s8  }
0x3d: {  	s2 =	sadd.s32 @!p2 $0xFFFFD960, s2;
	s0 =	ssub.s32 @!p2 s20, s0  }
0x3e: {  	s8 =	sshll.u32 @!p2 s2, $0x2;
	p3 =	sgt.s32 @!p2 s2, $0x6F;
	s0 =	smul.u32 @!p2 $0x1C0, s0  }
0x3f: {  	s9 =	sand.u32 @!p2 $0x7, s19;
	s2 =	ssub.s32 @!p2 $0x1C0, s8;
	p3 =	por !p3, p2  }
0x40: {  	s8 =	sshrl.u32 @!p2 s19, $0x3;
	s2 =	sshrl.u32 @!p2 s2, $0x2;
	s0 =	sshrl.u32 @!p2 s0, $0x2  }
0x41: {  	s8 =	sadd.s32 @!p2 s5, s8;
	s2 =	simm.s32 @!p3 $0x0;
	s0 =	sadd.s32 @!p2 $0x10438, s0  }
0x42: {  	[tilespmem:s0], [sflag:$0x8] =	stream.linear.gather @!p2 [hbm4b:s8+s9], s2, $0x38;
	[tilespmem:$0x1E668] =	vst v63  }
0x43: {  	s0 =	sadd.s32 $0xFFFFFFFF, s20  }
0x44: {  	p2 =	sge.u32 s0, s12  }
0x45: {  	p3 =	sgt.s32 @!p2 s18, $0x26A0  }
0x46: {  	s2 =	smov.u32 s18;
	s8 =	sshra.s32 @!p2 s18, $0x1F;
	p3 =	por !p3, p2  }
0x47: {  	s8 =	sand.u32 @!p2 s8, s18;
	s2 =	simm.s32 @p3 $0x26A0  }
0x48: {  	s2 =	ssub.s32 @!p2 s2, s8  }
0x49: {  	s2 =	sadd.s32 @!p2 $0xFFFFD960, s2  }
0x4a: {  	s8 =	sshll.u32 @!p2 s2, $0x2  }
0x4b: {  	p3 =	sgt.s32 @!p2 s2, $0x6F;
	s2 =	ssub.s32 @!p2 $0x1C0, s8  }
0x4c: {  	p3 =	por !p3, p2;
	s2 =	sshrl.u32 @!p2 s2, $0x2  }
0x4d: {  	s9 =	simm.s32 @!p2 $0x8;
	s8 =	sand.u32 @!p2 $0x1, s0;
	s2 =	simm.s32 @!p3 $0x0  }
0x4e: {  	s8 =	smul.u32 @!p2 $0x1C0, s8;
	_ =	swait.ge @!p2 [sflag:s9], s2  }
0x4f: {  	s22 =	ssub.s32 @!p2 $0x0, s2;
	[sflag:s9] =	ssyncset.done @!p2 $0x0  }
0x50: {  	s8 =	sshrl.u32 @!p2 s8, $0x2;
	[sflag:s9] =	ssyncadd.s32 @!p2 s22;
	s9 =	sshrl.u32 @!p2 s18, $0x3  }
0x51: {  	s8 =	sor.u32 @!p2 $0x10588, s8;
	s22 =	sand.u32 @!p2 $0x7, s18;
	s9 =	sadd.s32 @!p2 s10, s9  }
0x52: {  	[tilespmem:s8], [sflag:$0x9] =	stream.linear.gather @!p2 [hbm4b:s9+s22], s2, $0x38;
	[tilespmem:$0x1E668] =	vst v63  }
0x53: {  	s22 =	ssub.s32 @!p2 $0x2710, s18  }
0x54: {  	p3 =	slt.s32 @!p2 s22, $0x1  }
0x55: {  	p3 =	por p2, p3  }
.Ltmp3:
0x56: {  	_ = 	snop;
	(pc) =	sbr.rel @p3 .LBB2_9-.Ltmp3, $1  }
0x57: {  	_ =	sdelay $0x3  }
0x58: {  	s2 =	smulhi.u32 $0xAAAAAAAB, s0;
	_ =	sdelay $0x1  }
0x59: {  	s2 =	sshrl.u32 s2, $0x1  }
0x5a: {  	s2 =	smul.u32 $0x3, s2;
	_ =	sdelay $0x1  }
0x5b: {  	s29 =	ssub.s32 s0, s2  }
0x5c: {  	s8 =	simm.s32 $0x1;
	s0 =	smul.u32 $0x1C0, s29  }
.Ltmp4:
0x5d: {  	s8 =	simm.s32 @!p0 $0x0;
	(pc) =	sbr.rel .LBB2_6-.Ltmp4, $4  }
0x5e: {  	s30 =	smul.u32 $0x1C000, s8  }
0x5f: {  	p3 =	slt.s32 @!p2 s22, $0x70;
	s0 =	sshrl.u32 s0, $0x2  }
0x60: {  	p2 =	por !p3, p2;
	s2 =	sshrl.u32 s30, $0x2;
	s31 =	sadd.s32 $0x10438, s0  }
0x61: {  	s22 =	simm.s32 @p2 $0x70;
	s23 =	sor.u32 $0x10668, s2;
	s0 =	simm.s32 $0x0;
	v1 =	vmov s31  }
.LBB2_5:
0x62: {  	p2 =	sge.s32 s0, s22  }
.Ltmp5:
0x63: {  	_ = 	snop;
	(pc) =	sbr.rel @p2 .LBB2_9-.Ltmp5, $2  }
0x64: {  	_ =	sdelay $0x2  }
0x65: {  	s23 =	sadd.s32 $0x1000, s23  }
.LBB2_6:
0x66: {  	p2 =	sle.s32 s22, s0  }
.Ltmp6:
0x67: {  	_ = 	snop;
	(pc) =	sbr.rel @p2 .LBB2_5-.Ltmp6, $2  }
0x68: {  	_ =	sdelay $0x2  }
0x69: {  	s24 =	smov.u32 s0;
	s0 =	sadd.s32 $0x10, s0  }
0x6a: {  	s2 =	ssub.s32 s22, s24  }
0x6b: {  	p2 =	slt.s32 s2, $0x10  }
0x6c: {  	s2 =	simm.s32 @!p2 $0x10  }
0x6d: {  	v2 =	vmov s2  }
0x6e: {  	vm0 =	vgt.s32 v2, v0;
	_ =	sdelay $0x5  }
0x6f: {  	v2 =	vld.idx.msk [tilespmem:v1+s24+$0x0 ss:$0x1], vm0;
	_ =	sdelay $0x2  }
0x70: {  	p2 =	slt.s32 s0, s22;
	s2 =	smov.u32 s22  }
0x71: {  	s8 =	smov.u32 s23;
	s25 =	simm.s32 $0x0;
	s2 =	smov.u32 @p2 s0  }
.LBB2_8:
0x72: {  	(v2sf) =	vpush v2, s25;
	_ =	sdelay $0xe  }
0x73: {  	s25 =	sadd.s32 $0x1, s25;
	s9 =	spop (v2sf)  }
0x74: {  	s31 =	sadd.s32 s25, s24;
	s26 =	sshll.u32 s9, $0x8;
	s9 =	sshll.u32 s9, $0x7  }
0x75: {  	p2 =	slt.s32 s31, s2;
	s26 =	sand.u32 $0xFFFFF800, s26;
	s9 =	sand.u32 $0x380, s9  }
.Ltmp7:
0x76: {  	s9 =	sor.u32 s9, s26;
	(pc) =	sbr.rel @p2 .LBB2_8-.Ltmp7, $4  }
0x77: {  	s9 =	sshrl.u32 s9, $0x3  }
0x78: {  	s9 =	sadd.s32 s4, s9  }
0x79: {  	[tilespmem:s8], [sflag:$0x7] =	stream.strided.gather [hbm4b:s9+s15], $0x100, s16, s15, $0x38;
	[tilespmem:$0x1E668] =	vst v63  }
0x7a: {  	s8 =	sadd.s32 $0x100, s8  }
.Ltmp8:
0x7b: {  	_ = 	snop;
	(pc) =	sbr.rel .LBB2_5-.Ltmp8, $1  }
0x7c: {  	_ =	sdelay $0x3  }
.LBB2_9:
0x7d: {  	p2 =	slt.u32 s20, $0x2  }
.Ltmp9:
0x7e: {  	_ = 	snop;
	(pc) =	sbr.rel @p2 .LBB2_27-.Ltmp9, $1  }
0x7f: {  	_ =	sdelay $0x3  }
0x80: {  	p2 =	sgt.s32 s21, $0x26A0;
	s0 =	smov.u32 s21  }
0x81: {  	s2 =	sshra.s32 s21, $0x1F;
	s8 =	ssub.s32 $0x2710, s21;
	s0 =	simm.s32 @!p2 $0x26A0  }
0x82: {  	s2 =	sand.u32 s2, s21;
	p2 =	slt.s32 s8, $0x70;
	s9 =	smov.u32 s8  }
0x83: {  	s0 =	ssub.s32 s0, s2;
	s9 =	simm.s32 @!p2 $0x70  }
0x84: {  	s0 =	sadd.s32 $0xFFFFD960, s0;
	s25 =	sshll.u32 s9, $0x8  }
0x85: {  	s3 =	simm.s32 $0x7;
	s26 =	sshll.u32 s0, $0x2;
	s2 =	sand.u32 $0x3FFFFF00, s25  }
0x86: {  	p2 =	sgt.s32 s0, $0x6F;
	s28 =	ssub.s32 $0x1C0, s26;
	_ =	swait.ge [sflag:s3], s2  }
0x87: {  	s2 =	ssub.s32 $0x0, s2;
	[sflag:s3] =	ssyncset.done $0x0;
	s0 =	sshrl.u32 s28, $0x2  }
0x88: {  	s30 =	simm.s32 $0x9;
	[sflag:s3] =	ssyncadd.s32 s2;
	s0 =	simm.s32 @p2 $0x0  }
0x89: {  	_ =	swait.ge [sflag:s30], s0  }
0x8a: {  	s0 =	ssub.s32 $0x0, s0;
	[sflag:s30] =	ssyncset.done $0x0  }
0x8b: {  	[sflag:s30] =	ssyncadd.s32 s0  }
0x8c: {  	v1 =	vld [tilespmem:$0xE408];
	_ =	sdelay $0x4  }
0x8d: {  	(v2sf) =	vpush v1, $0x0  }
0x8e: {  	(v2sf) =	vpush v1, $0x1  }
0x8f: {  	(v2sf) =	vpush v1, $0x2;
	_ =	sdelay $0x3  }
0x90: {  	s0 =	sadd.s32 $0x70, s21  }
0x91: {  	p2 =	slt.s32 s7, s0  }
0x92: {  	s0 =	smov.u32 @p2 s7;
	p2 =	sgt.s32 s8, $0x0  }
0x93: {  	s25 =	ssub.s32 s0, s21;
	s8 =	simm.s32 @!p2 $0x0  }
0x94: {  	p2 =	slt.s32 s8, s25  }
0x95: {  	s25 =	smov.u32 @p2 s8  }
0x96: {  	s24 =	simm.s32 $0x1;
	p2 =	slt.s32 s25, $0x1  }
.Ltmp10:
0x97: {  	s24 =	simm.s32 @!p1 $0x0;
	(pc) =	sbr.rel @p2 .LBB2_14-.Ltmp10, $4  }
0x98: {  	s31 =	smul.u32 $0x1C0, s24  }
0x99: {  	s26 =	spop (v2sf)  }
0x9a: {  	s0 =	sshrl.u32 s31, $0x2;
	s29 =	spop (v2sf)  }
0x9b: {  	s22 =	sor.u32 $0x10588, s0;
	s21 =	spop (v2sf)  }
0x9c: {  	s0 =	smin.u32 s25, $0x10  }
0x9d: {  	v1 =	vmov s0  }
0x9e: {  	vm1 =	vgt.u32 v1, v0  }
0x9f: {  	p3 =	sgt.s32 s25, $0x10  }
.Ltmp11:
0xa0: {  	_ = 	snop;
	(pc) =	sbr.rel @!p3 .LBB2_13-.Ltmp11, $2  }
0xa1: {  	_ =	sdelay $0x2  }
0xa2: {  	s23 =	simm.s32 $0x10;
	s28 =	sadd.s32 $0xFFFFFFF0, s25;
	s0 =	smov.u32 s22;
	vm0 =	vmmov vm1;
	v1 =	vld.msk [tilespmem:s22+$0x0 ss:$0x1], vm1  }
.LBB2_12:
0xa3: {  	s2 =	smin.u32 s28, $0x10;
	s23 =	sadd.s32 $0x10, s23  }
0xa4: {  	v2 =	vmov s2;
	p3 =	slt.s32 s23, s25  }
0xa5: {  	vm1 =	vgt.u32 v2, v0;
	_ =	sdelay $0x1  }
0xa6: {  	v2 =	vshll.u32 v1, $0x5;
	v1 =	vshll.u32 v1, $0x4  }
.Ltmp12:
0xa7: {  	v2 =	vand.u32 $0xFFFFFF00, v2;
	v1 =	vand.u32 $0x70, v1;
	(pc) =	sbr.rel @p3 .LBB2_12-.Ltmp12, $4  }
0xa8: {  	v1 =	vor.u32 v1, v2  }
0xa9: {  	[tilespmem:s0+$0x0] =	vst.msk vm0, v1;
	s0 =	sadd.s32 $0x10, s0;
	vm0 =	vmmov vm1  }
0xaa: {  	v1 =	vld.msk [tilespmem:s0+$0x0 ss:$0x1], vm1  }
0xab: {  	s28 =	sadd.s32 $0xFFFFFFF0, s28  }
.LBB2_13:
0xac: {  	_ =	sdelay $0x3  }
0xad: {  	v2 =	vshll.u32 v1, $0x5;
	v1 =	vshll.u32 v1, $0x4  }
0xae: {  	v2 =	vand.u32 $0xFFFFFF00, v2;
	v1 =	vand.u32 $0x70, v1  }
0xaf: {  	v1 =	vor.u32 v1, v2  }
0xb0: {  	[tilespmem:s0+$0x0] =	vst.msk vm0, v1  }
.LBB2_14:
0xb1: {  	s0 =	sand.u32 $0x1, s20  }
0xb2: {  	s0 =	smul.u32 $0x70, s0  }
0xb3: {  	p3 =	sne.s32 s29, $0xFFFFFFFF  }
0xb4: {  	v1 =	vld.msk @!p3 [tilespmem:s0+$0x10588], $0x1;
	_ =	sdelay $0x4  }
0xb5: {  	(v2sf) =	vpush @!p3 v1, $0x0;
	_ =	sdelay $0xc  }
.Ltmp13:
0xb6: {  	_ = 	snop;
	(pc) =	sbr.rel @p2 .LBB2_25-.Ltmp13, $4  }
0xb7: {  	_ = 	snop  }
0xb8: {  	s28 =	spop @!p3 (v2sf)  }
0xb9: {  	s21 =	simm.s32 @!p3 $0x0;
	s23 =	smov.u32 s28  }
0xba: {  	[sflag:s17] =	ssyncpa.u1 $0x0;
	s28 =	smov.u32 @p3 s26;
	s23 =	smov.u32 @p3 s29  }
0xbb: {  	v1 =	vld.msk [tilespmem:s22+$0x0], $0x1;
	_ =	sdelay $0x4  }
0xbc: {  	(v2sf) =	vpush v1, $0x0;
	_ =	sdelay $0xd  }
0xbd: {  	s17 =	smov.u32 s6  }
0xbe: {  	s6 =	smov.u32 s14;
	s14 =	smov.u32 s5;
	s30 =	spop (v2sf)  }
0xbf: {  	s5 =	smov.u32 s10;
	s0 =	smul.u32 $0x1C000, s24;
	p2 =	seq.s32 s28, s30  }
0xc0: {  	s2 =	smov.u32 s28;
	s25 =	ssub.s32 $0x0, s25;
	p3 =	sgt.s32 @!p2 s28, $0x0  }
0xc1: {  	s26 =	simm.s32 $0x0;
	s0 =	sshrl.u32 s0, $0x2;
	p3 =	por !p3, p2  }
0xc2: {  	s29 =	sadd.s32 $0x1, s25;
	s24 =	sor.u32 $0x106E8, s0;
	s2 =	simm.s32 @p3 $0x0  }
0xc3: {  	s0 =	simm.s32 @!p2 $0x1;
	p3 =	seq.s32 s29, $0x0;
	s2 =	smin.u32 @!p2 s2, $0x770  }
.Ltmp14:
0xc4: {  	s9 =	simm.s32 @!p2 $0x7308;
	s8 =	sand.u32 @!p2 $0x7F8, s2;
	(pc) =	sbr.rel @p3 .LBB2_17-.Ltmp14, $4  }
0xc5: {  	s31 =	sadd.s32 @!p2 $0x80, s2;
	s10 =	sadd.s32 @!p2 s1, s8;
	s8 =	sand.u32 @!p2 $0x7, s2  }
0xc6: {  	[tilespmem:s9], [sflag:$0x2] =	stream.linear.gather @!p2 [hbm4b:s10+s8], $0x80, $0x38;
	[tilespmem:$0x1E668] =	vst v63  }
0xc7: {  	s0 =	smov.u32 @p2 s26;
	s9 =	sand.u32 @!p2 $0xFF8, s31  }
0xc8: {  	s2 =	simm.s32 @!p2 $0x7388;
	s31 =	sadd.s32 $0x1, s22;
	s9 =	sadd.s32 @!p2 s1, s9  }
.LBB2_16:
0xc9: {  	s10 =	smov.u32 s0  }
0xca: {  	[tilespmem:s2], [sflag:$0x2] =	stream.linear.gather @!p2 [hbm4b:s9+s8], $0x80, $0x38;
	[tilespmem:$0x1E668] =	vst v63  }
0xcb: {  	s29 =	sadd.s32 $0x1, s29;
	s8 =	smov.u32 s30;
	v1 =	vld.msk [tilespmem:s31+$0x0], $0x1  }
0xcc: {  	p3 =	seq.s32 s29, $0x0;
	_ =	sdelay $0x3  }
0xcd: {  	(v2sf) =	vpush v1, $0x0;
	_ =	sdelay $0xe  }
0xce: {  	s30 =	spop (v2sf)  }
0xcf: {  	p2 =	seq.s32 s8, s30  }
0xd0: {  	p4 =	sgt.s32 @!p2 s8, $0x0;
	s2 =	sshll.u32 @!p2 s0, $0xA;
	s0 =	sadd.s32 @!p2 $0x1, s0  }
0xd1: {  	p4 =	por !p4, p2;
	s2 =	sshra.s32 @!p2 s2, $0x2;
	s0 =	smov.u32 @p2 s10  }
0xd2: {  	s8 =	simm.s32 @p4 $0x0;
	s9 =	sadd.s32 @!p2 $0x7308, s2;
	s2 =	sadd.s32 @!p2 $0x7388, s2  }
.Ltmp15:
0xd3: {  	s8 =	smin.u32 @!p2 s8, $0x770;
	(pc) =	sbr.rel @!p3 .LBB2_16-.Ltmp15, $4  }
0xd4: {  	s10 =	sand.u32 @!p2 $0x7F8, s8;
	s3 =	sadd.s32 @!p2 $0x80, s8  }
0xd5: {  	s8 =	sand.u32 @!p2 $0x7, s8;
	s10 =	sadd.s32 @!p2 s1, s10;
	s3 =	sand.u32 @!p2 $0xFF8, s3  }
0xd6: {  	[tilespmem:s9], [sflag:$0x2] =	stream.linear.gather @!p2 [hbm4b:s10+s8], $0x80, $0x38;
	[tilespmem:$0x1E668] =	vst v63  }
0xd7: {  	s31 =	sadd.s32 $0x1, s31;
	s9 =	sadd.s32 @!p2 s1, s3  }
.LBB2_17:
0xd8: {  	[tilespmem:s2], [sflag:$0x2] =	stream.linear.gather @!p2 [hbm4b:s9+s8], $0x80, $0x38;
	[tilespmem:$0x1E668] =	vst v63  }
.Ltmp16:
0xd9: {  	s0 =	sshll.u32 s0, $0x8;
	(pc) =	sbr.rel .LBB2_18-.Ltmp16, $4  }
0xda: {  	s31 =	simm.s32 $0x2;
	s30 =	simm.s32 $0x0;
	s0 =	sand.u32 $0x3FFFFF00, s0  }
0xdb: {  	s10 =	smov.u32 s5;
	s5 =	smov.u32 s14;
	_ =	swait.ge [sflag:s31], s0  }
0xdc: {  	s14 =	smov.u32 s6;
	s0 =	ssub.s32 $0x0, s0;
	[sflag:s31] =	ssyncset.done $0x0  }
0xdd: {  	s6 =	smov.u32 s17;
	s17 =	simm.s32 $0xA;
	[sflag:s31] =	ssyncadd.s32 s0  }
.LBB2_19:
0xde: {  	v1 =	vld [tilespmem:s24+$0xFFFFFF80];
	_ =	sdelay $0x4  }
0xdf: {  	[tilespmem:s31+$0x208] =	vst.add.f32.msk $0xffff, v1  }
0xe0: {  	v1 =	vld [tilespmem:s24+$0xFFFFFF90];
	_ =	sdelay $0x4  }
0xe1: {  	[tilespmem:s31+$0x218] =	vst.add.f32.msk $0xffff, v1  }
0xe2: {  	v1 =	vld [tilespmem:s24+$0xFFFFFFA0];
	_ =	sdelay $0x4  }
0xe3: {  	[tilespmem:s31+$0x228] =	vst.add.f32.msk $0xffff, v1  }
0xe4: {  	v1 =	vld [tilespmem:s24+$0xFFFFFFB0];
	_ =	sdelay $0x4  }
0xe5: {  	[tilespmem:s31+$0x238] =	vst.add.f32.msk $0xffff, v1  }
0xe6: {  	v1 =	vld [tilespmem:s24+$0xFFFFFFC0];
	_ =	sdelay $0x4  }
0xe7: {  	[tilespmem:s31+$0x248] =	vst.add.f32.msk $0xffff, v1  }
0xe8: {  	v1 =	vld [tilespmem:s24+$0xFFFFFFD0];
	_ =	sdelay $0x4  }
0xe9: {  	[tilespmem:s31+$0x258] =	vst.add.f32.msk $0xffff, v1  }
0xea: {  	v1 =	vld [tilespmem:s24+$0xFFFFFFE0];
	_ =	sdelay $0x4  }
0xeb: {  	[tilespmem:s31+$0x268] =	vst.add.f32.msk $0xffff, v1  }
0xec: {  	v1 =	vld [tilespmem:s24+$0xFFFFFFF0];
	_ =	sdelay $0x4  }
0xed: {  	[tilespmem:s31+$0x278] =	vst.add.f32.msk $0xffff, v1  }
0xee: {  	v1 =	vld [tilespmem:s24+$0x0];
	_ =	sdelay $0x4  }
0xef: {  	[tilespmem:s31+$0x288] =	vst.add.f32.msk $0xffff, v1  }
0xf0: {  	v1 =	vld [tilespmem:s24+$0x10];
	_ =	sdelay $0x4  }
0xf1: {  	[tilespmem:s31+$0x298] =	vst.add.f32.msk $0xffff, v1  }
0xf2: {  	v1 =	vld [tilespmem:s24+$0x20];
	_ =	sdelay $0x4  }
0xf3: {  	[tilespmem:s31+$0x2A8] =	vst.add.f32.msk $0xffff, v1  }
0xf4: {  	v1 =	vld [tilespmem:s24+$0x30];
	_ =	sdelay $0x4  }
0xf5: {  	[tilespmem:s31+$0x2B8] =	vst.add.f32.msk $0xffff, v1  }
0xf6: {  	v1 =	vld [tilespmem:s24+$0x40];
	_ =	sdelay $0x4  }
0xf7: {  	[tilespmem:s31+$0x2C8] =	vst.add.f32.msk $0xffff, v1  }
0xf8: {  	v1 =	vld [tilespmem:s24+$0x50];
	_ =	sdelay $0x4  }
0xf9: {  	[tilespmem:s31+$0x2D8] =	vst.add.f32.msk $0xffff, v1  }
0xfa: {  	v1 =	vld [tilespmem:s24+$0x60];
	_ =	sdelay $0x4  }
0xfb: {  	[tilespmem:s31+$0x2E8] =	vst.add.f32.msk $0xffff, v1  }
0xfc: {  	v1 =	vld [tilespmem:s24+$0x70];
	_ =	sdelay $0x4  }
0xfd: {  	[tilespmem:s31+$0x2F8] =	vst.add.f32.msk $0xffff, v1  }
.LBB2_23:
0xfe: {  	s25 =	sadd.s32 $0x1, s25  }
0xff: {  	p2 =	seq.s32 s25, $0x0  }
.Ltmp17:
0x100: {  	_ = 	snop;
	(pc) =	sbr.rel @p2 .LBB2_24-.Ltmp17, $2  }
0x101: {  	_ =	sdelay $0x2  }
0x102: {  	s22 =	sadd.s32 $0x1, s22;
	s24 =	sadd.s32 $0x100, s24;
	s28 =	smov.u32 s29  }
.LBB2_18:
0x103: {  	v1 =	vld.msk [tilespmem:s22+$0x0], $0x1;
	_ =	sdelay $0x4  }
0x104: {  	(v2sf) =	vpush v1, $0x0;
	_ =	sdelay $0xe  }
0x105: {  	s29 =	spop (v2sf)  }
0x106: {  	p2 =	sne.s32 s28, s29  }
.Ltmp18:
0x107: {  	_ = 	snop;
	(pc) =	sbr.rel @!p2 .LBB2_19-.Ltmp18, $3  }
0x108: {  	_ =	sdelay $0x1  }
0x109: {  	s0 =	sshll.u32 s21, $0xA  }
0x10a: {  	s31 =	sshra.s32 s0, $0x2  }
0x10b: {  	p2 =	seq.s32 s28, s23  }
.Ltmp19:
0x10c: {  	_ = 	snop;
	(pc) =	sbr.rel @!p2 .LBB2_21-.Ltmp19, $1  }
0x10d: {  	_ =	sdelay $0x3  }
.Ltmp20:
0x10e: {  	s0 =	sadd.s32 $0x208, s31;
	(pc) =	sbr.rel .LBB2_22-.Ltmp20, $4  }
0x10f: {  	[spmem:s13] =	stream.linear.scatter [tilespmem:s0], [sflag:$0x1], $0x100, $0x38;
	[tilespmem:$0x1E668] =	vst v63  }
0x110: {  	_ =	swait.ge [sflag:s11], $0x100  }
0x111: {  	[sflag:s11] =	ssyncset.done $0x0  }
0x112: {  	[sflag:s11] =	ssyncadd.s32 $0xFFFFFF00  }
.LBB2_21:
0x113: {  	s0 =	sshll.u32 s26, $0xA  }
0x114: {  	s0 =	sshra.s32 s0, $0x2  }
0x115: {  	v1 =	vld [tilespmem:s0+$0x7308];
	_ =	sdelay $0x4  }
0x116: {  	[tilespmem:s31+$0x208] =	vst.add.f32.msk $0xffff, v1  }
0x117: {  	v1 =	vld [tilespmem:s0+$0x7318];
	_ =	sdelay $0x4  }
0x118: {  	[tilespmem:s31+$0x218] =	vst.add.f32.msk $0xffff, v1  }
0x119: {  	v1 =	vld [tilespmem:s0+$0x7328];
	_ =	sdelay $0x4  }
0x11a: {  	[tilespmem:s31+$0x228] =	vst.add.f32.msk $0xffff, v1  }
0x11b: {  	v1 =	vld [tilespmem:s0+$0x7338];
	_ =	sdelay $0x4  }
0x11c: {  	[tilespmem:s31+$0x238] =	vst.add.f32.msk $0xffff, v1  }
0x11d: {  	v1 =	vld [tilespmem:s0+$0x7348];
	_ =	sdelay $0x4  }
0x11e: {  	[tilespmem:s31+$0x248] =	vst.add.f32.msk $0xffff, v1  }
0x11f: {  	v1 =	vld [tilespmem:s0+$0x7358];
	_ =	sdelay $0x4  }
0x120: {  	[tilespmem:s31+$0x258] =	vst.add.f32.msk $0xffff, v1  }
0x121: {  	v1 =	vld [tilespmem:s0+$0x7368];
	_ =	sdelay $0x4  }
0x122: {  	[tilespmem:s31+$0x268] =	vst.add.f32.msk $0xffff, v1  }
0x123: {  	v1 =	vld [tilespmem:s0+$0x7378];
	_ =	sdelay $0x4  }
0x124: {  	[tilespmem:s31+$0x278] =	vst.add.f32.msk $0xffff, v1  }
0x125: {  	v1 =	vld [tilespmem:s0+$0x7388];
	_ =	sdelay $0x4  }
0x126: {  	[tilespmem:s31+$0x288] =	vst.add.f32.msk $0xffff, v1  }
0x127: {  	v1 =	vld [tilespmem:s0+$0x7398];
	_ =	sdelay $0x4  }
0x128: {  	[tilespmem:s31+$0x298] =	vst.add.f32.msk $0xffff, v1  }
0x129: {  	v1 =	vld [tilespmem:s0+$0x73A8];
	_ =	sdelay $0x4  }
0x12a: {  	[tilespmem:s31+$0x2A8] =	vst.add.f32.msk $0xffff, v1  }
0x12b: {  	v1 =	vld [tilespmem:s0+$0x73B8];
	_ =	sdelay $0x4  }
0x12c: {  	[tilespmem:s31+$0x2B8] =	vst.add.f32.msk $0xffff, v1  }
0x12d: {  	v1 =	vld [tilespmem:s0+$0x73C8];
	_ =	sdelay $0x4  }
0x12e: {  	[tilespmem:s31+$0x2C8] =	vst.add.f32.msk $0xffff, v1  }
0x12f: {  	v1 =	vld [tilespmem:s0+$0x73D8];
	_ =	sdelay $0x4  }
0x130: {  	[tilespmem:s31+$0x2D8] =	vst.add.f32.msk $0xffff, v1  }
0x131: {  	v1 =	vld [tilespmem:s0+$0x73E8];
	_ =	sdelay $0x4  }
0x132: {  	[tilespmem:s31+$0x2E8] =	vst.add.f32.msk $0xffff, v1  }
0x133: {  	v1 =	vld [tilespmem:s0+$0x73F8];
	_ =	sdelay $0x2  }
0x134: {  	p2 =	sgt.u32 s28, $0x770  }
0x135: {  	s0 =	sand.u32 @!p2 $0x7F8, s28  }
0x136: {  	s2 =	sadd.s32 $0x208, s31;
	s3 =	sand.u32 @!p2 $0x7, s28;
	s0 =	sadd.s32 @!p2 s1, s0;
	[tilespmem:s31+$0x2F8] =	vst.add.f32.msk $0xffff, v1  }
0x137: {  	[hbm4b:s0+s3] =	stream.linear.scatter @!p2 [tilespmem:s2], [sflag:$0xA], $0x80, $0x38;
	[tilespmem:$0x1E668] =	vst v63  }
0x138: {  	s0 =	sadd.s32 @!p2 $0x80, s28  }
0x139: {  	s0 =	sand.u32 @!p2 $0xFF8, s0  }
0x13a: {  	s2 =	sadd.s32 $0x288, s31;
	s0 =	sadd.s32 @!p2 s1, s0  }
0x13b: {  	[hbm4b:s0+s3] =	stream.linear.scatter @!p2 [tilespmem:s2], [sflag:$0xA], $0x80, $0x38;
	[tilespmem:$0x1E668] =	vst v63  }
0x13c: {  	s0 =	simm.s32 $0x0  }
0x13d: {  	s0 =	simm.s32 @!p2 $0x400  }
0x13e: {  	s30 =	sadd.s32 s0, s30  }
.LBB2_22:
0x13f: {  	s0 =	sadd.s32 $0x1, s21  }
0x140: {  	s2 =	sshrl.u32 s0, $0x4  }
0x141: {  	s2 =	smulhi.u32 $0x24924925, s2  }
0x142: {  	v1 =	vld [tilespmem:s24+$0xFFFFFF80]  }
0x143: {  	s2 =	smul.u32 $0x70, s2;
	_ =	sdelay $0x1  }
0x144: {  	s21 =	ssub.s32 s0, s2  }
0x145: {  	s0 =	sshll.u32 s21, $0x8  }
0x146: {  	[tilespmem:s0+$0x208] =	vst v1  }
0x147: {  	v1 =	vld [tilespmem:s24+$0xFFFFFF90];
	_ =	sdelay $0x4  }
0x148: {  	[tilespmem:s0+$0x218] =	vst v1  }
0x149: {  	v1 =	vld [tilespmem:s24+$0xFFFFFFA0];
	_ =	sdelay $0x4  }
0x14a: {  	[tilespmem:s0+$0x228] =	vst v1  }
0x14b: {  	v1 =	vld [tilespmem:s24+$0xFFFFFFB0];
	_ =	sdelay $0x4  }
0x14c: {  	[tilespmem:s0+$0x238] =	vst v1  }
0x14d: {  	v1 =	vld [tilespmem:s24+$0xFFFFFFC0];
	_ =	sdelay $0x4  }
0x14e: {  	[tilespmem:s0+$0x248] =	vst v1  }
0x14f: {  	v1 =	vld [tilespmem:s24+$0xFFFFFFD0];
	_ =	sdelay $0x4  }
0x150: {  	[tilespmem:s0+$0x258] =	vst v1  }
0x151: {  	v1 =	vld [tilespmem:s24+$0xFFFFFFE0];
	_ =	sdelay $0x4  }
0x152: {  	[tilespmem:s0+$0x268] =	vst v1  }
0x153: {  	v1 =	vld [tilespmem:s24+$0xFFFFFFF0];
	_ =	sdelay $0x4  }
0x154: {  	[tilespmem:s0+$0x278] =	vst v1  }
0x155: {  	v1 =	vld [tilespmem:s24+$0x0];
	_ =	sdelay $0x4  }
0x156: {  	[tilespmem:s0+$0x288] =	vst v1  }
0x157: {  	v1 =	vld [tilespmem:s24+$0x10];
	_ =	sdelay $0x4  }
0x158: {  	[tilespmem:s0+$0x298] =	vst v1  }
0x159: {  	v1 =	vld [tilespmem:s24+$0x20];
	_ =	sdelay $0x4  }
0x15a: {  	[tilespmem:s0+$0x2A8] =	vst v1  }
0x15b: {  	v1 =	vld [tilespmem:s24+$0x30];
	_ =	sdelay $0x4  }
0x15c: {  	[tilespmem:s0+$0x2B8] =	vst v1  }
0x15d: {  	v1 =	vld [tilespmem:s24+$0x40];
	_ =	sdelay $0x4  }
0x15e: {  	[tilespmem:s0+$0x2C8] =	vst v1  }
0x15f: {  	v1 =	vld [tilespmem:s24+$0x50];
	_ =	sdelay $0x4  }
0x160: {  	[tilespmem:s0+$0x2D8] =	vst v1  }
0x161: {  	v1 =	vld [tilespmem:s24+$0x60];
	_ =	sdelay $0x4  }
0x162: {  	[tilespmem:s0+$0x2E8] =	vst v1  }
0x163: {  	v1 =	vld [tilespmem:s24+$0x70]  }
.Ltmp21:
0x164: {  	_ = 	snop;
	(pc) =	sbr.rel .LBB2_23-.Ltmp21, $2  }
0x165: {  	_ =	sdelay $0x2  }
0x166: {  	s26 =	sadd.s32 $0x1, s26;
	[tilespmem:s0+$0x2F8] =	vst v1  }
.LBB2_25:
.Ltmp22:
0x167: {  	(pc) =	sbr.rel .LBB2_26-.Ltmp22, $4  }
0x168: {  	_ = 	snop  }
0x169: {  	s0 =	simm.s32 $0x2  }
0x16a: {  	_ =	swait.ge [sflag:s0], $0x0  }
0x16b: {  	s29 =	smov.u32 s28;
	[sflag:s0] =	ssyncset.done $0x0;
	s0 =	simm.s32 $0x0  }
.LBB2_28:
0x16c: {  	_ =	sfence.sel $0x180000  }
0x16d: {  	s0 =	simm.s32 $0x7;
	[bflag:$0x0] =	sbarrier.arrive $0xFFFF  }
0x16e: {  	s25 =	simm.s32 $0x8;
	[sflag:s0] =	ssyncpa.u1 $0x1  }
0x16f: {  	s26 =	simm.s32 $0x9;
	[sflag:s25] =	ssyncpa.u1 $0x1  }
0x170: {  	s28 =	simm.s32 $0x2;
	[sflag:s26] =	ssyncpa.u1 $0x1  }
0x171: {  	[sflag:s28] =	ssyncpa.u1 $0x1  }
0x172: {  	v0 =	vld [tilespmem:$0xE408];
	_ =	sdelay $0x4  }
0x173: {  	(v2sf) =	vpush v0, $0x0  }
0x174: {  	(v2sf) =	vpush v0, $0x1;
	_ =	sdelay $0x1  }
0x175: {  	(v2sf) =	vpush v0, $0x2;
	_ =	sdelay $0xb  }
0x176: {  	s0 =	spop (v2sf)  }
0x177: {  	s2 =	spop (v2sf)  }
0x178: {  	s3 =	smov.u32 s0;
	p0 =	sne.s32 s0, s2  }
0x179: {  	s4 =	spop (v2sf);
	s3 =	simm.s32 @!p0 $0xFFFFFFFF  }
0x17a: {  	v2 =	vimm.s32 $0x1;
	v3 =	vlaneseq.u32;
	p0 =	seq.s32 s4, $0xFFFFFFFF;
	v1 =	vmov s3  }
0x17b: {  	s7 =	stileid.u32;
	v0 =	vperm.xlane v0, v2;
	p1 =	sne.s32 @!p0 s0, s2;
	v1 =	vperm.xlane v1, v3  }
0x17c: {  	vm0 =	vcmask $0x3F04;
	s6 =	simm.s32 $0xE408;
	s0 =	simm.s32 @!p0 $0x1;
	p1 =	por !p1, p0  }
0x17d: {  	s3 =	sshll.u32 s7, $0x1;
	s2 =	sshll.u32 @!p0 s4, $0xA;
	s0 =	simm.s32 @p1 $0x0;
	v0 =	vsel vm0, v1, v0  }
0x17e: {  	s5 =	sor.u32 $0x2000, s3;
	s2 =	sshra.s32 @!p0 s2, $0x2;
	s0 =	sor.u32 @!p0 s0, s3;
	[tilespmem:$0xE408] =	vst v0  }
0x17f: {  	[spmem:s5] =	stream.linear.scatter [tilespmem:s6], [sflag:$0x1], $0x2, $0x38;
	[tilespmem:$0x1E668] =	vst v63  }
0x180: {  	s2 =	sadd.s32 @!p0 $0x208, s2;
	s0 =	sshll.u32 @!p0 s0, $0x8  }
0x181: {  	[spmem:s0] =	stream.linear.scatter @!p0 [tilespmem:s2], [sflag:$0x1], $0x100, $0x38;
	[tilespmem:$0x1E668] =	vst v63  }
0x182: {  	s2 =	simm.s32 @!p0 $0x102  }
0x183: {  	s0 =	simm.s32 $0x1;
	s2 =	simm.s32 @p0 $0x2  }
0x184: {  	_ =	swait.ge [sflag:s0], s2  }
0x185: {  	s2 =	ssub.s32 $0x0, s2;
	[sflag:s0] =	ssyncset.done $0x0  }
0x186: {  	[sflag:s0] =	ssyncadd.s32 s2  }
0x187: {  	_ =	sfence.stream.spmem  }
0x188: {  	s29 =	simm.s32 $0x3;
	[bflag:$0x0] =	sbarrier.arrive $0xFFFF  }
0x189: {  	s30 =	simm.s32 $0x4;
	[sflag:s29] =	ssyncpa.u1 $0x1  }
0x18a: {  	s31 =	simm.s32 $0x3C;
	[sflag:s30] =	ssyncpa.u1 $0x1  }
0x18b: {  	p0 =	sne.s32 s7, $0x0;
	[sflag:s31] =	ssyncpa.u1 $0x1  }
0x18c: {  	_ =	sfence @p0  }
0x18d: {  	[sflag:s0] =	ssyncpa.u1 @p0 $0x1  }
0x18e: {  	_ =	strace @p0 $0x90000053  }
0x18f: {  	[bflag:$0x2] =	sbarrier.arrive @p0 $0xFFFF  }
0x190: {  	_ =	shalt @p0  }
.LBB2_29:
0x191: {  	_ =	sfence.stream.spmem;
	s0 =	simm.s32 $0x5  }
0x192: {  	s2 =	simm.s32 $0x2000;
	s3 =	simm.s32 $0xE418;
	[sflag:s0] =	ssyncpa.u1 $0x0  }
0x193: {  	[tilespmem:s3], [sflag:$0x5] =	stream.linear.gather [spmem:s2], $0x20, $0x38;
	[tilespmem:$0x1E668] =	vst v63  }
0x194: {  	s30 =	simm.s32 $0xE438;
	s2 =	simm.s32 $0x0  }
0x195: {  	[tilespmem:s30], [sflag:$0x5] =	stream.linear.gather [spmem:s2], $0x2000, $0x38;
	[tilespmem:$0x1E668] =	vst v63  }
.Ltmp23:
0x196: {  	_ = 	snop;
	(pc) =	sbr.rel .LBB2_30-.Ltmp23, $4  }
0x197: {  	_ =	swait.ge [sflag:s0], $0x2020  }
0x198: {  	[sflag:s0] =	ssyncset.done $0x0  }
0x199: {  	s31 =	simm.s32 $0x6;
	[sflag:s0] =	ssyncadd.s32 $0xFFFFDFE0  }
0x19a: {  	s3 =	simm.s32 $0x0;
	[sflag:s31] =	ssyncpa.u1 $0x0  }
.LBB2_36:
0x19b: {  	p0 =	slt.u32 s4, $0x771  }
0x19c: {  	s0 =	sand.u32 @p0 $0x7F8, s4  }
0x19d: {  	s5 =	sand.u32 @p0 $0x7, s4;
	s6 =	simm.s32 @p0 $0xE308;
	s0 =	sadd.s32 @p0 s1, s0  }
0x19e: {  	[tilespmem:s6], [sflag:$0x6] =	stream.linear.gather @p0 [hbm4b:s0+s5], $0x80, $0x38;
	[tilespmem:$0x1E668] =	vst v63  }
0x19f: {  	s0 =	sadd.s32 @p0 $0x80, s4  }
0x1a0: {  	s0 =	sand.u32 @p0 $0xFF8, s0  }
0x1a1: {  	s4 =	simm.s32 @p0 $0xE388;
	s0 =	sadd.s32 @p0 s1, s0  }
0x1a2: {  	[tilespmem:s4], [sflag:$0x6] =	stream.linear.gather @p0 [hbm4b:s0+s5], $0x80, $0x38;
	[tilespmem:$0x1E668] =	vst v63  }
0x1a3: {  	s0 =	simm.s32 @p0 $0x6  }
0x1a4: {  	_ =	swait.ge @p0 [sflag:s0], $0x100  }
0x1a5: {  	[sflag:s0] =	ssyncset.done @p0 $0x0  }
0x1a6: {  	[sflag:s0] =	ssyncadd.s32 @p0 $0xFFFFFF00  }
0x1a7: {  	v1 =	vld @p0 [tilespmem:$0xE308];
	_ =	sdelay $0x2  }
0x1a8: {  	s0 =	sshll.u32 @p0 s3, $0xA  }
0x1a9: {  	s4 =	sshrl.u32 @p0 s0, $0x2  }
0x1aa: {  	[tilespmem:s4+$0xE438] =	vst.add.f32.msk @p0 $0xffff, v1  }
0x1ab: {  	v1 =	vld @p0 [tilespmem:$0xE318];
	_ =	sdelay $0x4  }
0x1ac: {  	[tilespmem:s4+$0xE448] =	vst.add.f32.msk @p0 $0xffff, v1  }
0x1ad: {  	v1 =	vld @p0 [tilespmem:$0xE328];
	_ =	sdelay $0x4  }
0x1ae: {  	[tilespmem:s4+$0xE458] =	vst.add.f32.msk @p0 $0xffff, v1  }
0x1af: {  	v1 =	vld @p0 [tilespmem:$0xE338];
	_ =	sdelay $0x4  }
0x1b0: {  	[tilespmem:s4+$0xE468] =	vst.add.f32.msk @p0 $0xffff, v1  }
0x1b1: {  	v1 =	vld @p0 [tilespmem:$0xE348];
	_ =	sdelay $0x4  }
0x1b2: {  	[tilespmem:s4+$0xE478] =	vst.add.f32.msk @p0 $0xffff, v1  }
0x1b3: {  	v1 =	vld @p0 [tilespmem:$0xE358];
	_ =	sdelay $0x4  }
0x1b4: {  	[tilespmem:s4+$0xE488] =	vst.add.f32.msk @p0 $0xffff, v1  }
0x1b5: {  	v1 =	vld @p0 [tilespmem:$0xE368];
	_ =	sdelay $0x4  }
0x1b6: {  	[tilespmem:s4+$0xE498] =	vst.add.f32.msk @p0 $0xffff, v1  }
0x1b7: {  	v1 =	vld @p0 [tilespmem:$0xE378];
	_ =	sdelay $0x4  }
0x1b8: {  	[tilespmem:s4+$0xE4A8] =	vst.add.f32.msk @p0 $0xffff, v1  }
0x1b9: {  	v1 =	vld @p0 [tilespmem:$0xE388];
	_ =	sdelay $0x4  }
0x1ba: {  	[tilespmem:s4+$0xE4B8] =	vst.add.f32.msk @p0 $0xffff, v1  }
0x1bb: {  	v1 =	vld @p0 [tilespmem:$0xE398];
	_ =	sdelay $0x4  }
0x1bc: {  	[tilespmem:s4+$0xE4C8] =	vst.add.f32.msk @p0 $0xffff, v1  }
0x1bd: {  	v1 =	vld @p0 [tilespmem:$0xE3A8];
	_ =	sdelay $0x4  }
0x1be: {  	[tilespmem:s4+$0xE4D8] =	vst.add.f32.msk @p0 $0xffff, v1  }
0x1bf: {  	v1 =	vld @p0 [tilespmem:$0xE3B8];
	_ =	sdelay $0x4  }
0x1c0: {  	[tilespmem:s4+$0xE4E8] =	vst.add.f32.msk @p0 $0xffff, v1  }
0x1c1: {  	v1 =	vld @p0 [tilespmem:$0xE3C8];
	_ =	sdelay $0x4  }
0x1c2: {  	[tilespmem:s4+$0xE4F8] =	vst.add.f32.msk @p0 $0xffff, v1  }
0x1c3: {  	v1 =	vld @p0 [tilespmem:$0xE3D8];
	_ =	sdelay $0x4  }
0x1c4: {  	[tilespmem:s4+$0xE508] =	vst.add.f32.msk @p0 $0xffff, v1  }
0x1c5: {  	v1 =	vld @p0 [tilespmem:$0xE3E8];
	_ =	sdelay $0x4  }
0x1c6: {  	[tilespmem:s4+$0xE518] =	vst.add.f32.msk @p0 $0xffff, v1  }
0x1c7: {  	v1 =	vld @p0 [tilespmem:$0xE3F8];
	_ =	sdelay $0x3  }
0x1c8: {  	s5 =	sshll.u32 @!p0 s3, $0xA  }
0x1c9: {  	s5 =	smov.u32 @p0 s0;
	[tilespmem:s4+$0xE528] =	vst.add.f32.msk @p0 $0xffff, v1  }
0x1ca: {  	s0 =	sshrl.u32 s5, $0x2;
	[tilespmem:s2+$0xE418] =	vst.msk $0x1, v0  }
0x1cb: {  	v0 =	vld [tilespmem:s0+$0xE438];
	_ =	sdelay $0x2  }
0x1cc: {  	s31 =	sshll.u32 s2, $0xA  }
0x1cd: {  	s4 =	sshra.s32 s31, $0x2  }
0x1ce: {  	[tilespmem:s4+$0xE438] =	vst v0  }
0x1cf: {  	v0 =	vld [tilespmem:s0+$0xE448];
	_ =	sdelay $0x4  }
0x1d0: {  	[tilespmem:s4+$0xE448] =	vst v0  }
0x1d1: {  	v0 =	vld [tilespmem:s0+$0xE458];
	_ =	sdelay $0x4  }
0x1d2: {  	[tilespmem:s4+$0xE458] =	vst v0  }
0x1d3: {  	v0 =	vld [tilespmem:s0+$0xE468];
	_ =	sdelay $0x4  }
0x1d4: {  	[tilespmem:s4+$0xE468] =	vst v0  }
0x1d5: {  	v0 =	vld [tilespmem:s0+$0xE478];
	_ =	sdelay $0x4  }
0x1d6: {  	[tilespmem:s4+$0xE478] =	vst v0  }
0x1d7: {  	v0 =	vld [tilespmem:s0+$0xE488];
	_ =	sdelay $0x4  }
0x1d8: {  	[tilespmem:s4+$0xE488] =	vst v0  }
0x1d9: {  	v0 =	vld [tilespmem:s0+$0xE498];
	_ =	sdelay $0x4  }
0x1da: {  	[tilespmem:s4+$0xE498] =	vst v0  }
0x1db: {  	v0 =	vld [tilespmem:s0+$0xE4A8];
	_ =	sdelay $0x4  }
0x1dc: {  	[tilespmem:s4+$0xE4A8] =	vst v0  }
0x1dd: {  	v0 =	vld [tilespmem:s0+$0xE4B8];
	_ =	sdelay $0x4  }
0x1de: {  	[tilespmem:s4+$0xE4B8] =	vst v0  }
0x1df: {  	v0 =	vld [tilespmem:s0+$0xE4C8];
	_ =	sdelay $0x4  }
0x1e0: {  	[tilespmem:s4+$0xE4C8] =	vst v0  }
0x1e1: {  	v0 =	vld [tilespmem:s0+$0xE4D8];
	_ =	sdelay $0x4  }
0x1e2: {  	[tilespmem:s4+$0xE4D8] =	vst v0  }
0x1e3: {  	v0 =	vld [tilespmem:s0+$0xE4E8];
	_ =	sdelay $0x4  }
0x1e4: {  	[tilespmem:s4+$0xE4E8] =	vst v0  }
0x1e5: {  	v0 =	vld [tilespmem:s0+$0xE4F8];
	_ =	sdelay $0x4  }
0x1e6: {  	[tilespmem:s4+$0xE4F8] =	vst v0  }
0x1e7: {  	v0 =	vld [tilespmem:s0+$0xE508];
	_ =	sdelay $0x4  }
0x1e8: {  	[tilespmem:s4+$0xE508] =	vst v0  }
0x1e9: {  	v0 =	vld [tilespmem:s0+$0xE518];
	_ =	sdelay $0x4  }
0x1ea: {  	[tilespmem:s4+$0xE518] =	vst v0  }
0x1eb: {  	v0 =	vld [tilespmem:s0+$0xE528];
	_ =	sdelay $0x4  }
0x1ec: {  	s2 =	sadd.s32 $0x1, s2;
	[tilespmem:s4+$0xE528] =	vst v0  }
.LBB2_37:
0x1ed: {  	s3 =	sadd.s32 $0x1, s3  }
0x1ee: {  	p0 =	sne.s32 s3, $0x20  }
.Ltmp24:
0x1ef: {  	_ = 	snop;
	(pc) =	sbr.rel @!p0 .LBB2_38-.Ltmp24, $1  }
0x1f0: {  	_ =	sdelay $0x3  }
.LBB2_30:
0x1f1: {  	v0 =	vld.msk [tilespmem:s3+$0xE418], $0x1;
	_ =	sdelay $0x4  }
0x1f2: {  	(v2sf) =	vpush v0, $0x0;
	_ =	sdelay $0xe  }
0x1f3: {  	s4 =	spop (v2sf)  }
0x1f4: {  	p0 =	seq.s32 s4, $0xFFFFFFFF  }
.Ltmp25:
0x1f5: {  	_ = 	snop;
	(pc) =	sbr.rel @p0 .LBB2_37-.Ltmp25, $1  }
0x1f6: {  	_ =	sdelay $0x3  }
0x1f7: {  	p0 =	slt.s32 s2, $0x1  }
.Ltmp26:
0x1f8: {  	_ = 	snop;
	(pc) =	sbr.rel @p0 .LBB2_36-.Ltmp26, $1  }
0x1f9: {  	_ =	sdelay $0x3  }
0x1fa: {  	s5 =	simm.s32 $0xE418;
	p0 =	por $0x0, $0x0  }
0x1fb: {  	v1 =	vld.msk @!p0 [tilespmem:s5+$0x0], $0x1;
	_ =	sdelay $0x4  }
0x1fc: {  	(v2sf) =	vpush @!p0 v1, $0x0;
	_ =	sdelay $0xd  }
0x1fd: {  	p2 =	sne.s32 s2, $0x1  }
.Ltmp27:
0x1fe: {  	s0 =	spop @!p0 (v2sf);
	(pc) =	sbr.rel @!p2 .LBB2_34-.Ltmp27, $4  }
0x1ff: {  	p1 =	seq.s32 @!p0 s4, s0  }
0x200: {  	s6 =	simm.s32 $0x0;
	p1 =	por !p1, p0  }
0x201: {  	s0 =	simm.s32 $0xFFFFFFFF;
	s6 =	simm.s32 @p1 $0xFFFFFFFF  }
0x202: {  	s7 =	simm.s32 $0x1;
	s6 =	smov.u32 @p0 s0  }
.LBB2_33:
0x203: {  	s0 =	smov.u32 s6;
	p0 =	sne.s32 s6, $0xFFFFFFFF  }
0x204: {  	s5 =	sadd.s32 $0x1, s5;
	s6 =	smov.u32 s7;
	s7 =	sadd.s32 $0x1, s7  }
0x205: {  	p1 =	sne.s32 s2, s7;
	v1 =	vld.msk @!p0 [tilespmem:s5+$0x0], $0x1;
	_ =	sdelay $0x4  }
0x206: {  	(v2sf) =	vpush @!p0 v1, $0x0;
	_ =	sdelay $0xe  }
.Ltmp28:
0x207: {  	s8 =	spop @!p0 (v2sf);
	(pc) =	sbr.rel @p1 .LBB2_33-.Ltmp28, $4  }
0x208: {  	p2 =	seq.s32 @!p0 s4, s8  }
0x209: {  	p2 =	por !p2, p0  }
0x20a: {  	s6 =	simm.s32 @p2 $0xFFFFFFFF  }
0x20b: {  	s6 =	smov.u32 @p0 s0  }
.LBB2_34:
0x20c: {  	p0 =	seq.s32 s6, $0xFFFFFFFF  }
.Ltmp29:
0x20d: {  	_ = 	snop;
	(pc) =	sbr.rel @p0 .LBB2_36-.Ltmp29, $1  }
0x20e: {  	_ =	sdelay $0x3  }
0x20f: {  	s0 =	sshll.u32 s3, $0x8  }
0x210: {  	s0 =	sand.u32 $0x3FFFFF00, s0  }
0x211: {  	v0 =	vld [tilespmem:s0+$0xE438];
	_ =	sdelay $0x2  }
0x212: {  	s4 =	sshll.u32 s6, $0xA  }
0x213: {  	s4 =	sshra.s32 s4, $0x2  }
0x214: {  	[tilespmem:s4+$0xE438] =	vst.add.f32.msk $0xffff, v0  }
0x215: {  	v0 =	vld [tilespmem:s0+$0xE448];
	_ =	sdelay $0x4  }
0x216: {  	[tilespmem:s4+$0xE448] =	vst.add.f32.msk $0xffff, v0  }
0x217: {  	v0 =	vld [tilespmem:s0+$0xE458];
	_ =	sdelay $0x4  }
0x218: {  	[tilespmem:s4+$0xE458] =	vst.add.f32.msk $0xffff, v0  }
0x219: {  	v0 =	vld [tilespmem:s0+$0xE468];
	_ =	sdelay $0x4  }
0x21a: {  	[tilespmem:s4+$0xE468] =	vst.add.f32.msk $0xffff, v0  }
0x21b: {  	v0 =	vld [tilespmem:s0+$0xE478];
	_ =	sdelay $0x4  }
0x21c: {  	[tilespmem:s4+$0xE478] =	vst.add.f32.msk $0xffff, v0  }
0x21d: {  	v0 =	vld [tilespmem:s0+$0xE488];
	_ =	sdelay $0x4  }
0x21e: {  	[tilespmem:s4+$0xE488] =	vst.add.f32.msk $0xffff, v0  }
0x21f: {  	v0 =	vld [tilespmem:s0+$0xE498];
	_ =	sdelay $0x4  }
0x220: {  	[tilespmem:s4+$0xE498] =	vst.add.f32.msk $0xffff, v0  }
0x221: {  	v0 =	vld [tilespmem:s0+$0xE4A8];
	_ =	sdelay $0x4  }
0x222: {  	[tilespmem:s4+$0xE4A8] =	vst.add.f32.msk $0xffff, v0  }
0x223: {  	v0 =	vld [tilespmem:s0+$0xE4B8];
	_ =	sdelay $0x4  }
0x224: {  	[tilespmem:s4+$0xE4B8] =	vst.add.f32.msk $0xffff, v0  }
0x225: {  	v0 =	vld [tilespmem:s0+$0xE4C8];
	_ =	sdelay $0x4  }
0x226: {  	[tilespmem:s4+$0xE4C8] =	vst.add.f32.msk $0xffff, v0  }
0x227: {  	v0 =	vld [tilespmem:s0+$0xE4D8];
	_ =	sdelay $0x4  }
0x228: {  	[tilespmem:s4+$0xE4D8] =	vst.add.f32.msk $0xffff, v0  }
0x229: {  	v0 =	vld [tilespmem:s0+$0xE4E8];
	_ =	sdelay $0x4  }
0x22a: {  	[tilespmem:s4+$0xE4E8] =	vst.add.f32.msk $0xffff, v0  }
0x22b: {  	v0 =	vld [tilespmem:s0+$0xE4F8];
	_ =	sdelay $0x4  }
0x22c: {  	[tilespmem:s4+$0xE4F8] =	vst.add.f32.msk $0xffff, v0  }
0x22d: {  	v0 =	vld [tilespmem:s0+$0xE508];
	_ =	sdelay $0x4  }
0x22e: {  	[tilespmem:s4+$0xE508] =	vst.add.f32.msk $0xffff, v0  }
0x22f: {  	v0 =	vld [tilespmem:s0+$0xE518];
	_ =	sdelay $0x4  }
0x230: {  	[tilespmem:s4+$0xE518] =	vst.add.f32.msk $0xffff, v0  }
0x231: {  	v0 =	vld [tilespmem:s0+$0xE528]  }
.Ltmp30:
0x232: {  	_ = 	snop;
	(pc) =	sbr.rel .LBB2_37-.Ltmp30, $2  }
0x233: {  	_ =	sdelay $0x2  }
0x234: {  	[tilespmem:s4+$0xE528] =	vst.add.f32.msk $0xffff, v0  }
.LBB2_38:
0x235: {  	p0 =	slt.s32 s2, $0x1  }
.Ltmp31:
0x236: {  	_ = 	snop;
	(pc) =	sbr.rel @p0 .LBB2_42-.Ltmp31, $3  }
0x237: {  	_ =	sdelay $0x1  }
0x238: {  	s0 =	simm.s32 $0x6  }
0x239: {  	[sflag:s0] =	ssyncpa.u1 $0x1;
	s0 =	simm.s32 $0x0  }
0x23a: {  	s3 =	simm.s32 $0xE418  }
0x23b: {  	v0 =	vld.msk [tilespmem:s3+$0x0], $0x1;
	_ =	sdelay $0x4  }
0x23c: {  	(v2sf) =	vpush v0, $0x0;
	_ =	sdelay $0xe  }
0x23d: {  	s2 =	sadd.s32 $0xFFFFFFFF, s2;
	s4 =	spop (v2sf)  }
0x23e: {  	s5 =	simm.s32 $0xE438;
	p0 =	sne.s32 s2, $0x0;
	p1 =	sgt.u32 s4, $0x770  }
.Ltmp32:
0x23f: {  	s3 =	simm.s32 $0xE538;
	s6 =	sand.u32 @!p1 $0x7F8, s4;
	(pc) =	sbr.rel @!p0 .LBB2_41-.Ltmp32, $4  }
0x240: {  	s7 =	sadd.s32 @!p1 $0x80, s4;
	s8 =	sadd.s32 @!p1 s1, s6;
	s6 =	sand.u32 @!p1 $0x7, s4  }
0x241: {  	[hbm4b:s8+s6] =	stream.linear.scatter @!p1 [tilespmem:s5], [sflag:$0x5], $0x80, $0x38;
	[tilespmem:$0x1E668] =	vst v63  }
0x242: {  	s0 =	simm.s32 @!p1 $0x400;
	s4 =	simm.s32 $0xE419;
	s5 =	sand.u32 @!p1 $0xFF8, s7  }
0x243: {  	s7 =	simm.s32 @!p1 $0xE4B8;
	s8 =	sadd.s32 @!p1 s1, s5;
	s5 =	sadd.s32 $0x0, s0  }
.LBB2_40:
0x244: {  	[hbm4b:s8+s6] =	stream.linear.scatter @!p1 [tilespmem:s7], [sflag:$0x5], $0x80, $0x38;
	[tilespmem:$0x1E668] =	vst v63  }
0x245: {  	s2 =	sadd.s32 $0xFFFFFFFF, s2;
	s0 =	smov.u32 s3;
	v0 =	vld.msk [tilespmem:s4+$0x0], $0x1  }
0x246: {  	p0 =	sne.s32 s2, $0x0;
	_ =	sdelay $0x3  }
0x247: {  	(v2sf) =	vpush v0, $0x0;
	_ =	sdelay $0xe  }
0x248: {  	s3 =	sadd.s32 $0x100, s3;
	s9 =	simm.s32 $0x0;
	s6 =	spop (v2sf)  }
.Ltmp33:
0x249: {  	s4 =	sadd.s32 $0x1, s4;
	p1 =	sgt.u32 s6, $0x770;
	(pc) =	sbr.rel @p0 .LBB2_40-.Ltmp33, $4  }
0x24a: {  	s9 =	simm.s32 @!p1 $0x400;
	s7 =	sand.u32 @!p1 $0x7F8, s6;
	s8 =	sadd.s32 @!p1 $0x80, s6  }
0x24b: {  	s6 =	sand.u32 @!p1 $0x7, s6;
	s7 =	sadd.s32 @!p1 s1, s7;
	s8 =	sand.u32 @!p1 $0xFF8, s8  }
0x24c: {  	[hbm4b:s7+s6] =	stream.linear.scatter @!p1 [tilespmem:s0], [sflag:$0x5], $0x80, $0x38;
	[tilespmem:$0x1E668] =	vst v63  }
0x24d: {  	s5 =	sadd.s32 s5, s9;
	s7 =	sadd.s32 @!p1 $0x80, s0;
	s8 =	sadd.s32 @!p1 s1, s8  }
.LBB2_41:
0x24e: {  	[hbm4b:s8+s6] =	stream.linear.scatter @!p1 [tilespmem:s7], [sflag:$0x5], $0x80, $0x38;
	[tilespmem:$0x1E668] =	vst v63  }
0x24f: {  	s0 =	sshrl.u32 s5, $0x2  }
.LBB2_42:
0x250: {  	s1 =	simm.s32 $0x5  }
0x251: {  	_ =	swait.ge [sflag:s1], s0  }
0x252: {  	s29 =	ssub.s32 $0x0, s0;
	[sflag:s1] =	ssyncset.done $0x0  }
0x253: {  	[sflag:s1] =	ssyncadd.s32 s29  }
0x254: {  	[sflag:s1] =	ssyncpa.u1 $0x1  }
0x255: {  	s30 =	simm.s32 $0x1;
	_ =	sfence  }
0x256: {  	[sflag:s30] =	ssyncpa.u1 $0x1  }
0x257: {  	_ =	strace $0x90000053  }
0x258: {  	[bflag:$0x2] =	sbarrier.arrive $0xFFFF  }
0x259: {  	s31 =	rddreg [dreg:$0x2]  }
0x25a: {  	s0 =	sadd.s32 $0x100000, s31  }
0x25b: {  	[sflag:s0] =	ssyncadd.tile.s32 $0x1;
	_ =	shalt  }
.Lfunc_end2:
_tile_overlayer_lowered:
.L_overlay_start_2:
0x25c: {  	(tag) =	ssettag $0x2  }
0x25d: {  	s0 =	rddreg [dreg:$0x0];
	s2 =	stileid.u32  }
0x25e: {  	s1 =	rddreg [dreg:$0x1];
	p0 =	sne.s32 s2, $0x0  }
0x25f: {  	s3 =	rddreg [dreg:$0x2];
	[bflag:$0x3] =	sbarrier.arrive $0xFFFF;
	s2 =	simm.s32 @!p0 $0x1C01  }
0x260: {  	[timem:s3], [sflag:s2] =	dma.local @!p0 [hbm:s0], s1  }
0x261: {  	s0 =	simm.s32 @!p0 $0x1  }
0x262: {  	_ =	swait.ge @!p0 [sflag:s0], s1  }
0x263: {  	s1 =	ssub.s32 @!p0 $0x0, s1;
	[sflag:s0] =	ssyncset.done @!p0 $0x0  }
0x264: {  	[sflag:s0] =	ssyncadd.s32 @!p0 s1  }
0x265: {  	[bflag:$0x3] =	sbarrier.arrive $0xFFFF  }
0x266: {  	_ =	shalt  }

// kernel: scatter_offload_async_start.2
scs
__scs_entry_jumppad:
0x0: {  	(pc) =	sbr.rel $0x88, $3  }
0x1: {  	(tag) =	ssettag $0x0;
	lr =	simm.s32 $0x1  }
0x2: {  	[smem:$0x3F94] =	sst lr;
	_ =	strace $0xD0000000  }
0x3: {  	_ = 	snop  }
0x4: {  	_ = 	snop  }
0x5: {  	_ = 	snop  }
0x6: {  	_ = 	snop  }
0x7: {  	_ = 	snop  }
__scs_overlays_trampoline_lowered:
0x8: {  	[smem:$0x3FA3] =	sst s0  }
0x9: {  	[smem:$0x3FA4] =	sst s1  }
0xa: {  	[smem:$0x3FA5] =	sst s2  }
0xb: {  	[smem:$0x3FA6] =	sst s3  }
0xc: {  	[smem:$0x3FA7] =	sst s4  }
0xd: {  	[smem:$0x3FA8] =	sst s5  }
0xe: {  	[smem:$0x3FA9] =	sst s6  }
0xf: {  	[smem:$0x3FAA] =	sst s7  }
0x10: {  	[smem:$0x3FAB] =	sst s8  }
0x11: {  	[smem:$0x3FAC] =	sst s9;
	s0 =	simm.s32 @!p0 $0x0  }
0x12: {  	s1 =	sld [smem:$0x3F92];
	s0 =	simm.s32 @p0 $0x1  }
0x13: {  	[smem:$0x3FAD] =	sst s0;
	s0 =	simm.s32 @!p1 $0x0  }
0x14: {  	s2 =	sld [smem:$0x3F91];
	s0 =	simm.s32 @p1 $0x1  }
0x15: {  	[smem:$0x3FAE] =	sst s0;
	s0 =	simm.s32 @!p2 $0x0  }
0x16: {  	s3 =	sld [smem:$0x3FDB];
	s0 =	simm.s32 @p2 $0x1  }
0x17: {  	s4 =	simm.s32 $0x1BF5;
	[smem:$0x3FB0] =	sst s0  }
0x18: {  	s0 =	sld [smem:$0x3F93];
	_ =	swait.ge [sflag:s4], $0x0  }
0x19: {  	s7 =	sld [smem:$0x3F94]  }
0x1a: {  	s8 =	sadd.s32 $0xFFFFE003, lr  }
0x1b: {  	s9 =	sadd.s32 $0xFFFFFEF7, lr;
	s5 =	simm.s32 $0xFFFFFFFF;
	p2 =	slt.u32 s8, $0xFFFFF086  }
0x1c: {  	p1 =	slt.u32 s9, $0xF7A;
	s5 =	simm.s32 @!p2 $0x0  }
0x1d: {  	s5 =	simm.s32 @p1 $0x1;
	p0 =	seq.s32 s7, s2  }
0x1e: {  	s7 =	smul.u32 @!p0 $0xF7A, s2;
	p2 =	seq.s32 @!p0 s5, $0x0  }
0x1f: {  	s9 =	smul.u32 $0xF7A, s1;
	s8 =	simm.s32 @!p0 $0x1BF5;
	p2 =	por !p2, p0  }
0x20: {  	[sflag:s8] =	ssyncset.s32 @!p0 $0xFFFFF086;
	s6 =	sadd.s32 @!p0 s3, s7;
	s7 =	simm.s32 @!p0 $0x108  }
0x21: {  	s3 =	sadd.s32 s3, s9;
	s6 =	sadd.s32 @!p0 $0x88, s6;
	s7 =	simm.s32 @p2 $0x1082  }
0x22: {  	[simem:s7], [sflag:s8] =	dma.local @!p0 [hbm:s6], $0xF7A  }
0x23: {  	s9 =	sor.u32 $0xD0000000, s2;
	s6 =	simm.s32 $0x108;
	_ =	swait.ge @!p0 [sflag:s8], $0x0  }
0x24: {  	s3 =	sadd.s32 $0x88, s3;
	s6 =	simm.s32 @!p1 $0x1082;
	[sflag:s4] =	ssyncset.s32 $0xFFFFF086  }
0x25: {  	[simem:s6], [sflag:s4] =	dma.local [hbm:s3], $0xF7A  }
0x26: {  	[smem:$0x3F94] =	sst s1;
	(tag) =	ssettag s2;
	_ =	strace s9  }
0x27: {  	s1 =	sld [smem:$0x3FA4]  }
0x28: {  	s2 =	sld [smem:$0x3FA5]  }
0x29: {  	s4 =	sld [smem:$0x3FA7]  }
0x2a: {  	p0 =	seq.s32 s5, $0x0;
	s5 =	sld [smem:$0x3FA8]  }
0x2b: {  	s6 =	sld [smem:$0x3FA9]  }
0x2c: {  	s7 =	sld [smem:$0x3FAA]  }
0x2d: {  	s3 =	simm.s32 $0x108;
	s8 =	sld [smem:$0x3FAB]  }
0x2e: {  	s3 =	simm.s32 @!p0 $0x1082;
	s9 =	sld [smem:$0x3FAC]  }
0x2f: {  	lr =	sadd.s32 s0, s3;
	s0 =	sld [smem:$0x3FA3]  }
0x30: {  	s3 =	sld [smem:$0x3FA6]  }
0x31: {  	[smem:$0x3FAF] =	sst s10  }
0x32: {  	s10 =	sld [smem:$0x3FAD];
	_ =	sdelay $0x3  }
0x33: {  	p0 =	seq.s32 s10, $0x1;
	s10 =	sld [smem:$0x3FAF];
	_ =	sdelay $0x3  }
0x34: {  	[smem:$0x3FAF] =	sst s10  }
0x35: {  	s10 =	sld [smem:$0x3FAE];
	_ =	sdelay $0x3  }
0x36: {  	p1 =	seq.s32 s10, $0x1;
	s10 =	sld [smem:$0x3FAF];
	_ =	sdelay $0x3  }
0x37: {  	[smem:$0x3FAF] =	sst s10  }
0x38: {  	s10 =	sld [smem:$0x3FB0]  }
0x39: {  	_ = 	snop;
	(pc) =	sbr.ind lr, $3  }
0x3a: {  	_ = 	snop  }
0x3b: {  	_ = 	snop  }
0x3c: {  	p2 =	seq.s32 s10, $0x1;
	s10 =	sld [smem:$0x3FAF]  }
0x3d: {  	_ =	shalt  }
0x3e: {  	_ =	shalt  }
0x3f: {  	_ =	shalt  }
0x40: {  	_ =	shalt  }
0x41: {  	_ =	shalt  }
0x42: {  	_ =	shalt  }
0x43: {  	_ =	shalt  }
0x44: {  	_ =	shalt  }
0x45: {  	_ =	shalt  }
0x46: {  	_ =	shalt  }
0x47: {  	_ =	shalt  }
0x48: {  	_ =	shalt  }
0x49: {  	_ =	shalt  }
0x4a: {  	_ =	shalt  }
0x4b: {  	_ =	shalt  }
0x4c: {  	_ =	shalt  }
0x4d: {  	_ =	shalt  }
0x4e: {  	_ =	shalt  }
0x4f: {  	_ =	shalt  }
0x50: {  	_ =	shalt  }
0x51: {  	_ =	shalt  }
0x52: {  	_ =	shalt  }
0x53: {  	_ =	shalt  }
0x54: {  	_ =	shalt  }
0x55: {  	_ =	shalt  }
0x56: {  	_ =	shalt  }
0x57: {  	_ =	shalt  }
0x58: {  	_ =	shalt  }
0x59: {  	_ =	shalt  }
0x5a: {  	_ =	shalt  }
0x5b: {  	_ =	shalt  }
0x5c: {  	_ =	shalt  }
0x5d: {  	_ =	shalt  }
0x5e: {  	_ =	shalt  }
0x5f: {  	_ =	shalt  }
0x60: {  	_ =	shalt  }
0x61: {  	_ =	shalt  }
0x62: {  	_ =	shalt  }
0x63: {  	_ =	shalt  }
0x64: {  	_ =	shalt  }
0x65: {  	_ =	shalt  }
0x66: {  	_ =	shalt  }
0x67: {  	_ =	shalt  }
0x68: {  	_ =	shalt  }
0x69: {  	_ =	shalt  }
0x6a: {  	_ =	shalt  }
0x6b: {  	_ =	shalt  }
0x6c: {  	_ =	shalt  }
0x6d: {  	_ =	shalt  }
0x6e: {  	_ =	shalt  }
0x6f: {  	_ =	shalt  }
0x70: {  	_ =	shalt  }
0x71: {  	_ =	shalt  }
0x72: {  	_ =	shalt  }
0x73: {  	_ =	shalt  }
0x74: {  	_ =	shalt  }
0x75: {  	_ =	shalt  }
0x76: {  	_ =	shalt  }
0x77: {  	_ =	shalt  }
0x78: {  	_ =	shalt  }
0x79: {  	_ =	shalt  }
0x7a: {  	_ =	shalt  }
0x7b: {  	_ =	shalt  }
0x7c: {  	_ =	shalt  }
0x7d: {  	_ =	shalt  }
0x7e: {  	_ =	shalt  }
0x7f: {  	_ =	shalt  }
0x80: {  	_ =	shalt  }
0x81: {  	_ =	shalt  }
0x82: {  	_ =	shalt  }
0x83: {  	_ =	shalt  }
0x84: {  	_ =	shalt  }
0x85: {  	_ =	shalt  }
0x86: {  	_ =	shalt  }
0x87: {  	_ =	shalt  }
.Lfunc_end0:
.L_simem_size_0:
called_computation.2_lowered:
.L_overlay_start_0:
0x88: {  	s0 =	sld [smem:$0x3FD9]  }
0x89: {  	s1 =	sld [smem:$0x3FFE];
	_ =	sdelay $0x3  }
0x8a: {  	s0 =	sadd.s32 s1, s0  }
0x8b: {  	[smem:$0x3FBB] =	sst s0  }
0x8c: {  	_ = 	snop  }
0x8d: {  	(tm) =	ssettm $0x1  }
0x8e: {  	s15 =	sld [smem:$0x3FFB];
	_ =	sdelay $0x3  }
0x8f: {  	_ =	strace s15  }
0x90: {  	s0 =	sld [smem:$0x3FFC];
	_ =	sdelay $0x3  }
0x91: {  	_ =	strace s0  }
0x92: {  	s0 =	sld [smem:$0x3FFD];
	_ =	sdelay $0x3  }
0x93: {  	_ =	strace s0  }
0x94: {  	_ =	strace $0x8FFFFFFF  }
0x95: {  	s16 =	sld [smem:$0x3FDB];
	_ =	sdelay $0x1  }
0x96: {  	s17 =	simm.s32 $_scs_section_size  }
0x97: {  	s2 =	simm.s32 $_size__tile_overlayer_lowered;
	s3 =	simm.s32 $_tile_overlayer_lowered  }
0x98: {  	s20 =	simm.s32 $0x1BFF;
	s19 =	sshll.u32 s3, $0x1;
	s0 =	sadd.s32 s17, s16  }
0x99: {  	s4 =	simm.s32 $0x0;
	s18 =	sshll.u32 s2, $0x1;
	s2 =	sadd.s32 s19, s0  }
0x9a: {  	[timem:s4], [sflag:s20] =	dma.local [hbm:s2], s18  }
0x9b: {  	_ =	swait.ge [sflag:s20], s18  }
0x9c: {  	s1 =	ssub.s32 $0x0, s18;
	[sflag:s20] =	ssyncset.done $0x0  }
0x9d: {  	[sflag:s20] =	ssyncadd.s32 s1;
	_ =	sdelay $0x1  }
0x9e: {  	s21 =	simm.s32 $0x1B8B  }
0x9f: {  	_ =	swait.ge [sflag:s21], $0x1  }
0xa0: {  	[sflag:s21] =	ssyncset.done $0x0  }
0xa1: {  	s23 =	simm.s32 $0x1B8E;
	s22 =	sld [smem:$0x3FFE];
	[sflag:s21] =	ssyncadd.s32 $0xFFFFFFFF  }
0xa2: {  	s24 =	simm.s32 $execute0_lowered;
	[smem:$0x3FD2] =	sst s23  }
0xa3: {  	s2 =	sshll.u32 s24, $0x1;
	_ =	strace $0x8000004F;
	[dreg:$0x1] =	wrdreg $0xFFFFFFFF  }
0xa4: {  	s25 =	simm.s32 $_size_execute0_lowered;
	s0 =	sadd.s32 s0, s2;
	[dreg:$0x0] =	wrdreg $0x0  }
0xa5: {  	s2 =	sshll.u32 s25, $0x1;
	[dreg:$0x2] =	wrdreg s0  }
0xa6: {  	[dreg:$0x3] =	wrdreg s2  }
0xa7: {  	[dreg:$0x4] =	wrdreg $0xC0  }
0xa8: {  	_ =	task [dreg:s4], $0x5FFFF  }
0xa9: {  	[dreg:$0x1] =	wrdreg $0xFFFFFFFF  }
0xaa: {  	[dreg:$0x0] =	wrdreg $0x60  }
0xab: {  	[dreg:$0x2] =	wrdreg s22  }
0xac: {  	[dreg:$0x3] =	wrdreg $0xA  }
0xad: {  	_ =	task.clear_ibuf [dreg:s4], $0x4FFFF;
	_ =	strace $0x9000004F  }
0xae: {  	s26 =	simm.s32 $0xA;
	_ =	strace $0x80000051  }
0xaf: {  	_ =	swait.ge [sflag:s26], $0x1  }
0xb0: {  	[sflag:s26] =	ssyncadd.s32 $0xFFFFFFFF  }
0xb1: {  	_ =	strace $0x90000051  }
0xb2: {  	_ =	sfence  }
0xb3: {  	s28 =	sld [smem:$0x0];
	_ =	sdelay $0x1  }
0xb4: {  	s29 =	srdreg.scid  }
0xb5: {  	s30 =	sshll.u32 s29, $0xD;
	s31 =	sshrl.u32 s29, $0x2  }
0xb6: {  	s1 =	sand.u32 $0x1, s29;
	s2 =	sand.u32 $0x4000, s30;
	s0 =	sadd.s32 s31, s28  }
0xb7: {  	s1 =	sor.u32 s2, s1;
	s0 =	sshll.u32 s0, $0x11  }
0xb8: {  	s0 =	sor.u32 s0, s1  }
0xb9: {  	s0 =	sadd.s32 $0x8F2B, s0  }
0xba: {  	[sflag:s0] =	ssyncadd.remote.s32 $0x1  }
0xbb: {  	_ =	sfence.sel $0xFFFF  }
0xbc: {  	[dreg:$0x0] =	wrdreg $0xFFFFFFFF;
	(pc) =	sbr.abs _section_cstart, $3  }
0xbd: {  	[dreg:$0x1] =	wrdreg $0xFFFFFFFF  }
0xbe: {  	_ =	task.clear_ibuf [dreg:s4], $0x2FFFF;
	_ =	strace $0x9FFFFFFF  }
0xbf: {  	(tm) =	ssettm $0x7FFFFFFF  }
tec
execute0_lowered:
.L_overlay_start_1:
0x0: {  	(tag) =	ssettag $0x1  }
0x1: {  	s6 =	stileid.u32  }
0x2: {  	s0 =	rddreg [dreg:$0x0];
	_ =	strace $0x80000050;
	s1 =	smin.u32 s6, $0x9  }
0x3: {  	s2 =	simm.s32 $0x1;
	p0 =	slt.u32 s6, $0x9;
	s1 =	sadd.s32 s6, s1  }
0x4: {  	v1 =	vimm.s32 $0xFFFFFFFF;
	[sflag:s2] =	ssyncpa.u1 $0x0;
	s3 =	smul.u32 $0x190, s1;
	s1 =	simm.s32 $0x320  }
0x5: {  	[tilespmem:$0x10] =	vst v1;
	s1 =	simm.s32 @!p0 $0x190  }
0x6: {  	v0 =	vimm.f32 $0.0e+00;
	[tilespmem:$0x20] =	vst v1;
	s1 =	sadd.s32 s1, s3  }
0x7: {  	[tilespmem:$0x30] =	vst v0;
	s4 =	smin.u32 s1, $0x2710  }
0x8: {  	[tilespmem:$0x40] =	vst v0;
	s9 =	ssub.s32 s4, s3  }
0x9: {  	[tilespmem:$0x50] =	vst v0;
	p0 =	sgt.s32 s9, $0x0  }
0xa: {  	s7 =	simm.s32 $0x2;
	[tilespmem:$0x60] =	vst v1;
	s9 =	simm.s32 @!p0 $0x0  }
0xb: {  	s8 =	simm.s32 $0x8;
	s31 =	simm.s32 $0x9;
	[tilespmem:$0x70] =	vst v1;
	s30 =	sand.u32 $0xFFF0, s9  }
0xc: {  	s16 =	simm.s32 $0x0;
	s17 =	simm.s32 $0xF0;
	[tilespmem:$0x80] =	vst v1;
	s1 =	sshrl.u32 s30, $0x4  }
0xd: {  	s18 =	simm.s32 $0xFFFFFFFF;
	s19 =	simm.s32 $0xFFFFFDE0;
	v1 =	vimm.s32 $0x0;
	[tilespmem:$0xB0] =	vst v0;
	s5 =	smul.u32 $0xA3E, s1  }
0xe: {  	s20 =	simm.s32 $0xFFFFFFFE;
	s21 =	simm.s32 $0xF;
	s25 =	simm.s32 $0x0;
	[tilespmem:$0x90] =	vst v1  }
0xf: {  	[tilespmem:$0xA0] =	vst v1;
	[sflag:s7] =	ssyncpa.u1 $0x0;
	s7 =	simm.s32 $0x7;
	s10 =	sshrl.u32 s5, $0x10  }
0x10: {  	s24 =	simm.s32 $0x0;
	[sflag:s7] =	ssyncpa.u1 $0x0;
	s11 =	smul.u32 $0x190, s10  }
0x11: {  	s14 =	sshllo.u32 s6, $0x1;
	[sflag:s8] =	ssyncpa.u1 $0x0;
	s23 =	smov.u32 s3  }
.Ltmp0:
0x12: {  	s1 =	sadd.s32 $0x4E600, s0;
	p0 =	sne.s32 s9, s11;
	(pc) =	sbr.rel .LBB2_1-.Ltmp0, $4  }
0x13: {  	s5 =	sadd.s32 $0xA9200, s0;
	s0 =	sadd.s32 $0xA9800, s0;
	s2 =	simm.s32 @!p0 $0x0  }
0x14: {  	[sflag:s31] =	ssyncpa.u1 $0x0;
	[dreg:$0x2] =	wrdreg s0;
	s9 =	sadd.s32 s10, s2  }
0x15: {  	vm0 =	vmmov $0xffff;
	v2 =	vlaneseq.u32;
	p0 =	por $0x0, $0x0;
	s10 =	sshll.u32 s6, $0x1;
	s11 =	sadd.s32 $0x1, s9  }
0x16: {  	vm1 =	vmxor vm1, vm1;
	vm2 =	vmmov $0x1;
	vm3 =	vcmask $0x3F3C;
	s12 =	sadd.s32 $0x2, s9;
	s13 =	sor.u32 $0x81, s10;
	s15 =	sor.u32 $0x80, s10  }
.LBB2_9:
0x17: {  	p1 =	slt.u32 s24, $0x3  }
0x18: {  	s0 =	simm.s32 @!p1 $0x2  }
0x19: {  	_ =	swait.ge @!p1 [sflag:s0], $0x190  }
0x1a: {  	[sflag:s0] =	ssyncset.done @!p1 $0x0  }
0x1b: {  	[sflag:s0] =	ssyncadd.s32 @!p1 $0xFFFFFE70;
	s0 =	simm.s32 @!p1 $0x9  }
0x1c: {  	_ =	swait.ge @!p1 [sflag:s0], $0x10  }
0x1d: {  	[sflag:s0] =	ssyncset.done @!p1 $0x0  }
0x1e: {  	[sflag:s0] =	ssyncadd.s32 @!p1 $0xFFFFFFF0;
	p1 =	sne.s32 s24, s12  }
.Ltmp1:
0x1f: {  	s2 =	sadd.s32 $0x190, s23;
	(pc) =	sbr.rel @!p1 .LBB2_10-.Ltmp1, $4  }
0x20: {  	s6 =	smov.u32 s3;
	s31 =	sadd.s32 $0x1, s24;
	s17 =	sadd.s32 $0x190, s17  }
0x21: {  	s18 =	sadd.s32 $0x1, s18;
	s25 =	smov.u32 s23;
	p2 =	slt.s32 s2, s4  }
0x22: {  	p0 =	por !p0, !p0;
	s19 =	sadd.s32 $0x190, s19;
	s6 =	smov.u32 @p2 s2  }
0x23: {  	s20 =	sadd.s32 $0x1, s20;
	s23 =	smov.u32 s6;
	s24 =	smov.u32 s31  }
.LBB2_1:
0x24: {  	p1 =	sge.u32 s24, s9  }
0x25: {  	s0 =	smulhi.u32 @!p1 $0xAAAAAAAB, s24;
	_ =	sdelay $0x1  }
0x26: {  	s0 =	sshrl.u32 @!p1 s0, $0x1  }
0x27: {  	s0 =	smul.u32 @!p1 $0x3, s0;
	_ =	sdelay $0x1  }
0x28: {  	s0 =	ssub.s32 @!p1 s24, s0  }
0x29: {  	s0 =	smul.u32 @!p1 $0x640, s0;
	_ =	sdelay $0x1  }
0x2a: {  	s2 =	sshrl.u32 @!p1 s23, $0x3;
	s0 =	sshrl.u32 @!p1 s0, $0x2  }
0x2b: {  	s22 =	sand.u32 @!p1 $0x7, s23;
	s2 =	sadd.s32 @!p1 s5, s2;
	s0 =	sadd.s32 @!p1 $0x100, s0  }
0x2c: {  	[tilespmem:s0], [sflag:$0x7] =	stream.linear.gather @!p1 [hbm4b:s2+s22], $0x190, $0x38;
	[tilespmem:$0xF30] =	vst v63  }
0x2d: {  	s0 =	sadd.s32 $0xFFFFFFFF, s24  }
0x2e: {  	p1 =	sge.u32 s0, s9  }
.Ltmp2:
0x2f: {  	_ = 	snop;
	(pc) =	sbr.rel @p1 .LBB2_5-.Ltmp2, $1  }
0x30: {  	_ =	sdelay $0x3  }
0x31: {  	s2 =	smulhi.u32 $0xAAAAAAAB, s0;
	_ =	sdelay $0x1  }
0x32: {  	s2 =	sshrl.u32 s2, $0x1  }
0x33: {  	s2 =	smul.u32 $0x3, s2;
	_ =	sdelay $0x1  }
0x34: {  	s2 =	ssub.s32 s0, s2  }
0x35: {  	s2 =	smul.u32 $0x640, s2  }
0x36: {  	_ =	swait.ge [sflag:s7], $0x190  }
0x37: {  	[sflag:s7] =	ssyncset.done $0x0;
	s2 =	sshrl.u32 s2, $0x2  }
0x38: {  	[sflag:s7] =	ssyncadd.s32 $0xFFFFFE70;
	(ifvalue) =	ssetifvalue $0xFFFFFFFF;
	v3 =	vld.msk [tilespmem:s2+$0x100 ss:$0x1], $0xffff;
	_ =	sdelay $0x2  }
0x39: {  	s30 =	smulhi.u32 $0xAAAAAAAB, s18;
	p1 =	sne.s32 s24, $0x1  }
0x3a: {  	v4 =	vimm.s32 @!p1 $0x0  }
0x3b: {  	s2 =	sshrl.u32 s30, $0x1;
	v4 =	vperm.xlane @!p1 v3, v4  }
0x3c: {  	s22 =	sshll.u32 s24, $0x4;
	s2 =	smul.u32 $0xFFFFED40, s2;
	vm4 =	vlt.u32 v3, $0x80  }
0x3d: {  	s22 =	sand.u32 $0x10, s22;
	v3 =	vnsel vm4, $0xFFFFFFFE, v3;
	vm4 =	vlt.u32 @!p1 v4, $0x80  }
0x3e: {  	s2 =	sshra.s32 s2, $0x2;
	[tilespmem:s22+$0x60] =	vst v3;
	v3 =	vnsel @!p1 vm4, $0xFFFFFFFE, v4  }
0x3f: {  	s28 =	sadd.s32 s2, s17;
	[tilespmem:$0x80] =	vst @!p1 v3  }
0x40: {  	v3 =	vld.msk [tilespmem:s28+$0x0 ss:$0x1], $0xffff;
	_ =	sdelay $0x4  }
0x41: {  	(xrf1) =	vunique.msk.u32 $0xffff, v3;
	_ =	sdelay $0xd  }
0x42: {  	v4 =	vimm.s32 $0xFFFFFFFF;
	v5, _, _ =	vpop (xrf1)  }
0x43: {  	vm5 =	vne.s32 v3, v4;
	vm4 =	veq.s32 v5, v2  }
0x44: {  	vm6 =	vlt.u32 v3, $0x80;
	vm4 =	vmand vm5, vm4  }
0x45: {  	vm4 =	vmand vm6, vm4  }
0x46: {  	v4 =	vnsel vm4, $0xFFFFFFFF, v3  }
0x47: {  	s31 =	sand.u32 $0x1, s0  }
0x48: {  	s0 =	simm.s32 $0x190;
	p1 =	seq.s32 s31, $0x1  }
0x49: {  	s0 =	simm.s32 @!p1 $0x0  }
0x4a: {  	s26 =	sadd.s32 $0x730, s0;
	(ifvalue) =	ssetifvalue $0xFFFFFFFF  }
0x4b: {  	v3 =	vperm.xlane v3, v1;
	[tilespmem:s26], [sflag:$0x8] =	stream.indirect_vreg.gather [hbm4b:s1+s16], $0x1, v4, vm0, $0x4038;
	v4 =	vnsel vm6, $0xFFFFFFFE, v4;
	[tilespmem:$0xF30] =	vst v63  }
0x4c: {  	s2 =	simm.s32 $0x0;
	s22 =	sadd.s32 $0xFFFFFFF0, s28;
	[tilespmem:s28+$0x0] =	vst v4  }
.LBB2_3:
0x4d: {  	v4 =	vld.msk [tilespmem:s22+$0x0 ss:$0x1], $0xffff;
	s2 =	sadd.s32 $0x10, s2;
	v5 =	vmov v3;
	s28 =	smov.u32 s22  }
0x4e: {  	p1 =	slt.u32 s2, $0x180;
	_ =	sdelay $0x4  }
0x4f: {  	v3 =	vperm.xlane v4, v1;
	(xrf1) =	vunique.msk.u32 $0xffff, v4;
	_ =	sdelay $0xd  }
0x50: {  	v6, _, _ =	vpop (xrf1)  }
0x51: {  	vm5 =	vne.s32 v4, v5;
	vm4 =	veq.s32 v6, v2  }
0x52: {  	vm6 =	vlt.u32 v4, $0x80;
	vm4 =	vmand vm5, vm4  }
0x53: {  	vm4 =	vmand vm6, vm4  }
0x54: {  	v4 =	vnsel vm4, $0xFFFFFFFF, v4  }
.Ltmp3:
0x55: {  	v5 =	vnsel vm6, $0xFFFFFFFE, v4;
	(pc) =	sbr.rel @p1 .LBB2_3-.Ltmp3, $3  }
0x56: {  	_ =	sdelay $0x1  }
0x57: {  	s22 =	sadd.s32 $0xFFFFFFF0, s22;
	s26 =	sadd.s32 $0xFFFFFFF0, s26;
	(ifvalue) =	ssetifvalue $0xFFFFFFFF  }
0x58: {  	[tilespmem:s26], [sflag:$0x8] =	stream.indirect_vreg.gather [hbm4b:s1+s16], $0x1, v4, vm0, $0x4038;
	[tilespmem:s28+$0x0] =	vst v5  }
0x59: {  	s2 =	sshrl.u32 s25, $0x3;
	s6 =	rddreg [dreg:$0x2]  }
0x5a: {  	s0 =	sadd.s32 $0x8D0, s0;
	s2 =	sadd.s32 s6, s2  }
0x5b: {  	[tilespmem:s0], [sflag:$0x8] =	stream.linear.gather [hbm:s2], $0x190, $0x38;
	[tilespmem:$0xF30] =	vst v63  }
.LBB2_5:
0x5c: {  	p1 =	slt.u32 s24, $0x2  }
0x5d: {  	p2 =	sge.u32 @!p1 s24, s12  }
0x5e: {  	p1 =	por p1, p2  }
.Ltmp4:
0x5f: {  	_ = 	snop;
	(pc) =	sbr.rel @p1 .LBB2_9-.Ltmp4, $1  }
0x60: {  	_ =	sdelay $0x3  }
0x61: {  	s0 =	sadd.s32 $0xFFFFFFFE, s24  }
0x62: {  	s2 =	smulhi.u32 $0xAAAAAAAB, s0;
	_ =	sdelay $0x1  }
0x63: {  	s2 =	sshrl.u32 s2, $0x1  }
0x64: {  	s2 =	smul.u32 $0x3, s2;
	_ =	sdelay $0x1  }
0x65: {  	s0 =	ssub.s32 s0, s2  }
0x66: {  	_ =	swait.ge [sflag:s8], $0x320;
	s0 =	smul.u32 $0x190, s0  }
0x67: {  	p1 =	sne.s32 s24, s11;
	[sflag:s8] =	ssyncset.done $0x0  }
0x68: {  	[sflag:s8] =	ssyncadd.s32 $0xFFFFFCE0;
	s2 =	sadd.s32 @!p1 $0x28F, s0  }
0x69: {  	[spmem:s13] =	stream.linear.scatter @!p1 [tilespmem:s2], [sflag:$0x1], $0x1, $0x38;
	[tilespmem:$0xF30] =	vst v63  }
0x6a: {  	s2 =	simm.s32 @!p1 $0x1  }
0x6b: {  	_ =	swait.ge @!p1 [sflag:s2], $0x1  }
0x6c: {  	s22 =	sshll.u32 s24, $0x4;
	[sflag:s2] =	ssyncset.done @!p1 $0x0  }
0x6d: {  	s25 =	sand.u32 $0x10, s22;
	[sflag:s2] =	ssyncadd.s32 @!p1 $0xFFFFFFFF  }
0x6e: {  	s2 =	sxor.u32 $0x10, s25;
	v4 =	vld [tilespmem:s25+$0x10]  }
0x6f: {  	v5 =	vld [tilespmem:s2+$0x60]  }
0x70: {  	v3 =	vld [tilespmem:$0x80];
	_ =	sdelay $0x2  }
0x71: {  	(v2sf) =	vpush v4, $0x0  }
0x72: {  	(v2sf) =	vpush v5, $0x0  }
0x73: {  	(v2sf) =	vpush v3, $0x0;
	_ =	sdelay $0xc  }
0x74: {  	s6 =	spop (v2sf)  }
0x75: {  	s28 =	spop (v2sf)  }
0x76: {  	s26 =	spop (v2sf)  }
0x77: {  	p2 =	seq.s32 s6, s28;
	p3 =	seq.s32 s26, s6  }
0x78: {  	p3 =	por p2, p3  }
0x79: {  	s6 =	sand.u32 $0x1, s24;
	v4 =	vpsel p3, $0xFFFFFFFF, v4  }
0x7a: {  	s28 =	smul.u32 $0x190, s6;
	[tilespmem:s25+$0x10] =	vst.msk $0x1, v4  }
0x7b: {  	v4 =	vld [tilespmem:$0x30]  }
0x7c: {  	v5 =	vld [tilespmem:s28+$0x8D0]  }
0x7d: {  	v6 =	vld [tilespmem:s25+$0x40];
	_ =	sdelay $0x3  }
0x7e: {  	vm4 =	vmmov vm1;
	v5 =	vadd.f32 v5, v4  }
0x7f: {  	vm5 =	vmmov vm2;
	vm4 =	vmmov @p2 vm2;
	v4 =	vadd.f32 v6, v4  }
0x80: {  	s22 =	sshll.u32 s6, $0x4;
	vm5 =	vmmov @p3 vm1;
	[tilespmem:s28+$0x8D0] =	vst.msk vm4, v5  }
0x81: {  	[tilespmem:s22+$0xF10] =	vst.msk vm5, v4  }
0x82: {  	v4 =	vld [tilespmem:s28+$0x730];
	_ =	sdelay $0x3  }
0x83: {  	v5 =	vimm.f32 $0.0e+00  }
0x84: {  	v4 =	vshift.insert v4, v5, s21  }
0x85: {  	s29 =	sor.u32 $0x40, s2  }
0x86: {  	[tilespmem:s29+$0x0] =	vst.msk $0x1, v4  }
0x87: {  	[tilespmem:s28+$0x73F] =	vst.msk $0x1, v5  }
0x88: {  	v4 =	vld [tilespmem:s0+$0x280];
	_ =	sdelay $0x1  }
0x89: {  	s29 =	smulhi.u32 $0xAAAAAAAB, s20;
	s0 =	simm.s32 $0x1  }
0x8a: {  	s0 =	simm.s32 @!p0 $0x0  }
0x8b: {  	s29 =	sshrl.u32 s29, $0x1;
	s0 =	smul.u32 $0x640, s0  }
0x8c: {  	s29 =	smul.u32 $0xFFFFED40, s29;
	v4 =	vshift.insert v4, v1, s21  }
0x8d: {  	s0 =	sshrl.u32 s0, $0x2  }
0x8e: {  	s29 =	sshra.s32 s29, $0x2;
	s30 =	sadd.s32 $0x8D0, s0;
	[tilespmem:s2+$0x10] =	vst.msk $0x1, v4  }
0x8f: {  	s6 =	sadd.s32 s29, s19;
	v6 =	vld [tilespmem:s30+$0x0]  }
0x90: {  	v7 =	vld [tilespmem:s6+$0x0];
	_ =	sdelay $0x3  }
0x91: {  	v5 =	vadd.f32 v6, v5  }
0x92: {  	vm4 =	vne.s32 v7, $0xFFFFFFFF  }
0x93: {  	(xrf2) =	vadd.seg.scan.f32 vm4, v5;
	_ =	sdelay $0x3  }
0x94: {  	s31 =	sadd.s32 $0x5B0, s0;
	v5 =	vperm.xlane v4, v1  }
0x95: {  	v6 =	vld [tilespmem:s31+$0x0]  }
0x96: {  	vm5 =	veq.s32 v7, v3;
	vm6 =	veq.s32 v7, v5  }
0x97: {  	vm7 =	vgt.u32 v7, $0xFFFFFFFD;
	vm6 =	vmor vm6, vm5  }
0x98: {  	vm6 =	vmor vm6, vm7  }
0x99: {  	v9 =	vld [tilespmem:$0xA0];
	v7 =	vsel vm6, $0xFFFFFFFF, v7  }
0x9a: {  	v10 =	vld [tilespmem:$0x90];
	v6 =	vsel vm5, $0x0, v6;
	v8, _, _ =	vpop (xrf2)  }
0x9b: {  	v6 =	vadd.f32 v8, v6  }
0x9c: {  	s0 =	sadd.s32 $0xBF0, s0  }
0x9d: {  	vm4 =	vmand vm4, vm3;
	[tilespmem:s0+$0x0] =	vst v6;
	(ifvalue) =	ssetifvalue $0xFFFFFFFF  }
0x9e: {  	vm6 =	veq.s32 v9, $0x1;
	[hbm4b:s1+s16] =	stream.indirect_vreg.scatter [tilespmem:s0], [sflag:$0x2], $0x1, v7, vm0, $0x4038;
	v7 =	vsel vm4, $0x0, v8;
	[tilespmem:$0xF30] =	vst v63  }
0x9f: {  	s29 =	sadd.s32 $0xF10, s22;
	s22 =	sadd.s32 $0x10, s6;
	s2 =	simm.s32 $0x0;
	vm4 =	vmor vm6, vm5;
	v6 =	vsel vm5, v8, v10;
	v7 =	vshift.insert v7, v0, s21  }
.LBB2_7:
0xa0: {  	v8 =	vld [tilespmem:s22+$0x0];
	s30 =	sadd.s32 $0x10, s30  }
0xa1: {  	s31 =	sadd.s32 $0x10, s31;
	v9 =	vld [tilespmem:s30+$0x0]  }
0xa2: {  	s2 =	sadd.s32 $0x10, s2;
	v10 =	vld [tilespmem:s31+$0x0]  }
0xa3: {  	p2 =	slt.u32 s2, $0x180;
	_ =	sdelay $0x2  }
0xa4: {  	v7 =	vadd.f32 v9, v7  }
0xa5: {  	vm5 =	vne.s32 v8, $0xFFFFFFFF  }
0xa6: {  	vm6 =	vmand vm5, vm3;
	(xrf2) =	vadd.seg.scan.f32 vm5, v7;
	_ =	sdelay $0x5  }
0xa7: {  	vm7 =	veq.s32 v8, v5;
	vm5 =	veq.s32 v8, v3  }
0xa8: {  	vm8 =	vgt.u32 v8, $0xFFFFFFFD;
	vm4 =	vmor vm4, vm5;
	vm7 =	vmor vm7, vm5  }
0xa9: {  	vm7 =	vmor vm7, vm8  }
0xaa: {  	v8 =	vsel vm7, $0xFFFFFFFF, v8  }
.Ltmp5:
0xab: {  	v7 =	vsel vm5, $0x0, v10;
	v9, _, _ =	vpop (xrf2);
	(pc) =	sbr.rel @p2 .LBB2_7-.Ltmp5, $4  }
0xac: {  	v6 =	vsel vm5, v9, v6;
	v10 =	vadd.f32 v9, v7;
	v7 =	vsel vm6, $0x0, v9  }
0xad: {  	s0 =	sadd.s32 $0x10, s0;
	v7 =	vshift.insert v7, v0, s21  }
0xae: {  	s22 =	sadd.s32 $0x10, s22;
	[tilespmem:s0+$0x0] =	vst v10;
	(ifvalue) =	ssetifvalue $0xFFFFFFFF  }
0xaf: {  	[hbm4b:s1+s16] =	stream.indirect_vreg.scatter [tilespmem:s0], [sflag:$0x2], $0x1, v8, vm0, $0x4038;
	[tilespmem:$0xF30] =	vst v63  }
0xb0: {  	v3 =	vld [tilespmem:s28+$0xD70];
	_ =	sdelay $0x4  }
0xb1: {  	v3 =	vshift.insert v3, v0, s21  }
0xb2: {  	s0 =	simm.s32 $0x30  }
0xb3: {  	[tilespmem:s0+$0x0] =	vst.msk $0x1, v3  }
0xb4: {  	v3 =	vsel vm4, $0x1, v1;
	[tilespmem:$0x90] =	vst v6  }
0xb5: {  	s0 =	sadd.s32 @!p1 $0xD7F, s28;
	[tilespmem:$0xA0] =	vst v3  }
0xb6: {  	[spmem:s14] =	stream.linear.scatter @!p1 [tilespmem:s0], [sflag:$0x1], $0x1, $0x38;
	[tilespmem:$0xF30] =	vst v63  }
0xb7: {  	s0 =	simm.s32 @!p1 $0x1  }
0xb8: {  	v3 =	vmctz.xlane @!p1 vm4;
	_ =	swait.ge @!p1 [sflag:s0], $0x1  }
0xb9: {  	(v2sf) =	vpush @!p1 v4, $0x0  }
0xba: {  	(v2sf) =	vpush @!p1 v3, $0x0;
	_ =	sdelay $0xd  }
0xbb: {  	s2 =	spop @!p1 (v2sf)  }
0xbc: {  	s6 =	spop @!p1 (v2sf)  }
0xbd: {  	p2 =	sne.s32 @!p1 s26, s2;
	p3 =	slt.s32 @!p1 s6, $0xF  }
0xbe: {  	[sflag:s0] =	ssyncset.done @!p1 $0x0;
	p2 =	por p2, p1;
	p3 =	por !p3, p1  }
0xbf: {  	[sflag:s0] =	ssyncadd.s32 @!p1 $0xFFFFFFFF;
	v3 =	vimm.s32 @!p2 $0xFFFFFFFF;
	s6 =	simm.s32 @p3 $0xF  }
0xc0: {  	[tilespmem:$0x80] =	vst @!p2 v3;
	s2 =	sadd.s32 @!p1 $0x90, s6  }
0xc1: {  	[spmem:s10] =	stream.linear.scatter @!p1 [tilespmem:s2], [sflag:$0x1], $0x1, $0x38;
	[tilespmem:$0xF30] =	vst v63  }
0xc2: {  	_ =	swait.ge @!p1 [sflag:s0], $0x1  }
0xc3: {  	[sflag:s0] =	ssyncset.done @!p1 $0x0  }
0xc4: {  	s2 =	simm.s32 @!p1 $0x80;
	[sflag:s0] =	ssyncadd.s32 @!p1 $0xFFFFFFFF  }
0xc5: {  	[spmem:s15] =	stream.linear.scatter @!p1 [tilespmem:s2], [sflag:$0x1], $0x1, $0x38;
	[tilespmem:$0xF30] =	vst v63  }
0xc6: {  	_ =	swait.ge @!p1 [sflag:s0], $0x1  }
0xc7: {  	[sflag:s0] =	ssyncset.done @!p1 $0x0  }
0xc8: {  	[sflag:s0] =	ssyncadd.s32 @!p1 $0xFFFFFFFF;
	(ifvalue) =	ssetifvalue $0xFFFFFFFF;
	v3 =	vld [tilespmem:s25+$0x10];
	_ =	sdelay $0x3  }
.Ltmp6:
0xc9: {  	_ = 	snop;
	(pc) =	sbr.rel .LBB2_9-.Ltmp6, $3  }
0xca: {  	_ =	sdelay $0x1  }
0xcb: {  	(ifvalue) =	ssetifvalue $0xFFFFFFFF  }
0xcc: {  	[hbm4b:s1+s16] =	stream.indirect_vreg.scatter [tilespmem:s29], [sflag:$0x9], $0x1, v3, vm0, $0x4038;
	[tilespmem:$0xF30] =	vst v63  }
.LBB2_10:
0xcd: {  	_ =	sfence.sel $0x180000  }
0xce: {  	s0 =	simm.s32 $0x7;
	[bflag:$0x0] =	sbarrier.arrive $0xFFFF  }
0xcf: {  	s26 =	simm.s32 $0x8;
	[sflag:s0] =	ssyncpa.u1 $0x1  }
0xd0: {  	s28 =	simm.s32 $0x9;
	[sflag:s26] =	ssyncpa.u1 $0x1  }
0xd1: {  	[sflag:s28] =	ssyncpa.u1 $0x1  }
0xd2: {  	_ =	sfence.stream.spmem  }
0xd3: {  	s29 =	simm.s32 $0x3;
	[bflag:$0x0] =	sbarrier.arrive $0xFFFF  }
0xd4: {  	s30 =	simm.s32 $0x4;
	[sflag:s29] =	ssyncpa.u1 $0x1  }
0xd5: {  	s31 =	simm.s32 $0x3C;
	s2 =	stileid.u32;
	[sflag:s30] =	ssyncpa.u1 $0x1  }
0xd6: {  	p0 =	sne.s32 s2, $0x0;
	[sflag:s31] =	ssyncpa.u1 $0x1  }
0xd7: {  	s0 =	simm.s32 @p0 $0x1;
	_ =	sfence @p0  }
0xd8: {  	[sflag:s0] =	ssyncpa.u1 @p0 $0x1;
	s0 =	simm.s32 @p0 $0x2  }
0xd9: {  	[sflag:s0] =	ssyncpa.u1 @p0 $0x1  }
0xda: {  	_ =	strace @p0 $0x90000050  }
0xdb: {  	[bflag:$0x2] =	sbarrier.arrive @p0 $0xFFFF  }
0xdc: {  	_ =	shalt @p0  }
.LBB2_11:
0xdd: {  	_ =	sfence.stream.spmem;
	s0 =	simm.s32 $0x5  }
0xde: {  	s2 =	simm.s32 $0x80;
	s3 =	simm.s32 $0xC0;
	[sflag:s0] =	ssyncpa.u1 $0x0  }
0xdf: {  	[tilespmem:s3], [sflag:$0x5] =	stream.linear.gather [spmem:s2], $0x20, $0x38;
	[tilespmem:$0xF30] =	vst v63  }
0xe0: {  	s2 =	simm.s32 $0x0;
	s3 =	simm.s32 $0xE0  }
0xe1: {  	[tilespmem:s3], [sflag:$0x5] =	stream.linear.gather [spmem:s2], $0x20, $0x38;
	[tilespmem:$0xF30] =	vst v63  }
.Ltmp7:
0xe2: {  	_ = 	snop;
	(pc) =	sbr.rel .LBB2_12-.Ltmp7, $4  }
0xe3: {  	_ =	swait.ge [sflag:s0], $0x40  }
0xe4: {  	[sflag:s0] =	ssyncset.done $0x0  }
0xe5: {  	s31 =	simm.s32 $0x6;
	[sflag:s0] =	ssyncadd.s32 $0xFFFFFFC0  }
0xe6: {  	s4 =	simm.s32 $0x0;
	[sflag:s31] =	ssyncpa.u1 $0x0  }
.LBB2_17:
0xe7: {  	p0 =	sgt.u32 s5, $0x7F  }
0xe8: {  	s0 =	sshrl.u32 @!p0 s5, $0x3  }
0xe9: {  	s5 =	sand.u32 @!p0 $0x7, s5;
	s6 =	simm.s32 @!p0 $0xB0;
	s0 =	sadd.s32 @!p0 s1, s0  }
0xea: {  	[tilespmem:s6], [sflag:$0x6] =	stream.linear.gather @!p0 [hbm4b:s0+s5], $0x1, $0x38;
	[tilespmem:$0xF30] =	vst v63  }
0xeb: {  	s0 =	simm.s32 @!p0 $0x6  }
0xec: {  	_ =	swait.ge @!p0 [sflag:s0], $0x1  }
0xed: {  	[sflag:s0] =	ssyncset.done @!p0 $0x0  }
0xee: {  	[sflag:s0] =	ssyncadd.s32 @!p0 $0xFFFFFFFF  }
0xef: {  	v2 =	vmov @!p0 s4;
	v1 =	vld.msk @!p0 [tilespmem:$0xB0], $0x1;
	_ =	sdelay $0x3  }
0xf0: {  	s0 =	simm.s32 @!p0 $0xE0  }
0xf1: {  	[tilespmem:v2+s0+$0x0], v1 =	vst.idx.ret.add.f32.msk @!p0 $0x1, v1  }
0xf2: {  	[tilespmem:s2+$0xC0] =	vst.msk $0x1, v0  }
0xf3: {  	v0 =	vld.msk [tilespmem:s4+$0xE0], $0x1;
	_ =	sdelay $0x4  }
0xf4: {  	[tilespmem:s2+$0xE0] =	vst.msk $0x1, v0;
	s2 =	sadd.s32 $0x1, s2  }
.LBB2_19:
0xf5: {  	s4 =	sadd.s32 $0x1, s4  }
0xf6: {  	p0 =	sne.s32 s4, $0x20  }
.Ltmp8:
0xf7: {  	_ = 	snop;
	(pc) =	sbr.rel @!p0 .LBB2_20-.Ltmp8, $1  }
0xf8: {  	_ =	sdelay $0x3  }
.LBB2_12:
0xf9: {  	v0 =	vld.msk [tilespmem:s4+$0xC0], $0x1;
	_ =	sdelay $0x4  }
0xfa: {  	(v2sf) =	vpush v0, $0x0;
	_ =	sdelay $0xe  }
0xfb: {  	s5 =	spop (v2sf)  }
0xfc: {  	p0 =	seq.s32 s5, $0xFFFFFFFF  }
.Ltmp9:
0xfd: {  	_ = 	snop;
	(pc) =	sbr.rel @p0 .LBB2_19-.Ltmp9, $1  }
0xfe: {  	_ =	sdelay $0x3  }
0xff: {  	p0 =	slt.s32 s2, $0x1  }
.Ltmp10:
0x100: {  	_ = 	snop;
	(pc) =	sbr.rel @p0 .LBB2_17-.Ltmp10, $1  }
0x101: {  	_ =	sdelay $0x3  }
0x102: {  	s0 =	simm.s32 $0xC0;
	p0 =	por $0x0, $0x0  }
0x103: {  	v1 =	vld.msk @!p0 [tilespmem:s0+$0x0], $0x1;
	_ =	sdelay $0x4  }
0x104: {  	(v2sf) =	vpush @!p0 v1, $0x0;
	_ =	sdelay $0xd  }
0x105: {  	p2 =	sne.s32 s2, $0x1  }
.Ltmp11:
0x106: {  	s6 =	spop @!p0 (v2sf);
	(pc) =	sbr.rel @!p2 .LBB2_16-.Ltmp11, $4  }
0x107: {  	p1 =	seq.s32 @!p0 s5, s6  }
0x108: {  	s6 =	simm.s32 $0x0;
	p1 =	por !p1, p0  }
0x109: {  	s8 =	simm.s32 $0xFFFFFFFF;
	s6 =	simm.s32 @p1 $0xFFFFFFFF  }
0x10a: {  	s7 =	simm.s32 $0x1;
	s6 =	smov.u32 @p0 s8  }
.LBB2_15:
0x10b: {  	s8 =	smov.u32 s6;
	p0 =	sne.s32 s6, $0xFFFFFFFF  }
0x10c: {  	s0 =	sadd.s32 $0x1, s0;
	s6 =	smov.u32 s7;
	s7 =	sadd.s32 $0x1, s7  }
0x10d: {  	p1 =	sne.s32 s2, s7;
	v1 =	vld.msk @!p0 [tilespmem:s0+$0x0], $0x1;
	_ =	sdelay $0x4  }
0x10e: {  	(v2sf) =	vpush @!p0 v1, $0x0;
	_ =	sdelay $0xe  }
.Ltmp12:
0x10f: {  	s9 =	spop @!p0 (v2sf);
	(pc) =	sbr.rel @p1 .LBB2_15-.Ltmp12, $4  }
0x110: {  	p2 =	seq.s32 @!p0 s5, s9  }
0x111: {  	p2 =	por !p2, p0  }
0x112: {  	s6 =	simm.s32 @p2 $0xFFFFFFFF  }
0x113: {  	s6 =	smov.u32 @p0 s8  }
.LBB2_16:
0x114: {  	p0 =	sne.s32 s6, $0xFFFFFFFF  }
.Ltmp13:
0x115: {  	_ = 	snop;
	(pc) =	sbr.rel @!p0 .LBB2_17-.Ltmp13, $1  }
0x116: {  	_ =	sdelay $0x3  }
0x117: {  	v0 =	vld.msk [tilespmem:s4+$0xE0], $0x1;
	v1 =	vmov s6  }
.Ltmp14:
0x118: {  	_ = 	snop;
	(pc) =	sbr.rel .LBB2_19-.Ltmp14, $2  }
0x119: {  	_ =	sdelay $0x2  }
0x11a: {  	[tilespmem:v1+s3+$0x0], v0 =	vst.idx.ret.add.f32.msk $0x1, v0  }
.LBB2_20:
0x11b: {  	p0 =	slt.s32 s2, $0x1  }
.Ltmp15:
0x11c: {  	_ = 	snop;
	(pc) =	sbr.rel @p0 .LBB2_24-.Ltmp15, $3  }
0x11d: {  	_ =	sdelay $0x1  }
0x11e: {  	s0 =	simm.s32 $0x6  }
0x11f: {  	s3 =	simm.s32 $0x0;
	[sflag:s0] =	ssyncpa.u1 $0x1  }
0x120: {  	s0 =	simm.s32 $0xC0  }
0x121: {  	v0 =	vld.msk [tilespmem:s0+$0x0], $0x1;
	_ =	sdelay $0x4  }
0x122: {  	(v2sf) =	vpush v0, $0x0;
	_ =	sdelay $0xe  }
0x123: {  	s2 =	sadd.s32 $0xFFFFFFFF, s2;
	s4 =	spop (v2sf)  }
0x124: {  	p1 =	sne.s32 s2, $0x0;
	p0 =	sgt.u32 s4, $0x7F  }
.Ltmp16:
0x125: {  	s5 =	sshrl.u32 @!p0 s4, $0x3;
	(pc) =	sbr.rel @!p1 .LBB2_23-.Ltmp16, $4  }
0x126: {  	s0 =	simm.s32 $0xE0;
	s4 =	sand.u32 @!p0 $0x7, s4;
	s5 =	sadd.s32 @!p0 s1, s5  }
0x127: {  	[hbm4b:s5+s4] =	stream.linear.scatter @!p0 [tilespmem:s0], [sflag:$0x5], $0x1, $0x38;
	[tilespmem:$0xF30] =	vst v63  }
0x128: {  	s5 =	simm.s32 $0x0  }
0x129: {  	s4 =	simm.s32 $0xC1;
	s5 =	simm.s32 @!p0 $0x4  }
.LBB2_22:
0x12a: {  	v0 =	vld.msk [tilespmem:s4+$0x0], $0x1;
	s2 =	sadd.s32 $0xFFFFFFFF, s2;
	s3 =	sadd.s32 s3, s5  }
0x12b: {  	p0 =	sne.s32 s2, $0x0;
	_ =	sdelay $0x3  }
0x12c: {  	(v2sf) =	vpush v0, $0x0;
	_ =	sdelay $0xe  }
.Ltmp17:
0x12d: {  	s6 =	spop (v2sf);
	(pc) =	sbr.rel @p0 .LBB2_22-.Ltmp17, $4  }
0x12e: {  	s5 =	simm.s32 $0x0;
	p1 =	sgt.u32 s6, $0x7F  }
0x12f: {  	s0 =	sadd.s32 $0x1, s0;
	s5 =	simm.s32 @!p1 $0x4;
	s7 =	sshrl.u32 @!p1 s6, $0x3  }
0x130: {  	s4 =	sadd.s32 $0x1, s4;
	s6 =	sand.u32 @!p1 $0x7, s6;
	s7 =	sadd.s32 @!p1 s1, s7  }
0x131: {  	[hbm4b:s7+s6] =	stream.linear.scatter @!p1 [tilespmem:s0], [sflag:$0x5], $0x1, $0x38;
	[tilespmem:$0xF30] =	vst v63  }
.LBB2_23:
0x132: {  	s0 =	sadd.s32 s3, s5  }
0x133: {  	s3 =	sshrl.u32 s0, $0x2  }
.LBB2_24:
0x134: {  	s0 =	simm.s32 $0x5  }
0x135: {  	_ =	swait.ge [sflag:s0], s3  }
0x136: {  	s1 =	ssub.s32 $0x0, s3;
	[sflag:s0] =	ssyncset.done $0x0  }
0x137: {  	[sflag:s0] =	ssyncadd.s32 s1  }
0x138: {  	[sflag:s0] =	ssyncpa.u1 $0x1  }
0x139: {  	s29 =	simm.s32 $0x1;
	_ =	sfence  }
0x13a: {  	s30 =	simm.s32 $0x2;
	[sflag:s29] =	ssyncpa.u1 $0x1  }
0x13b: {  	[sflag:s30] =	ssyncpa.u1 $0x1  }
0x13c: {  	_ =	strace $0x90000050  }
0x13d: {  	[bflag:$0x2] =	sbarrier.arrive $0xFFFF  }
0x13e: {  	s31 =	rddreg [dreg:$0x1]  }
0x13f: {  	s0 =	sadd.s32 $0x100000, s31  }
0x140: {  	[sflag:s0] =	ssyncadd.tile.s32 $0x1;
	_ =	shalt  }
.Lfunc_end2:
_tile_overlayer_lowered:
.L_overlay_start_2:
0x141: {  	(tag) =	ssettag $0x2  }
0x142: {  	s0 =	rddreg [dreg:$0x0];
	s2 =	stileid.u32  }
0x143: {  	s1 =	rddreg [dreg:$0x1];
	p0 =	sne.s32 s2, $0x0  }
0x144: {  	s3 =	rddreg [dreg:$0x2];
	[bflag:$0x3] =	sbarrier.arrive $0xFFFF;
	s2 =	simm.s32 @!p0 $0x1C01  }
0x145: {  	[timem:s3], [sflag:s2] =	dma.local @!p0 [hbm:s0], s1  }
0x146: {  	s0 =	simm.s32 @!p0 $0x1  }
0x147: {  	_ =	swait.ge @!p0 [sflag:s0], s1  }
0x148: {  	s1 =	ssub.s32 @!p0 $0x0, s1;
	[sflag:s0] =	ssyncset.done @!p0 $0x0  }
0x149: {  	[sflag:s0] =	ssyncadd.s32 @!p0 s1  }
0x14a: {  	[bflag:$0x3] =	sbarrier.arrive $0xFFFF  }
0x14b: {  	_ =	shalt  }

// kernel: scatter_offload_async_start
scs
__scs_entry_jumppad:
0x0: {  	(pc) =	sbr.rel $0x88, $3  }
0x1: {  	(tag) =	ssettag $0x0;
	lr =	simm.s32 $0x1  }
0x2: {  	[smem:$0x3F94] =	sst lr;
	_ =	strace $0xD0000000  }
0x3: {  	_ = 	snop  }
0x4: {  	_ = 	snop  }
0x5: {  	_ = 	snop  }
0x6: {  	_ = 	snop  }
0x7: {  	_ = 	snop  }
__scs_overlays_trampoline_lowered:
0x8: {  	[smem:$0x3FA3] =	sst s0  }
0x9: {  	[smem:$0x3FA4] =	sst s1  }
0xa: {  	[smem:$0x3FA5] =	sst s2  }
0xb: {  	[smem:$0x3FA6] =	sst s3  }
0xc: {  	[smem:$0x3FA7] =	sst s4  }
0xd: {  	[smem:$0x3FA8] =	sst s5  }
0xe: {  	[smem:$0x3FA9] =	sst s6  }
0xf: {  	[smem:$0x3FAA] =	sst s7  }
0x10: {  	[smem:$0x3FAB] =	sst s8  }
0x11: {  	[smem:$0x3FAC] =	sst s9;
	s0 =	simm.s32 @!p0 $0x0  }
0x12: {  	s1 =	sld [smem:$0x3F92];
	s0 =	simm.s32 @p0 $0x1  }
0x13: {  	[smem:$0x3FAD] =	sst s0;
	s0 =	simm.s32 @!p1 $0x0  }
0x14: {  	s2 =	sld [smem:$0x3F91];
	s0 =	simm.s32 @p1 $0x1  }
0x15: {  	[smem:$0x3FAE] =	sst s0;
	s0 =	simm.s32 @!p2 $0x0  }
0x16: {  	s3 =	sld [smem:$0x3FDB];
	s0 =	simm.s32 @p2 $0x1  }
0x17: {  	s4 =	simm.s32 $0x1BF5;
	[smem:$0x3FB0] =	sst s0  }
0x18: {  	s0 =	sld [smem:$0x3F93];
	_ =	swait.ge [sflag:s4], $0x0  }
0x19: {  	s7 =	sld [smem:$0x3F94]  }
0x1a: {  	s8 =	sadd.s32 $0xFFFFE003, lr  }
0x1b: {  	s9 =	sadd.s32 $0xFFFFFEF7, lr;
	s5 =	simm.s32 $0xFFFFFFFF;
	p2 =	slt.u32 s8, $0xFFFFF086  }
0x1c: {  	p1 =	slt.u32 s9, $0xF7A;
	s5 =	simm.s32 @!p2 $0x0  }
0x1d: {  	s5 =	simm.s32 @p1 $0x1;
	p0 =	seq.s32 s7, s2  }
0x1e: {  	s7 =	smul.u32 @!p0 $0xF7A, s2;
	p2 =	seq.s32 @!p0 s5, $0x0  }
0x1f: {  	s9 =	smul.u32 $0xF7A, s1;
	s8 =	simm.s32 @!p0 $0x1BF5;
	p2 =	por !p2, p0  }
0x20: {  	[sflag:s8] =	ssyncset.s32 @!p0 $0xFFFFF086;
	s6 =	sadd.s32 @!p0 s3, s7;
	s7 =	simm.s32 @!p0 $0x108  }
0x21: {  	s3 =	sadd.s32 s3, s9;
	s6 =	sadd.s32 @!p0 $0x88, s6;
	s7 =	simm.s32 @p2 $0x1082  }
0x22: {  	[simem:s7], [sflag:s8] =	dma.local @!p0 [hbm:s6], $0xF7A  }
0x23: {  	s9 =	sor.u32 $0xD0000000, s2;
	s6 =	simm.s32 $0x108;
	_ =	swait.ge @!p0 [sflag:s8], $0x0  }
0x24: {  	s3 =	sadd.s32 $0x88, s3;
	s6 =	simm.s32 @!p1 $0x1082;
	[sflag:s4] =	ssyncset.s32 $0xFFFFF086  }
0x25: {  	[simem:s6], [sflag:s4] =	dma.local [hbm:s3], $0xF7A  }
0x26: {  	[smem:$0x3F94] =	sst s1;
	(tag) =	ssettag s2;
	_ =	strace s9  }
0x27: {  	s1 =	sld [smem:$0x3FA4]  }
0x28: {  	s2 =	sld [smem:$0x3FA5]  }
0x29: {  	s4 =	sld [smem:$0x3FA7]  }
0x2a: {  	p0 =	seq.s32 s5, $0x0;
	s5 =	sld [smem:$0x3FA8]  }
0x2b: {  	s6 =	sld [smem:$0x3FA9]  }
0x2c: {  	s7 =	sld [smem:$0x3FAA]  }
0x2d: {  	s3 =	simm.s32 $0x108;
	s8 =	sld [smem:$0x3FAB]  }
0x2e: {  	s3 =	simm.s32 @!p0 $0x1082;
	s9 =	sld [smem:$0x3FAC]  }
0x2f: {  	lr =	sadd.s32 s0, s3;
	s0 =	sld [smem:$0x3FA3]  }
0x30: {  	s3 =	sld [smem:$0x3FA6]  }
0x31: {  	[smem:$0x3FAF] =	sst s10  }
0x32: {  	s10 =	sld [smem:$0x3FAD];
	_ =	sdelay $0x3  }
0x33: {  	p0 =	seq.s32 s10, $0x1;
	s10 =	sld [smem:$0x3FAF];
	_ =	sdelay $0x3  }
0x34: {  	[smem:$0x3FAF] =	sst s10  }
0x35: {  	s10 =	sld [smem:$0x3FAE];
	_ =	sdelay $0x3  }
0x36: {  	p1 =	seq.s32 s10, $0x1;
	s10 =	sld [smem:$0x3FAF];
	_ =	sdelay $0x3  }
0x37: {  	[smem:$0x3FAF] =	sst s10  }
0x38: {  	s10 =	sld [smem:$0x3FB0]  }
0x39: {  	_ = 	snop;
	(pc) =	sbr.ind lr, $3  }
0x3a: {  	_ = 	snop  }
0x3b: {  	_ = 	snop  }
0x3c: {  	p2 =	seq.s32 s10, $0x1;
	s10 =	sld [smem:$0x3FAF]  }
0x3d: {  	_ =	shalt  }
0x3e: {  	_ =	shalt  }
0x3f: {  	_ =	shalt  }
0x40: {  	_ =	shalt  }
0x41: {  	_ =	shalt  }
0x42: {  	_ =	shalt  }
0x43: {  	_ =	shalt  }
0x44: {  	_ =	shalt  }
0x45: {  	_ =	shalt  }
0x46: {  	_ =	shalt  }
0x47: {  	_ =	shalt  }
0x48: {  	_ =	shalt  }
0x49: {  	_ =	shalt  }
0x4a: {  	_ =	shalt  }
0x4b: {  	_ =	shalt  }
0x4c: {  	_ =	shalt  }
0x4d: {  	_ =	shalt  }
0x4e: {  	_ =	shalt  }
0x4f: {  	_ =	shalt  }
0x50: {  	_ =	shalt  }
0x51: {  	_ =	shalt  }
0x52: {  	_ =	shalt  }
0x53: {  	_ =	shalt  }
0x54: {  	_ =	shalt  }
0x55: {  	_ =	shalt  }
0x56: {  	_ =	shalt  }
0x57: {  	_ =	shalt  }
0x58: {  	_ =	shalt  }
0x59: {  	_ =	shalt  }
0x5a: {  	_ =	shalt  }
0x5b: {  	_ =	shalt  }
0x5c: {  	_ =	shalt  }
0x5d: {  	_ =	shalt  }
0x5e: {  	_ =	shalt  }
0x5f: {  	_ =	shalt  }
0x60: {  	_ =	shalt  }
0x61: {  	_ =	shalt  }
0x62: {  	_ =	shalt  }
0x63: {  	_ =	shalt  }
0x64: {  	_ =	shalt  }
0x65: {  	_ =	shalt  }
0x66: {  	_ =	shalt  }
0x67: {  	_ =	shalt  }
0x68: {  	_ =	shalt  }
0x69: {  	_ =	shalt  }
0x6a: {  	_ =	shalt  }
0x6b: {  	_ =	shalt  }
0x6c: {  	_ =	shalt  }
0x6d: {  	_ =	shalt  }
0x6e: {  	_ =	shalt  }
0x6f: {  	_ =	shalt  }
0x70: {  	_ =	shalt  }
0x71: {  	_ =	shalt  }
0x72: {  	_ =	shalt  }
0x73: {  	_ =	shalt  }
0x74: {  	_ =	shalt  }
0x75: {  	_ =	shalt  }
0x76: {  	_ =	shalt  }
0x77: {  	_ =	shalt  }
0x78: {  	_ =	shalt  }
0x79: {  	_ =	shalt  }
0x7a: {  	_ =	shalt  }
0x7b: {  	_ =	shalt  }
0x7c: {  	_ =	shalt  }
0x7d: {  	_ =	shalt  }
0x7e: {  	_ =	shalt  }
0x7f: {  	_ =	shalt  }
0x80: {  	_ =	shalt  }
0x81: {  	_ =	shalt  }
0x82: {  	_ =	shalt  }
0x83: {  	_ =	shalt  }
0x84: {  	_ =	shalt  }
0x85: {  	_ =	shalt  }
0x86: {  	_ =	shalt  }
0x87: {  	_ =	shalt  }
.Lfunc_end0:
.L_simem_size_0:
called_computation_lowered:
.L_overlay_start_0:
0x88: {  	s2 =	sld [smem:$0x3FD9]  }
0x89: {  	s3 =	sld [smem:$0x3FFE];
	_ =	sdelay $0x1  }
0x8a: {  	s1 =	srdreg.scid  }
0x8b: {  	s0 =	sand.u32 $0x1, s1  }
0x8c: {  	s15 =	sshll.u32 s0, $0xA;
	s2 =	sadd.s32 s3, s2  }
0x8d: {  	s2 =	sadd.s32 s2, s15  }
0x8e: {  	[smem:$0x3FBB] =	sst s2  }
0x8f: {  	_ = 	snop  }
0x90: {  	(tm) =	ssettm $0x1  }
0x91: {  	s16 =	sld [smem:$0x3FFB];
	_ =	sdelay $0x3  }
0x92: {  	_ =	strace s16  }
0x93: {  	s2 =	sld [smem:$0x3FFC];
	_ =	sdelay $0x3  }
0x94: {  	_ =	strace s2  }
0x95: {  	s2 =	sld [smem:$0x3FFD];
	_ =	sdelay $0x3  }
0x96: {  	_ =	strace s2  }
0x97: {  	_ =	strace $0x8FFFFFFF  }
0x98: {  	s17 =	sld [smem:$0x3FDB];
	_ =	sdelay $0x1  }
0x99: {  	s18 =	simm.s32 $_scs_section_size  }
0x9a: {  	s4 =	simm.s32 $_size__tile_overlayer_lowered;
	s5 =	simm.s32 $_tile_overlayer_lowered  }
0x9b: {  	s21 =	simm.s32 $0x1BFF;
	s20 =	sshll.u32 s5, $0x1;
	s2 =	sadd.s32 s18, s17  }
0x9c: {  	s6 =	simm.s32 $0x0;
	s19 =	sshll.u32 s4, $0x1;
	s4 =	sadd.s32 s20, s2  }
0x9d: {  	[timem:s6], [sflag:s21] =	dma.local [hbm:s4], s19  }
0x9e: {  	_ =	swait.ge [sflag:s21], s19  }
0x9f: {  	s3 =	ssub.s32 $0x0, s19;
	[sflag:s21] =	ssyncset.done $0x0  }
0xa0: {  	[sflag:s21] =	ssyncadd.s32 s3;
	_ =	sdelay $0x1  }
0xa1: {  	s22 =	simm.s32 $0x1B8B  }
0xa2: {  	_ =	swait.ge [sflag:s22], $0x1  }
0xa3: {  	[sflag:s22] =	ssyncset.done $0x0  }
0xa4: {  	s23 =	sld [smem:$0x3FFE];
	[sflag:s22] =	ssyncadd.s32 $0xFFFFFFFF  }
0xa5: {  	s25 =	simm.s32 $0x1B8E;
	s24 =	sld [smem:$0x0]  }
0xa6: {  	s26 =	simm.s32 $execute0_lowered;
	[smem:$0x3FD2] =	sst s25  }
0xa7: {  	s5 =	sshll.u32 s26, $0x1;
	_ =	strace $0x80000046;
	[dreg:$0x1] =	wrdreg $0xFFFFFFFF  }
0xa8: {  	s28 =	simm.s32 $_size_execute0_lowered;
	s2 =	sadd.s32 s2, s5;
	[dreg:$0x0] =	wrdreg $0x0  }
0xa9: {  	s5 =	sshll.u32 s28, $0x1;
	[dreg:$0x2] =	wrdreg s2  }
0xaa: {  	[dreg:$0x3] =	wrdreg s5  }
0xab: {  	[dreg:$0x4] =	wrdreg $0xC0  }
0xac: {  	_ =	task [dreg:s6], $0x5FFFF  }
0xad: {  	[dreg:$0x1] =	wrdreg $0xFFFFFFFF  }
0xae: {  	[dreg:$0x0] =	wrdreg $0x60  }
0xaf: {  	[dreg:$0x2] =	wrdreg s23  }
0xb0: {  	[dreg:$0x3] =	wrdreg s1  }
0xb1: {  	[dreg:$0x4] =	wrdreg s24  }
0xb2: {  	[dreg:$0x5] =	wrdreg $0x9  }
0xb3: {  	_ =	task.clear_ibuf [dreg:s6], $0x6FFFF;
	_ =	strace $0x90000046  }
0xb4: {  	s29 =	simm.s32 $0x9;
	_ =	strace $0x80000048  }
0xb5: {  	_ =	swait.ge [sflag:s29], $0x1  }
0xb6: {  	[sflag:s29] =	ssyncadd.s32 $0xFFFFFFFF  }
0xb7: {  	_ =	strace $0x90000048  }
0xb8: {  	_ =	sfence  }
0xb9: {  	s30 =	sld [smem:$0x0];
	_ =	sdelay $0x2  }
0xba: {  	s31 =	sshll.u32 s1, $0xD;
	s1 =	sshrl.u32 s1, $0x2  }
0xbb: {  	s3 =	sand.u32 $0x4000, s31;
	s1 =	sadd.s32 s1, s30  }
0xbc: {  	s0 =	sor.u32 s3, s0;
	s1 =	sshll.u32 s1, $0x11  }
0xbd: {  	s0 =	sor.u32 s1, s0  }
0xbe: {  	s0 =	sadd.s32 $0x8F2B, s0  }
0xbf: {  	[sflag:s0] =	ssyncadd.remote.s32 $0x1  }
0xc0: {  	_ =	sfence.sel $0xFFFF  }
0xc1: {  	[dreg:$0x0] =	wrdreg $0xFFFFFFFF;
	(pc) =	sbr.abs _section_cstart, $3  }
0xc2: {  	[dreg:$0x1] =	wrdreg $0xFFFFFFFF  }
0xc3: {  	_ =	task.clear_ibuf [dreg:s6], $0x2FFFF;
	_ =	strace $0x9FFFFFFF  }
0xc4: {  	(tm) =	ssettm $0x7FFFFFFF  }
0xc5: {  	_ =	shalt  }
tec
execute0_lowered:
.L_overlay_start_1:
0x0: {  	(tag) =	ssettag $0x1  }
0x1: {  	s11 =	rddreg [dreg:$0x0]  }
0x2: {  	s2 =	rddreg [dreg:$0x1];
	_ =	strace $0x80000047;
	s12 =	simm.s32 $0x1  }
0x3: {  	v0 =	vimm.s32 $0x0;
	[sflag:s12] =	ssyncpa.u1 $0x0  }
0x4: {  	[tilespmem:$0x28] =	vst v0  }
0x5: {  	[tilespmem:$0x38] =	vst v0  }
0x6: {  	[tilespmem:$0x48] =	vst v0  }
0x7: {  	[tilespmem:$0x58] =	vst v0  }
0x8: {  	[tilespmem:$0x68] =	vst v0  }
0x9: {  	[tilespmem:$0x78] =	vst v0  }
0xa: {  	[tilespmem:$0x88] =	vst v0  }
0xb: {  	[tilespmem:$0x98] =	vst v0  }
0xc: {  	[tilespmem:$0xA8] =	vst v0  }
0xd: {  	[tilespmem:$0xB8] =	vst v0  }
0xe: {  	[tilespmem:$0xC8] =	vst v0  }
0xf: {  	[tilespmem:$0xD8] =	vst v0  }
0x10: {  	[tilespmem:$0xE8] =	vst v0  }
0x11: {  	[tilespmem:$0xF8] =	vst v0  }
0x12: {  	[tilespmem:$0x108] =	vst v0  }
0x13: {  	[tilespmem:$0x118] =	vst v0  }
0x14: {  	[tilespmem:$0x128] =	vst v0  }
0x15: {  	[tilespmem:$0x138] =	vst v0  }
0x16: {  	[tilespmem:$0x148] =	vst v0  }
0x17: {  	[tilespmem:$0x158] =	vst v0  }
0x18: {  	[tilespmem:$0x168] =	vst v0  }
0x19: {  	[tilespmem:$0x178] =	vst v0  }
0x1a: {  	[tilespmem:$0x188] =	vst v0  }
0x1b: {  	[tilespmem:$0x198] =	vst v0  }
0x1c: {  	[tilespmem:$0x1A8] =	vst v0  }
0x1d: {  	[tilespmem:$0x1B8] =	vst v0  }
0x1e: {  	[tilespmem:$0x1C8] =	vst v0  }
0x1f: {  	[tilespmem:$0x1D8] =	vst v0  }
0x20: {  	[tilespmem:$0x1E8] =	vst v0  }
0x21: {  	[tilespmem:$0x1F8] =	vst v0  }
0x22: {  	[tilespmem:$0x208] =	vst v0  }
0x23: {  	[tilespmem:$0x218] =	vst v0  }
0x24: {  	[tilespmem:$0x228] =	vst v0  }
0x25: {  	[tilespmem:$0x238] =	vst v0  }
0x26: {  	[tilespmem:$0x248] =	vst v0  }
0x27: {  	[tilespmem:$0x258] =	vst v0  }
0x28: {  	[tilespmem:$0x268] =	vst v0  }
0x29: {  	[tilespmem:$0x278] =	vst v0  }
0x2a: {  	[tilespmem:$0x288] =	vst v0  }
0x2b: {  	[tilespmem:$0x298] =	vst v0  }
0x2c: {  	[tilespmem:$0x2A8] =	vst v0  }
0x2d: {  	[tilespmem:$0x2B8] =	vst v0  }
0x2e: {  	[tilespmem:$0x2C8] =	vst v0  }
0x2f: {  	[tilespmem:$0x2D8] =	vst v0  }
0x30: {  	[tilespmem:$0x2E8] =	vst v0  }
0x31: {  	[tilespmem:$0x2F8] =	vst v0  }
0x32: {  	[tilespmem:$0x308] =	vst v0  }
0x33: {  	[tilespmem:$0x318] =	vst v0  }
0x34: {  	[tilespmem:$0x328] =	vst v0  }
0x35: {  	[tilespmem:$0x338] =	vst v0  }
0x36: {  	[tilespmem:$0x348] =	vst v0  }
0x37: {  	[tilespmem:$0x358] =	vst v0  }
0x38: {  	[tilespmem:$0x368] =	vst v0  }
0x39: {  	[tilespmem:$0x378] =	vst v0  }
0x3a: {  	[tilespmem:$0x388] =	vst v0  }
0x3b: {  	[tilespmem:$0x398] =	vst v0  }
0x3c: {  	[tilespmem:$0x3A8] =	vst v0  }
0x3d: {  	[tilespmem:$0x3B8] =	vst v0  }
0x3e: {  	[tilespmem:$0x3C8] =	vst v0  }
0x3f: {  	[tilespmem:$0x3D8] =	vst v0  }
0x40: {  	[tilespmem:$0x3E8] =	vst v0  }
0x41: {  	[tilespmem:$0x3F8] =	vst v0  }
0x42: {  	[tilespmem:$0x408] =	vst v0  }
0x43: {  	[tilespmem:$0x418] =	vst v0  }
0x44: {  	[tilespmem:$0x428] =	vst v0  }
0x45: {  	[tilespmem:$0x438] =	vst v0  }
0x46: {  	[tilespmem:$0x448] =	vst v0  }
0x47: {  	[tilespmem:$0x458] =	vst v0  }
0x48: {  	[tilespmem:$0x468] =	vst v0  }
0x49: {  	[tilespmem:$0x478] =	vst v0  }
0x4a: {  	[tilespmem:$0x488] =	vst v0  }
0x4b: {  	[tilespmem:$0x498] =	vst v0  }
0x4c: {  	[tilespmem:$0x4A8] =	vst v0  }
0x4d: {  	[tilespmem:$0x4B8] =	vst v0  }
0x4e: {  	[tilespmem:$0x4C8] =	vst v0  }
0x4f: {  	[tilespmem:$0x4D8] =	vst v0  }
0x50: {  	[tilespmem:$0x4E8] =	vst v0  }
0x51: {  	[tilespmem:$0x4F8] =	vst v0  }
0x52: {  	[tilespmem:$0x508] =	vst v0  }
0x53: {  	[tilespmem:$0x518] =	vst v0  }
0x54: {  	[tilespmem:$0x528] =	vst v0  }
0x55: {  	[tilespmem:$0x538] =	vst v0  }
0x56: {  	[tilespmem:$0x548] =	vst v0  }
0x57: {  	[tilespmem:$0x558] =	vst v0  }
0x58: {  	[tilespmem:$0x568] =	vst v0  }
0x59: {  	[tilespmem:$0x578] =	vst v0  }
0x5a: {  	[tilespmem:$0x588] =	vst v0  }
0x5b: {  	[tilespmem:$0x598] =	vst v0  }
0x5c: {  	[tilespmem:$0x5A8] =	vst v0  }
0x5d: {  	[tilespmem:$0x5B8] =	vst v0  }
0x5e: {  	[tilespmem:$0x5C8] =	vst v0  }
0x5f: {  	[tilespmem:$0x5D8] =	vst v0  }
0x60: {  	[tilespmem:$0x5E8] =	vst v0  }
0x61: {  	[tilespmem:$0x5F8] =	vst v0  }
0x62: {  	[tilespmem:$0x608] =	vst v0  }
0x63: {  	[tilespmem:$0x618] =	vst v0  }
0x64: {  	[tilespmem:$0x628] =	vst v0  }
0x65: {  	[tilespmem:$0x638] =	vst v0  }
0x66: {  	[tilespmem:$0x648] =	vst v0  }
0x67: {  	[tilespmem:$0x658] =	vst v0  }
0x68: {  	[tilespmem:$0x668] =	vst v0  }
0x69: {  	[tilespmem:$0x678] =	vst v0  }
0x6a: {  	[tilespmem:$0x688] =	vst v0  }
0x6b: {  	[tilespmem:$0x698] =	vst v0  }
0x6c: {  	[tilespmem:$0x6A8] =	vst v0  }
0x6d: {  	[tilespmem:$0x6B8] =	vst v0  }
0x6e: {  	[tilespmem:$0x6C8] =	vst v0  }
0x6f: {  	[tilespmem:$0x6D8] =	vst v0  }
0x70: {  	[tilespmem:$0x6E8] =	vst v0  }
0x71: {  	[tilespmem:$0x6F8] =	vst v0  }
0x72: {  	[tilespmem:$0x708] =	vst v0  }
0x73: {  	[tilespmem:$0x718] =	vst v0  }
0x74: {  	[tilespmem:$0x728] =	vst v0  }
0x75: {  	[tilespmem:$0x738] =	vst v0  }
0x76: {  	[tilespmem:$0x748] =	vst v0  }
0x77: {  	[tilespmem:$0x758] =	vst v0  }
0x78: {  	[tilespmem:$0x768] =	vst v0  }
0x79: {  	[tilespmem:$0x778] =	vst v0  }
0x7a: {  	[tilespmem:$0x788] =	vst v0  }
0x7b: {  	[tilespmem:$0x798] =	vst v0  }
0x7c: {  	[tilespmem:$0x7A8] =	vst v0  }
0x7d: {  	[tilespmem:$0x7B8] =	vst v0  }
0x7e: {  	[tilespmem:$0x7C8] =	vst v0  }
0x7f: {  	[tilespmem:$0x7D8] =	vst v0  }
0x80: {  	[tilespmem:$0x7E8] =	vst v0  }
0x81: {  	[tilespmem:$0x7F8] =	vst v0  }
0x82: {  	[tilespmem:$0x808] =	vst v0  }
0x83: {  	[tilespmem:$0x818] =	vst v0  }
0x84: {  	[tilespmem:$0x828] =	vst v0  }
0x85: {  	[tilespmem:$0x838] =	vst v0  }
0x86: {  	[tilespmem:$0x848] =	vst v0  }
0x87: {  	[tilespmem:$0x858] =	vst v0  }
0x88: {  	[tilespmem:$0x868] =	vst v0  }
0x89: {  	[tilespmem:$0x878] =	vst v0  }
0x8a: {  	[tilespmem:$0x888] =	vst v0  }
0x8b: {  	[tilespmem:$0x898] =	vst v0  }
0x8c: {  	[tilespmem:$0x8A8] =	vst v0  }
0x8d: {  	[tilespmem:$0x8B8] =	vst v0  }
0x8e: {  	[tilespmem:$0x8C8] =	vst v0  }
0x8f: {  	[tilespmem:$0x8D8] =	vst v0  }
0x90: {  	[tilespmem:$0x8E8] =	vst v0  }
0x91: {  	[tilespmem:$0x8F8] =	vst v0  }
0x92: {  	[tilespmem:$0x908] =	vst v0  }
0x93: {  	[tilespmem:$0x918] =	vst v0  }
0x94: {  	[tilespmem:$0x928] =	vst v0  }
0x95: {  	[tilespmem:$0x938] =	vst v0  }
0x96: {  	[tilespmem:$0x948] =	vst v0  }
0x97: {  	[tilespmem:$0x958] =	vst v0  }
0x98: {  	[tilespmem:$0x968] =	vst v0  }
0x99: {  	[tilespmem:$0x978] =	vst v0  }
0x9a: {  	[tilespmem:$0x988] =	vst v0  }
0x9b: {  	[tilespmem:$0x998] =	vst v0  }
0x9c: {  	[tilespmem:$0x9A8] =	vst v0  }
0x9d: {  	[tilespmem:$0x9B8] =	vst v0  }
0x9e: {  	[tilespmem:$0x9C8] =	vst v0  }
0x9f: {  	[tilespmem:$0x9D8] =	vst v0  }
0xa0: {  	[tilespmem:$0x9E8] =	vst v0  }
0xa1: {  	[tilespmem:$0x9F8] =	vst v0  }
0xa2: {  	[tilespmem:$0xA08] =	vst v0  }
0xa3: {  	[tilespmem:$0xA18] =	vst v0  }
0xa4: {  	[tilespmem:$0xA28] =	vst v0  }
0xa5: {  	[tilespmem:$0xA38] =	vst v0  }
0xa6: {  	[tilespmem:$0xA48] =	vst v0  }
0xa7: {  	[tilespmem:$0xA58] =	vst v0  }
0xa8: {  	[tilespmem:$0xA68] =	vst v0  }
0xa9: {  	[tilespmem:$0xA78] =	vst v0  }
0xaa: {  	[tilespmem:$0xA88] =	vst v0  }
0xab: {  	[tilespmem:$0xA98] =	vst v0  }
0xac: {  	[tilespmem:$0xAA8] =	vst v0  }
0xad: {  	[tilespmem:$0xAB8] =	vst v0  }
0xae: {  	[tilespmem:$0xAC8] =	vst v0  }
0xaf: {  	[tilespmem:$0xAD8] =	vst v0  }
0xb0: {  	[tilespmem:$0xAE8] =	vst v0  }
0xb1: {  	[tilespmem:$0xAF8] =	vst v0  }
0xb2: {  	[tilespmem:$0xB08] =	vst v0  }
0xb3: {  	[tilespmem:$0xB18] =	vst v0  }
0xb4: {  	[tilespmem:$0xB28] =	vst v0  }
0xb5: {  	[tilespmem:$0xB38] =	vst v0  }
0xb6: {  	[tilespmem:$0xB48] =	vst v0  }
0xb7: {  	[tilespmem:$0xB58] =	vst v0  }
0xb8: {  	[tilespmem:$0xB68] =	vst v0  }
0xb9: {  	[tilespmem:$0xB78] =	vst v0  }
0xba: {  	[tilespmem:$0xB88] =	vst v0  }
0xbb: {  	[tilespmem:$0xB98] =	vst v0  }
0xbc: {  	[tilespmem:$0xBA8] =	vst v0  }
0xbd: {  	[tilespmem:$0xBB8] =	vst v0  }
0xbe: {  	[tilespmem:$0xBC8] =	vst v0  }
0xbf: {  	[tilespmem:$0xBD8] =	vst v0  }
0xc0: {  	[tilespmem:$0xBE8] =	vst v0  }
0xc1: {  	[tilespmem:$0xBF8] =	vst v0  }
0xc2: {  	[tilespmem:$0xC08] =	vst v0  }
0xc3: {  	[tilespmem:$0xC18] =	vst v0  }
0xc4: {  	[tilespmem:$0xC28] =	vst v0  }
0xc5: {  	[tilespmem:$0xC38] =	vst v0  }
0xc6: {  	[tilespmem:$0xC48] =	vst v0  }
0xc7: {  	[tilespmem:$0xC58] =	vst v0  }
0xc8: {  	[tilespmem:$0xC68] =	vst v0  }
0xc9: {  	[tilespmem:$0xC78] =	vst v0  }
0xca: {  	[tilespmem:$0xC88] =	vst v0  }
0xcb: {  	[tilespmem:$0xC98] =	vst v0  }
0xcc: {  	[tilespmem:$0xCA8] =	vst v0  }
0xcd: {  	[tilespmem:$0xCB8] =	vst v0  }
0xce: {  	[tilespmem:$0xCC8] =	vst v0  }
0xcf: {  	[tilespmem:$0xCD8] =	vst v0  }
0xd0: {  	[tilespmem:$0xCE8] =	vst v0  }
0xd1: {  	[tilespmem:$0xCF8] =	vst v0  }
0xd2: {  	[tilespmem:$0xD08] =	vst v0  }
0xd3: {  	[tilespmem:$0xD18] =	vst v0  }
0xd4: {  	[tilespmem:$0xD28] =	vst v0  }
0xd5: {  	[tilespmem:$0xD38] =	vst v0  }
0xd6: {  	[tilespmem:$0xD48] =	vst v0  }
0xd7: {  	[tilespmem:$0xD58] =	vst v0  }
0xd8: {  	[tilespmem:$0xD68] =	vst v0  }
0xd9: {  	[tilespmem:$0xD78] =	vst v0  }
0xda: {  	[tilespmem:$0xD88] =	vst v0  }
0xdb: {  	[tilespmem:$0xD98] =	vst v0  }
0xdc: {  	[tilespmem:$0xDA8] =	vst v0  }
0xdd: {  	[tilespmem:$0xDB8] =	vst v0  }
0xde: {  	[tilespmem:$0xDC8] =	vst v0  }
0xdf: {  	[tilespmem:$0xDD8] =	vst v0  }
0xe0: {  	[tilespmem:$0xDE8] =	vst v0  }
0xe1: {  	[tilespmem:$0xDF8] =	vst v0  }
0xe2: {  	[tilespmem:$0xE08] =	vst v0  }
0xe3: {  	[tilespmem:$0xE18] =	vst v0  }
0xe4: {  	[tilespmem:$0xE28] =	vst v0  }
0xe5: {  	[tilespmem:$0xE38] =	vst v0  }
0xe6: {  	[tilespmem:$0xE48] =	vst v0  }
0xe7: {  	[tilespmem:$0xE58] =	vst v0  }
0xe8: {  	[tilespmem:$0xE68] =	vst v0  }
0xe9: {  	[tilespmem:$0xE78] =	vst v0  }
0xea: {  	[tilespmem:$0xE88] =	vst v0  }
0xeb: {  	[tilespmem:$0xE98] =	vst v0  }
0xec: {  	[tilespmem:$0xEA8] =	vst v0  }
0xed: {  	[tilespmem:$0xEB8] =	vst v0  }
0xee: {  	[tilespmem:$0xEC8] =	vst v0  }
0xef: {  	[tilespmem:$0xED8] =	vst v0  }
0xf0: {  	[tilespmem:$0xEE8] =	vst v0  }
0xf1: {  	[tilespmem:$0xEF8] =	vst v0  }
0xf2: {  	[tilespmem:$0xF08] =	vst v0  }
0xf3: {  	[tilespmem:$0xF18] =	vst v0  }
0xf4: {  	[tilespmem:$0xF28] =	vst v0  }
0xf5: {  	[tilespmem:$0xF38] =	vst v0  }
0xf6: {  	[tilespmem:$0xF48] =	vst v0  }
0xf7: {  	[tilespmem:$0xF58] =	vst v0  }
0xf8: {  	[tilespmem:$0xF68] =	vst v0  }
0xf9: {  	[tilespmem:$0xF78] =	vst v0  }
0xfa: {  	[tilespmem:$0xF88] =	vst v0  }
0xfb: {  	[tilespmem:$0xF98] =	vst v0  }
0xfc: {  	[tilespmem:$0xFA8] =	vst v0  }
0xfd: {  	[tilespmem:$0xFB8] =	vst v0  }
0xfe: {  	[tilespmem:$0xFC8] =	vst v0  }
0xff: {  	[tilespmem:$0xFD8] =	vst v0  }
0x100: {  	[tilespmem:$0xFE8] =	vst v0  }
0x101: {  	[tilespmem:$0xFF8] =	vst v0  }
0x102: {  	[tilespmem:$0x1028] =	vst v0  }
0x103: {  	[tilespmem:$0x10E8] =	vst v0  }
0x104: {  	[tilespmem:$0x1068] =	vst v0  }
0x105: {  	[tilespmem:$0x1B28] =	vst v0  }
0x106: {  	[tilespmem:$0x1B18] =	vst v0  }
0x107: {  	[tilespmem:$0x1B08] =	vst v0  }
0x108: {  	[tilespmem:$0x1AF8] =	vst v0  }
0x109: {  	[tilespmem:$0x1AE8] =	vst v0  }
0x10a: {  	[tilespmem:$0x1AD8] =	vst v0  }
0x10b: {  	[tilespmem:$0x1AC8] =	vst v0  }
0x10c: {  	[tilespmem:$0x1AB8] =	vst v0  }
0x10d: {  	[tilespmem:$0x1AA8] =	vst v0  }
0x10e: {  	[tilespmem:$0x1A98] =	vst v0  }
0x10f: {  	[tilespmem:$0x1A88] =	vst v0  }
0x110: {  	[tilespmem:$0x1A78] =	vst v0  }
0x111: {  	[tilespmem:$0x1A68] =	vst v0  }
0x112: {  	[tilespmem:$0x1A58] =	vst v0  }
0x113: {  	[tilespmem:$0x1A48] =	vst v0  }
0x114: {  	[tilespmem:$0x1A38] =	vst v0  }
0x115: {  	[tilespmem:$0x1A28] =	vst v0  }
0x116: {  	[tilespmem:$0x1A18] =	vst v0  }
0x117: {  	[tilespmem:$0x1A08] =	vst v0  }
0x118: {  	[tilespmem:$0x19F8] =	vst v0  }
0x119: {  	[tilespmem:$0x19E8] =	vst v0  }
0x11a: {  	[tilespmem:$0x19D8] =	vst v0  }
0x11b: {  	[tilespmem:$0x19C8] =	vst v0  }
0x11c: {  	[tilespmem:$0x19B8] =	vst v0  }
0x11d: {  	[tilespmem:$0x19A8] =	vst v0  }
0x11e: {  	[tilespmem:$0x1998] =	vst v0  }
0x11f: {  	[tilespmem:$0x1988] =	vst v0  }
0x120: {  	[tilespmem:$0x1978] =	vst v0  }
0x121: {  	[tilespmem:$0x1968] =	vst v0  }
0x122: {  	[tilespmem:$0x1958] =	vst v0  }
0x123: {  	[tilespmem:$0x1948] =	vst v0  }
0x124: {  	[tilespmem:$0x1938] =	vst v0  }
0x125: {  	[tilespmem:$0x1928] =	vst v0  }
0x126: {  	[tilespmem:$0x1918] =	vst v0  }
0x127: {  	[tilespmem:$0x1908] =	vst v0  }
0x128: {  	[tilespmem:$0x18F8] =	vst v0  }
0x129: {  	[tilespmem:$0x18E8] =	vst v0  }
0x12a: {  	[tilespmem:$0x18D8] =	vst v0  }
0x12b: {  	[tilespmem:$0x18C8] =	vst v0  }
0x12c: {  	[tilespmem:$0x18B8] =	vst v0  }
0x12d: {  	[tilespmem:$0x18A8] =	vst v0  }
0x12e: {  	[tilespmem:$0x1898] =	vst v0  }
0x12f: {  	[tilespmem:$0x1888] =	vst v0  }
0x130: {  	[tilespmem:$0x1878] =	vst v0  }
0x131: {  	[tilespmem:$0x1868] =	vst v0  }
0x132: {  	[tilespmem:$0x1858] =	vst v0  }
0x133: {  	[tilespmem:$0x1848] =	vst v0  }
0x134: {  	[tilespmem:$0x1838] =	vst v0  }
0x135: {  	[tilespmem:$0x1828] =	vst v0  }
0x136: {  	[tilespmem:$0x1818] =	vst v0  }
0x137: {  	[tilespmem:$0x1808] =	vst v0  }
0x138: {  	[tilespmem:$0x17F8] =	vst v0  }
0x139: {  	[tilespmem:$0x17E8] =	vst v0  }
0x13a: {  	[tilespmem:$0x17D8] =	vst v0  }
0x13b: {  	[tilespmem:$0x17C8] =	vst v0  }
0x13c: {  	[tilespmem:$0x17B8] =	vst v0  }
0x13d: {  	[tilespmem:$0x17A8] =	vst v0  }
0x13e: {  	[tilespmem:$0x1798] =	vst v0  }
0x13f: {  	[tilespmem:$0x1788] =	vst v0  }
0x140: {  	[tilespmem:$0x1778] =	vst v0  }
0x141: {  	[tilespmem:$0x1768] =	vst v0  }
0x142: {  	[tilespmem:$0x1758] =	vst v0  }
0x143: {  	[tilespmem:$0x1748] =	vst v0  }
0x144: {  	[tilespmem:$0x1738] =	vst v0  }
0x145: {  	[tilespmem:$0x1728] =	vst v0  }
0x146: {  	[tilespmem:$0x1718] =	vst v0  }
0x147: {  	[tilespmem:$0x1708] =	vst v0  }
0x148: {  	[tilespmem:$0x16F8] =	vst v0  }
0x149: {  	[tilespmem:$0x16E8] =	vst v0  }
0x14a: {  	[tilespmem:$0x16D8] =	vst v0  }
0x14b: {  	[tilespmem:$0x16C8] =	vst v0  }
0x14c: {  	[tilespmem:$0x16B8] =	vst v0  }
0x14d: {  	[tilespmem:$0x16A8] =	vst v0  }
0x14e: {  	[tilespmem:$0x1698] =	vst v0  }
0x14f: {  	[tilespmem:$0x1688] =	vst v0  }
0x150: {  	[tilespmem:$0x1678] =	vst v0  }
0x151: {  	[tilespmem:$0x1668] =	vst v0  }
0x152: {  	[tilespmem:$0x1658] =	vst v0  }
0x153: {  	[tilespmem:$0x1648] =	vst v0  }
0x154: {  	[tilespmem:$0x1638] =	vst v0  }
0x155: {  	[tilespmem:$0x1628] =	vst v0  }
0x156: {  	[tilespmem:$0x1618] =	vst v0  }
0x157: {  	[tilespmem:$0x1608] =	vst v0  }
0x158: {  	[tilespmem:$0x15F8] =	vst v0  }
0x159: {  	[tilespmem:$0x15E8] =	vst v0  }
0x15a: {  	[tilespmem:$0x15D8] =	vst v0  }
0x15b: {  	[tilespmem:$0x15C8] =	vst v0  }
0x15c: {  	[tilespmem:$0x15B8] =	vst v0  }
0x15d: {  	[tilespmem:$0x15A8] =	vst v0  }
0x15e: {  	[tilespmem:$0x1598] =	vst v0  }
0x15f: {  	[tilespmem:$0x1588] =	vst v0  }
0x160: {  	[tilespmem:$0x1578] =	vst v0  }
0x161: {  	[tilespmem:$0x1568] =	vst v0  }
0x162: {  	[tilespmem:$0x1558] =	vst v0  }
0x163: {  	[tilespmem:$0x1548] =	vst v0  }
0x164: {  	[tilespmem:$0x1538] =	vst v0  }
0x165: {  	[tilespmem:$0x1528] =	vst v0  }
0x166: {  	[tilespmem:$0x1518] =	vst v0  }
0x167: {  	[tilespmem:$0x1508] =	vst v0  }
0x168: {  	[tilespmem:$0x14F8] =	vst v0  }
0x169: {  	[tilespmem:$0x14E8] =	vst v0  }
0x16a: {  	[tilespmem:$0x14D8] =	vst v0  }
0x16b: {  	[tilespmem:$0x14C8] =	vst v0  }
0x16c: {  	[tilespmem:$0x14B8] =	vst v0  }
0x16d: {  	[tilespmem:$0x14A8] =	vst v0  }
0x16e: {  	[tilespmem:$0x1498] =	vst v0  }
0x16f: {  	[tilespmem:$0x1488] =	vst v0  }
0x170: {  	[tilespmem:$0x1478] =	vst v0  }
0x171: {  	[tilespmem:$0x1468] =	vst v0  }
0x172: {  	[tilespmem:$0x1458] =	vst v0  }
0x173: {  	[tilespmem:$0x1448] =	vst v0  }
0x174: {  	[tilespmem:$0x1438] =	vst v0  }
0x175: {  	[tilespmem:$0x1428] =	vst v0  }
0x176: {  	[tilespmem:$0x1418] =	vst v0  }
0x177: {  	[tilespmem:$0x1408] =	vst v0  }
0x178: {  	[tilespmem:$0x13F8] =	vst v0  }
0x179: {  	[tilespmem:$0x13E8] =	vst v0  }
0x17a: {  	[tilespmem:$0x13D8] =	vst v0  }
0x17b: {  	[tilespmem:$0x13C8] =	vst v0  }
0x17c: {  	[tilespmem:$0x13B8] =	vst v0  }
0x17d: {  	[tilespmem:$0x13A8] =	vst v0  }
0x17e: {  	[tilespmem:$0x1398] =	vst v0  }
0x17f: {  	[tilespmem:$0x1388] =	vst v0  }
0x180: {  	[tilespmem:$0x1378] =	vst v0  }
0x181: {  	[tilespmem:$0x1368] =	vst v0  }
0x182: {  	[tilespmem:$0x1358] =	vst v0  }
0x183: {  	[tilespmem:$0x1348] =	vst v0  }
0x184: {  	[tilespmem:$0x1338] =	vst v0  }
0x185: {  	[tilespmem:$0x1328] =	vst v0  }
0x186: {  	[tilespmem:$0x1318] =	vst v0  }
0x187: {  	[tilespmem:$0x1308] =	vst v0  }
0x188: {  	[tilespmem:$0x12F8] =	vst v0  }
0x189: {  	[tilespmem:$0x12E8] =	vst v0  }
0x18a: {  	[tilespmem:$0x12D8] =	vst v0  }
0x18b: {  	[tilespmem:$0x12C8] =	vst v0  }
0x18c: {  	[tilespmem:$0x12B8] =	vst v0  }
0x18d: {  	[tilespmem:$0x12A8] =	vst v0  }
0x18e: {  	[tilespmem:$0x1298] =	vst v0  }
0x18f: {  	[tilespmem:$0x1288] =	vst v0  }
0x190: {  	[tilespmem:$0x1278] =	vst v0  }
0x191: {  	[tilespmem:$0x1268] =	vst v0  }
0x192: {  	[tilespmem:$0x1258] =	vst v0  }
0x193: {  	[tilespmem:$0x1248] =	vst v0  }
0x194: {  	[tilespmem:$0x1238] =	vst v0  }
0x195: {  	[tilespmem:$0x1228] =	vst v0  }
0x196: {  	[tilespmem:$0x1218] =	vst v0  }
0x197: {  	[tilespmem:$0x1208] =	vst v0  }
0x198: {  	[tilespmem:$0x11F8] =	vst v0  }
0x199: {  	[tilespmem:$0x11E8] =	vst v0  }
0x19a: {  	[tilespmem:$0x11D8] =	vst v0  }
0x19b: {  	[tilespmem:$0x11C8] =	vst v0  }
0x19c: {  	[tilespmem:$0x11B8] =	vst v0  }
0x19d: {  	[tilespmem:$0x11A8] =	vst v0  }
0x19e: {  	[tilespmem:$0x1198] =	vst v0  }
0x19f: {  	[tilespmem:$0x1188] =	vst v0  }
0x1a0: {  	[tilespmem:$0x1178] =	vst v0  }
0x1a1: {  	[tilespmem:$0x1168] =	vst v0  }
0x1a2: {  	[tilespmem:$0x1158] =	vst v0  }
0x1a3: {  	[tilespmem:$0x1148] =	vst v0  }
0x1a4: {  	[tilespmem:$0x1138] =	vst v0  }
0x1a5: {  	[tilespmem:$0x1128] =	vst v0  }
0x1a6: {  	[tilespmem:$0x1118] =	vst v0  }
0x1a7: {  	s4 =	stileid.u32;
	[tilespmem:$0x1108] =	vst v0  }
0x1a8: {  	s0 =	smul.u32 $0xB, s4;
	[tilespmem:$0x10F8] =	vst v0  }
0x1a9: {  	s1 =	smin.u32 s4, $0xA;
	[tilespmem:$0x10C8] =	vst v0  }
0x1aa: {  	[tilespmem:$0x10D8] =	vst v0;
	s0 =	sadd.s32 s1, s0  }
0x1ab: {  	p0 =	slt.u32 s4, $0xA;
	[tilespmem:$0x10B8] =	vst v0;
	s1 =	simm.s32 $0x1440;
	s6 =	smul.u32 $0x1B0, s0  }
0x1ac: {  	s1 =	simm.s32 @!p0 $0x1290;
	[tilespmem:$0x1038] =	vst v0  }
0x1ad: {  	[tilespmem:$0x10A8] =	vst v0;
	s0 =	sadd.s32 s1, s6  }
0x1ae: {  	s3 =	simm.s32 $0x2;
	s8 =	simm.s32 $0x9;
	[tilespmem:$0x1098] =	vst v0;
	s7 =	smin.u32 s0, $0x13880  }
0x1af: {  	s10 =	simm.s32 $0xA;
	s30 =	simm.s32 $0xB;
	[tilespmem:$0x1088] =	vst v0;
	s0 =	ssub.s32 s7, s6  }
0x1b0: {  	s16 =	simm.s32 $0x0;
	p4 =	por $0x0, $0x0;
	[tilespmem:$0x1078] =	vst v0;
	p0 =	sgt.s32 s0, $0x0  }
0x1b1: {  	s17 =	simm.s32 $0xC;
	s21 =	simm.s32 $0x0;
	[tilespmem:$0x1058] =	vst v0;
	s0 =	simm.s32 @!p0 $0x0  }
0x1b2: {  	s18 =	simm.s32 $0x0;
	s2 =	sand.u32 $0x1, s2;
	[tilespmem:$0x1048] =	vst v0;
	s29 =	smulhi.u32 $0x4BDA12F7, s0  }
0x1b3: {  	s20 =	simm.s32 $0x0;
	s31 =	sshll.u32 s4, $0x5;
	[tilespmem:$0x1018] =	vst v0;
	[dreg:$0x5] =	wrdreg s2  }
0x1b4: {  	s2 =	smul.u32 $0x2710, s2;
	[tilespmem:$0x1008] =	vst v0;
	[sflag:s3] =	ssyncpa.u1 $0x0;
	s1 =	sshrl.u32 s29, $0x7  }
0x1b5: {  	v0 =	vimm.s32 $0xFFFFFFFF;
	s3 =	sadd.s32 $0x88400, s11;
	[dreg:$0x4] =	wrdreg s31;
	s5 =	smul.u32 $0x1B0, s1  }
.Ltmp0:
0x1b6: {  	[tilespmem:$0x3648] =	vst v0;
	[sflag:s8] =	ssyncpa.u1 $0x0;
	s2 =	sadd.s32 s2, s11;
	(pc) =	sbr.rel .LBB2_1-.Ltmp0, $4  }
0x1b7: {  	[sflag:s10] =	ssyncpa.u1 $0x0;
	s11 =	sadd.s32 $0xB4600, s11;
	p0 =	sne.s32 s0, s5  }
0x1b8: {  	[sflag:s30] =	ssyncpa.u1 $0x0;
	s14 =	sadd.s32 $0x60800, s2;
	s12 =	simm.s32 @!p0 $0x0  }
0x1b9: {  	s15 =	sadd.s32 $0xAF600, s2;
	s19 =	smov.u32 s6;
	s12 =	sadd.s32 s12, s1  }
0x1ba: {  	v0 =	vlaneseq.u32;
	[dreg:$0x6] =	wrdreg s6;
	p0 =	por $0x1, $0x1;
	s4 =	sadd.s32 $0x1, s12  }
.LBB2_18:
0x1bb: {  	s0 =	simm.s32 $0x2  }
0x1bc: {  	_ =	swait.ge [sflag:s0], $0x0  }
0x1bd: {  	[sflag:s0] =	ssyncset.done $0x0;
	s0 =	simm.s32 $0x0  }
.LBB2_19:
0x1be: {  	_ =	swait.ge [sflag:s17], s0  }
0x1bf: {  	s31 =	ssub.s32 $0x0, s0;
	v1 =	vmov s23;
	vm0 =	veq.s32 v0, $0x0;
	[sflag:s17] =	ssyncset.done $0x0  }
0x1c0: {  	vm15 =	veq.s32 v0, $0x2;
	v1 =	vsel vm0, s28, v1;
	[sflag:s17] =	ssyncadd.s32 s31  }
0x1c1: {  	v1 =	vsel vm15, s21, v1;
	[sflag:s17] =	ssyncpa.u1 $0x1  }
0x1c2: {  	[tilespmem:$0x3648] =	vst v1  }
.LBB2_20:
0x1c3: {  	s0 =	sadd.s32 $0x1B0, s19  }
0x1c4: {  	s1 =	smov.u32 s6;
	p1 =	slt.s32 s0, s7  }
0x1c5: {  	s1 =	smov.u32 @p1 s0;
	p1 =	sne.s32 s20, s4  }
.Ltmp1:
0x1c6: {  	_ = 	snop;
	(pc) =	sbr.rel @!p1 .LBB2_21-.Ltmp1, $4  }
0x1c7: {  	_ = 	snop  }
0x1c8: {  	s21 =	smov.u32 s18  }
0x1c9: {  	s31 =	sadd.s32 $0x1, s20;
	s18 =	smov.u32 s19;
	p0 =	por !p0, !p0  }
0x1ca: {  	p4 =	por !p4, !p4;
	s20 =	smov.u32 s31;
	s19 =	smov.u32 s1  }
.LBB2_1:
0x1cb: {  	p2 =	sge.u32 s20, s12  }
0x1cc: {  	s0 =	smulhi.u32 @!p2 $0xAAAAAAAB, s20  }
0x1cd: {  	s1 =	smov.u32 s19;
	p3 =	sgt.s32 @!p2 s19, $0x136D0  }
0x1ce: {  	s2 =	sshra.s32 @!p2 s19, $0x1F;
	p3 =	por !p3, p2;
	s0 =	sshrl.u32 @!p2 s0, $0x1  }
0x1cf: {  	s2 =	sand.u32 @!p2 s2, s19;
	s1 =	simm.s32 @p3 $0x136D0;
	s0 =	smul.u32 @!p2 $0x3, s0  }
0x1d0: {  	s1 =	ssub.s32 @!p2 s1, s2  }
0x1d1: {  	s23 =	sadd.s32 $0xFFFFFFFF, s20;
	s1 =	sadd.s32 @!p2 $0xFFFEC930, s1;
	s0 =	ssub.s32 @!p2 s20, s0  }
0x1d2: {  	s2 =	sshll.u32 @!p2 s1, $0x2;
	p3 =	sgt.s32 @!p2 s1, $0x1AF;
	s0 =	smul.u32 @!p2 $0x6C0, s0  }
0x1d3: {  	s5 =	sand.u32 @!p2 $0x7, s19;
	s1 =	ssub.s32 @!p2 $0x6C0, s2;
	p3 =	por !p3, p2  }
0x1d4: {  	s2 =	sshrl.u32 @!p2 s19, $0x3;
	s1 =	sshrl.u32 @!p2 s1, $0x2;
	s0 =	sshrl.u32 @!p2 s0, $0x2  }
0x1d5: {  	s2 =	sadd.s32 @!p2 s2, s14;
	s1 =	simm.s32 @!p3 $0x0;
	s0 =	sadd.s32 @!p2 $0x3888, s0  }
0x1d6: {  	[tilespmem:s0], [sflag:$0xA] =	stream.linear.gather @!p2 [hbm4b:s2+s5], s1, $0x38;
	[tilespmem:$0x1F0F8] =	vst v63  }
0x1d7: {  	p2 =	sge.u32 s23, s12  }
0x1d8: {  	p3 =	sgt.s32 @!p2 s18, $0x136D0  }
0x1d9: {  	s0 =	smov.u32 s18;
	s1 =	sshra.s32 @!p2 s18, $0x1F;
	p3 =	por !p3, p2  }
0x1da: {  	s1 =	sand.u32 @!p2 s1, s18;
	s0 =	simm.s32 @p3 $0x136D0  }
0x1db: {  	s0 =	ssub.s32 @!p2 s0, s1  }
0x1dc: {  	s0 =	sadd.s32 @!p2 $0xFFFEC930, s0  }
0x1dd: {  	s1 =	sshll.u32 @!p2 s0, $0x2  }
0x1de: {  	p3 =	sgt.s32 @!p2 s0, $0x1AF;
	s0 =	ssub.s32 @!p2 $0x6C0, s1  }
0x1df: {  	s22 =	ssub.s32 @!p2 $0x13880, s18;
	p3 =	por !p3, p2;
	s0 =	sshrl.u32 @!p2 s0, $0x2  }
0x1e0: {  	s1 =	sand.u32 @!p2 $0x1, s23;
	s0 =	simm.s32 @!p3 $0x0;
	p3 =	slt.s32 @!p2 s22, $0x1  }
0x1e1: {  	s2 =	simm.s32 @!p2 $0xA;
	s1 =	smul.u32 @!p2 $0x6C0, s1;
	p3 =	por p2, p3  }
.Ltmp2:
0x1e2: {  	_ =	swait.ge @!p2 [sflag:s2], s0;
	(pc) =	sbr.rel @p3 .LBB2_7-.Ltmp2, $4  }
0x1e3: {  	s5 =	ssub.s32 @!p2 $0x0, s0;
	[sflag:s2] =	ssyncset.done @!p2 $0x0  }
0x1e4: {  	s1 =	sshrl.u32 @!p2 s1, $0x2;
	[sflag:s2] =	ssyncadd.s32 @!p2 s5;
	s2 =	sshrl.u32 @!p2 s18, $0x3  }
0x1e5: {  	s1 =	sadd.s32 @!p2 $0x3D98, s1;
	s5 =	sand.u32 @!p2 $0x7, s18;
	s2 =	sadd.s32 @!p2 s2, s15  }
0x1e6: {  	[tilespmem:s1], [sflag:$0xB] =	stream.linear.gather @!p2 [hbm4b:s2+s5], s0, $0x38;
	[tilespmem:$0x1F0F8] =	vst v63  }
0x1e7: {  	s0 =	smulhi.u32 $0xAAAAAAAB, s23;
	_ =	sdelay $0x1  }
0x1e8: {  	s0 =	sshrl.u32 s0, $0x1  }
0x1e9: {  	s0 =	smul.u32 $0x3, s0;
	_ =	sdelay $0x1  }
0x1ea: {  	s0 =	ssub.s32 s23, s0  }
0x1eb: {  	s1 =	simm.s32 $0x1;
	s0 =	smul.u32 $0x6C0, s0  }
.Ltmp3:
0x1ec: {  	s1 =	simm.s32 @!p0 $0x0;
	(pc) =	sbr.rel .LBB2_4-.Ltmp3, $4  }
0x1ed: {  	s1 =	smul.u32 $0x36000, s1  }
0x1ee: {  	p3 =	slt.s32 @!p2 s22, $0x1B0;
	s0 =	sshrl.u32 s0, $0x2  }
0x1ef: {  	p2 =	por !p3, p2;
	s1 =	sshrl.u32 s1, $0x2;
	s0 =	sadd.s32 $0x3888, s0  }
0x1f0: {  	s24 =	simm.s32 $0x0;
	s22 =	simm.s32 @p2 $0x1B0;
	s23 =	sadd.s32 $0x40F8, s1;
	v1 =	vmov s0  }
.LBB2_3:
0x1f1: {  	p2 =	sge.s32 s24, s22  }
.Ltmp4:
0x1f2: {  	_ = 	snop;
	(pc) =	sbr.rel @p2 .LBB2_7-.Ltmp4, $2  }
0x1f3: {  	_ =	sdelay $0x2  }
0x1f4: {  	s23 =	sadd.s32 $0x800, s23  }
.LBB2_4:
0x1f5: {  	p2 =	sle.s32 s22, s24  }
.Ltmp5:
0x1f6: {  	_ = 	snop;
	(pc) =	sbr.rel @p2 .LBB2_3-.Ltmp5, $2  }
0x1f7: {  	_ =	sdelay $0x2  }
0x1f8: {  	s0 =	smov.u32 s24;
	s24 =	sadd.s32 $0x10, s24  }
0x1f9: {  	s1 =	ssub.s32 s22, s0  }
0x1fa: {  	p2 =	slt.s32 s1, $0x10  }
0x1fb: {  	s1 =	simm.s32 @!p2 $0x10  }
0x1fc: {  	v2 =	vmov s1  }
0x1fd: {  	vm0 =	vgt.s32 v2, v0;
	_ =	sdelay $0x5  }
0x1fe: {  	v2 =	vld.idx.msk [tilespmem:v1+s0+$0x0 ss:$0x1], vm0;
	_ =	sdelay $0x2  }
0x1ff: {  	p2 =	slt.s32 s24, s22;
	s1 =	smov.u32 s22  }
0x200: {  	s2 =	smov.u32 s23;
	s25 =	simm.s32 $0x0;
	s1 =	smov.u32 @p2 s24  }
.LBB2_6:
0x201: {  	(v2sf) =	vpush v2, s25;
	_ =	sdelay $0xc  }
0x202: {  	s25 =	sadd.s32 $0x1, s25  }
0x203: {  	s31 =	sadd.s32 s25, s0  }
0x204: {  	p2 =	slt.s32 s31, s1;
	s5 =	spop (v2sf)  }
.Ltmp6:
0x205: {  	s5 =	sshll.u32 s5, $0x4;
	(pc) =	sbr.rel @p2 .LBB2_6-.Ltmp6, $4  }
0x206: {  	s5 =	sand.u32 $0x1FFFFFF0, s5  }
0x207: {  	s5 =	sadd.s32 s11, s5  }
0x208: {  	[tilespmem:s2], [sflag:$0x9] =	stream.linear.gather [hbm4b:s5+s16], $0x2, $0x38;
	[tilespmem:$0x1F0F8] =	vst v63  }
0x209: {  	s2 =	sadd.s32 $0x80, s2  }
.Ltmp7:
0x20a: {  	_ = 	snop;
	(pc) =	sbr.rel .LBB2_3-.Ltmp7, $1  }
0x20b: {  	_ =	sdelay $0x3  }
.LBB2_7:
0x20c: {  	p2 =	slt.u32 s20, $0x2  }
.Ltmp8:
0x20d: {  	_ = 	snop;
	(pc) =	sbr.rel @p2 .LBB2_20-.Ltmp8, $1  }
0x20e: {  	_ =	sdelay $0x3  }
0x20f: {  	p2 =	sgt.s32 s21, $0x136D0  }
0x210: {  	s0 =	smov.u32 s21;
	s1 =	sshra.s32 s21, $0x1F;
	s2 =	ssub.s32 $0x13880, s21  }
0x211: {  	s0 =	simm.s32 @!p2 $0x136D0;
	s1 =	sand.u32 s1, s21;
	p2 =	slt.s32 s2, $0x1B0  }
0x212: {  	s0 =	ssub.s32 s0, s1;
	s2 =	simm.s32 @!p2 $0x1B0  }
0x213: {  	s0 =	sadd.s32 $0xFFFEC930, s0;
	s24 =	sshll.u32 s2, $0x1  }
0x214: {  	s28 =	simm.s32 $0x9;
	s25 =	sshll.u32 s0, $0x2;
	s1 =	sand.u32 $0x3FFFFFFE, s24  }
0x215: {  	p2 =	sgt.s32 s0, $0x1AF;
	s26 =	ssub.s32 $0x6C0, s25;
	_ =	swait.ge [sflag:s28], s1  }
0x216: {  	s1 =	ssub.s32 $0x0, s1;
	[sflag:s28] =	ssyncset.done $0x0;
	s0 =	sshrl.u32 s26, $0x2  }
0x217: {  	s30 =	simm.s32 $0xB;
	[sflag:s28] =	ssyncadd.s32 s1;
	s0 =	simm.s32 @p2 $0x0  }
0x218: {  	_ =	swait.ge [sflag:s30], s0  }
0x219: {  	s0 =	ssub.s32 $0x0, s0;
	[sflag:s30] =	ssyncset.done $0x0  }
0x21a: {  	[sflag:s30] =	ssyncadd.s32 s0  }
0x21b: {  	v1 =	vld [tilespmem:$0x3648];
	_ =	sdelay $0x4  }
0x21c: {  	(v2sf) =	vpush v1, $0x0  }
0x21d: {  	(v2sf) =	vpush v1, $0x1  }
0x21e: {  	(v2sf) =	vpush v1, $0x2;
	_ =	sdelay $0x3  }
0x21f: {  	s0 =	sadd.s32 $0x1B0, s21  }
0x220: {  	s1 =	ssub.s32 $0x27100, s21;
	p2 =	slt.s32 s7, s0  }
0x221: {  	s0 =	smov.u32 @p2 s7;
	p2 =	sgt.s32 s1, $0x0  }
0x222: {  	s25 =	ssub.s32 s0, s21;
	s1 =	simm.s32 @!p2 $0x0  }
0x223: {  	p2 =	slt.s32 s1, s25  }
0x224: {  	s25 =	smov.u32 @p2 s1  }
0x225: {  	s24 =	simm.s32 $0x1;
	p2 =	slt.s32 s25, $0x1  }
.Ltmp9:
0x226: {  	s24 =	simm.s32 @!p4 $0x0;
	(pc) =	sbr.rel @p2 .LBB2_12-.Ltmp9, $4  }
0x227: {  	s31 =	smul.u32 $0x6C0, s24  }
0x228: {  	s26 =	spop (v2sf)  }
0x229: {  	s0 =	sshrl.u32 s31, $0x2;
	s29 =	spop (v2sf)  }
0x22a: {  	s22 =	sadd.s32 $0x3D98, s0;
	s21 =	spop (v2sf)  }
0x22b: {  	s0 =	smin.u32 s25, $0x10  }
0x22c: {  	v1 =	vmov s0  }
0x22d: {  	p3 =	sgt.s32 s25, $0x10;
	vm1 =	vgt.u32 v1, v0  }
.Ltmp10:
0x22e: {  	_ = 	snop;
	(pc) =	sbr.rel @!p3 .LBB2_11-.Ltmp10, $2  }
0x22f: {  	_ =	sdelay $0x2  }
0x230: {  	s23 =	simm.s32 $0x10;
	s28 =	sadd.s32 $0xFFFFFFF0, s25;
	s0 =	smov.u32 s22;
	vm0 =	vmmov vm1  }
.LBB2_10:
0x231: {  	s1 =	smin.u32 s28, $0x10;
	s23 =	sadd.s32 $0x10, s23;
	v1 =	vld.msk [tilespmem:s0+$0x0 ss:$0x1], vm1  }
0x232: {  	v2 =	vmov s1;
	p3 =	slt.s32 s23, s25  }
0x233: {  	vm1 =	vgt.u32 v2, v0  }
.Ltmp11:
0x234: {  	(pc) =	sbr.rel @p3 .LBB2_10-.Ltmp11, $3  }
0x235: {  	_ =	sdelay $0x1  }
0x236: {  	v1 =	vshll.u32 v1, $0x4  }
0x237: {  	s28 =	sadd.s32 $0xFFFFFFF0, s28;
	[tilespmem:s0+$0x0] =	vst.msk vm0, v1;
	s0 =	sadd.s32 $0x10, s0;
	vm0 =	vmmov vm1  }
.LBB2_11:
0x238: {  	_ =	sdelay $0x4  }
0x239: {  	v1 =	vld.msk [tilespmem:s0+$0x0 ss:$0x1], vm1;
	_ =	sdelay $0x4  }
0x23a: {  	v1 =	vshll.u32 v1, $0x4  }
0x23b: {  	[tilespmem:s0+$0x0] =	vst.msk vm0, v1  }
.LBB2_12:
0x23c: {  	s0 =	sand.u32 $0x1, s20  }
0x23d: {  	s0 =	smul.u32 $0x1B0, s0  }
0x23e: {  	p3 =	sne.s32 s29, $0xFFFFFFFF  }
0x23f: {  	v1 =	vld.msk @!p3 [tilespmem:s0+$0x3D98], $0x1;
	_ =	sdelay $0x4  }
0x240: {  	(v2sf) =	vpush @!p3 v1, $0x0;
	_ =	sdelay $0xc  }
.Ltmp12:
0x241: {  	_ = 	snop;
	(pc) =	sbr.rel @p2 .LBB2_18-.Ltmp12, $4  }
0x242: {  	_ = 	snop  }
0x243: {  	s28 =	spop @!p3 (v2sf)  }
0x244: {  	s21 =	simm.s32 @!p3 $0x0;
	s23 =	smov.u32 s28  }
0x245: {  	[sflag:s17] =	ssyncpa.u1 $0x0;
	s28 =	smov.u32 @p3 s26;
	s23 =	smov.u32 @p3 s29  }
0x246: {  	v1 =	vld.msk [tilespmem:s22+$0x0], $0x1;
	_ =	sdelay $0x4  }
0x247: {  	(v2sf) =	vpush v1, $0x0;
	_ =	sdelay $0xe  }
0x248: {  	s0 =	simm.s32 @!p4 $0x0;
	s26 =	smul.u32 $0x36000, s24;
	s31 =	spop (v2sf)  }
0x249: {  	s29 =	ssub.s32 $0x0, s25;
	s0 =	simm.s32 @p4 $0x1;
	p2 =	seq.s32 s28, s31  }
0x24a: {  	s1 =	smov.u32 s28;
	[smem:$0x7FD] =	sst s0;
	p3 =	sgt.s32 @!p2 s28, $0x0  }
0x24b: {  	s0 =	sshrl.u32 s26, $0x2;
	s26 =	sadd.s32 $0x1, s29;
	p3 =	por !p3, p2  }
0x24c: {  	s1 =	simm.s32 @p3 $0x0;
	p3 =	seq.s32 s26, $0x0  }
.Ltmp13:
0x24d: {  	_ = 	snop;
	(pc) =	sbr.rel @p3 .LBB2_15-.Ltmp13, $4  }
0x24e: {  	s6 =	smov.u32 s4;
	s25 =	simm.s32 $0x0  }
0x24f: {  	s24 =	sadd.s32 $0x40F8, s0;
	s0 =	simm.s32 @!p2 $0x1;
	s2 =	smin.u32 @!p2 s1, $0x270FF  }
0x250: {  	s30 =	sadd.s32 $0x1, s22;
	s0 =	smov.u32 @p2 s25;
	s5 =	sand.u32 @!p2 $0x3FFF8, s2  }
0x251: {  	s1 =	simm.s32 @!p2 $0x1B38;
	s2 =	sand.u32 @!p2 $0x7, s2;
	s5 =	sadd.s32 @!p2 s3, s5  }
.LBB2_14:
0x252: {  	s4 =	smov.u32 s0  }
0x253: {  	[tilespmem:s1], [sflag:$0x2] =	stream.linear.gather @!p2 [hbm4b:s5+s2], $0x2, $0x38;
	[tilespmem:$0x1F0F8] =	vst v63  }
0x254: {  	s26 =	sadd.s32 $0x1, s26;
	s2 =	smov.u32 s31;
	v1 =	vld.msk [tilespmem:s30+$0x0], $0x1  }
0x255: {  	p3 =	seq.s32 s26, $0x0;
	_ =	sdelay $0x3  }
0x256: {  	(v2sf) =	vpush v1, $0x0;
	_ =	sdelay $0xe  }
0x257: {  	s31 =	spop (v2sf)  }
0x258: {  	p2 =	seq.s32 s2, s31  }
0x259: {  	p4 =	sgt.s32 @!p2 s2, $0x0;
	s1 =	sshll.u32 @!p2 s0, $0x6;
	s0 =	sadd.s32 @!p2 $0x1, s0  }
.Ltmp14:
0x25a: {  	p4 =	por !p4, p2;
	s1 =	sshra.s32 @!p2 s1, $0x2;
	(pc) =	sbr.rel @!p3 .LBB2_14-.Ltmp14, $4  }
0x25b: {  	s0 =	smov.u32 @p2 s4;
	s2 =	simm.s32 @p4 $0x0;
	s1 =	sadd.s32 @!p2 $0x1B38, s1  }
0x25c: {  	s2 =	smin.u32 @!p2 s2, $0x270FF  }
0x25d: {  	s4 =	sand.u32 @!p2 $0x3FFF8, s2;
	s2 =	sand.u32 @!p2 $0x7, s2  }
0x25e: {  	s30 =	sadd.s32 $0x1, s30;
	s5 =	sadd.s32 @!p2 s3, s4  }
.LBB2_15:
0x25f: {  	[tilespmem:s1], [sflag:$0x2] =	stream.linear.gather @!p2 [hbm4b:s5+s2], $0x2, $0x38;
	[tilespmem:$0x1F0F8] =	vst v63  }
0x260: {  	s0 =	sshll.u32 s0, $0x1  }
0x261: {  	s31 =	simm.s32 $0x2;
	s0 =	sand.u32 $0x3FFFFFFE, s0  }
0x262: {  	_ =	swait.ge [sflag:s31], s0  }
0x263: {  	s0 =	ssub.s32 $0x0, s0;
	[sflag:s31] =	ssyncset.done $0x0  }
0x264: {  	[sflag:s31] =	ssyncadd.s32 s0  }
0x265: {  	v1 =	vld.msk [tilespmem:s22+$0x0], $0x1;
	_ =	sdelay $0x4  }
0x266: {  	(v2sf) =	vpush v1, $0x0;
	_ =	sdelay $0xe  }
0x267: {  	s26 =	spop (v2sf)  }
0x268: {  	p2 =	sne.s32 s28, s26  }
0x269: {  	p4 =	sne.s32 @p2 s28, s23  }
0x26a: {  	p3 =	por !p4, !p2  }
0x26b: {  	s0 =	simm.s32 @!p3 $0x0  }
0x26c: {  	v1 =	vld.msk @!p3 [tilespmem:s0+$0x1B38], $0x3  }
0x26d: {  	p5 =	sgt.u32 @!p3 s28, $0x270FF  }
0x26e: {  	s1 =	sshll.u32 @!p3 s21, $0x6;
	p6 =	por @p2 p5, !p4  }
0x26f: {  	s1 =	sshra.s32 @!p3 s1, $0x2;
	p1 =	por p6, !p2;
	p6 =	por p4, !p2  }
0x270: {  	s2 =	sadd.s32 @!p3 $0x28, s1;
	s4 =	sand.u32 @!p1 $0x3FFF8, s28;
	s5 =	sshll.u32 @!p6 s21, $0x6  }
0x271: {  	s28 =	sand.u32 @!p1 $0x7, s28;
	[tilespmem:s1+$0x28] =	vst.add.f32.msk @!p3 $0x3, v1;
	s1 =	sadd.s32 @!p1 s3, s4;
	s4 =	sshra.s32 @!p6 s5, $0x2  }
0x272: {  	[hbm4b:s1+s28] =	stream.linear.scatter @!p1 [tilespmem:s2], [sflag:$0xC], $0x2, $0x38;
	[tilespmem:$0x1F0F8] =	vst v63  }
0x273: {  	s0 =	rddreg [dreg:$0x4];
	s1 =	sadd.s32 @!p6 $0x28, s4;
	s2 =	simm.s32 @!p6 $0x1  }
0x274: {  	[spmem:s0] =	stream.linear.scatter @!p6 [tilespmem:s1], [sflag:$0x1], $0x2, $0x38;
	[tilespmem:$0x1F0F8] =	vst v63  }
0x275: {  	s0 =	sadd.s32 @p2 $0x1, s21;
	_ =	swait.ge @!p6 [sflag:s2], $0x2  }
0x276: {  	s1 =	sshrl.u32 @p2 s0, $0x4;
	[sflag:s2] =	ssyncset.done @!p6 $0x0  }
0x277: {  	s1 =	smulhi.u32 @p2 $0x97B425F, s1;
	[sflag:s2] =	ssyncadd.s32 @!p6 $0xFFFFFFFE  }
0x278: {  	s28 =	sadd.s32 $0x1, s29;
	v1 =	vld.msk @p2 [tilespmem:s24+$0x0], $0x3  }
0x279: {  	p1 =	por @p2 !p5, !p4;
	p4 =	seq.s32 s28, $0x0;
	s1 =	smul.u32 @p2 $0x1B0, s1  }
.Ltmp15:
0x27a: {  	p1 =	por !p1, !p2;
	s2 =	simm.s32 @!p3 $0x0;
	(pc) =	sbr.rel @p4 .LBB2_17-.Ltmp15, $4  }
0x27b: {  	s4 =	sshll.u32 @!p2 s21, $0x6;
	s2 =	simm.s32 @!p1 $0x8;
	s0 =	ssub.s32 @p2 s0, s1  }
0x27c: {  	s29 =	simm.s32 $0x0;
	s2 =	sadd.s32 @!p3 $0x0, s2;
	s5 =	sshll.u32 @p2 s0, $0x4  }
0x27d: {  	s30 =	sshra.s32 @!p2 s4, $0x2;
	s1 =	simm.s32 @p2 $0x1;
	s2 =	smov.u32 @p3 s25;
	[tilespmem:s5+$0x28] =	vst.msk @p2 $0x3, v1  }
0x27e: {  	s21 =	smov.u32 @p2 s0;
	s29 =	smov.u32 @p2 s2;
	s25 =	smov.u32 @p2 s1;
	v1 =	vld.msk @!p2 [tilespmem:s24+$0x0], $0x3  }
.LBB2_16:
0x27f: {  	_ =	sdelay $0x3  }
0x280: {  	s22 =	sadd.s32 $0x1, s22;
	[tilespmem:s30+$0x28] =	vst.add.f32.msk @!p2 $0x3, v1  }
0x281: {  	v1 =	vld.msk [tilespmem:s22+$0x0], $0x1;
	_ =	sdelay $0x4  }
0x282: {  	(v2sf) =	vpush v1, $0x0;
	_ =	sdelay $0xe  }
0x283: {  	s0 =	smov.u32 s26;
	s26 =	spop (v2sf)  }
0x284: {  	p2 =	sne.s32 s0, s26  }
0x285: {  	p5 =	sne.s32 @p2 s0, s23  }
0x286: {  	s4 =	sshll.u32 @!p2 s21, $0x6;
	p4 =	por !p5, !p2  }
0x287: {  	s30 =	sshra.s32 @!p2 s4, $0x2;
	s4 =	sshll.u32 @!p4 s25, $0x6  }
0x288: {  	s4 =	sshra.s32 @!p4 s4, $0x2  }
0x289: {  	p1 =	sgt.u32 @!p4 s0, $0x270FF;
	v1 =	vld.msk @!p4 [tilespmem:s4+$0x1B38], $0x3  }
0x28a: {  	s31 =	sshll.u32 @!p4 s21, $0x6;
	p6 =	por @p2 p1, !p5;
	p1 =	por @p2 !p1, !p5  }
0x28b: {  	s8 =	simm.s32 @!p4 $0x0;
	s31 =	sshra.s32 @!p4 s31, $0x2;
	p1 =	por !p1, !p2  }
0x28c: {  	p5 =	por p5, !p2;
	s8 =	simm.s32 @!p1 $0x8;
	p1 =	por p6, !p2  }
0x28d: {  	s4 =	sadd.s32 @!p4 $0x28, s31;
	s13 =	sshll.u32 @!p5 s21, $0x6;
	s10 =	sand.u32 @!p1 $0x3FFF8, s0  }
0x28e: {  	s13 =	sshra.s32 @!p5 s13, $0x2;
	s0 =	sand.u32 @!p1 $0x7, s0;
	s10 =	sadd.s32 @!p1 s3, s10;
	[tilespmem:s31+$0x28] =	vst.add.f32.msk @!p4 $0x3, v1  }
0x28f: {  	[hbm4b:s10+s0] =	stream.linear.scatter @!p1 [tilespmem:s4], [sflag:$0xC], $0x2, $0x38;
	[tilespmem:$0x1F0F8] =	vst v63  }
0x290: {  	s1 =	rddreg [dreg:$0x4];
	s0 =	sadd.s32 @!p5 $0x28, s13;
	s4 =	simm.s32 @!p5 $0x1  }
0x291: {  	[spmem:s1] =	stream.linear.scatter @!p5 [tilespmem:s0], [sflag:$0x1], $0x2, $0x38;
	[tilespmem:$0x1F0F8] =	vst v63  }
0x292: {  	s2 =	sadd.s32 @p2 $0x1, s21;
	_ =	swait.ge @!p5 [sflag:s4], $0x2  }
0x293: {  	s5 =	sshrl.u32 @p2 s2, $0x4;
	[sflag:s4] =	ssyncset.done @!p5 $0x0  }
0x294: {  	s24 =	sadd.s32 $0x80, s24;
	s5 =	smulhi.u32 @p2 $0x97B425F, s5;
	[sflag:s4] =	ssyncadd.s32 @!p5 $0xFFFFFFFE  }
0x295: {  	s28 =	sadd.s32 $0x1, s28;
	v1 =	vld.msk @p2 [tilespmem:s24+$0x0], $0x3  }
0x296: {  	p3 =	seq.s32 s28, $0x0;
	s5 =	smul.u32 @p2 $0x1B0, s5  }
.Ltmp16:
0x297: {  	_ = 	snop;
	(pc) =	sbr.rel @!p3 .LBB2_16-.Ltmp16, $4  }
0x298: {  	s2 =	ssub.s32 @p2 s2, s5  }
0x299: {  	s8 =	sadd.s32 @!p4 s8, s29;
	s5 =	sshll.u32 @p2 s2, $0x4  }
0x29a: {  	s9 =	sadd.s32 @p2 $0x1, s25;
	s8 =	smov.u32 @p4 s29;
	[tilespmem:s5+$0x28] =	vst.msk @p2 $0x3, v1  }
0x29b: {  	s25 =	smov.u32 @p2 s9;
	s21 =	smov.u32 @p2 s2;
	s29 =	smov.u32 @p2 s8;
	v1 =	vld.msk @!p2 [tilespmem:s24+$0x0], $0x3  }
.LBB2_17:
.Ltmp17:
0x29c: {  	_ = 	snop;
	(pc) =	sbr.rel .LBB2_19-.Ltmp17, $3  }
0x29d: {  	s1 =	sld [smem:$0x7FD];
	_ =	sdelay $0x1  }
0x29e: {  	s0 =	sshrl.u32 s29, $0x2;
	s28 =	smov.u32 s26  }
0x29f: {  	s4 =	smov.u32 s6;
	s6 =	rddreg [dreg:$0x6];
	p4 =	seq.s32 s1, $0x1;
	[tilespmem:s30+$0x28] =	vst.add.f32.msk @!p2 $0x3, v1  }
.LBB2_21:
0x2a0: {  	_ =	sfence.sel $0x180000  }
0x2a1: {  	s0 =	simm.s32 $0x9;
	[bflag:$0x0] =	sbarrier.arrive $0xFFFF  }
0x2a2: {  	s24 =	simm.s32 $0xA;
	[sflag:s0] =	ssyncpa.u1 $0x1  }
0x2a3: {  	s25 =	simm.s32 $0xB;
	[sflag:s24] =	ssyncpa.u1 $0x1  }
0x2a4: {  	s26 =	simm.s32 $0x2;
	[sflag:s25] =	ssyncpa.u1 $0x1  }
0x2a5: {  	[sflag:s26] =	ssyncpa.u1 $0x1  }
0x2a6: {  	v0 =	vld [tilespmem:$0x3648];
	_ =	sdelay $0x4  }
0x2a7: {  	(v2sf) =	vpush v0, $0x0  }
0x2a8: {  	(v2sf) =	vpush v0, $0x1;
	_ =	sdelay $0x1  }
0x2a9: {  	(v2sf) =	vpush v0, $0x2;
	_ =	sdelay $0xb  }
0x2aa: {  	s0 =	spop (v2sf)  }
0x2ab: {  	s1 =	spop (v2sf)  }
0x2ac: {  	s2 =	smov.u32 s0;
	p0 =	sne.s32 s0, s1  }
0x2ad: {  	s4 =	spop (v2sf);
	s2 =	simm.s32 @!p0 $0xFFFFFFFF  }
0x2ae: {  	v2 =	vimm.s32 $0x1;
	v3 =	vlaneseq.u32;
	p0 =	seq.s32 s4, $0xFFFFFFFF;
	v1 =	vmov s2  }
0x2af: {  	s16 =	stileid.u32;
	v0 =	vperm.xlane v0, v2;
	p1 =	sne.s32 @!p0 s0, s1;
	v1 =	vperm.xlane v1, v3  }
0x2b0: {  	vm0 =	vcmask $0x3F04;
	s6 =	simm.s32 $0x3648;
	s0 =	simm.s32 @!p0 $0x1;
	p1 =	por !p1, p0  }
0x2b1: {  	s2 =	sshll.u32 s16, $0x1;
	s1 =	sshll.u32 @!p0 s4, $0x6;
	s0 =	simm.s32 @p1 $0x0;
	v0 =	vsel vm0, v1, v0  }
0x2b2: {  	s5 =	sor.u32 $0x200, s2;
	s1 =	sshra.s32 @!p0 s1, $0x2;
	s0 =	sor.u32 @!p0 s0, s2;
	[tilespmem:$0x3648] =	vst v0  }
0x2b3: {  	[spmem:s5] =	stream.linear.scatter [tilespmem:s6], [sflag:$0x1], $0x2, $0x38;
	[tilespmem:$0x1F0F8] =	vst v63  }
0x2b4: {  	s1 =	sadd.s32 @!p0 $0x28, s1;
	s0 =	sshll.u32 @!p0 s0, $0x4  }
0x2b5: {  	[spmem:s0] =	stream.linear.scatter @!p0 [tilespmem:s1], [sflag:$0x1], $0x10, $0x38;
	[tilespmem:$0x1F0F8] =	vst v63  }
0x2b6: {  	s0 =	simm.s32 @!p0 $0x12  }
0x2b7: {  	s28 =	simm.s32 $0x1;
	s0 =	simm.s32 @p0 $0x2  }
0x2b8: {  	_ =	swait.ge [sflag:s28], s0  }
0x2b9: {  	s0 =	ssub.s32 $0x0, s0;
	[sflag:s28] =	ssyncset.done $0x0  }
0x2ba: {  	p0 =	sne.s32 s16, $0x0;
	[sflag:s28] =	ssyncadd.s32 s0  }
.Ltmp18:
0x2bb: {  	_ =	sfence.stream.spmem;
	(pc) =	sbr.rel @p0 .LBB2_38-.Ltmp18, $4  }
0x2bc: {  	s29 =	simm.s32 $0x3;
	[bflag:$0x0] =	sbarrier.arrive $0xFFFF  }
0x2bd: {  	s30 =	simm.s32 $0x4;
	[sflag:s29] =	ssyncpa.u1 $0x1  }
0x2be: {  	s31 =	simm.s32 $0x3C;
	[sflag:s30] =	ssyncpa.u1 $0x1  }
0x2bf: {  	s17 =	rddreg [dreg:$0x5];
	[sflag:s31] =	ssyncpa.u1 $0x1  }
0x2c0: {  	_ =	sfence.stream.spmem;
	s0 =	simm.s32 $0x5  }
0x2c1: {  	s1 =	simm.s32 $0x200;
	s2 =	simm.s32 $0x3658;
	[sflag:s0] =	ssyncpa.u1 $0x0  }
0x2c2: {  	[tilespmem:s2], [sflag:$0x5] =	stream.linear.gather [spmem:s1], $0x20, $0x38;
	[tilespmem:$0x1F0F8] =	vst v63  }
0x2c3: {  	s26 =	simm.s32 $0x0;
	s28 =	simm.s32 $0x3678  }
0x2c4: {  	[tilespmem:s28], [sflag:$0x5] =	stream.linear.gather [spmem:s26], $0x200, $0x38;
	[tilespmem:$0x1F0F8] =	vst v63  }
0x2c5: {  	_ =	swait.ge [sflag:s0], $0x220  }
0x2c6: {  	[sflag:s0] =	ssyncset.done $0x0  }
0x2c7: {  	s29 =	simm.s32 $0x0;
	[sflag:s0] =	ssyncadd.s32 $0xFFFFFDE0  }
0x2c8: {  	v0 =	vld.msk [tilespmem:s29+$0x3658], $0x1;
	_ =	sdelay $0x1  }
0x2c9: {  	s30 =	simm.s32 $0x1  }
0x2ca: {  	v1 =	vld.msk [tilespmem:s30+$0x3658], $0x1;
	_ =	sdelay $0x1  }
0x2cb: {  	(v2sf) =	vpush v0, $0x0;
	_ =	sdelay $0x2  }
0x2cc: {  	(v2sf) =	vpush v1, $0x0;
	_ =	sdelay $0x2  }
0x2cd: {  	s31 =	simm.s32 $0x2  }
0x2ce: {  	v0 =	vld.msk [tilespmem:s31+$0x3658], $0x1;
	_ =	sdelay $0x2  }
0x2cf: {  	s6 =	simm.s32 $0xFFFFFFFF;
	s1 =	simm.s32 $0xFFFFFFFF;
	s0 =	simm.s32 $0xC  }
.LBB2_23:
0x2d0: {  	s2 =	smov.u32 s6;
	s4 =	smov.u32 s1  }
0x2d1: {  	s1 =	sshra.s32 s0, $0x2;
	p1 =	sne.s32 s0, $0x7C;
	s0 =	sadd.s32 $0x4, s0;
	(v2sf) =	vpush v0, $0x0  }
0x2d2: {  	v0 =	vld.msk [tilespmem:s1+$0x3658], $0x1  }
.Ltmp19:
0x2d3: {  	(pc) =	sbr.rel @p1 .LBB2_23-.Ltmp19, $4  }
0x2d4: {  	s6 =	spop (v2sf)  }
0x2d5: {  	p2 =	sne.s32 s4, $0xFFFFFFFF;
	s1 =	smov.u32 s6  }
0x2d6: {  	p3 =	seq.s32 s6, $0xFFFFFFFF;
	s1 =	smov.u32 @p2 s4  }
0x2d7: {  	s6 =	smov.u32 @p3 s2;
	s1 =	smov.u32 @p3 s4  }
0x2d8: {  	(v2sf) =	vpush v0, $0x0;
	_ =	sdelay $0x8  }
0x2d9: {  	s0 =	spop (v2sf)  }
0x2da: {  	p1 =	sne.s32 s1, $0xFFFFFFFF;
	s2 =	smov.u32 s0  }
0x2db: {  	s9 =	simm.s32 $0x6;
	p2 =	seq.s32 s0, $0xFFFFFFFF;
	s2 =	smov.u32 @p1 s1  }
0x2dc: {  	s10 =	simm.s32 $0x3638;
	s2 =	smov.u32 @p2 s1;
	s1 =	spop (v2sf)  }
0x2dd: {  	s0 =	smov.u32 @p2 s6;
	p1 =	sne.s32 s2, $0xFFFFFFFF;
	s4 =	smov.u32 s1  }
.Ltmp20:
0x2de: {  	p2 =	seq.s32 s1, $0xFFFFFFFF;
	s4 =	smov.u32 @p1 s2;
	(pc) =	sbr.rel .LBB2_25-.Ltmp20, $4  }
0x2df: {  	s11 =	simm.s32 $0x0;
	s4 =	smov.u32 @p2 s2;
	s7 =	spop (v2sf)  }
0x2e0: {  	[sflag:s9] =	ssyncpa.u1 $0x0;
	p1 =	sne.s32 s4, $0xFFFFFFFF;
	s8 =	smov.u32 s7  }
0x2e1: {  	s1 =	smov.u32 @p2 s0;
	p2 =	seq.s32 s7, $0xFFFFFFFF;
	s8 =	smov.u32 @p1 s4  }
0x2e2: {  	s6 =	simm.s32 $0x0;
	s7 =	smov.u32 @p2 s1;
	s8 =	smov.u32 @p2 s4  }
.LBB2_30:
0x2e3: {  	p1 =	sgt.u32 s12, $0x270FF  }
0x2e4: {  	p2 =	seq.s32 @!p1 s12, s8  }
0x2e5: {  	p1 =	por p1, p2  }
0x2e6: {  	p2 =	sne.s32 @!p1 s12, s7  }
0x2e7: {  	p1 =	por p1, !p2  }
0x2e8: {  	s0 =	sshll.u32 @p1 s11, $0x6  }
0x2e9: {  	s0 =	sand.u32 @!p1 $0x3FFF8, s12  }
0x2ea: {  	s1 =	sand.u32 @!p1 $0x7, s12;
	s0 =	sadd.s32 @!p1 s3, s0  }
0x2eb: {  	[tilespmem:s10], [sflag:$0x6] =	stream.linear.gather @!p1 [hbm4b:s0+s1], $0x2, $0x38;
	[tilespmem:$0x1F0F8] =	vst v63  }
0x2ec: {  	_ =	swait.ge @!p1 [sflag:s9], $0x2  }
0x2ed: {  	[sflag:s9] =	ssyncset.done @!p1 $0x0  }
0x2ee: {  	[sflag:s9] =	ssyncadd.s32 @!p1 $0xFFFFFFFE  }
0x2ef: {  	v1 =	vld @!p1 [tilespmem:$0x3638];
	_ =	sdelay $0x2  }
0x2f0: {  	s0 =	sshll.u32 @!p1 s11, $0x6  }
0x2f1: {  	s1 =	sshrl.u32 @!p1 s0, $0x2  }
0x2f2: {  	[tilespmem:s1+$0x3678] =	vst.add.f32.msk @!p1 $0xffff, v1  }
0x2f3: {  	s0 =	sshrl.u32 s0, $0x2;
	[tilespmem:s6+$0x3658] =	vst.msk $0x1, v0  }
0x2f4: {  	v0 =	vld [tilespmem:s0+$0x3678];
	_ =	sdelay $0x2  }
0x2f5: {  	s31 =	sshll.u32 s6, $0x6  }
0x2f6: {  	s0 =	sshra.s32 s31, $0x2  }
0x2f7: {  	s6 =	sadd.s32 $0x1, s6;
	[tilespmem:s0+$0x3678] =	vst v0  }
.LBB2_32:
0x2f8: {  	s11 =	sadd.s32 $0x1, s11  }
0x2f9: {  	p1 =	sne.s32 s11, $0x20  }
.Ltmp21:
0x2fa: {  	_ = 	snop;
	(pc) =	sbr.rel @!p1 .LBB2_33-.Ltmp21, $1  }
0x2fb: {  	_ =	sdelay $0x3  }
.LBB2_25:
0x2fc: {  	v0 =	vld.msk [tilespmem:s11+$0x3658], $0x1;
	_ =	sdelay $0x4  }
0x2fd: {  	(v2sf) =	vpush v0, $0x0;
	_ =	sdelay $0xe  }
0x2fe: {  	s12 =	spop (v2sf)  }
0x2ff: {  	p1 =	seq.s32 s12, $0xFFFFFFFF  }
.Ltmp22:
0x300: {  	_ = 	snop;
	(pc) =	sbr.rel @p1 .LBB2_32-.Ltmp22, $1  }
0x301: {  	_ =	sdelay $0x3  }
0x302: {  	p1 =	slt.s32 s6, $0x1  }
.Ltmp23:
0x303: {  	_ = 	snop;
	(pc) =	sbr.rel @p1 .LBB2_30-.Ltmp23, $1  }
0x304: {  	_ =	sdelay $0x3  }
0x305: {  	s13 =	simm.s32 $0x3658;
	p1 =	por $0x0, $0x0  }
0x306: {  	v1 =	vld.msk @!p1 [tilespmem:s13+$0x0], $0x1;
	_ =	sdelay $0x4  }
0x307: {  	(v2sf) =	vpush @!p1 v1, $0x0;
	_ =	sdelay $0xd  }
0x308: {  	p3 =	sne.s32 s6, $0x1  }
.Ltmp24:
0x309: {  	s0 =	spop @!p1 (v2sf);
	(pc) =	sbr.rel @!p3 .LBB2_29-.Ltmp24, $4  }
0x30a: {  	p2 =	seq.s32 @!p1 s12, s0  }
0x30b: {  	s14 =	simm.s32 $0x0;
	p2 =	por !p2, p1  }
0x30c: {  	s0 =	simm.s32 $0xFFFFFFFF;
	s14 =	simm.s32 @p2 $0xFFFFFFFF  }
0x30d: {  	s15 =	simm.s32 $0x1;
	s14 =	smov.u32 @p1 s0  }
.LBB2_28:
0x30e: {  	s0 =	smov.u32 s14;
	p1 =	sne.s32 s14, $0xFFFFFFFF  }
0x30f: {  	s13 =	sadd.s32 $0x1, s13;
	s14 =	smov.u32 s15;
	s15 =	sadd.s32 $0x1, s15  }
0x310: {  	p2 =	sne.s32 s6, s15;
	v1 =	vld.msk @!p1 [tilespmem:s13+$0x0], $0x1;
	_ =	sdelay $0x4  }
0x311: {  	(v2sf) =	vpush @!p1 v1, $0x0;
	_ =	sdelay $0xe  }
.Ltmp25:
0x312: {  	s1 =	spop @!p1 (v2sf);
	(pc) =	sbr.rel @p2 .LBB2_28-.Ltmp25, $4  }
0x313: {  	p3 =	seq.s32 @!p1 s12, s1  }
0x314: {  	p3 =	por !p3, p1  }
0x315: {  	s14 =	simm.s32 @p3 $0xFFFFFFFF  }
0x316: {  	s14 =	smov.u32 @p1 s0  }
.LBB2_29:
0x317: {  	p1 =	sne.s32 s14, $0xFFFFFFFF  }
.Ltmp26:
0x318: {  	_ = 	snop;
	(pc) =	sbr.rel @!p1 .LBB2_30-.Ltmp26, $1  }
0x319: {  	_ =	sdelay $0x3  }
0x31a: {  	s0 =	sshll.u32 s11, $0x4  }
0x31b: {  	s0 =	sand.u32 $0x3FFFFFF0, s0  }
0x31c: {  	v0 =	vld [tilespmem:s0+$0x3678]  }
.Ltmp27:
0x31d: {  	_ = 	snop;
	(pc) =	sbr.rel .LBB2_32-.Ltmp27, $4  }
0x31e: {  	_ = 	snop  }
0x31f: {  	s31 =	sshll.u32 s14, $0x6  }
0x320: {  	s0 =	sshra.s32 s31, $0x2  }
0x321: {  	[tilespmem:s0+$0x3678] =	vst.add.f32.msk $0xffff, v0  }
.LBB2_33:
0x322: {  	s0 =	simm.s32 $0x6;
	p1 =	seq.s32 s6, $0x0  }
0x323: {  	[sflag:s0] =	ssyncpa.u1 $0x1;
	v0 =	vimm.s32 @p1 $0xFFFFFFFF  }
0x324: {  	s9 =	sadd.s32 $0xFFFFFFFF, s6;
	[tilespmem:$0x3878] =	vst @p1 v0  }
0x325: {  	v0 =	vld.msk @!p1 [tilespmem:s9+$0x3658], $0x1;
	_ =	sdelay $0x1  }
0x326: {  	v1 =	vld.msk @!p1 [tilespmem:$0x3658], $0x1;
	_ =	sdelay $0x2  }
0x327: {  	p2 =	seq.s32 @!p1 s9, $0x0;
	v0 =	vbroadcast @!p1 v0, $0x0  }
0x328: {  	vm0 =	vmmov @!p1 $0x1;
	p2 =	por !p2, p1  }
0x329: {  	v1 =	vnsel @!p1 vm0, $0xFFFFFFFF, v1;
	vm0 =	vcmask @!p1 $0x308;
	v0 =	vpsel !p2, $0xFFFFFFFF, v0  }
0x32a: {  	p2 =	sne.s32 @!p1 s8, s7;
	v0 =	vsel @!p1 vm0, v1, v0  }
0x32b: {  	s0 =	simm.s32 @!p1 $0x3678;
	s1 =	simm.s32 @!p1 $0x0;
	p3 =	por !p2, p1;
	[tilespmem:$0x3878] =	vst @!p1 v0  }
0x32c: {  	[spmem:s1] =	stream.linear.scatter @!p1 [tilespmem:s0], [sflag:$0x1], $0x10, $0x38;
	[tilespmem:$0x1F0F8] =	vst v63  }
0x32d: {  	s0 =	sshll.u32 @!p3 s9, $0x6  }
0x32e: {  	s0 =	sshra.s32 @!p3 s0, $0x2  }
0x32f: {  	s1 =	simm.s32 @!p3 $0x10;
	s0 =	sadd.s32 @!p3 $0x3678, s0  }
0x330: {  	[spmem:s1] =	stream.linear.scatter @!p3 [tilespmem:s0], [sflag:$0x1], $0x10, $0x38;
	[tilespmem:$0x1F0F8] =	vst v63  }
0x331: {  	s0 =	simm.s32 @!p3 $0x1  }
0x332: {  	_ =	swait.ge @!p3 [sflag:s0], $0x20  }
0x333: {  	p1 =	por p2, p1;
	[sflag:s0] =	ssyncset.done @!p3 $0x0  }
0x334: {  	[sflag:s0] =	ssyncadd.s32 @!p3 $0xFFFFFFE0;
	s0 =	simm.s32 @!p1 $0x1  }
0x335: {  	_ =	swait.ge @!p1 [sflag:s0], $0x10  }
0x336: {  	s29 =	simm.s32 $0x3878;
	[sflag:s0] =	ssyncset.done @!p1 $0x0  }
0x337: {  	s30 =	simm.s32 $0x200;
	s31 =	simm.s32 $0x1;
	[sflag:s0] =	ssyncadd.s32 @!p1 $0xFFFFFFF0  }
0x338: {  	[spmem:s30] =	stream.linear.scatter [tilespmem:s29], [sflag:$0x1], $0x10, $0x38;
	[tilespmem:$0x1F0F8] =	vst v63  }
0x339: {  	_ =	swait.ge [sflag:s31], $0x10  }
0x33a: {  	[sflag:s31] =	ssyncset.done $0x0  }
0x33b: {  	p1 =	seq.s32 s17, $0x0;
	s8 =	rddreg [dreg:$0x1];
	[sflag:s31] =	ssyncadd.s32 $0xFFFFFFF0  }
0x33c: {  	s1 =	sshll.u32 @p1 s8, $0xE;
	s7 =	rddreg [dreg:$0x2]  }
0x33d: {  	s0 =	sadd.s32 @p1 $0x15C3C, s1;
	s1 =	sshll.u32 @p1 s7, $0x11  }
0x33e: {  	_ =	sfence.stream.spmem;
	s0 =	sor.u32 @p1 s1, s0  }
0x33f: {  	[sflag:s0] =	ssyncadd.remote.s32 @p1 $0x1;
	s0 =	simm.s32 @p1 $0x4  }
0x340: {  	s2 =	simm.s32 @!p1 $0x3C;
	s1 =	sand.u32 $0xFFFFFFFE, s8;
	_ =	swait.ge @p1 [sflag:s0], $0x6  }
0x341: {  	s4 =	simm.s32 @!p1 $0x0;
	s1 =	sadd.s32 @!p1 $0x4, s1;
	[sflag:s0] =	ssyncset.done @p1 $0x0  }
0x342: {  	s5 =	simm.s32 @!p1 $0x20;
	[sflag:s0] =	ssyncadd.s32 @p1 $0xFFFFFFFA;
	s0 =	sshll.u32 @!p1 s1, $0x1A  }
0x343: {  	s1 =	sshll.u32 @!p1 s1, $0xD;
	s0 =	sor.u32 @!p1 s0, s7;
	_ =	swait.eq @!p1 [sflag:s2], $0x1  }
0x344: {  	s1 =	sor.u32 @!p1 $0x1C04, s1;
	s2 =	simm.s32 @!p1 $0x1C03;
	s0 =	sor.u32 @!p1 $0x80004000, s0  }
0x345: {  	[spmem:s5], [sflag:s1] =	dma.general @!p1 [spmem:s4], [sflag:s2], length:$0x4, [dreg:$0x0], stride_count:$0x0, ici_dest:s0, dma_misc:DstOpCode:WRITE  }
0x346: {  	p2 =	slt.s32 s9, $0x2;
	s4 =	simm.s32 @!p1 $0x40;
	s5 =	simm.s32 @!p1 $0x42  }
0x347: {  	[spmem:s5], [sflag:s1] =	dma.general @!p1 [spmem:s4], [sflag:s2], length:$0x2, [dreg:$0x0], stride_count:$0x0, ici_dest:s0, dma_misc:DstOpCode:WRITE  }
.Ltmp28:
0x348: {  	s0 =	simm.s32 @!p1 $0x3;
	(pc) =	sbr.rel @p2 .LBB2_37-.Ltmp28, $4  }
0x349: {  	s1 =	sshll.u32 @!p1 s8, $0xE;
	_ =	swait.ge @!p1 [sflag:s0], $0x6  }
0x34a: {  	s2 =	sshll.u32 @!p1 s7, $0x11;
	s1 =	sadd.s32 @!p1 $0x11C3C, s1;
	[sflag:s0] =	ssyncset.done @!p1 $0x0  }
0x34b: {  	[sflag:s0] =	ssyncadd.s32 @!p1 $0xFFFFFFFA;
	s0 =	sor.u32 @!p1 s2, s1  }
0x34c: {  	[sflag:s0] =	ssyncadd.remote.s32 @!p1 $0xFFFFFFFF;
	s0 =	simm.s32 $0x0  }
0x34d: {  	s0 =	simm.s32 $0x3659  }
0x34e: {  	v0 =	vld.msk [tilespmem:s0+$0x0], $0x1;
	_ =	sdelay $0x4  }
0x34f: {  	(v2sf) =	vpush v0, $0x0;
	_ =	sdelay $0xd  }
0x350: {  	s2 =	sadd.s32 $0xFFFFFFFE, s6  }
0x351: {  	s2 =	sadd.s32 $0xFFFFFFFF, s2;
	s0 =	spop (v2sf)  }
0x352: {  	p2 =	sne.s32 s2, $0x0;
	p1 =	sgt.u32 s0, $0x270FF  }
.Ltmp29:
0x353: {  	s4 =	sand.u32 @!p1 $0x3FFF8, s0;
	(pc) =	sbr.rel @!p2 .LBB2_36-.Ltmp29, $4  }
0x354: {  	s1 =	simm.s32 $0x3688;
	s0 =	sand.u32 @!p1 $0x7, s0;
	s4 =	sadd.s32 @!p1 s3, s4  }
0x355: {  	[hbm4b:s4+s0] =	stream.linear.scatter @!p1 [tilespmem:s1], [sflag:$0x5], $0x2, $0x38;
	[tilespmem:$0x1F0F8] =	vst v63  }
0x356: {  	s0 =	simm.s32 $0x0  }
0x357: {  	s6 =	simm.s32 $0x0;
	s7 =	simm.s32 $0x365A;
	s0 =	simm.s32 @!p1 $0x8  }
.LBB2_35:
0x358: {  	v0 =	vld.msk [tilespmem:s7+$0x0], $0x1;
	s2 =	sadd.s32 $0xFFFFFFFF, s2;
	s6 =	sadd.s32 s6, s0  }
0x359: {  	p1 =	sne.s32 s2, $0x0;
	_ =	sdelay $0x3  }
0x35a: {  	(v2sf) =	vpush v0, $0x0;
	_ =	sdelay $0xe  }
.Ltmp30:
0x35b: {  	s4 =	spop (v2sf);
	(pc) =	sbr.rel @p1 .LBB2_35-.Ltmp30, $4  }
0x35c: {  	s0 =	simm.s32 $0x0;
	p2 =	sgt.u32 s4, $0x270FF  }
0x35d: {  	s1 =	sadd.s32 $0x10, s1;
	s0 =	simm.s32 @!p2 $0x8;
	s5 =	sand.u32 @!p2 $0x3FFF8, s4  }
0x35e: {  	s7 =	sadd.s32 $0x1, s7;
	s4 =	sand.u32 @!p2 $0x7, s4;
	s5 =	sadd.s32 @!p2 s3, s5  }
0x35f: {  	[hbm4b:s5+s4] =	stream.linear.scatter @!p2 [tilespmem:s1], [sflag:$0x5], $0x2, $0x38;
	[tilespmem:$0x1F0F8] =	vst v63  }
.LBB2_36:
0x360: {  	s0 =	sadd.s32 s6, s0  }
0x361: {  	s0 =	sshrl.u32 s0, $0x2  }
.LBB2_37:
0x362: {  	s1 =	simm.s32 $0x5  }
0x363: {  	_ =	swait.ge [sflag:s1], s0  }
0x364: {  	s31 =	ssub.s32 $0x0, s0;
	[sflag:s1] =	ssyncset.done $0x0  }
0x365: {  	[sflag:s1] =	ssyncadd.s32 s31  }
0x366: {  	[sflag:s1] =	ssyncpa.u1 $0x1  }
.LBB2_38:
0x367: {  	s0 =	sor.u32 s17, s16  }
0x368: {  	p1 =	sne.s32 s0, $0x0  }
.Ltmp31:
0x369: {  	_ = 	snop;
	(pc) =	sbr.rel @p1 .LBB2_53-.Ltmp31, $3  }
0x36a: {  	_ =	sdelay $0x1  }
0x36b: {  	[bflag:$0x0] =	sbarrier.arrive $0xFFFF  }
0x36c: {  	_ =	sfence  }
0x36d: {  	s0 =	simm.s32 $0x7  }
0x36e: {  	s1 =	simm.s32 $0x200;
	s2 =	simm.s32 $0x3658;
	[sflag:s0] =	ssyncpa.u1 $0x0  }
0x36f: {  	[tilespmem:s2], [sflag:$0x7] =	stream.linear.gather [spmem:s1], $0x20, $0x38;
	[tilespmem:$0x1F0F8] =	vst v63  }
0x370: {  	s30 =	simm.s32 $0x3678;
	s1 =	simm.s32 $0x0  }
0x371: {  	[tilespmem:s30], [sflag:$0x7] =	stream.linear.gather [spmem:s1], $0x200, $0x38;
	[tilespmem:$0x1F0F8] =	vst v63  }
.Ltmp32:
0x372: {  	_ = 	snop;
	(pc) =	sbr.rel .LBB2_40-.Ltmp32, $4  }
0x373: {  	_ =	swait.ge [sflag:s0], $0x220  }
0x374: {  	[sflag:s0] =	ssyncset.done $0x0  }
0x375: {  	s31 =	simm.s32 $0x8;
	[sflag:s0] =	ssyncadd.s32 $0xFFFFFDE0  }
0x376: {  	s2 =	simm.s32 $0x0;
	[sflag:s31] =	ssyncpa.u1 $0x0  }
.LBB2_45:
0x377: {  	p1 =	slt.u32 s4, $0x27100  }
0x378: {  	s0 =	sand.u32 @p1 $0x3FFF8, s4  }
0x379: {  	s4 =	sand.u32 @p1 $0x7, s4;
	s5 =	simm.s32 @p1 $0x3638;
	s0 =	sadd.s32 @p1 s3, s0  }
0x37a: {  	[tilespmem:s5], [sflag:$0x8] =	stream.linear.gather @p1 [hbm4b:s0+s4], $0x2, $0x38;
	[tilespmem:$0x1F0F8] =	vst v63  }
0x37b: {  	s0 =	simm.s32 @p1 $0x8  }
0x37c: {  	_ =	swait.ge @p1 [sflag:s0], $0x2  }
0x37d: {  	[sflag:s0] =	ssyncset.done @p1 $0x0  }
0x37e: {  	[sflag:s0] =	ssyncadd.s32 @p1 $0xFFFFFFFE  }
0x37f: {  	v1 =	vld @p1 [tilespmem:$0x3638];
	_ =	sdelay $0x2  }
0x380: {  	s0 =	sshll.u32 @p1 s2, $0x6  }
0x381: {  	s5 =	sshll.u32 @!p1 s2, $0x6;
	s4 =	sshrl.u32 @p1 s0, $0x2  }
0x382: {  	s5 =	smov.u32 @p1 s0;
	[tilespmem:s4+$0x3678] =	vst.add.f32.msk @p1 $0xffff, v1  }
0x383: {  	s0 =	sshrl.u32 s5, $0x2;
	[tilespmem:s1+$0x3658] =	vst.msk $0x1, v0  }
0x384: {  	v0 =	vld [tilespmem:s0+$0x3678];
	_ =	sdelay $0x2  }
0x385: {  	s31 =	sshll.u32 s1, $0x6  }
0x386: {  	s0 =	sshra.s32 s31, $0x2  }
0x387: {  	s1 =	sadd.s32 $0x1, s1;
	[tilespmem:s0+$0x3678] =	vst v0  }
.LBB2_47:
0x388: {  	s2 =	sadd.s32 $0x1, s2  }
0x389: {  	p1 =	sne.s32 s2, $0x20  }
.Ltmp33:
0x38a: {  	_ = 	snop;
	(pc) =	sbr.rel @!p1 .LBB2_48-.Ltmp33, $1  }
0x38b: {  	_ =	sdelay $0x3  }
.LBB2_40:
0x38c: {  	v0 =	vld.msk [tilespmem:s2+$0x3658], $0x1;
	_ =	sdelay $0x4  }
0x38d: {  	(v2sf) =	vpush v0, $0x0;
	_ =	sdelay $0xe  }
0x38e: {  	s4 =	spop (v2sf)  }
0x38f: {  	p1 =	seq.s32 s4, $0xFFFFFFFF  }
.Ltmp34:
0x390: {  	_ = 	snop;
	(pc) =	sbr.rel @p1 .LBB2_47-.Ltmp34, $1  }
0x391: {  	_ =	sdelay $0x3  }
0x392: {  	p1 =	slt.s32 s1, $0x1  }
.Ltmp35:
0x393: {  	_ = 	snop;
	(pc) =	sbr.rel @p1 .LBB2_45-.Ltmp35, $1  }
0x394: {  	_ =	sdelay $0x3  }
0x395: {  	s5 =	simm.s32 $0x3658;
	p1 =	por $0x0, $0x0  }
0x396: {  	v1 =	vld.msk @!p1 [tilespmem:s5+$0x0], $0x1;
	_ =	sdelay $0x4  }
0x397: {  	(v2sf) =	vpush @!p1 v1, $0x0;
	_ =	sdelay $0xd  }
0x398: {  	p3 =	sne.s32 s1, $0x1  }
.Ltmp36:
0x399: {  	s0 =	spop @!p1 (v2sf);
	(pc) =	sbr.rel @!p3 .LBB2_44-.Ltmp36, $4  }
0x39a: {  	p2 =	seq.s32 @!p1 s4, s0  }
0x39b: {  	s6 =	simm.s32 $0x0;
	p2 =	por !p2, p1  }
0x39c: {  	s0 =	simm.s32 $0xFFFFFFFF;
	s6 =	simm.s32 @p2 $0xFFFFFFFF  }
0x39d: {  	s7 =	simm.s32 $0x1;
	s6 =	smov.u32 @p1 s0  }
.LBB2_43:
0x39e: {  	s0 =	smov.u32 s6;
	p1 =	sne.s32 s6, $0xFFFFFFFF  }
0x39f: {  	s5 =	sadd.s32 $0x1, s5;
	s6 =	smov.u32 s7;
	s7 =	sadd.s32 $0x1, s7  }
0x3a0: {  	p2 =	sne.s32 s1, s7;
	v1 =	vld.msk @!p1 [tilespmem:s5+$0x0], $0x1;
	_ =	sdelay $0x4  }
0x3a1: {  	(v2sf) =	vpush @!p1 v1, $0x0;
	_ =	sdelay $0xe  }
.Ltmp37:
0x3a2: {  	s8 =	spop @!p1 (v2sf);
	(pc) =	sbr.rel @p2 .LBB2_43-.Ltmp37, $4  }
0x3a3: {  	p3 =	seq.s32 @!p1 s4, s8  }
0x3a4: {  	p3 =	por !p3, p1  }
0x3a5: {  	s6 =	simm.s32 @p3 $0xFFFFFFFF  }
0x3a6: {  	s6 =	smov.u32 @p1 s0  }
.LBB2_44:
0x3a7: {  	p1 =	sne.s32 s6, $0xFFFFFFFF  }
.Ltmp38:
0x3a8: {  	_ = 	snop;
	(pc) =	sbr.rel @!p1 .LBB2_45-.Ltmp38, $1  }
0x3a9: {  	_ =	sdelay $0x3  }
0x3aa: {  	s0 =	sshll.u32 s2, $0x4  }
0x3ab: {  	s0 =	sand.u32 $0x3FFFFFF0, s0  }
0x3ac: {  	v0 =	vld [tilespmem:s0+$0x3678]  }
.Ltmp39:
0x3ad: {  	_ = 	snop;
	(pc) =	sbr.rel .LBB2_47-.Ltmp39, $4  }
0x3ae: {  	_ = 	snop  }
0x3af: {  	s31 =	sshll.u32 s6, $0x6  }
0x3b0: {  	s0 =	sshra.s32 s31, $0x2  }
0x3b1: {  	[tilespmem:s0+$0x3678] =	vst.add.f32.msk $0xffff, v0  }
.LBB2_48:
0x3b2: {  	p1 =	slt.s32 s1, $0x1  }
.Ltmp40:
0x3b3: {  	_ = 	snop;
	(pc) =	sbr.rel @p1 .LBB2_52-.Ltmp40, $3  }
0x3b4: {  	_ =	sdelay $0x1  }
0x3b5: {  	s0 =	simm.s32 $0x8  }
0x3b6: {  	s2 =	simm.s32 $0x0;
	[sflag:s0] =	ssyncpa.u1 $0x1  }
0x3b7: {  	s0 =	simm.s32 $0x3658  }
0x3b8: {  	v0 =	vld.msk [tilespmem:s0+$0x0], $0x1;
	_ =	sdelay $0x4  }
0x3b9: {  	(v2sf) =	vpush v0, $0x0;
	_ =	sdelay $0xe  }
0x3ba: {  	s1 =	sadd.s32 $0xFFFFFFFF, s1;
	s0 =	spop (v2sf)  }
0x3bb: {  	p2 =	sne.s32 s1, $0x0;
	p1 =	sgt.u32 s0, $0x270FF  }
.Ltmp41:
0x3bc: {  	s5 =	sand.u32 @!p1 $0x3FFF8, s0;
	(pc) =	sbr.rel @!p2 .LBB2_51-.Ltmp41, $4  }
0x3bd: {  	s4 =	simm.s32 $0x3678;
	s0 =	sand.u32 @!p1 $0x7, s0;
	s5 =	sadd.s32 @!p1 s3, s5  }
0x3be: {  	[hbm4b:s5+s0] =	stream.linear.scatter @!p1 [tilespmem:s4], [sflag:$0x7], $0x2, $0x38;
	[tilespmem:$0x1F0F8] =	vst v63  }
0x3bf: {  	s0 =	simm.s32 $0x0  }
0x3c0: {  	s5 =	simm.s32 $0x3659;
	s0 =	simm.s32 @!p1 $0x8  }
.LBB2_50:
0x3c1: {  	v0 =	vld.msk [tilespmem:s5+$0x0], $0x1;
	s1 =	sadd.s32 $0xFFFFFFFF, s1;
	s2 =	sadd.s32 s2, s0  }
0x3c2: {  	p1 =	sne.s32 s1, $0x0;
	_ =	sdelay $0x3  }
0x3c3: {  	(v2sf) =	vpush v0, $0x0;
	_ =	sdelay $0xe  }
.Ltmp42:
0x3c4: {  	s6 =	spop (v2sf);
	(pc) =	sbr.rel @p1 .LBB2_50-.Ltmp42, $4  }
0x3c5: {  	s0 =	simm.s32 $0x0;
	p2 =	sgt.u32 s6, $0x270FF  }
0x3c6: {  	s4 =	sadd.s32 $0x10, s4;
	s0 =	simm.s32 @!p2 $0x8;
	s7 =	sand.u32 @!p2 $0x3FFF8, s6  }
0x3c7: {  	s5 =	sadd.s32 $0x1, s5;
	s6 =	sand.u32 @!p2 $0x7, s6;
	s7 =	sadd.s32 @!p2 s3, s7  }
0x3c8: {  	[hbm4b:s7+s6] =	stream.linear.scatter @!p2 [tilespmem:s4], [sflag:$0x7], $0x2, $0x38;
	[tilespmem:$0x1F0F8] =	vst v63  }
.LBB2_51:
0x3c9: {  	s0 =	sadd.s32 s2, s0  }
0x3ca: {  	s2 =	sshrl.u32 s0, $0x2  }
.LBB2_52:
0x3cb: {  	s0 =	simm.s32 $0x7  }
0x3cc: {  	_ =	swait.ge [sflag:s0], s2  }
0x3cd: {  	s1 =	ssub.s32 $0x0, s2;
	[sflag:s0] =	ssyncset.done $0x0  }
0x3ce: {  	[sflag:s0] =	ssyncadd.s32 s1  }
0x3cf: {  	[sflag:s0] =	ssyncpa.u1 $0x1  }
.LBB2_53:
0x3d0: {  	_ =	sfence;
	s0 =	simm.s32 $0x1  }
0x3d1: {  	[sflag:s0] =	ssyncpa.u1 $0x1  }
0x3d2: {  	_ =	strace $0x90000047  }
0x3d3: {  	[bflag:$0x2] =	sbarrier.arrive $0xFFFF  }
0x3d4: {  	s0 =	rddreg [dreg:$0x3]  }
0x3d5: {  	s0 =	sadd.s32 @!p0 $0x100000, s0  }
0x3d6: {  	[sflag:s0] =	ssyncadd.tile.s32 @!p0 $0x1;
	_ =	shalt  }
.Lfunc_end2:
_tile_overlayer_lowered:
.L_overlay_start_2:
0x3d7: {  	(tag) =	ssettag $0x2  }
0x3d8: {  	s0 =	rddreg [dreg:$0x0];
	s2 =	stileid.u32  }
0x3d9: {  	s1 =	rddreg [dreg:$0x1];
	p0 =	sne.s32 s2, $0x0  }
0x3da: {  	s3 =	rddreg [dreg:$0x2];
	[bflag:$0x3] =	sbarrier.arrive $0xFFFF;
	s2 =	simm.s32 @!p0 $0x1C01  }
0x3db: {  	[timem:s3], [sflag:s2] =	dma.local @!p0 [hbm:s0], s1  }
0x3dc: {  	s0 =	simm.s32 @!p0 $0x1  }
0x3dd: {  	_ =	swait.ge @!p0 [sflag:s0], s1  }
0x3de: {  	s1 =	ssub.s32 @!p0 $0x0, s1;
	[sflag:s0] =	ssyncset.done @!p0 $0x0  }
0x3df: {  	[sflag:s0] =	ssyncadd.s32 @!p0 s1  }
0x3e0: {  	[bflag:$0x3] =	sbarrier.arrive $0xFFFF  }
0x3e1: {  	_ =	shalt  }

</sc_bundles>
